<compile_context>
chip_gen: v7x
topology: tpu7x:2x2x1
jax: 0.10.2.dev20260603
libtpu: 0.0.44.dev20260713+nightly
codegen_flags: <defaults>
</compile_context>

<pallas_src>
import functools

import jax
import jax.numpy as jnp
from jax import lax
from jax.experimental import pallas as pl
from jax.experimental.pallas import tpu as pltpu
from jax.experimental.pallas import tpu_sc as plsc

_NC = 2
_NS = 16
_NW = _NC * _NS
_L = 16

_CHUNK = 128



def _pack_bf16_pairs(a):
    h = a.shape[1] // 2
    lo = lax.bitcast_convert_type(
        a[:, :h].astype(jnp.bfloat16), jnp.uint16).astype(jnp.int32)
    hi = lax.bitcast_convert_type(
        a[:, h:].astype(jnp.bfloat16), jnp.uint16).astype(jnp.int32)
    return (hi << 16) | lo


def _proj_body(x_ref, w1_ref, b1_ref, w2_ref, b2_ref, xs_ref, xd_ref, p_ref):
    d = x_ref.shape[1]
    xv = x_ref[...]
    w1 = w1_ref[...]
    xs = jnp.dot(xv, w1[:d], preferred_element_type=jnp.float32)
    xd = (
        jnp.dot(xv, w1[d:], preferred_element_type=jnp.float32)
        + b1_ref[...]
    )
    xs_ref[...] = _pack_bf16_pairs(xs)
    xd_ref[...] = _pack_bf16_pairs(xd)

    @pl.when(pl.program_id(0) == 0)
    def _():
        p_ref[...] = jnp.concatenate(
            [w2_ref[...],
             jnp.full((1, _L), 1.0 / _L, jnp.float32) * b2_ref[0, 0]],
            axis=1,
        )


def _project_nodes(x, w1, b1_row, w2_row, b2_11):
    n, d = x.shape
    blk = 1000
    grid = n // blk
    return pl.pallas_call(
        _proj_body,
        grid=(grid,),
        in_specs=[
            pl.BlockSpec((blk, d), lambda i: (i, 0)),
            pl.BlockSpec((2 * d, d), lambda i: (0, 0)),
            pl.BlockSpec((1, d), lambda i: (0, 0)),
            pl.BlockSpec((1, d), lambda i: (0, 0)),
            pl.BlockSpec((1, 1), lambda i: (0, 0)),
        ],
        out_specs=[
            pl.BlockSpec((blk, d // 2), lambda i: (i, 0)),
            pl.BlockSpec((blk, d // 2), lambda i: (i, 0)),
            pl.BlockSpec((1, d + _L), lambda i: (0, 0)),
        ],
        out_shape=[
            jax.ShapeDtypeStruct((n, d // 2), jnp.int32),
            jax.ShapeDtypeStruct((n, d // 2), jnp.int32),
            jax.ShapeDtypeStruct((1, d + _L), jnp.float32),
        ],
    )(x, w1, b1_row, w2_row, b2_11)



def _make_sc_edge_kernel(e_total, d):
    epw = e_total // _NW
    nch = epw // _CHUNK
    tail = epw - nch * _CHUNK
    nwb = d // (2 * _L)
    dw = d // 2
    mesh = plsc.VectorSubcoreMesh(core_axis_name="c", subcore_axis_name="s")

    @functools.partial(
        pl.kernel,
        out_type=jax.ShapeDtypeStruct((e_total,), jnp.float32),
        mesh=mesh,
        scratch_types=[
            pltpu.VMEM((epw,), jnp.int32),
            pltpu.VMEM((epw,), jnp.int32),
            pltpu.VMEM((_CHUNK, dw), jnp.int32),
            pltpu.VMEM((_CHUNK, dw), jnp.int32),
            pltpu.VMEM((_CHUNK, dw), jnp.int32),
            pltpu.VMEM((_CHUNK, dw), jnp.int32),
            pltpu.VMEM((epw,), jnp.float32),
            pltpu.VMEM((d + _L,), jnp.float32),
            pltpu.SemaphoreType.DMA,
            pltpu.SemaphoreType.DMA,
            pltpu.SemaphoreType.DMA,
            pltpu.SemaphoreType.DMA,
        ],
        compiler_params=pltpu.CompilerParams(
            needs_layout_passes=False, use_tc_tiling_on_sc=False),
    )
    def sc_edge_kernel(xs_hbm, xd_hbm, ei_hbm, p_hbm, out_hbm,
                       idx_s, idx_d, rs0, rs1, rd0, rd1,
                       out_v, p_v, ss0, ss1, sd0, sd1):
        wid = lax.axis_index("s") * _NC + lax.axis_index("c")
        base = wid * epw

        pltpu.sync_copy(ei_hbm.at[0, pl.ds(base, epw)], idx_s)
        pltpu.sync_copy(ei_hbm.at[1, pl.ds(base, epw)], idx_d)
        pltpu.sync_copy(p_hbm.at[0], p_v)

        w2v = [p_v[pl.ds(_L * j, _L)] for j in range(2 * nwb)]
        bias = p_v[pl.ds(d, _L)]
        lane = lax.iota(jnp.int32, _L)
        xperm = {sh: jnp.bitwise_xor(lane, sh) for sh in (8, 4, 2, 1)}
        xmask = {sh: (lane & sh) == 0 for sh in (8, 4, 2, 1)}
        perm_e = (
            ((lane >> 3) & 1)
            | (((lane >> 2) & 1) << 1)
            | (((lane >> 1) & 1) << 2)
        )
        zero_v = jnp.zeros((_L,), jnp.float32)
        zero_b = jnp.zeros((2 * _L,), jnp.bfloat16)
        eight_v = jnp.full((_L,), 8, dtype=jnp.int32)
        himask = jnp.full((_L,), -65536, dtype=jnp.int32)

        def xg(v, sh):
            return v.at[xperm[sh]].get(mode="promise_in_bounds")

        rs = [rs0, rs1]
        rd = [rd0, rd1]
        sems_s = [ss0, ss1]
        sems_d = [sd0, sd1]
        nbuf = 2

        def gather(chunk, b):
            return (
                pltpu.make_async_copy(
                    xs_hbm.at[idx_s.at[pl.ds(chunk * _CHUNK, _CHUNK)]],
                    rs[b], sems_s[b]),
                pltpu.make_async_copy(
                    xd_hbm.at[idx_d.at[pl.ds(chunk * _CHUNK, _CHUNK)]],
                    rd[b], sems_d[b]),
            )

        def issue(chunk, b):
            cs, cd = gather(chunk, b)
            cs.start()
            cd.start()

        for b in range(nbuf):
            issue(b, b)

        def block_body_for(b):
            def block_body(k, pos):
                vs = []
                for t in range(8):
                    e = k * 8 + t
                    accs = [bias, zero_v]
                    for q in range(nwb):
                        ws = rs[b][e, pl.ds(_L * q, _L)]
                        wd = rd[b][e, pl.ds(_L * q, _L)]
                        bsum = (plsc.bitcast(ws, jnp.bfloat16)
                                + plsc.bitcast(wd, jnp.bfloat16))
                        brel = jnp.maximum(bsum, zero_b)
                        wi = plsc.bitcast(brel, jnp.int32)
                        r_lo = plsc.bitcast(wi << 16, jnp.float32)
                        r_hi = plsc.bitcast(wi & himask, jnp.float32)
                        accs[0] = accs[0] + r_lo * w2v[q]
                        accs[1] = accs[1] + r_hi * w2v[q + nwb]
                    vs.append(accs[0] + accs[1])
                for sh in (8, 4, 2):
                    m = xmask[sh]
                    vs = [
                        jnp.where(m, u + xg(u, sh), xg(v + xg(v, sh), sh))
                        for u, v in zip(vs[0::2], vs[1::2])
                    ]
                f = vs[0]
                f = f + xg(f, 1)
                plsc.store_scatter(out_v, [pos], f, mask=xmask[1])
                return pos + eight_v

            return block_body

        def consume(chunk, b, do_issue):
            cs, cd = gather(chunk, b)
            cs.wait()
            cd.wait()

            pos0 = perm_e + (chunk * _CHUNK)
            lax.fori_loop(0, _CHUNK // 8, block_body_for(b), pos0, unroll=1)

            if do_issue:
                @pl.when(chunk + nbuf < nch)
                def _(b=b, chunk=chunk):
                    issue(chunk + nbuf, b)

        def outer(i, carry):
            c4 = i * nbuf
            for b in range(nbuf):
                consume(c4 + b, b, True)
            return carry

        lax.fori_loop(0, nch // nbuf, outer, 0)
        for r in range(nch % nbuf):
            consume((nch // nbuf) * nbuf + r, r, False)

        if tail:
            off = nch * _CHUNK
            tcs = pltpu.make_async_copy(
                xs_hbm.at[idx_s.at[pl.ds(off, tail)]],
                rs[0].at[pl.ds(0, tail)], sems_s[0])
            tcd = pltpu.make_async_copy(
                xd_hbm.at[idx_d.at[pl.ds(off, tail)]],
                rd[0].at[pl.ds(0, tail)], sems_d[0])
            tcs.start()
            tcd.start()
            tcs.wait()
            tcd.wait()
            lax.fori_loop(0, tail // 8, block_body_for(0), perm_e + off,
                          unroll=1)

        pltpu.sync_copy(out_v, out_hbm.at[pl.ds(base, epw)])

    return sc_edge_kernel


@jax.jit
def kernel(x, edge_index, W1, b1, W2, b2):
    n, d = x.shape
    e_total = edge_index.shape[1]

    xs, xd, p = _project_nodes(
        x, W1, b1.reshape(1, d), W2.reshape(1, d), b2.reshape(1, 1))

    sc_kernel = _make_sc_edge_kernel(e_total, d)
    return sc_kernel(xs, xd, edge_index, p)

# --- scband reference (transcript-rebuilt; emitter-appended) ---
"""Pipeline reference for scband-mlppredictor-81217831568089 (READ-ONLY COPY).

The authoritative reference and input builder live on the scoring server;
editing this copy changes nothing except your own understanding.
"""

import jax, jax.numpy as jnp
import numpy as np

N = 10000
E = 320000
D = 128


def setup_inputs(seed: int = 0) -> dict:
    key = jax.random.key(seed)
    k1, k2, k3, k4, k5, k6 = jax.random.split(key, 6)
    x = jax.random.normal(k1, (N, D), dtype=jnp.float32)
    edge_index = jax.random.randint(k2, (2, E), 0, N, dtype=jnp.int32)
    # Parameters for W1 = nn.Linear(2*D, D): torch default init U(-1/sqrt(fan_in), 1/sqrt(fan_in))
    s1 = 1.0 / np.sqrt(2 * D)
    W1 = jax.random.uniform(k3, (2 * D, D), dtype=jnp.float32, minval=-s1, maxval=s1)
    b1 = jax.random.uniform(k4, (D,), dtype=jnp.float32, minval=-s1, maxval=s1)
    # Parameters for W2 = nn.Linear(D, 1)
    s2 = 1.0 / np.sqrt(D)
    W2 = jax.random.uniform(k5, (D, 1), dtype=jnp.float32, minval=-s2, maxval=s2)
    b2 = jax.random.uniform(k6, (1,), dtype=jnp.float32, minval=-s2, maxval=s2)
    return {"x": x, "edge_index": edge_index, "W1": W1, "b1": b1, "W2": W2, "b2": b2}


def reference(x, edge_index, W1, b1, W2, b2):
    # g.apply_edges: for each edge, concat src and dst node features,
    # then score = W2(relu(W1(h))).squeeze(1)
    src = edge_index[0]
    dst = edge_index[1]
    h_src = jnp.take(x, src, axis=0)
    h_dst = jnp.take(x, dst, axis=0)
    h = jnp.concatenate([h_src, h_dst], axis=1)  # [E, 2D]
    hid = jax.nn.relu(h @ W1 + b1)               # [E, D]
    score = (hid @ W2 + b2)[:, 0]                # [E]
    return score

if __name__ == "__main__":
    import jax
    _d = setup_inputs()
    print(jax.jit(kernel)(*tuple(_d.values())))

</pallas_src>

<mosaic_0001>
#map = affine_map<(d0, d1) -> (0, 0)>
#map1 = affine_map<(d0, d1) -> (0)>
module attributes {stable_mosaic.version = 14 : i64} {
  func.func @sc_edge_kernel(%arg0: i32, %arg1: i32, %arg2: memref<10000x64xi32, #tpu.memory_space<hbm>>, %arg3: memref<10000x64xi32, #tpu.memory_space<hbm>>, %arg4: memref<2x320000xi32, #tpu.memory_space<hbm>>, %arg5: memref<1x144xf32, #tpu.memory_space<hbm>>, %arg6: memref<320000xf32, #tpu.memory_space<hbm>>, %arg7: memref<10000xi32, #tpu.memory_space<vmem>>, %arg8: memref<10000xi32, #tpu.memory_space<vmem>>, %arg9: memref<128x64xi32, #tpu.memory_space<vmem>>, %arg10: memref<128x64xi32, #tpu.memory_space<vmem>>, %arg11: memref<128x64xi32, #tpu.memory_space<vmem>>, %arg12: memref<128x64xi32, #tpu.memory_space<vmem>>, %arg13: memref<10000xf32, #tpu.memory_space<vmem>>, %arg14: memref<144xf32, #tpu.memory_space<vmem>>, %arg15: memref<!tpu.dma_semaphore, #tpu.memory_space<semaphore_mem>>, %arg16: memref<!tpu.dma_semaphore, #tpu.memory_space<semaphore_mem>>, %arg17: memref<!tpu.dma_semaphore, #tpu.memory_space<semaphore_mem>>, %arg18: memref<!tpu.dma_semaphore, #tpu.memory_space<semaphore_mem>>) attributes {dimension_semantics = [#tpu.dimension_semantics<core_parallel>, #tpu.dimension_semantics<subcore_parallel>], iteration_bounds = array<i64: 2, 16>, scalar_prefetch = 0 : i64, scratch_operands = 12 : i64, tpu.core_type = #tpu.core_type<sc_vector_subcore>, window_params = [{transform_indices = #map}, {transform_indices = #map}, {transform_indices = #map}, {transform_indices = #map}, {transform_indices = #map1}]} {
    %mul3A = arith.constant 2 : i32
    %mul3A_0 = arith.muli %arg1, %mul3A : i32
    %add3A = arith.addi %mul3A_0, %arg0 : i32
    %mul3A_1 = arith.constant 10000 : i32
    %mul3A_2 = arith.muli %add3A, %mul3A_1 : i32
    %run_scoped3A = arith.constant 0 : i32
    "tpu.region"() ({
      %run_scoped3A_149 = tpu.sem_alloc : memref<!tpu.dma_semaphore, #tpu.memory_space<semaphore_mem>>
      %dma_start3A_150 = tpu.memref_slice %arg4[%run_scoped3A, %mul3A_2] : memref<2x320000xi32, #tpu.memory_space<hbm>> -> memref<1x10000xi32, #tpu.memory_space<hbm>>
      %dma_start3A_151 = tpu.memref_squeeze %dma_start3A_150 : memref<1x10000xi32, #tpu.memory_space<hbm>> -> memref<10000xi32, #tpu.memory_space<hbm>>
      %dma_start3A_152 = tpu.memref_slice %arg4[%run_scoped3A, %mul3A_2] : memref<2x320000xi32, #tpu.memory_space<hbm>> -> memref<1x10000xi32, #tpu.memory_space<hbm>>
      %dma_start3A_153 = tpu.memref_squeeze %dma_start3A_152 : memref<1x10000xi32, #tpu.memory_space<hbm>> -> memref<10000xi32, #tpu.memory_space<hbm>>
      tpu.enqueue_dma source(%dma_start3A_153 : memref<10000xi32, #tpu.memory_space<hbm>>) target(%arg7 : memref<10000xi32, #tpu.memory_space<vmem>>) target_semaphore(%run_scoped3A_149 : memref<!tpu.dma_semaphore, #tpu.memory_space<semaphore_mem>>)
      %dma_wait3A_154 = tpu.memref_slice %arg4[%run_scoped3A, %mul3A_2] : memref<2x320000xi32, #tpu.memory_space<hbm>> -> memref<1x10000xi32, #tpu.memory_space<hbm>>
      %dma_wait3A_155 = tpu.memref_squeeze %dma_wait3A_154 : memref<1x10000xi32, #tpu.memory_space<hbm>> -> memref<10000xi32, #tpu.memory_space<hbm>>
      %dma_wait3A_156 = tpu.memref_slice %arg4[%run_scoped3A, %mul3A_2] : memref<2x320000xi32, #tpu.memory_space<hbm>> -> memref<1x10000xi32, #tpu.memory_space<hbm>>
      %dma_wait3A_157 = tpu.memref_squeeze %dma_wait3A_156 : memref<1x10000xi32, #tpu.memory_space<hbm>> -> memref<10000xi32, #tpu.memory_space<hbm>>
      tpu.wait_dma2 semaphore(%run_scoped3A_149 : memref<!tpu.dma_semaphore, #tpu.memory_space<semaphore_mem>>) src(%dma_wait3A_157 : memref<10000xi32, #tpu.memory_space<hbm>>) dst(%arg7 : memref<10000xi32, #tpu.memory_space<vmem>>)
      tpu.yield
    }) : () -> ()
    %run_scoped3A_3 = arith.constant 1 : i32
    "tpu.region"() ({
      %run_scoped3A_149 = tpu.sem_alloc : memref<!tpu.dma_semaphore, #tpu.memory_space<semaphore_mem>>
      %dma_start3A_150 = tpu.memref_slice %arg4[%run_scoped3A_3, %mul3A_2] : memref<2x320000xi32, #tpu.memory_space<hbm>> -> memref<1x10000xi32, #tpu.memory_space<hbm>>
      %dma_start3A_151 = tpu.memref_squeeze %dma_start3A_150 : memref<1x10000xi32, #tpu.memory_space<hbm>> -> memref<10000xi32, #tpu.memory_space<hbm>>
      %dma_start3A_152 = tpu.memref_slice %arg4[%run_scoped3A_3, %mul3A_2] : memref<2x320000xi32, #tpu.memory_space<hbm>> -> memref<1x10000xi32, #tpu.memory_space<hbm>>
      %dma_start3A_153 = tpu.memref_squeeze %dma_start3A_152 : memref<1x10000xi32, #tpu.memory_space<hbm>> -> memref<10000xi32, #tpu.memory_space<hbm>>
      tpu.enqueue_dma source(%dma_start3A_153 : memref<10000xi32, #tpu.memory_space<hbm>>) target(%arg8 : memref<10000xi32, #tpu.memory_space<vmem>>) target_semaphore(%run_scoped3A_149 : memref<!tpu.dma_semaphore, #tpu.memory_space<semaphore_mem>>)
      %dma_wait3A_154 = tpu.memref_slice %arg4[%run_scoped3A_3, %mul3A_2] : memref<2x320000xi32, #tpu.memory_space<hbm>> -> memref<1x10000xi32, #tpu.memory_space<hbm>>
      %dma_wait3A_155 = tpu.memref_squeeze %dma_wait3A_154 : memref<1x10000xi32, #tpu.memory_space<hbm>> -> memref<10000xi32, #tpu.memory_space<hbm>>
      %dma_wait3A_156 = tpu.memref_slice %arg4[%run_scoped3A_3, %mul3A_2] : memref<2x320000xi32, #tpu.memory_space<hbm>> -> memref<1x10000xi32, #tpu.memory_space<hbm>>
      %dma_wait3A_157 = tpu.memref_squeeze %dma_wait3A_156 : memref<1x10000xi32, #tpu.memory_space<hbm>> -> memref<10000xi32, #tpu.memory_space<hbm>>
      tpu.wait_dma2 semaphore(%run_scoped3A_149 : memref<!tpu.dma_semaphore, #tpu.memory_space<semaphore_mem>>) src(%dma_wait3A_157 : memref<10000xi32, #tpu.memory_space<hbm>>) dst(%arg8 : memref<10000xi32, #tpu.memory_space<vmem>>)
      tpu.yield
    }) : () -> ()
    %run_scoped3A_4 = arith.constant 0 : i32
    "tpu.region"() ({
      %run_scoped3A_149 = tpu.sem_alloc : memref<!tpu.dma_semaphore, #tpu.memory_space<semaphore_mem>>
      %dma_start3A_150 = arith.constant 0 : i32
      %dma_start3A_151 = tpu.memref_slice %arg5[%run_scoped3A_4, %dma_start3A_150] : memref<1x144xf32, #tpu.memory_space<hbm>> -> memref<1x144xf32, #tpu.memory_space<hbm>>
      %dma_start3A_152 = tpu.memref_squeeze %dma_start3A_151 : memref<1x144xf32, #tpu.memory_space<hbm>> -> memref<144xf32, #tpu.memory_space<hbm>>
      %dma_start3A_153 = arith.constant 0 : i32
      %dma_start3A_154 = tpu.memref_slice %arg5[%run_scoped3A_4, %dma_start3A_153] : memref<1x144xf32, #tpu.memory_space<hbm>> -> memref<1x144xf32, #tpu.memory_space<hbm>>
      %dma_start3A_155 = tpu.memref_squeeze %dma_start3A_154 : memref<1x144xf32, #tpu.memory_space<hbm>> -> memref<144xf32, #tpu.memory_space<hbm>>
      tpu.enqueue_dma source(%dma_start3A_155 : memref<144xf32, #tpu.memory_space<hbm>>) target(%arg14 : memref<144xf32, #tpu.memory_space<vmem>>) target_semaphore(%run_scoped3A_149 : memref<!tpu.dma_semaphore, #tpu.memory_space<semaphore_mem>>)
      %dma_wait3A_156 = arith.constant 0 : i32
      %dma_wait3A_157 = tpu.memref_slice %arg5[%run_scoped3A_4, %dma_wait3A_156] : memref<1x144xf32, #tpu.memory_space<hbm>> -> memref<1x144xf32, #tpu.memory_space<hbm>>
      %dma_wait3A_158 = tpu.memref_squeeze %dma_wait3A_157 : memref<1x144xf32, #tpu.memory_space<hbm>> -> memref<144xf32, #tpu.memory_space<hbm>>
      %dma_wait3A_159 = arith.constant 0 : i32
      %dma_wait3A_160 = tpu.memref_slice %arg5[%run_scoped3A_4, %dma_wait3A_159] : memref<1x144xf32, #tpu.memory_space<hbm>> -> memref<1x144xf32, #tpu.memory_space<hbm>>
      %dma_wait3A_161 = tpu.memref_squeeze %dma_wait3A_160 : memref<1x144xf32, #tpu.memory_space<hbm>> -> memref<144xf32, #tpu.memory_space<hbm>>
      tpu.wait_dma2 semaphore(%run_scoped3A_149 : memref<!tpu.dma_semaphore, #tpu.memory_space<semaphore_mem>>) src(%dma_wait3A_161 : memref<144xf32, #tpu.memory_space<hbm>>) dst(%arg14 : memref<144xf32, #tpu.memory_space<vmem>>)
      tpu.yield
    }) : () -> ()
    %get3A = arith.constant 0 : index
    %get3A_5 = tpu.vector_load %arg14[%get3A] {strides = array<i32>} : memref<144xf32, #tpu.memory_space<vmem>>, vector<16xf32>,
    %get3A_6 = arith.constant 16 : index
    %get3A_7 = tpu.vector_load %arg14[%get3A_6] {strides = array<i32>} : memref<144xf32, #tpu.memory_space<vmem>>, vector<16xf32>,
    %get3A_8 = arith.constant 32 : index
    %get3A_9 = tpu.vector_load %arg14[%get3A_8] {strides = array<i32>} : memref<144xf32, #tpu.memory_space<vmem>>, vector<16xf32>,
    %get3A_10 = arith.constant 48 : index
    %get3A_11 = tpu.vector_load %arg14[%get3A_10] {strides = array<i32>} : memref<144xf32, #tpu.memory_space<vmem>>, vector<16xf32>,
    %get3A_12 = arith.constant 64 : index
    %get3A_13 = tpu.vector_load %arg14[%get3A_12] {strides = array<i32>} : memref<144xf32, #tpu.memory_space<vmem>>, vector<16xf32>,
    %get3A_14 = arith.constant 80 : index
    %get3A_15 = tpu.vector_load %arg14[%get3A_14] {strides = array<i32>} : memref<144xf32, #tpu.memory_space<vmem>>, vector<16xf32>,
    %get3A_16 = arith.constant 96 : index
    %get3A_17 = tpu.vector_load %arg14[%get3A_16] {strides = array<i32>} : memref<144xf32, #tpu.memory_space<vmem>>, vector<16xf32>,
    %get3A_18 = arith.constant 112 : index
    %get3A_19 = tpu.vector_load %arg14[%get3A_18] {strides = array<i32>} : memref<144xf32, #tpu.memory_space<vmem>>, vector<16xf32>,
    %get3A_20 = arith.constant 128 : index
    %get3A_21 = tpu.vector_load %arg14[%get3A_20] {strides = array<i32>} : memref<144xf32, #tpu.memory_space<vmem>>, vector<16xf32>,
    %iota3A = tpu.iota {dimensions = array<i32: 0>} : vector<16xi32>
    %xor3A = arith.constant 8 : i32
    %xor3A_22 = vector.broadcast %xor3A : i32 to vector<16xi32>
    %xor3A_23 = arith.xori %iota3A, %xor3A_22 : vector<16xi32>
    %xor3A_24 = arith.constant 4 : i32
    %xor3A_25 = vector.broadcast %xor3A_24 : i32 to vector<16xi32>
    %xor3A_26 = arith.xori %iota3A, %xor3A_25 : vector<16xi32>
    %xor3A_27 = arith.constant 2 : i32
    %xor3A_28 = vector.broadcast %xor3A_27 : i32 to vector<16xi32>
    %xor3A_29 = arith.xori %iota3A, %xor3A_28 : vector<16xi32>
    %xor3A_30 = arith.constant 1 : i32
    %xor3A_31 = vector.broadcast %xor3A_30 : i32 to vector<16xi32>
    %xor3A_32 = arith.xori %iota3A, %xor3A_31 : vector<16xi32>
    %and3A = arith.constant 8 : i32
    %and3A_33 = vector.broadcast %and3A : i32 to vector<16xi32>
    %and3A_34 = arith.andi %iota3A, %and3A_33 : vector<16xi32>
    %eq3A = arith.constant 0 : i32
    %eq3A_35 = vector.broadcast %eq3A : i32 to vector<16xi32>
    %eq3A_36 = arith.cmpi eq, %and3A_34, %eq3A_35 : vector<16xi32>
    %and3A_37 = arith.constant 4 : i32
    %and3A_38 = vector.broadcast %and3A_37 : i32 to vector<16xi32>
    %and3A_39 = arith.andi %iota3A, %and3A_38 : vector<16xi32>
    %eq3A_40 = arith.constant 0 : i32
    %eq3A_41 = vector.broadcast %eq3A_40 : i32 to vector<16xi32>
    %eq3A_42 = arith.cmpi eq, %and3A_39, %eq3A_41 : vector<16xi32>
    %and3A_43 = arith.constant 2 : i32
    %and3A_44 = vector.broadcast %and3A_43 : i32 to vector<16xi32>
    %and3A_45 = arith.andi %iota3A, %and3A_44 : vector<16xi32>
    %eq3A_46 = arith.constant 0 : i32
    %eq3A_47 = vector.broadcast %eq3A_46 : i32 to vector<16xi32>
    %eq3A_48 = arith.cmpi eq, %and3A_45, %eq3A_47 : vector<16xi32>
    %and3A_49 = arith.constant 1 : i32
    %and3A_50 = vector.broadcast %and3A_49 : i32 to vector<16xi32>
    %and3A_51 = arith.andi %iota3A, %and3A_50 : vector<16xi32>
    %eq3A_52 = arith.constant 0 : i32
    %eq3A_53 = vector.broadcast %eq3A_52 : i32 to vector<16xi32>
    %eq3A_54 = arith.cmpi eq, %and3A_51, %eq3A_53 : vector<16xi32>
    %shift_right_arithmetic3A = arith.constant 3 : i32
    %shift_right_arithmetic3A_55 = vector.broadcast %shift_right_arithmetic3A : i32 to vector<16xi32>
    %shift_right_arithmetic3A_56 = arith.shrsi %iota3A, %shift_right_arithmetic3A_55 : vector<16xi32>
    %and3A_57 = arith.constant 1 : i32
    %and3A_58 = vector.broadcast %and3A_57 : i32 to vector<16xi32>
    %and3A_59 = arith.andi %shift_right_arithmetic3A_56, %and3A_58 : vector<16xi32>
    %shift_right_arithmetic3A_60 = arith.constant 2 : i32
    %shift_right_arithmetic3A_61 = vector.broadcast %shift_right_arithmetic3A_60 : i32 to vector<16xi32>
    %shift_right_arithmetic3A_62 = arith.shrsi %iota3A, %shift_right_arithmetic3A_61 : vector<16xi32>
    %and3A_63 = arith.constant 1 : i32
    %and3A_64 = vector.broadcast %and3A_63 : i32 to vector<16xi32>
    %and3A_65 = arith.andi %shift_right_arithmetic3A_62, %and3A_64 : vector<16xi32>
    %shift_left3A = arith.constant 1 : i32
    %shift_left3A_66 = vector.broadcast %shift_left3A : i32 to vector<16xi32>
    %shift_left3A_67 = arith.shli %and3A_65, %shift_left3A_66 : vector<16xi32>
    %or3A = arith.ori %and3A_59, %shift_left3A_67 : vector<16xi32>
    %shift_right_arithmetic3A_68 = arith.constant 1 : i32
    %shift_right_arithmetic3A_69 = vector.broadcast %shift_right_arithmetic3A_68 : i32 to vector<16xi32>
    %shift_right_arithmetic3A_70 = arith.shrsi %iota3A, %shift_right_arithmetic3A_69 : vector<16xi32>
    %and3A_71 = arith.constant 1 : i32
    %and3A_72 = vector.broadcast %and3A_71 : i32 to vector<16xi32>
    %and3A_73 = arith.andi %shift_right_arithmetic3A_70, %and3A_72 : vector<16xi32>
    %shift_left3A_74 = arith.constant 2 : i32
    %shift_left3A_75 = vector.broadcast %shift_left3A_74 : i32 to vector<16xi32>
    %shift_left3A_76 = arith.shli %and3A_73, %shift_left3A_75 : vector<16xi32>
    %or3A_77 = arith.ori %or3A, %shift_left3A_76 : vector<16xi32>
    %broadcast_in_dim3A = arith.constant 0.000000e+00 : f32
    %broadcast_in_dim3A_78 = vector.broadcast %broadcast_in_dim3A : f32 to vector<16xf32>
    %broadcast_in_dim3A_79 = arith.constant 0.000000e+00 : bf16
    %broadcast_in_dim3A_80 = vector.broadcast %broadcast_in_dim3A_79 : bf16 to vector<32xbf16>
    %broadcast_in_dim3A_81 = arith.constant 8 : i32
    %broadcast_in_dim3A_82 = vector.broadcast %broadcast_in_dim3A_81 : i32 to vector<16xi32>
    %broadcast_in_dim3A_83 = arith.constant -65536 : i32
    %broadcast_in_dim3A_84 = vector.broadcast %broadcast_in_dim3A_83 : i32 to vector<16xi32>
    %dma_start3A = arith.constant 0 : i32
    %dma_start3A_85 = tpu.memref_slice %arg7[%dma_start3A] : memref<10000xi32, #tpu.memory_space<vmem>> -> memref<128xi32, #tpu.memory_space<vmem>>
    %dma_start3A_86 = arith.constant 0 : i32
    %dma_start3A_87 = arith.constant 0 : i32
    %dma_start3A_88 = tpu.memref_slice %arg2[%dma_start3A_86, %dma_start3A_87] : memref<10000x64xi32, #tpu.memory_space<hbm>> -> memref<10000x64xi32, #tpu.memory_space<hbm>>
    tpu.enqueue_indirect_dma source(%dma_start3A_88 : memref<10000x64xi32, #tpu.memory_space<hbm>>) target(%arg9 : memref<128x64xi32, #tpu.memory_space<vmem>>) offsets(%dma_start3A_85 : memref<128xi32, #tpu.memory_space<vmem>>) semaphore(%arg15 : memref<!tpu.dma_semaphore, #tpu.memory_space<semaphore_mem>>)
    %dma_start3A_89 = arith.constant 0 : i32
    %dma_start3A_90 = tpu.memref_slice %arg8[%dma_start3A_89] : memref<10000xi32, #tpu.memory_space<vmem>> -> memref<128xi32, #tpu.memory_space<vmem>>
    %dma_start3A_91 = arith.constant 0 : i32
    %dma_start3A_92 = arith.constant 0 : i32
    %dma_start3A_93 = tpu.memref_slice %arg3[%dma_start3A_91, %dma_start3A_92] : memref<10000x64xi32, #tpu.memory_space<hbm>> -> memref<10000x64xi32, #tpu.memory_space<hbm>>
    tpu.enqueue_indirect_dma source(%dma_start3A_93 : memref<10000x64xi32, #tpu.memory_space<hbm>>) target(%arg11 : memref<128x64xi32, #tpu.memory_space<vmem>>) offsets(%dma_start3A_90 : memref<128xi32, #tpu.memory_space<vmem>>) semaphore(%arg17 : memref<!tpu.dma_semaphore, #tpu.memory_space<semaphore_mem>>)
    %dma_start3A_94 = arith.constant 128 : i32
    %dma_start3A_95 = tpu.memref_slice %arg7[%dma_start3A_94] : memref<10000xi32, #tpu.memory_space<vmem>> -> memref<128xi32, #tpu.memory_space<vmem>>
    %dma_start3A_96 = arith.constant 0 : i32
    %dma_start3A_97 = arith.constant 0 : i32
    %dma_start3A_98 = tpu.memref_slice %arg2[%dma_start3A_96, %dma_start3A_97] : memref<10000x64xi32, #tpu.memory_space<hbm>> -> memref<10000x64xi32, #tpu.memory_space<hbm>>
    tpu.enqueue_indirect_dma source(%dma_start3A_98 : memref<10000x64xi32, #tpu.memory_space<hbm>>) target(%arg10 : memref<128x64xi32, #tpu.memory_space<vmem>>) offsets(%dma_start3A_95 : memref<128xi32, #tpu.memory_space<vmem>>) semaphore(%arg16 : memref<!tpu.dma_semaphore, #tpu.memory_space<semaphore_mem>>)
    %dma_start3A_99 = arith.constant 128 : i32
    %dma_start3A_100 = tpu.memref_slice %arg8[%dma_start3A_99] : memref<10000xi32, #tpu.memory_space<vmem>> -> memref<128xi32, #tpu.memory_space<vmem>>
    %dma_start3A_101 = arith.constant 0 : i32
    %dma_start3A_102 = arith.constant 0 : i32
    %dma_start3A_103 = tpu.memref_slice %arg3[%dma_start3A_101, %dma_start3A_102] : memref<10000x64xi32, #tpu.memory_space<hbm>> -> memref<10000x64xi32, #tpu.memory_space<hbm>>
    tpu.enqueue_indirect_dma source(%dma_start3A_103 : memref<10000x64xi32, #tpu.memory_space<hbm>>) target(%arg12 : memref<128x64xi32, #tpu.memory_space<vmem>>) offsets(%dma_start3A_100 : memref<128xi32, #tpu.memory_space<vmem>>) semaphore(%arg18 : memref<!tpu.dma_semaphore, #tpu.memory_space<semaphore_mem>>)
    %scan3A = arith.constant 0 : i32
    %scan3A_104 = arith.constant 0 : i32
    %scan3A_105 = arith.constant 39 : i32
    %scan3A_106 = arith.addi %scan3A_104, %scan3A_105 : i32
    %scan3A_107 = arith.constant 1 : i32
    scf.for %scan3A_149 = %scan3A_104 to %scan3A_106 step %scan3A_107  : i32 {
      %mul3A_150 = arith.constant 2 : i32
      %mul3A_151 = arith.muli %scan3A_149, %mul3A_150 : i32
      %add3A_152 = arith.constant 0 : i32
      %add3A_153 = arith.addi %mul3A_151, %add3A_152 : i32
      %mul3A_154 = arith.constant 128 : i32
      %mul3A_155 = arith.muli %add3A_153, %mul3A_154 : i32
      %mul3A_156 = arith.constant 128 : i32
      %mul3A_157 = arith.muli %add3A_153, %mul3A_156 : i32
      %dma_wait3A_158 = tpu.memref_slice %arg7[%mul3A_155] : memref<10000xi32, #tpu.memory_space<vmem>> -> memref<128xi32, #tpu.memory_space<vmem>>
      %dma_wait3A_159 = arith.constant 0 : i32
      %dma_wait3A_160 = arith.constant 0 : i32
      %dma_wait3A_161 = tpu.memref_slice %arg2[%dma_wait3A_159, %dma_wait3A_160] : memref<10000x64xi32, #tpu.memory_space<hbm>> -> memref<10000x64xi32, #tpu.memory_space<hbm>>
      tpu.wait_indirect_dma semaphore(%arg15 : memref<!tpu.dma_semaphore, #tpu.memory_space<semaphore_mem>>) src(%dma_wait3A_161 : memref<10000x64xi32, #tpu.memory_space<hbm>>) dst(%arg9 : memref<128x64xi32, #tpu.memory_space<vmem>>)
      %dma_wait3A_162 = tpu.memref_slice %arg8[%mul3A_157] : memref<10000xi32, #tpu.memory_space<vmem>> -> memref<128xi32, #tpu.memory_space<vmem>>
      %dma_wait3A_163 = arith.constant 0 : i32
      %dma_wait3A_164 = arith.constant 0 : i32
      %dma_wait3A_165 = tpu.memref_slice %arg3[%dma_wait3A_163, %dma_wait3A_164] : memref<10000x64xi32, #tpu.memory_space<hbm>> -> memref<10000x64xi32, #tpu.memory_space<hbm>>
      tpu.wait_indirect_dma semaphore(%arg17 : memref<!tpu.dma_semaphore, #tpu.memory_space<semaphore_mem>>) src(%dma_wait3A_165 : memref<10000x64xi32, #tpu.memory_space<hbm>>) dst(%arg11 : memref<128x64xi32, #tpu.memory_space<vmem>>)
      %mul3A_166 = arith.constant 128 : i32
      %mul3A_167 = arith.muli %add3A_153, %mul3A_166 : i32
      %add3A_168 = vector.broadcast %mul3A_167 : i32 to vector<16xi32>
      %add3A_169 = arith.addi %or3A_77, %add3A_168 : vector<16xi32>
      %scan3A_170 = arith.constant 0 : i32
      %scan3A_171 = arith.constant 16 : i32
      %scan3A_172 = arith.addi %scan3A_170, %scan3A_171 : i32
      %scan3A_173 = arith.constant 1 : i32
      %scan3A_174 = scf.for %scan3A_211 = %scan3A_170 to %scan3A_172 step %scan3A_173 iter_args(%scan3A_212 = %add3A_169) -> (vector<16xi32>)  : i32 {
        %mul3A_213 = arith.constant 8 : i32
        %mul3A_214 = arith.muli %scan3A_211, %mul3A_213 : i32
        %add3A_215 = arith.constant 0 : i32
        %add3A_216 = arith.addi %mul3A_214, %add3A_215 : i32
        %get3A_217 = arith.index_cast %add3A_216 : i32 to index
        %get3A_218 = arith.constant 0 : index
        %get3A_219 = tpu.vector_load %arg9[%get3A_217, %get3A_218] {strides = array<i32>} : memref<128x64xi32, #tpu.memory_space<vmem>>, vector<16xi32>,
        %get3A_220 = arith.index_cast %add3A_216 : i32 to index
        %get3A_221 = arith.constant 0 : index
        %get3A_222 = tpu.vector_load %arg11[%get3A_220, %get3A_221] {strides = array<i32>} : memref<128x64xi32, #tpu.memory_space<vmem>>, vector<16xi32>,
        %bitcast3A = vector.bitcast %get3A_219 : vector<16xi32> to vector<32xbf16>
        %bitcast3A_223 = vector.bitcast %get3A_222 : vector<16xi32> to vector<32xbf16>
        %add3A_224 = arith.addf %bitcast3A, %bitcast3A_223 : vector<32xbf16>
        %max3A = arith.maximumf %add3A_224, %broadcast_in_dim3A_80 : vector<32xbf16>
        %bitcast3A_225 = vector.bitcast %max3A : vector<32xbf16> to vector<16xi32>
        %shift_left3A_226 = arith.constant 16 : i32
        %shift_left3A_227 = vector.broadcast %shift_left3A_226 : i32 to vector<16xi32>
        %shift_left3A_228 = arith.shli %bitcast3A_225, %shift_left3A_227 : vector<16xi32>
        %bitcast3A_229 = vector.bitcast %shift_left3A_228 : vector<16xi32> to vector<16xf32>
        %and3A_230 = arith.andi %bitcast3A_225, %broadcast_in_dim3A_84 : vector<16xi32>
        %bitcast3A_231 = vector.bitcast %and3A_230 : vector<16xi32> to vector<16xf32>
        %mul3A_232 = arith.mulf %bitcast3A_229, %get3A_5 : vector<16xf32>
        %add3A_233 = arith.addf %get3A_21, %mul3A_232 : vector<16xf32>
        %mul3A_234 = arith.mulf %bitcast3A_231, %get3A_13 : vector<16xf32>
        %add3A_235 = arith.addf %broadcast_in_dim3A_78, %mul3A_234 : vector<16xf32>
        %get3A_236 = arith.index_cast %add3A_216 : i32 to index
        %get3A_237 = arith.constant 16 : index
        %get3A_238 = tpu.vector_load %arg9[%get3A_236, %get3A_237] {strides = array<i32>} : memref<128x64xi32, #tpu.memory_space<vmem>>, vector<16xi32>,
        %get3A_239 = arith.index_cast %add3A_216 : i32 to index
        %get3A_240 = arith.constant 16 : index
        %get3A_241 = tpu.vector_load %arg11[%get3A_239, %get3A_240] {strides = array<i32>} : memref<128x64xi32, #tpu.memory_space<vmem>>, vector<16xi32>,
        %bitcast3A_242 = vector.bitcast %get3A_238 : vector<16xi32> to vector<32xbf16>
        %bitcast3A_243 = vector.bitcast %get3A_241 : vector<16xi32> to vector<32xbf16>
        %add3A_244 = arith.addf %bitcast3A_242, %bitcast3A_243 : vector<32xbf16>
        %max3A_245 = arith.maximumf %add3A_244, %broadcast_in_dim3A_80 : vector<32xbf16>
        %bitcast3A_246 = vector.bitcast %max3A_245 : vector<32xbf16> to vector<16xi32>
        %shift_left3A_247 = arith.constant 16 : i32
        %shift_left3A_248 = vector.broadcast %shift_left3A_247 : i32 to vector<16xi32>
        %shift_left3A_249 = arith.shli %bitcast3A_246, %shift_left3A_248 : vector<16xi32>
        %bitcast3A_250 = vector.bitcast %shift_left3A_249 : vector<16xi32> to vector<16xf32>
        %and3A_251 = arith.andi %bitcast3A_246, %broadcast_in_dim3A_84 : vector<16xi32>
        %bitcast3A_252 = vector.bitcast %and3A_251 : vector<16xi32> to vector<16xf32>
        %mul3A_253 = arith.mulf %bitcast3A_250, %get3A_7 : vector<16xf32>
        %add3A_254 = arith.addf %add3A_233, %mul3A_253 : vector<16xf32>
        %mul3A_255 = arith.mulf %bitcast3A_252, %get3A_15 : vector<16xf32>
        %add3A_256 = arith.addf %add3A_235, %mul3A_255 : vector<16xf32>
        %get3A_257 = arith.index_cast %add3A_216 : i32 to index
        %get3A_258 = arith.constant 32 : index
        %get3A_259 = tpu.vector_load %arg9[%get3A_257, %get3A_258] {strides = array<i32>} : memref<128x64xi32, #tpu.memory_space<vmem>>, vector<16xi32>,
        %get3A_260 = arith.index_cast %add3A_216 : i32 to index
        %get3A_261 = arith.constant 32 : index
        %get3A_262 = tpu.vector_load %arg11[%get3A_260, %get3A_261] {strides = array<i32>} : memref<128x64xi32, #tpu.memory_space<vmem>>, vector<16xi32>,
        %bitcast3A_263 = vector.bitcast %get3A_259 : vector<16xi32> to vector<32xbf16>
        %bitcast3A_264 = vector.bitcast %get3A_262 : vector<16xi32> to vector<32xbf16>
        %add3A_265 = arith.addf %bitcast3A_263, %bitcast3A_264 : vector<32xbf16>
        %max3A_266 = arith.maximumf %add3A_265, %broadcast_in_dim3A_80 : vector<32xbf16>
        %bitcast3A_267 = vector.bitcast %max3A_266 : vector<32xbf16> to vector<16xi32>
        %shift_left3A_268 = arith.constant 16 : i32
        %shift_left3A_269 = vector.broadcast %shift_left3A_268 : i32 to vector<16xi32>
        %shift_left3A_270 = arith.shli %bitcast3A_267, %shift_left3A_269 : vector<16xi32>
        %bitcast3A_271 = vector.bitcast %shift_left3A_270 : vector<16xi32> to vector<16xf32>
        %and3A_272 = arith.andi %bitcast3A_267, %broadcast_in_dim3A_84 : vector<16xi32>
        %bitcast3A_273 = vector.bitcast %and3A_272 : vector<16xi32> to vector<16xf32>
        %mul3A_274 = arith.mulf %bitcast3A_271, %get3A_9 : vector<16xf32>
        %add3A_275 = arith.addf %add3A_254, %mul3A_274 : vector<16xf32>
        %mul3A_276 = arith.mulf %bitcast3A_273, %get3A_17 : vector<16xf32>
        %add3A_277 = arith.addf %add3A_256, %mul3A_276 : vector<16xf32>
        %get3A_278 = arith.index_cast %add3A_216 : i32 to index
        %get3A_279 = arith.constant 48 : index
        %get3A_280 = tpu.vector_load %arg9[%get3A_278, %get3A_279] {strides = array<i32>} : memref<128x64xi32, #tpu.memory_space<vmem>>, vector<16xi32>,
        %get3A_281 = arith.index_cast %add3A_216 : i32 to index
        %get3A_282 = arith.constant 48 : index
        %get3A_283 = tpu.vector_load %arg11[%get3A_281, %get3A_282] {strides = array<i32>} : memref<128x64xi32, #tpu.memory_space<vmem>>, vector<16xi32>,
        %bitcast3A_284 = vector.bitcast %get3A_280 : vector<16xi32> to vector<32xbf16>
        %bitcast3A_285 = vector.bitcast %get3A_283 : vector<16xi32> to vector<32xbf16>
        %add3A_286 = arith.addf %bitcast3A_284, %bitcast3A_285 : vector<32xbf16>
        %max3A_287 = arith.maximumf %add3A_286, %broadcast_in_dim3A_80 : vector<32xbf16>
        %bitcast3A_288 = vector.bitcast %max3A_287 : vector<32xbf16> to vector<16xi32>
        %shift_left3A_289 = arith.constant 16 : i32
        %shift_left3A_290 = vector.broadcast %shift_left3A_289 : i32 to vector<16xi32>
        %shift_left3A_291 = arith.shli %bitcast3A_288, %shift_left3A_290 : vector<16xi32>
        %bitcast3A_292 = vector.bitcast %shift_left3A_291 : vector<16xi32> to vector<16xf32>
        %and3A_293 = arith.andi %bitcast3A_288, %broadcast_in_dim3A_84 : vector<16xi32>
        %bitcast3A_294 = vector.bitcast %and3A_293 : vector<16xi32> to vector<16xf32>
        %mul3A_295 = arith.mulf %bitcast3A_292, %get3A_11 : vector<16xf32>
        %add3A_296 = arith.addf %add3A_275, %mul3A_295 : vector<16xf32>
        %mul3A_297 = arith.mulf %bitcast3A_294, %get3A_19 : vector<16xf32>
        %add3A_298 = arith.addf %add3A_277, %mul3A_297 : vector<16xf32>
        %add3A_299 = arith.addf %add3A_296, %add3A_298 : vector<16xf32>
        %mul3A_300 = arith.constant 8 : i32
        %mul3A_301 = arith.muli %scan3A_211, %mul3A_300 : i32
        %add3A_302 = arith.constant 1 : i32
        %add3A_303 = arith.addi %mul3A_301, %add3A_302 : i32
        %get3A_304 = arith.index_cast %add3A_303 : i32 to index
        %get3A_305 = arith.constant 0 : index
        %get3A_306 = tpu.vector_load %arg9[%get3A_304, %get3A_305] {strides = array<i32>} : memref<128x64xi32, #tpu.memory_space<vmem>>, vector<16xi32>,
        %get3A_307 = arith.index_cast %add3A_303 : i32 to index
        %get3A_308 = arith.constant 0 : index
        %get3A_309 = tpu.vector_load %arg11[%get3A_307, %get3A_308] {strides = array<i32>} : memref<128x64xi32, #tpu.memory_space<vmem>>, vector<16xi32>,
        %bitcast3A_310 = vector.bitcast %get3A_306 : vector<16xi32> to vector<32xbf16>
        %bitcast3A_311 = vector.bitcast %get3A_309 : vector<16xi32> to vector<32xbf16>
        %add3A_312 = arith.addf %bitcast3A_310, %bitcast3A_311 : vector<32xbf16>
        %max3A_313 = arith.maximumf %add3A_312, %broadcast_in_dim3A_80 : vector<32xbf16>
        %bitcast3A_314 = vector.bitcast %max3A_313 : vector<32xbf16> to vector<16xi32>
        %shift_left3A_315 = arith.constant 16 : i32
        %shift_left3A_316 = vector.broadcast %shift_left3A_315 : i32 to vector<16xi32>
        %shift_left3A_317 = arith.shli %bitcast3A_314, %shift_left3A_316 : vector<16xi32>
        %bitcast3A_318 = vector.bitcast %shift_left3A_317 : vector<16xi32> to vector<16xf32>
        %and3A_319 = arith.andi %bitcast3A_314, %broadcast_in_dim3A_84 : vector<16xi32>
        %bitcast3A_320 = vector.bitcast %and3A_319 : vector<16xi32> to vector<16xf32>
        %mul3A_321 = arith.mulf %bitcast3A_318, %get3A_5 : vector<16xf32>
        %add3A_322 = arith.addf %get3A_21, %mul3A_321 : vector<16xf32>
        %mul3A_323 = arith.mulf %bitcast3A_320, %get3A_13 : vector<16xf32>
        %add3A_324 = arith.addf %broadcast_in_dim3A_78, %mul3A_323 : vector<16xf32>
        %get3A_325 = arith.index_cast %add3A_303 : i32 to index
        %get3A_326 = arith.constant 16 : index
        %get3A_327 = tpu.vector_load %arg9[%get3A_325, %get3A_326] {strides = array<i32>} : memref<128x64xi32, #tpu.memory_space<vmem>>, vector<16xi32>,
        %get3A_328 = arith.index_cast %add3A_303 : i32 to index
        %get3A_329 = arith.constant 16 : index
        %get3A_330 = tpu.vector_load %arg11[%get3A_328, %get3A_329] {strides = array<i32>} : memref<128x64xi32, #tpu.memory_space<vmem>>, vector<16xi32>,
        %bitcast3A_331 = vector.bitcast %get3A_327 : vector<16xi32> to vector<32xbf16>
        %bitcast3A_332 = vector.bitcast %get3A_330 : vector<16xi32> to vector<32xbf16>
        %add3A_333 = arith.addf %bitcast3A_331, %bitcast3A_332 : vector<32xbf16>
        %max3A_334 = arith.maximumf %add3A_333, %broadcast_in_dim3A_80 : vector<32xbf16>
        %bitcast3A_335 = vector.bitcast %max3A_334 : vector<32xbf16> to vector<16xi32>
        %shift_left3A_336 = arith.constant 16 : i32
        %shift_left3A_337 = vector.broadcast %shift_left3A_336 : i32 to vector<16xi32>
        %shift_left3A_338 = arith.shli %bitcast3A_335, %shift_left3A_337 : vector<16xi32>
        %bitcast3A_339 = vector.bitcast %shift_left3A_338 : vector<16xi32> to vector<16xf32>
        %and3A_340 = arith.andi %bitcast3A_335, %broadcast_in_dim3A_84 : vector<16xi32>
        %bitcast3A_341 = vector.bitcast %and3A_340 : vector<16xi32> to vector<16xf32>
        %mul3A_342 = arith.mulf %bitcast3A_339, %get3A_7 : vector<16xf32>
        %add3A_343 = arith.addf %add3A_322, %mul3A_342 : vector<16xf32>
        %mul3A_344 = arith.mulf %bitcast3A_341, %get3A_15 : vector<16xf32>
        %add3A_345 = arith.addf %add3A_324, %mul3A_344 : vector<16xf32>
        %get3A_346 = arith.index_cast %add3A_303 : i32 to index
        %get3A_347 = arith.constant 32 : index
        %get3A_348 = tpu.vector_load %arg9[%get3A_346, %get3A_347] {strides = array<i32>} : memref<128x64xi32, #tpu.memory_space<vmem>>, vector<16xi32>,
        %get3A_349 = arith.index_cast %add3A_303 : i32 to index
        %get3A_350 = arith.constant 32 : index
        %get3A_351 = tpu.vector_load %arg11[%get3A_349, %get3A_350] {strides = array<i32>} : memref<128x64xi32, #tpu.memory_space<vmem>>, vector<16xi32>,
        %bitcast3A_352 = vector.bitcast %get3A_348 : vector<16xi32> to vector<32xbf16>
        %bitcast3A_353 = vector.bitcast %get3A_351 : vector<16xi32> to vector<32xbf16>
        %add3A_354 = arith.addf %bitcast3A_352, %bitcast3A_353 : vector<32xbf16>
        %max3A_355 = arith.maximumf %add3A_354, %broadcast_in_dim3A_80 : vector<32xbf16>
        %bitcast3A_356 = vector.bitcast %max3A_355 : vector<32xbf16> to vector<16xi32>
        %shift_left3A_357 = arith.constant 16 : i32
        %shift_left3A_358 = vector.broadcast %shift_left3A_357 : i32 to vector<16xi32>
        %shift_left3A_359 = arith.shli %bitcast3A_356, %shift_left3A_358 : vector<16xi32>
        %bitcast3A_360 = vector.bitcast %shift_left3A_359 : vector<16xi32> to vector<16xf32>
        %and3A_361 = arith.andi %bitcast3A_356, %broadcast_in_dim3A_84 : vector<16xi32>
        %bitcast3A_362 = vector.bitcast %and3A_361 : vector<16xi32> to vector<16xf32>
        %mul3A_363 = arith.mulf %bitcast3A_360, %get3A_9 : vector<16xf32>
        %add3A_364 = arith.addf %add3A_343, %mul3A_363 : vector<16xf32>
        %mul3A_365 = arith.mulf %bitcast3A_362, %get3A_17 : vector<16xf32>
        %add3A_366 = arith.addf %add3A_345, %mul3A_365 : vector<16xf32>
        %get3A_367 = arith.index_cast %add3A_303 : i32 to index
        %get3A_368 = arith.constant 48 : index
        %get3A_369 = tpu.vector_load %arg9[%get3A_367, %get3A_368] {strides = array<i32>} : memref<128x64xi32, #tpu.memory_space<vmem>>, vector<16xi32>,
        %get3A_370 = arith.index_cast %add3A_303 : i32 to index
        %get3A_371 = arith.constant 48 : index
        %get3A_372 = tpu.vector_load %arg11[%get3A_370, %get3A_371] {strides = array<i32>} : memref<128x64xi32, #tpu.memory_space<vmem>>, vector<16xi32>,
        %bitcast3A_373 = vector.bitcast %get3A_369 : vector<16xi32> to vector<32xbf16>
        %bitcast3A_374 = vector.bitcast %get3A_372 : vector<16xi32> to vector<32xbf16>
        %add3A_375 = arith.addf %bitcast3A_373, %bitcast3A_374 : vector<32xbf16>
        %max3A_376 = arith.maximumf %add3A_375, %broadcast_in_dim3A_80 : vector<32xbf16>
        %bitcast3A_377 = vector.bitcast %max3A_376 : vector<32xbf16> to vector<16xi32>
        %shift_left3A_378 = arith.constant 16 : i32
        %shift_left3A_379 = vector.broadcast %shift_left3A_378 : i32 to vector<16xi32>
        %shift_left3A_380 = arith.shli %bitcast3A_377, %shift_left3A_379 : vector<16xi32>
        %bitcast3A_381 = vector.bitcast %shift_left3A_380 : vector<16xi32> to vector<16xf32>
        %and3A_382 = arith.andi %bitcast3A_377, %broadcast_in_dim3A_84 : vector<16xi32>
        %bitcast3A_383 = vector.bitcast %and3A_382 : vector<16xi32> to vector<16xf32>
        %mul3A_384 = arith.mulf %bitcast3A_381, %get3A_11 : vector<16xf32>
        %add3A_385 = arith.addf %add3A_364, %mul3A_384 : vector<16xf32>
        %mul3A_386 = arith.mulf %bitcast3A_383, %get3A_19 : vector<16xf32>
        %add3A_387 = arith.addf %add3A_366, %mul3A_386 : vector<16xf32>
        %add3A_388 = arith.addf %add3A_385, %add3A_387 : vector<16xf32>
        %mul3A_389 = arith.constant 8 : i32
        %mul3A_390 = arith.muli %scan3A_211, %mul3A_389 : i32
        %add3A_391 = arith.constant 2 : i32
        %add3A_392 = arith.addi %mul3A_390, %add3A_391 : i32
        %get3A_393 = arith.index_cast %add3A_392 : i32 to index
        %get3A_394 = arith.constant 0 : index
        %get3A_395 = tpu.vector_load %arg9[%get3A_393, %get3A_394] {strides = array<i32>} : memref<128x64xi32, #tpu.memory_space<vmem>>, vector<16xi32>,
        %get3A_396 = arith.index_cast %add3A_392 : i32 to index
        %get3A_397 = arith.constant 0 : index
        %get3A_398 = tpu.vector_load %arg11[%get3A_396, %get3A_397] {strides = array<i32>} : memref<128x64xi32, #tpu.memory_space<vmem>>, vector<16xi32>,
        %bitcast3A_399 = vector.bitcast %get3A_395 : vector<16xi32> to vector<32xbf16>
        %bitcast3A_400 = vector.bitcast %get3A_398 : vector<16xi32> to vector<32xbf16>
        %add3A_401 = arith.addf %bitcast3A_399, %bitcast3A_400 : vector<32xbf16>
        %max3A_402 = arith.maximumf %add3A_401, %broadcast_in_dim3A_80 : vector<32xbf16>
        %bitcast3A_403 = vector.bitcast %max3A_402 : vector<32xbf16> to vector<16xi32>
        %shift_left3A_404 = arith.constant 16 : i32
        %shift_left3A_405 = vector.broadcast %shift_left3A_404 : i32 to vector<16xi32>
        %shift_left3A_406 = arith.shli %bitcast3A_403, %shift_left3A_405 : vector<16xi32>
        %bitcast3A_407 = vector.bitcast %shift_left3A_406 : vector<16xi32> to vector<16xf32>
        %and3A_408 = arith.andi %bitcast3A_403, %broadcast_in_dim3A_84 : vector<16xi32>
        %bitcast3A_409 = vector.bitcast %and3A_408 : vector<16xi32> to vector<16xf32>
        %mul3A_410 = arith.mulf %bitcast3A_407, %get3A_5 : vector<16xf32>
        %add3A_411 = arith.addf %get3A_21, %mul3A_410 : vector<16xf32>
        %mul3A_412 = arith.mulf %bitcast3A_409, %get3A_13 : vector<16xf32>
        %add3A_413 = arith.addf %broadcast_in_dim3A_78, %mul3A_412 : vector<16xf32>
        %get3A_414 = arith.index_cast %add3A_392 : i32 to index
        %get3A_415 = arith.constant 16 : index
        %get3A_416 = tpu.vector_load %arg9[%get3A_414, %get3A_415] {strides = array<i32>} : memref<128x64xi32, #tpu.memory_space<vmem>>, vector<16xi32>,
        %get3A_417 = arith.index_cast %add3A_392 : i32 to index
        %get3A_418 = arith.constant 16 : index
        %get3A_419 = tpu.vector_load %arg11[%get3A_417, %get3A_418] {strides = array<i32>} : memref<128x64xi32, #tpu.memory_space<vmem>>, vector<16xi32>,
        %bitcast3A_420 = vector.bitcast %get3A_416 : vector<16xi32> to vector<32xbf16>
        %bitcast3A_421 = vector.bitcast %get3A_419 : vector<16xi32> to vector<32xbf16>
        %add3A_422 = arith.addf %bitcast3A_420, %bitcast3A_421 : vector<32xbf16>
        %max3A_423 = arith.maximumf %add3A_422, %broadcast_in_dim3A_80 : vector<32xbf16>
        %bitcast3A_424 = vector.bitcast %max3A_423 : vector<32xbf16> to vector<16xi32>
        %shift_left3A_425 = arith.constant 16 : i32
        %shift_left3A_426 = vector.broadcast %shift_left3A_425 : i32 to vector<16xi32>
        %shift_left3A_427 = arith.shli %bitcast3A_424, %shift_left3A_426 : vector<16xi32>
        %bitcast3A_428 = vector.bitcast %shift_left3A_427 : vector<16xi32> to vector<16xf32>
        %and3A_429 = arith.andi %bitcast3A_424, %broadcast_in_dim3A_84 : vector<16xi32>
        %bitcast3A_430 = vector.bitcast %and3A_429 : vector<16xi32> to vector<16xf32>
        %mul3A_431 = arith.mulf %bitcast3A_428, %get3A_7 : vector<16xf32>
        %add3A_432 = arith.addf %add3A_411, %mul3A_431 : vector<16xf32>
        %mul3A_433 = arith.mulf %bitcast3A_430, %get3A_15 : vector<16xf32>
        %add3A_434 = arith.addf %add3A_413, %mul3A_433 : vector<16xf32>
        %get3A_435 = arith.index_cast %add3A_392 : i32 to index
        %get3A_436 = arith.constant 32 : index
        %get3A_437 = tpu.vector_load %arg9[%get3A_435, %get3A_436] {strides = array<i32>} : memref<128x64xi32, #tpu.memory_space<vmem>>, vector<16xi32>,
        %get3A_438 = arith.index_cast %add3A_392 : i32 to index
        %get3A_439 = arith.constant 32 : index
        %get3A_440 = tpu.vector_load %arg11[%get3A_438, %get3A_439] {strides = array<i32>} : memref<128x64xi32, #tpu.memory_space<vmem>>, vector<16xi32>,
        %bitcast3A_441 = vector.bitcast %get3A_437 : vector<16xi32> to vector<32xbf16>
        %bitcast3A_442 = vector.bitcast %get3A_440 : vector<16xi32> to vector<32xbf16>
        %add3A_443 = arith.addf %bitcast3A_441, %bitcast3A_442 : vector<32xbf16>
        %max3A_444 = arith.maximumf %add3A_443, %broadcast_in_dim3A_80 : vector<32xbf16>
        %bitcast3A_445 = vector.bitcast %max3A_444 : vector<32xbf16> to vector<16xi32>
        %shift_left3A_446 = arith.constant 16 : i32
        %shift_left3A_447 = vector.broadcast %shift_left3A_446 : i32 to vector<16xi32>
        %shift_left3A_448 = arith.shli %bitcast3A_445, %shift_left3A_447 : vector<16xi32>
        %bitcast3A_449 = vector.bitcast %shift_left3A_448 : vector<16xi32> to vector<16xf32>
        %and3A_450 = arith.andi %bitcast3A_445, %broadcast_in_dim3A_84 : vector<16xi32>
        %bitcast3A_451 = vector.bitcast %and3A_450 : vector<16xi32> to vector<16xf32>
        %mul3A_452 = arith.mulf %bitcast3A_449, %get3A_9 : vector<16xf32>
        %add3A_453 = arith.addf %add3A_432, %mul3A_452 : vector<16xf32>
        %mul3A_454 = arith.mulf %bitcast3A_451, %get3A_17 : vector<16xf32>
        %add3A_455 = arith.addf %add3A_434, %mul3A_454 : vector<16xf32>
        %get3A_456 = arith.index_cast %add3A_392 : i32 to index
        %get3A_457 = arith.constant 48 : index
        %get3A_458 = tpu.vector_load %arg9[%get3A_456, %get3A_457] {strides = array<i32>} : memref<128x64xi32, #tpu.memory_space<vmem>>, vector<16xi32>,
        %get3A_459 = arith.index_cast %add3A_392 : i32 to index
        %get3A_460 = arith.constant 48 : index
        %get3A_461 = tpu.vector_load %arg11[%get3A_459, %get3A_460] {strides = array<i32>} : memref<128x64xi32, #tpu.memory_space<vmem>>, vector<16xi32>,
        %bitcast3A_462 = vector.bitcast %get3A_458 : vector<16xi32> to vector<32xbf16>
        %bitcast3A_463 = vector.bitcast %get3A_461 : vector<16xi32> to vector<32xbf16>
        %add3A_464 = arith.addf %bitcast3A_462, %bitcast3A_463 : vector<32xbf16>
        %max3A_465 = arith.maximumf %add3A_464, %broadcast_in_dim3A_80 : vector<32xbf16>
        %bitcast3A_466 = vector.bitcast %max3A_465 : vector<32xbf16> to vector<16xi32>
        %shift_left3A_467 = arith.constant 16 : i32
        %shift_left3A_468 = vector.broadcast %shift_left3A_467 : i32 to vector<16xi32>
        %shift_left3A_469 = arith.shli %bitcast3A_466, %shift_left3A_468 : vector<16xi32>
        %bitcast3A_470 = vector.bitcast %shift_left3A_469 : vector<16xi32> to vector<16xf32>
        %and3A_471 = arith.andi %bitcast3A_466, %broadcast_in_dim3A_84 : vector<16xi32>
        %bitcast3A_472 = vector.bitcast %and3A_471 : vector<16xi32> to vector<16xf32>
        %mul3A_473 = arith.mulf %bitcast3A_470, %get3A_11 : vector<16xf32>
        %add3A_474 = arith.addf %add3A_453, %mul3A_473 : vector<16xf32>
        %mul3A_475 = arith.mulf %bitcast3A_472, %get3A_19 : vector<16xf32>
        %add3A_476 = arith.addf %add3A_455, %mul3A_475 : vector<16xf32>
        %add3A_477 = arith.addf %add3A_474, %add3A_476 : vector<16xf32>
        %mul3A_478 = arith.constant 8 : i32
        %mul3A_479 = arith.muli %scan3A_211, %mul3A_478 : i32
        %add3A_480 = arith.constant 3 : i32
        %add3A_481 = arith.addi %mul3A_479, %add3A_480 : i32
        %get3A_482 = arith.index_cast %add3A_481 : i32 to index
        %get3A_483 = arith.constant 0 : index
        %get3A_484 = tpu.vector_load %arg9[%get3A_482, %get3A_483] {strides = array<i32>} : memref<128x64xi32, #tpu.memory_space<vmem>>, vector<16xi32>,
        %get3A_485 = arith.index_cast %add3A_481 : i32 to index
        %get3A_486 = arith.constant 0 : index
        %get3A_487 = tpu.vector_load %arg11[%get3A_485, %get3A_486] {strides = array<i32>} : memref<128x64xi32, #tpu.memory_space<vmem>>, vector<16xi32>,
        %bitcast3A_488 = vector.bitcast %get3A_484 : vector<16xi32> to vector<32xbf16>
        %bitcast3A_489 = vector.bitcast %get3A_487 : vector<16xi32> to vector<32xbf16>
        %add3A_490 = arith.addf %bitcast3A_488, %bitcast3A_489 : vector<32xbf16>
        %max3A_491 = arith.maximumf %add3A_490, %broadcast_in_dim3A_80 : vector<32xbf16>
        %bitcast3A_492 = vector.bitcast %max3A_491 : vector<32xbf16> to vector<16xi32>
        %shift_left3A_493 = arith.constant 16 : i32
        %shift_left3A_494 = vector.broadcast %shift_left3A_493 : i32 to vector<16xi32>
        %shift_left3A_495 = arith.shli %bitcast3A_492, %shift_left3A_494 : vector<16xi32>
        %bitcast3A_496 = vector.bitcast %shift_left3A_495 : vector<16xi32> to vector<16xf32>
        %and3A_497 = arith.andi %bitcast3A_492, %broadcast_in_dim3A_84 : vector<16xi32>
        %bitcast3A_498 = vector.bitcast %and3A_497 : vector<16xi32> to vector<16xf32>
        %mul3A_499 = arith.mulf %bitcast3A_496, %get3A_5 : vector<16xf32>
        %add3A_500 = arith.addf %get3A_21, %mul3A_499 : vector<16xf32>
        %mul3A_501 = arith.mulf %bitcast3A_498, %get3A_13 : vector<16xf32>
        %add3A_502 = arith.addf %broadcast_in_dim3A_78, %mul3A_501 : vector<16xf32>
        %get3A_503 = arith.index_cast %add3A_481 : i32 to index
        %get3A_504 = arith.constant 16 : index
        %get3A_505 = tpu.vector_load %arg9[%get3A_503, %get3A_504] {strides = array<i32>} : memref<128x64xi32, #tpu.memory_space<vmem>>, vector<16xi32>,
        %get3A_506 = arith.index_cast %add3A_481 : i32 to index
        %get3A_507 = arith.constant 16 : index
        %get3A_508 = tpu.vector_load %arg11[%get3A_506, %get3A_507] {strides = array<i32>} : memref<128x64xi32, #tpu.memory_space<vmem>>, vector<16xi32>,
        %bitcast3A_509 = vector.bitcast %get3A_505 : vector<16xi32> to vector<32xbf16>
        %bitcast3A_510 = vector.bitcast %get3A_508 : vector<16xi32> to vector<32xbf16>
        %add3A_511 = arith.addf %bitcast3A_509, %bitcast3A_510 : vector<32xbf16>
        %max3A_512 = arith.maximumf %add3A_511, %broadcast_in_dim3A_80 : vector<32xbf16>
        %bitcast3A_513 = vector.bitcast %max3A_512 : vector<32xbf16> to vector<16xi32>
        %shift_left3A_514 = arith.constant 16 : i32
        %shift_left3A_515 = vector.broadcast %shift_left3A_514 : i32 to vector<16xi32>
        %shift_left3A_516 = arith.shli %bitcast3A_513, %shift_left3A_515 : vector<16xi32>
        %bitcast3A_517 = vector.bitcast %shift_left3A_516 : vector<16xi32> to vector<16xf32>
        %and3A_518 = arith.andi %bitcast3A_513, %broadcast_in_dim3A_84 : vector<16xi32>
        %bitcast3A_519 = vector.bitcast %and3A_518 : vector<16xi32> to vector<16xf32>
        %mul3A_520 = arith.mulf %bitcast3A_517, %get3A_7 : vector<16xf32>
        %add3A_521 = arith.addf %add3A_500, %mul3A_520 : vector<16xf32>
        %mul3A_522 = arith.mulf %bitcast3A_519, %get3A_15 : vector<16xf32>
        %add3A_523 = arith.addf %add3A_502, %mul3A_522 : vector<16xf32>
        %get3A_524 = arith.index_cast %add3A_481 : i32 to index
        %get3A_525 = arith.constant 32 : index
        %get3A_526 = tpu.vector_load %arg9[%get3A_524, %get3A_525] {strides = array<i32>} : memref<128x64xi32, #tpu.memory_space<vmem>>, vector<16xi32>,
        %get3A_527 = arith.index_cast %add3A_481 : i32 to index
        %get3A_528 = arith.constant 32 : index
        %get3A_529 = tpu.vector_load %arg11[%get3A_527, %get3A_528] {strides = array<i32>} : memref<128x64xi32, #tpu.memory_space<vmem>>, vector<16xi32>,
        %bitcast3A_530 = vector.bitcast %get3A_526 : vector<16xi32> to vector<32xbf16>
        %bitcast3A_531 = vector.bitcast %get3A_529 : vector<16xi32> to vector<32xbf16>
        %add3A_532 = arith.addf %bitcast3A_530, %bitcast3A_531 : vector<32xbf16>
        %max3A_533 = arith.maximumf %add3A_532, %broadcast_in_dim3A_80 : vector<32xbf16>
        %bitcast3A_534 = vector.bitcast %max3A_533 : vector<32xbf16> to vector<16xi32>
        %shift_left3A_535 = arith.constant 16 : i32
        %shift_left3A_536 = vector.broadcast %shift_left3A_535 : i32 to vector<16xi32>
        %shift_left3A_537 = arith.shli %bitcast3A_534, %shift_left3A_536 : vector<16xi32>
        %bitcast3A_538 = vector.bitcast %shift_left3A_537 : vector<16xi32> to vector<16xf32>
        %and3A_539 = arith.andi %bitcast3A_534, %broadcast_in_dim3A_84 : vector<16xi32>
        %bitcast3A_540 = vector.bitcast %and3A_539 : vector<16xi32> to vector<16xf32>
        %mul3A_541 = arith.mulf %bitcast3A_538, %get3A_9 : vector<16xf32>
        %add3A_542 = arith.addf %add3A_521, %mul3A_541 : vector<16xf32>
        %mul3A_543 = arith.mulf %bitcast3A_540, %get3A_17 : vector<16xf32>
        %add3A_544 = arith.addf %add3A_523, %mul3A_543 : vector<16xf32>
        %get3A_545 = arith.index_cast %add3A_481 : i32 to index
        %get3A_546 = arith.constant 48 : index
        %get3A_547 = tpu.vector_load %arg9[%get3A_545, %get3A_546] {strides = array<i32>} : memref<128x64xi32, #tpu.memory_space<vmem>>, vector<16xi32>,
        %get3A_548 = arith.index_cast %add3A_481 : i32 to index
        %get3A_549 = arith.constant 48 : index
        %get3A_550 = tpu.vector_load %arg11[%get3A_548, %get3A_549] {strides = array<i32>} : memref<128x64xi32, #tpu.memory_space<vmem>>, vector<16xi32>,
        %bitcast3A_551 = vector.bitcast %get3A_547 : vector<16xi32> to vector<32xbf16>
        %bitcast3A_552 = vector.bitcast %get3A_550 : vector<16xi32> to vector<32xbf16>
        %add3A_553 = arith.addf %bitcast3A_551, %bitcast3A_552 : vector<32xbf16>
        %max3A_554 = arith.maximumf %add3A_553, %broadcast_in_dim3A_80 : vector<32xbf16>
        %bitcast3A_555 = vector.bitcast %max3A_554 : vector<32xbf16> to vector<16xi32>
        %shift_left3A_556 = arith.constant 16 : i32
        %shift_left3A_557 = vector.broadcast %shift_left3A_556 : i32 to vector<16xi32>
        %shift_left3A_558 = arith.shli %bitcast3A_555, %shift_left3A_557 : vector<16xi32>
        %bitcast3A_559 = vector.bitcast %shift_left3A_558 : vector<16xi32> to vector<16xf32>
        %and3A_560 = arith.andi %bitcast3A_555, %broadcast_in_dim3A_84 : vector<16xi32>
        %bitcast3A_561 = vector.bitcast %and3A_560 : vector<16xi32> to vector<16xf32>
        %mul3A_562 = arith.mulf %bitcast3A_559, %get3A_11 : vector<16xf32>
        %add3A_563 = arith.addf %add3A_542, %mul3A_562 : vector<16xf32>
        %mul3A_564 = arith.mulf %bitcast3A_561, %get3A_19 : vector<16xf32>
        %add3A_565 = arith.addf %add3A_544, %mul3A_564 : vector<16xf32>
        %add3A_566 = arith.addf %add3A_563, %add3A_565 : vector<16xf32>
        %mul3A_567 = arith.constant 8 : i32
        %mul3A_568 = arith.muli %scan3A_211, %mul3A_567 : i32
        %add3A_569 = arith.constant 4 : i32
        %add3A_570 = arith.addi %mul3A_568, %add3A_569 : i32
        %get3A_571 = arith.index_cast %add3A_570 : i32 to index
        %get3A_572 = arith.constant 0 : index
        %get3A_573 = tpu.vector_load %arg9[%get3A_571, %get3A_572] {strides = array<i32>} : memref<128x64xi32, #tpu.memory_space<vmem>>, vector<16xi32>,
        %get3A_574 = arith.index_cast %add3A_570 : i32 to index
        %get3A_575 = arith.constant 0 : index
        %get3A_576 = tpu.vector_load %arg11[%get3A_574, %get3A_575] {strides = array<i32>} : memref<128x64xi32, #tpu.memory_space<vmem>>, vector<16xi32>,
        %bitcast3A_577 = vector.bitcast %get3A_573 : vector<16xi32> to vector<32xbf16>
        %bitcast3A_578 = vector.bitcast %get3A_576 : vector<16xi32> to vector<32xbf16>
        %add3A_579 = arith.addf %bitcast3A_577, %bitcast3A_578 : vector<32xbf16>
        %max3A_580 = arith.maximumf %add3A_579, %broadcast_in_dim3A_80 : vector<32xbf16>
        %bitcast3A_581 = vector.bitcast %max3A_580 : vector<32xbf16> to vector<16xi32>
        %shift_left3A_582 = arith.constant 16 : i32
        %shift_left3A_583 = vector.broadcast %shift_left3A_582 : i32 to vector<16xi32>
        %shift_left3A_584 = arith.shli %bitcast3A_581, %shift_left3A_583 : vector<16xi32>
        %bitcast3A_585 = vector.bitcast %shift_left3A_584 : vector<16xi32> to vector<16xf32>
        %and3A_586 = arith.andi %bitcast3A_581, %broadcast_in_dim3A_84 : vector<16xi32>
        %bitcast3A_587 = vector.bitcast %and3A_586 : vector<16xi32> to vector<16xf32>
        %mul3A_588 = arith.mulf %bitcast3A_585, %get3A_5 : vector<16xf32>
        %add3A_589 = arith.addf %get3A_21, %mul3A_588 : vector<16xf32>
        %mul3A_590 = arith.mulf %bitcast3A_587, %get3A_13 : vector<16xf32>
        %add3A_591 = arith.addf %broadcast_in_dim3A_78, %mul3A_590 : vector<16xf32>
        %get3A_592 = arith.index_cast %add3A_570 : i32 to index
        %get3A_593 = arith.constant 16 : index
        %get3A_594 = tpu.vector_load %arg9[%get3A_592, %get3A_593] {strides = array<i32>} : memref<128x64xi32, #tpu.memory_space<vmem>>, vector<16xi32>,
        %get3A_595 = arith.index_cast %add3A_570 : i32 to index
        %get3A_596 = arith.constant 16 : index
        %get3A_597 = tpu.vector_load %arg11[%get3A_595, %get3A_596] {strides = array<i32>} : memref<128x64xi32, #tpu.memory_space<vmem>>, vector<16xi32>,
        %bitcast3A_598 = vector.bitcast %get3A_594 : vector<16xi32> to vector<32xbf16>
        %bitcast3A_599 = vector.bitcast %get3A_597 : vector<16xi32> to vector<32xbf16>
        %add3A_600 = arith.addf %bitcast3A_598, %bitcast3A_599 : vector<32xbf16>
        %max3A_601 = arith.maximumf %add3A_600, %broadcast_in_dim3A_80 : vector<32xbf16>
        %bitcast3A_602 = vector.bitcast %max3A_601 : vector<32xbf16> to vector<16xi32>
        %shift_left3A_603 = arith.constant 16 : i32
        %shift_left3A_604 = vector.broadcast %shift_left3A_603 : i32 to vector<16xi32>
        %shift_left3A_605 = arith.shli %bitcast3A_602, %shift_left3A_604 : vector<16xi32>
        %bitcast3A_606 = vector.bitcast %shift_left3A_605 : vector<16xi32> to vector<16xf32>
        %and3A_607 = arith.andi %bitcast3A_602, %broadcast_in_dim3A_84 : vector<16xi32>
        %bitcast3A_608 = vector.bitcast %and3A_607 : vector<16xi32> to vector<16xf32>
        %mul3A_609 = arith.mulf %bitcast3A_606, %get3A_7 : vector<16xf32>
        %add3A_610 = arith.addf %add3A_589, %mul3A_609 : vector<16xf32>
        %mul3A_611 = arith.mulf %bitcast3A_608, %get3A_15 : vector<16xf32>
        %add3A_612 = arith.addf %add3A_591, %mul3A_611 : vector<16xf32>
        %get3A_613 = arith.index_cast %add3A_570 : i32 to index
        %get3A_614 = arith.constant 32 : index
        %get3A_615 = tpu.vector_load %arg9[%get3A_613, %get3A_614] {strides = array<i32>} : memref<128x64xi32, #tpu.memory_space<vmem>>, vector<16xi32>,
        %get3A_616 = arith.index_cast %add3A_570 : i32 to index
        %get3A_617 = arith.constant 32 : index
        %get3A_618 = tpu.vector_load %arg11[%get3A_616, %get3A_617] {strides = array<i32>} : memref<128x64xi32, #tpu.memory_space<vmem>>, vector<16xi32>,
        %bitcast3A_619 = vector.bitcast %get3A_615 : vector<16xi32> to vector<32xbf16>
        %bitcast3A_620 = vector.bitcast %get3A_618 : vector<16xi32> to vector<32xbf16>
        %add3A_621 = arith.addf %bitcast3A_619, %bitcast3A_620 : vector<32xbf16>
        %max3A_622 = arith.maximumf %add3A_621, %broadcast_in_dim3A_80 : vector<32xbf16>
        %bitcast3A_623 = vector.bitcast %max3A_622 : vector<32xbf16> to vector<16xi32>
        %shift_left3A_624 = arith.constant 16 : i32
        %shift_left3A_625 = vector.broadcast %shift_left3A_624 : i32 to vector<16xi32>
        %shift_left3A_626 = arith.shli %bitcast3A_623, %shift_left3A_625 : vector<16xi32>
        %bitcast3A_627 = vector.bitcast %shift_left3A_626 : vector<16xi32> to vector<16xf32>
        %and3A_628 = arith.andi %bitcast3A_623, %broadcast_in_dim3A_84 : vector<16xi32>
        %bitcast3A_629 = vector.bitcast %and3A_628 : vector<16xi32> to vector<16xf32>
        %mul3A_630 = arith.mulf %bitcast3A_627, %get3A_9 : vector<16xf32>
        %add3A_631 = arith.addf %add3A_610, %mul3A_630 : vector<16xf32>
        %mul3A_632 = arith.mulf %bitcast3A_629, %get3A_17 : vector<16xf32>
        %add3A_633 = arith.addf %add3A_612, %mul3A_632 : vector<16xf32>
        %get3A_634 = arith.index_cast %add3A_570 : i32 to index
        %get3A_635 = arith.constant 48 : index
        %get3A_636 = tpu.vector_load %arg9[%get3A_634, %get3A_635] {strides = array<i32>} : memref<128x64xi32, #tpu.memory_space<vmem>>, vector<16xi32>,
        %get3A_637 = arith.index_cast %add3A_570 : i32 to index
        %get3A_638 = arith.constant 48 : index
        %get3A_639 = tpu.vector_load %arg11[%get3A_637, %get3A_638] {strides = array<i32>} : memref<128x64xi32, #tpu.memory_space<vmem>>, vector<16xi32>,
        %bitcast3A_640 = vector.bitcast %get3A_636 : vector<16xi32> to vector<32xbf16>
        %bitcast3A_641 = vector.bitcast %get3A_639 : vector<16xi32> to vector<32xbf16>
        %add3A_642 = arith.addf %bitcast3A_640, %bitcast3A_641 : vector<32xbf16>
        %max3A_643 = arith.maximumf %add3A_642, %broadcast_in_dim3A_80 : vector<32xbf16>
        %bitcast3A_644 = vector.bitcast %max3A_643 : vector<32xbf16> to vector<16xi32>
        %shift_left3A_645 = arith.constant 16 : i32
        %shift_left3A_646 = vector.broadcast %shift_left3A_645 : i32 to vector<16xi32>
        %shift_left3A_647 = arith.shli %bitcast3A_644, %shift_left3A_646 : vector<16xi32>
        %bitcast3A_648 = vector.bitcast %shift_left3A_647 : vector<16xi32> to vector<16xf32>
        %and3A_649 = arith.andi %bitcast3A_644, %broadcast_in_dim3A_84 : vector<16xi32>
        %bitcast3A_650 = vector.bitcast %and3A_649 : vector<16xi32> to vector<16xf32>
        %mul3A_651 = arith.mulf %bitcast3A_648, %get3A_11 : vector<16xf32>
        %add3A_652 = arith.addf %add3A_631, %mul3A_651 : vector<16xf32>
        %mul3A_653 = arith.mulf %bitcast3A_650, %get3A_19 : vector<16xf32>
        %add3A_654 = arith.addf %add3A_633, %mul3A_653 : vector<16xf32>
        %add3A_655 = arith.addf %add3A_652, %add3A_654 : vector<16xf32>
        %mul3A_656 = arith.constant 8 : i32
        %mul3A_657 = arith.muli %scan3A_211, %mul3A_656 : i32
        %add3A_658 = arith.constant 5 : i32
        %add3A_659 = arith.addi %mul3A_657, %add3A_658 : i32
        %get3A_660 = arith.index_cast %add3A_659 : i32 to index
        %get3A_661 = arith.constant 0 : index
        %get3A_662 = tpu.vector_load %arg9[%get3A_660, %get3A_661] {strides = array<i32>} : memref<128x64xi32, #tpu.memory_space<vmem>>, vector<16xi32>,
        %get3A_663 = arith.index_cast %add3A_659 : i32 to index
        %get3A_664 = arith.constant 0 : index
        %get3A_665 = tpu.vector_load %arg11[%get3A_663, %get3A_664] {strides = array<i32>} : memref<128x64xi32, #tpu.memory_space<vmem>>, vector<16xi32>,
        %bitcast3A_666 = vector.bitcast %get3A_662 : vector<16xi32> to vector<32xbf16>
        %bitcast3A_667 = vector.bitcast %get3A_665 : vector<16xi32> to vector<32xbf16>
        %add3A_668 = arith.addf %bitcast3A_666, %bitcast3A_667 : vector<32xbf16>
        %max3A_669 = arith.maximumf %add3A_668, %broadcast_in_dim3A_80 : vector<32xbf16>
        %bitcast3A_670 = vector.bitcast %max3A_669 : vector<32xbf16> to vector<16xi32>
        %shift_left3A_671 = arith.constant 16 : i32
        %shift_left3A_672 = vector.broadcast %shift_left3A_671 : i32 to vector<16xi32>
        %shift_left3A_673 = arith.shli %bitcast3A_670, %shift_left3A_672 : vector<16xi32>
        %bitcast3A_674 = vector.bitcast %shift_left3A_673 : vector<16xi32> to vector<16xf32>
        %and3A_675 = arith.andi %bitcast3A_670, %broadcast_in_dim3A_84 : vector<16xi32>
        %bitcast3A_676 = vector.bitcast %and3A_675 : vector<16xi32> to vector<16xf32>
        %mul3A_677 = arith.mulf %bitcast3A_674, %get3A_5 : vector<16xf32>
        %add3A_678 = arith.addf %get3A_21, %mul3A_677 : vector<16xf32>
        %mul3A_679 = arith.mulf %bitcast3A_676, %get3A_13 : vector<16xf32>
        %add3A_680 = arith.addf %broadcast_in_dim3A_78, %mul3A_679 : vector<16xf32>
        %get3A_681 = arith.index_cast %add3A_659 : i32 to index
        %get3A_682 = arith.constant 16 : index
        %get3A_683 = tpu.vector_load %arg9[%get3A_681, %get3A_682] {strides = array<i32>} : memref<128x64xi32, #tpu.memory_space<vmem>>, vector<16xi32>,
        %get3A_684 = arith.index_cast %add3A_659 : i32 to index
        %get3A_685 = arith.constant 16 : index
        %get3A_686 = tpu.vector_load %arg11[%get3A_684, %get3A_685] {strides = array<i32>} : memref<128x64xi32, #tpu.memory_space<vmem>>, vector<16xi32>,
        %bitcast3A_687 = vector.bitcast %get3A_683 : vector<16xi32> to vector<32xbf16>
        %bitcast3A_688 = vector.bitcast %get3A_686 : vector<16xi32> to vector<32xbf16>
        %add3A_689 = arith.addf %bitcast3A_687, %bitcast3A_688 : vector<32xbf16>
        %max3A_690 = arith.maximumf %add3A_689, %broadcast_in_dim3A_80 : vector<32xbf16>
        %bitcast3A_691 = vector.bitcast %max3A_690 : vector<32xbf16> to vector<16xi32>
        %shift_left3A_692 = arith.constant 16 : i32
        %shift_left3A_693 = vector.broadcast %shift_left3A_692 : i32 to vector<16xi32>
        %shift_left3A_694 = arith.shli %bitcast3A_691, %shift_left3A_693 : vector<16xi32>
        %bitcast3A_695 = vector.bitcast %shift_left3A_694 : vector<16xi32> to vector<16xf32>
        %and3A_696 = arith.andi %bitcast3A_691, %broadcast_in_dim3A_84 : vector<16xi32>
        %bitcast3A_697 = vector.bitcast %and3A_696 : vector<16xi32> to vector<16xf32>
        %mul3A_698 = arith.mulf %bitcast3A_695, %get3A_7 : vector<16xf32>
        %add3A_699 = arith.addf %add3A_678, %mul3A_698 : vector<16xf32>
        %mul3A_700 = arith.mulf %bitcast3A_697, %get3A_15 : vector<16xf32>
        %add3A_701 = arith.addf %add3A_680, %mul3A_700 : vector<16xf32>
        %get3A_702 = arith.index_cast %add3A_659 : i32 to index
        %get3A_703 = arith.constant 32 : index
        %get3A_704 = tpu.vector_load %arg9[%get3A_702, %get3A_703] {strides = array<i32>} : memref<128x64xi32, #tpu.memory_space<vmem>>, vector<16xi32>,
        %get3A_705 = arith.index_cast %add3A_659 : i32 to index
        %get3A_706 = arith.constant 32 : index
        %get3A_707 = tpu.vector_load %arg11[%get3A_705, %get3A_706] {strides = array<i32>} : memref<128x64xi32, #tpu.memory_space<vmem>>, vector<16xi32>,
        %bitcast3A_708 = vector.bitcast %get3A_704 : vector<16xi32> to vector<32xbf16>
        %bitcast3A_709 = vector.bitcast %get3A_707 : vector<16xi32> to vector<32xbf16>
        %add3A_710 = arith.addf %bitcast3A_708, %bitcast3A_709 : vector<32xbf16>
        %max3A_711 = arith.maximumf %add3A_710, %broadcast_in_dim3A_80 : vector<32xbf16>
        %bitcast3A_712 = vector.bitcast %max3A_711 : vector<32xbf16> to vector<16xi32>
        %shift_left3A_713 = arith.constant 16 : i32
        %shift_left3A_714 = vector.broadcast %shift_left3A_713 : i32 to vector<16xi32>
        %shift_left3A_715 = arith.shli %bitcast3A_712, %shift_left3A_714 : vector<16xi32>
        %bitcast3A_716 = vector.bitcast %shift_left3A_715 : vector<16xi32> to vector<16xf32>
        %and3A_717 = arith.andi %bitcast3A_712, %broadcast_in_dim3A_84 : vector<16xi32>
        %bitcast3A_718 = vector.bitcast %and3A_717 : vector<16xi32> to vector<16xf32>
        %mul3A_719 = arith.mulf %bitcast3A_716, %get3A_9 : vector<16xf32>
        %add3A_720 = arith.addf %add3A_699, %mul3A_719 : vector<16xf32>
        %mul3A_721 = arith.mulf %bitcast3A_718, %get3A_17 : vector<16xf32>
        %add3A_722 = arith.addf %add3A_701, %mul3A_721 : vector<16xf32>
        %get3A_723 = arith.index_cast %add3A_659 : i32 to index
        %get3A_724 = arith.constant 48 : index
        %get3A_725 = tpu.vector_load %arg9[%get3A_723, %get3A_724] {strides = array<i32>} : memref<128x64xi32, #tpu.memory_space<vmem>>, vector<16xi32>,
        %get3A_726 = arith.index_cast %add3A_659 : i32 to index
        %get3A_727 = arith.constant 48 : index
        %get3A_728 = tpu.vector_load %arg11[%get3A_726, %get3A_727] {strides = array<i32>} : memref<128x64xi32, #tpu.memory_space<vmem>>, vector<16xi32>,
        %bitcast3A_729 = vector.bitcast %get3A_725 : vector<16xi32> to vector<32xbf16>
        %bitcast3A_730 = vector.bitcast %get3A_728 : vector<16xi32> to vector<32xbf16>
        %add3A_731 = arith.addf %bitcast3A_729, %bitcast3A_730 : vector<32xbf16>
        %max3A_732 = arith.maximumf %add3A_731, %broadcast_in_dim3A_80 : vector<32xbf16>
        %bitcast3A_733 = vector.bitcast %max3A_732 : vector<32xbf16> to vector<16xi32>
        %shift_left3A_734 = arith.constant 16 : i32
        %shift_left3A_735 = vector.broadcast %shift_left3A_734 : i32 to vector<16xi32>
        %shift_left3A_736 = arith.shli %bitcast3A_733, %shift_left3A_735 : vector<16xi32>
        %bitcast3A_737 = vector.bitcast %shift_left3A_736 : vector<16xi32> to vector<16xf32>
        %and3A_738 = arith.andi %bitcast3A_733, %broadcast_in_dim3A_84 : vector<16xi32>
        %bitcast3A_739 = vector.bitcast %and3A_738 : vector<16xi32> to vector<16xf32>
        %mul3A_740 = arith.mulf %bitcast3A_737, %get3A_11 : vector<16xf32>
        %add3A_741 = arith.addf %add3A_720, %mul3A_740 : vector<16xf32>
        %mul3A_742 = arith.mulf %bitcast3A_739, %get3A_19 : vector<16xf32>
        %add3A_743 = arith.addf %add3A_722, %mul3A_742 : vector<16xf32>
        %add3A_744 = arith.addf %add3A_741, %add3A_743 : vector<16xf32>
        %mul3A_745 = arith.constant 8 : i32
        %mul3A_746 = arith.muli %scan3A_211, %mul3A_745 : i32
        %add3A_747 = arith.constant 6 : i32
        %add3A_748 = arith.addi %mul3A_746, %add3A_747 : i32
        %get3A_749 = arith.index_cast %add3A_748 : i32 to index
        %get3A_750 = arith.constant 0 : index
        %get3A_751 = tpu.vector_load %arg9[%get3A_749, %get3A_750] {strides = array<i32>} : memref<128x64xi32, #tpu.memory_space<vmem>>, vector<16xi32>,
        %get3A_752 = arith.index_cast %add3A_748 : i32 to index
        %get3A_753 = arith.constant 0 : index
        %get3A_754 = tpu.vector_load %arg11[%get3A_752, %get3A_753] {strides = array<i32>} : memref<128x64xi32, #tpu.memory_space<vmem>>, vector<16xi32>,
        %bitcast3A_755 = vector.bitcast %get3A_751 : vector<16xi32> to vector<32xbf16>
        %bitcast3A_756 = vector.bitcast %get3A_754 : vector<16xi32> to vector<32xbf16>
        %add3A_757 = arith.addf %bitcast3A_755, %bitcast3A_756 : vector<32xbf16>
        %max3A_758 = arith.maximumf %add3A_757, %broadcast_in_dim3A_80 : vector<32xbf16>
        %bitcast3A_759 = vector.bitcast %max3A_758 : vector<32xbf16> to vector<16xi32>
        %shift_left3A_760 = arith.constant 16 : i32
        %shift_left3A_761 = vector.broadcast %shift_left3A_760 : i32 to vector<16xi32>
        %shift_left3A_762 = arith.shli %bitcast3A_759, %shift_left3A_761 : vector<16xi32>
        %bitcast3A_763 = vector.bitcast %shift_left3A_762 : vector<16xi32> to vector<16xf32>
        %and3A_764 = arith.andi %bitcast3A_759, %broadcast_in_dim3A_84 : vector<16xi32>
        %bitcast3A_765 = vector.bitcast %and3A_764 : vector<16xi32> to vector<16xf32>
        %mul3A_766 = arith.mulf %bitcast3A_763, %get3A_5 : vector<16xf32>
        %add3A_767 = arith.addf %get3A_21, %mul3A_766 : vector<16xf32>
        %mul3A_768 = arith.mulf %bitcast3A_765, %get3A_13 : vector<16xf32>
        %add3A_769 = arith.addf %broadcast_in_dim3A_78, %mul3A_768 : vector<16xf32>
        %get3A_770 = arith.index_cast %add3A_748 : i32 to index
        %get3A_771 = arith.constant 16 : index
        %get3A_772 = tpu.vector_load %arg9[%get3A_770, %get3A_771] {strides = array<i32>} : memref<128x64xi32, #tpu.memory_space<vmem>>, vector<16xi32>,
        %get3A_773 = arith.index_cast %add3A_748 : i32 to index
        %get3A_774 = arith.constant 16 : index
        %get3A_775 = tpu.vector_load %arg11[%get3A_773, %get3A_774] {strides = array<i32>} : memref<128x64xi32, #tpu.memory_space<vmem>>, vector<16xi32>,
        %bitcast3A_776 = vector.bitcast %get3A_772 : vector<16xi32> to vector<32xbf16>
        %bitcast3A_777 = vector.bitcast %get3A_775 : vector<16xi32> to vector<32xbf16>
        %add3A_778 = arith.addf %bitcast3A_776, %bitcast3A_777 : vector<32xbf16>
        %max3A_779 = arith.maximumf %add3A_778, %broadcast_in_dim3A_80 : vector<32xbf16>
        %bitcast3A_780 = vector.bitcast %max3A_779 : vector<32xbf16> to vector<16xi32>
        %shift_left3A_781 = arith.constant 16 : i32
        %shift_left3A_782 = vector.broadcast %shift_left3A_781 : i32 to vector<16xi32>
        %shift_left3A_783 = arith.shli %bitcast3A_780, %shift_left3A_782 : vector<16xi32>
        %bitcast3A_784 = vector.bitcast %shift_left3A_783 : vector<16xi32> to vector<16xf32>
        %and3A_785 = arith.andi %bitcast3A_780, %broadcast_in_dim3A_84 : vector<16xi32>
        %bitcast3A_786 = vector.bitcast %and3A_785 : vector<16xi32> to vector<16xf32>
        %mul3A_787 = arith.mulf %bitcast3A_784, %get3A_7 : vector<16xf32>
        %add3A_788 = arith.addf %add3A_767, %mul3A_787 : vector<16xf32>
        %mul3A_789 = arith.mulf %bitcast3A_786, %get3A_15 : vector<16xf32>
        %add3A_790 = arith.addf %add3A_769, %mul3A_789 : vector<16xf32>
        %get3A_791 = arith.index_cast %add3A_748 : i32 to index
        %get3A_792 = arith.constant 32 : index
        %get3A_793 = tpu.vector_load %arg9[%get3A_791, %get3A_792] {strides = array<i32>} : memref<128x64xi32, #tpu.memory_space<vmem>>, vector<16xi32>,
        %get3A_794 = arith.index_cast %add3A_748 : i32 to index
        %get3A_795 = arith.constant 32 : index
        %get3A_796 = tpu.vector_load %arg11[%get3A_794, %get3A_795] {strides = array<i32>} : memref<128x64xi32, #tpu.memory_space<vmem>>, vector<16xi32>,
        %bitcast3A_797 = vector.bitcast %get3A_793 : vector<16xi32> to vector<32xbf16>
        %bitcast3A_798 = vector.bitcast %get3A_796 : vector<16xi32> to vector<32xbf16>
        %add3A_799 = arith.addf %bitcast3A_797, %bitcast3A_798 : vector<32xbf16>
        %max3A_800 = arith.maximumf %add3A_799, %broadcast_in_dim3A_80 : vector<32xbf16>
        %bitcast3A_801 = vector.bitcast %max3A_800 : vector<32xbf16> to vector<16xi32>
        %shift_left3A_802 = arith.constant 16 : i32
        %shift_left3A_803 = vector.broadcast %shift_left3A_802 : i32 to vector<16xi32>
        %shift_left3A_804 = arith.shli %bitcast3A_801, %shift_left3A_803 : vector<16xi32>
        %bitcast3A_805 = vector.bitcast %shift_left3A_804 : vector<16xi32> to vector<16xf32>
        %and3A_806 = arith.andi %bitcast3A_801, %broadcast_in_dim3A_84 : vector<16xi32>
        %bitcast3A_807 = vector.bitcast %and3A_806 : vector<16xi32> to vector<16xf32>
        %mul3A_808 = arith.mulf %bitcast3A_805, %get3A_9 : vector<16xf32>
        %add3A_809 = arith.addf %add3A_788, %mul3A_808 : vector<16xf32>
        %mul3A_810 = arith.mulf %bitcast3A_807, %get3A_17 : vector<16xf32>
        %add3A_811 = arith.addf %add3A_790, %mul3A_810 : vector<16xf32>
        %get3A_812 = arith.index_cast %add3A_748 : i32 to index
        %get3A_813 = arith.constant 48 : index
        %get3A_814 = tpu.vector_load %arg9[%get3A_812, %get3A_813] {strides = array<i32>} : memref<128x64xi32, #tpu.memory_space<vmem>>, vector<16xi32>,
        %get3A_815 = arith.index_cast %add3A_748 : i32 to index
        %get3A_816 = arith.constant 48 : index
        %get3A_817 = tpu.vector_load %arg11[%get3A_815, %get3A_816] {strides = array<i32>} : memref<128x64xi32, #tpu.memory_space<vmem>>, vector<16xi32>,
        %bitcast3A_818 = vector.bitcast %get3A_814 : vector<16xi32> to vector<32xbf16>
        %bitcast3A_819 = vector.bitcast %get3A_817 : vector<16xi32> to vector<32xbf16>
        %add3A_820 = arith.addf %bitcast3A_818, %bitcast3A_819 : vector<32xbf16>
        %max3A_821 = arith.maximumf %add3A_820, %broadcast_in_dim3A_80 : vector<32xbf16>
        %bitcast3A_822 = vector.bitcast %max3A_821 : vector<32xbf16> to vector<16xi32>
        %shift_left3A_823 = arith.constant 16 : i32
        %shift_left3A_824 = vector.broadcast %shift_left3A_823 : i32 to vector<16xi32>
        %shift_left3A_825 = arith.shli %bitcast3A_822, %shift_left3A_824 : vector<16xi32>
        %bitcast3A_826 = vector.bitcast %shift_left3A_825 : vector<16xi32> to vector<16xf32>
        %and3A_827 = arith.andi %bitcast3A_822, %broadcast_in_dim3A_84 : vector<16xi32>
        %bitcast3A_828 = vector.bitcast %and3A_827 : vector<16xi32> to vector<16xf32>
        %mul3A_829 = arith.mulf %bitcast3A_826, %get3A_11 : vector<16xf32>
        %add3A_830 = arith.addf %add3A_809, %mul3A_829 : vector<16xf32>
        %mul3A_831 = arith.mulf %bitcast3A_828, %get3A_19 : vector<16xf32>
        %add3A_832 = arith.addf %add3A_811, %mul3A_831 : vector<16xf32>
        %add3A_833 = arith.addf %add3A_830, %add3A_832 : vector<16xf32>
        %mul3A_834 = arith.constant 8 : i32
        %mul3A_835 = arith.muli %scan3A_211, %mul3A_834 : i32
        %add3A_836 = arith.constant 7 : i32
        %add3A_837 = arith.addi %mul3A_835, %add3A_836 : i32
        %get3A_838 = arith.index_cast %add3A_837 : i32 to index
        %get3A_839 = arith.constant 0 : index
        %get3A_840 = tpu.vector_load %arg9[%get3A_838, %get3A_839] {strides = array<i32>} : memref<128x64xi32, #tpu.memory_space<vmem>>, vector<16xi32>,
        %get3A_841 = arith.index_cast %add3A_837 : i32 to index
        %get3A_842 = arith.constant 0 : index
        %get3A_843 = tpu.vector_load %arg11[%get3A_841, %get3A_842] {strides = array<i32>} : memref<128x64xi32, #tpu.memory_space<vmem>>, vector<16xi32>,
        %bitcast3A_844 = vector.bitcast %get3A_840 : vector<16xi32> to vector<32xbf16>
        %bitcast3A_845 = vector.bitcast %get3A_843 : vector<16xi32> to vector<32xbf16>
        %add3A_846 = arith.addf %bitcast3A_844, %bitcast3A_845 : vector<32xbf16>
        %max3A_847 = arith.maximumf %add3A_846, %broadcast_in_dim3A_80 : vector<32xbf16>
        %bitcast3A_848 = vector.bitcast %max3A_847 : vector<32xbf16> to vector<16xi32>
        %shift_left3A_849 = arith.constant 16 : i32
        %shift_left3A_850 = vector.broadcast %shift_left3A_849 : i32 to vector<16xi32>
        %shift_left3A_851 = arith.shli %bitcast3A_848, %shift_left3A_850 : vector<16xi32>
        %bitcast3A_852 = vector.bitcast %shift_left3A_851 : vector<16xi32> to vector<16xf32>
        %and3A_853 = arith.andi %bitcast3A_848, %broadcast_in_dim3A_84 : vector<16xi32>
        %bitcast3A_854 = vector.bitcast %and3A_853 : vector<16xi32> to vector<16xf32>
        %mul3A_855 = arith.mulf %bitcast3A_852, %get3A_5 : vector<16xf32>
        %add3A_856 = arith.addf %get3A_21, %mul3A_855 : vector<16xf32>
        %mul3A_857 = arith.mulf %bitcast3A_854, %get3A_13 : vector<16xf32>
        %add3A_858 = arith.addf %broadcast_in_dim3A_78, %mul3A_857 : vector<16xf32>
        %get3A_859 = arith.index_cast %add3A_837 : i32 to index
        %get3A_860 = arith.constant 16 : index
        %get3A_861 = tpu.vector_load %arg9[%get3A_859, %get3A_860] {strides = array<i32>} : memref<128x64xi32, #tpu.memory_space<vmem>>, vector<16xi32>,
        %get3A_862 = arith.index_cast %add3A_837 : i32 to index
        %get3A_863 = arith.constant 16 : index
        %get3A_864 = tpu.vector_load %arg11[%get3A_862, %get3A_863] {strides = array<i32>} : memref<128x64xi32, #tpu.memory_space<vmem>>, vector<16xi32>,
        %bitcast3A_865 = vector.bitcast %get3A_861 : vector<16xi32> to vector<32xbf16>
        %bitcast3A_866 = vector.bitcast %get3A_864 : vector<16xi32> to vector<32xbf16>
        %add3A_867 = arith.addf %bitcast3A_865, %bitcast3A_866 : vector<32xbf16>
        %max3A_868 = arith.maximumf %add3A_867, %broadcast_in_dim3A_80 : vector<32xbf16>
        %bitcast3A_869 = vector.bitcast %max3A_868 : vector<32xbf16> to vector<16xi32>
        %shift_left3A_870 = arith.constant 16 : i32
        %shift_left3A_871 = vector.broadcast %shift_left3A_870 : i32 to vector<16xi32>
        %shift_left3A_872 = arith.shli %bitcast3A_869, %shift_left3A_871 : vector<16xi32>
        %bitcast3A_873 = vector.bitcast %shift_left3A_872 : vector<16xi32> to vector<16xf32>
        %and3A_874 = arith.andi %bitcast3A_869, %broadcast_in_dim3A_84 : vector<16xi32>
        %bitcast3A_875 = vector.bitcast %and3A_874 : vector<16xi32> to vector<16xf32>
        %mul3A_876 = arith.mulf %bitcast3A_873, %get3A_7 : vector<16xf32>
        %add3A_877 = arith.addf %add3A_856, %mul3A_876 : vector<16xf32>
        %mul3A_878 = arith.mulf %bitcast3A_875, %get3A_15 : vector<16xf32>
        %add3A_879 = arith.addf %add3A_858, %mul3A_878 : vector<16xf32>
        %get3A_880 = arith.index_cast %add3A_837 : i32 to index
        %get3A_881 = arith.constant 32 : index
        %get3A_882 = tpu.vector_load %arg9[%get3A_880, %get3A_881] {strides = array<i32>} : memref<128x64xi32, #tpu.memory_space<vmem>>, vector<16xi32>,
        %get3A_883 = arith.index_cast %add3A_837 : i32 to index
        %get3A_884 = arith.constant 32 : index
        %get3A_885 = tpu.vector_load %arg11[%get3A_883, %get3A_884] {strides = array<i32>} : memref<128x64xi32, #tpu.memory_space<vmem>>, vector<16xi32>,
        %bitcast3A_886 = vector.bitcast %get3A_882 : vector<16xi32> to vector<32xbf16>
        %bitcast3A_887 = vector.bitcast %get3A_885 : vector<16xi32> to vector<32xbf16>
        %add3A_888 = arith.addf %bitcast3A_886, %bitcast3A_887 : vector<32xbf16>
        %max3A_889 = arith.maximumf %add3A_888, %broadcast_in_dim3A_80 : vector<32xbf16>
        %bitcast3A_890 = vector.bitcast %max3A_889 : vector<32xbf16> to vector<16xi32>
        %shift_left3A_891 = arith.constant 16 : i32
        %shift_left3A_892 = vector.broadcast %shift_left3A_891 : i32 to vector<16xi32>
        %shift_left3A_893 = arith.shli %bitcast3A_890, %shift_left3A_892 : vector<16xi32>
        %bitcast3A_894 = vector.bitcast %shift_left3A_893 : vector<16xi32> to vector<16xf32>
        %and3A_895 = arith.andi %bitcast3A_890, %broadcast_in_dim3A_84 : vector<16xi32>
        %bitcast3A_896 = vector.bitcast %and3A_895 : vector<16xi32> to vector<16xf32>
        %mul3A_897 = arith.mulf %bitcast3A_894, %get3A_9 : vector<16xf32>
        %add3A_898 = arith.addf %add3A_877, %mul3A_897 : vector<16xf32>
        %mul3A_899 = arith.mulf %bitcast3A_896, %get3A_17 : vector<16xf32>
        %add3A_900 = arith.addf %add3A_879, %mul3A_899 : vector<16xf32>
        %get3A_901 = arith.index_cast %add3A_837 : i32 to index
        %get3A_902 = arith.constant 48 : index
        %get3A_903 = tpu.vector_load %arg9[%get3A_901, %get3A_902] {strides = array<i32>} : memref<128x64xi32, #tpu.memory_space<vmem>>, vector<16xi32>,
        %get3A_904 = arith.index_cast %add3A_837 : i32 to index
        %get3A_905 = arith.constant 48 : index
        %get3A_906 = tpu.vector_load %arg11[%get3A_904, %get3A_905] {strides = array<i32>} : memref<128x64xi32, #tpu.memory_space<vmem>>, vector<16xi32>,
        %bitcast3A_907 = vector.bitcast %get3A_903 : vector<16xi32> to vector<32xbf16>
        %bitcast3A_908 = vector.bitcast %get3A_906 : vector<16xi32> to vector<32xbf16>
        %add3A_909 = arith.addf %bitcast3A_907, %bitcast3A_908 : vector<32xbf16>
        %max3A_910 = arith.maximumf %add3A_909, %broadcast_in_dim3A_80 : vector<32xbf16>
        %bitcast3A_911 = vector.bitcast %max3A_910 : vector<32xbf16> to vector<16xi32>
        %shift_left3A_912 = arith.constant 16 : i32
        %shift_left3A_913 = vector.broadcast %shift_left3A_912 : i32 to vector<16xi32>
        %shift_left3A_914 = arith.shli %bitcast3A_911, %shift_left3A_913 : vector<16xi32>
        %bitcast3A_915 = vector.bitcast %shift_left3A_914 : vector<16xi32> to vector<16xf32>
        %and3A_916 = arith.andi %bitcast3A_911, %broadcast_in_dim3A_84 : vector<16xi32>
        %bitcast3A_917 = vector.bitcast %and3A_916 : vector<16xi32> to vector<16xf32>
        %mul3A_918 = arith.mulf %bitcast3A_915, %get3A_11 : vector<16xf32>
        %add3A_919 = arith.addf %add3A_898, %mul3A_918 : vector<16xf32>
        %mul3A_920 = arith.mulf %bitcast3A_917, %get3A_19 : vector<16xf32>
        %add3A_921 = arith.addf %add3A_900, %mul3A_920 : vector<16xf32>
        %add3A_922 = arith.addf %add3A_919, %add3A_921 : vector<16xf32>
        %lt3A_923 = arith.constant 0 : i32
        %lt3A_924 = vector.broadcast %lt3A_923 : i32 to vector<16xi32>
        %lt3A_925 = arith.cmpi slt, %xor3A_23, %lt3A_924 : vector<16xi32>
        %add3A_926 = arith.constant 16 : i32
        %add3A_927 = vector.broadcast %add3A_926 : i32 to vector<16xi32>
        %add3A_928 = arith.addi %xor3A_23, %add3A_927 : vector<16xi32>
        %select_n3A = arith.select %lt3A_925, %add3A_928, %xor3A_23 : vector<16xi1>, vector<16xi32>
        %broadcast_in_dim3A_929 = vector.shape_cast %select_n3A : vector<16xi32> to vector<16x1xi32>
        %gather3A = vector.shape_cast %broadcast_in_dim3A_929 : vector<16x1xi32> to vector<16xi32>
        %gather3A_930 = tpu.dynamic_gather %add3A_299[%gather3A] in [0] : vector<16xf32>, vector<16xi32> -> vector<16xf32>
        %add3A_931 = arith.addf %add3A_299, %gather3A_930 : vector<16xf32>
        %lt3A_932 = arith.constant 0 : i32
        %lt3A_933 = vector.broadcast %lt3A_932 : i32 to vector<16xi32>
        %lt3A_934 = arith.cmpi slt, %xor3A_23, %lt3A_933 : vector<16xi32>
        %add3A_935 = arith.constant 16 : i32
        %add3A_936 = vector.broadcast %add3A_935 : i32 to vector<16xi32>
        %add3A_937 = arith.addi %xor3A_23, %add3A_936 : vector<16xi32>
        %select_n3A_938 = arith.select %lt3A_934, %add3A_937, %xor3A_23 : vector<16xi1>, vector<16xi32>
        %broadcast_in_dim3A_939 = vector.shape_cast %select_n3A_938 : vector<16xi32> to vector<16x1xi32>
        %gather3A_940 = vector.shape_cast %broadcast_in_dim3A_939 : vector<16x1xi32> to vector<16xi32>
        %gather3A_941 = tpu.dynamic_gather %add3A_388[%gather3A_940] in [0] : vector<16xf32>, vector<16xi32> -> vector<16xf32>
        %add3A_942 = arith.addf %add3A_388, %gather3A_941 : vector<16xf32>
        %lt3A_943 = arith.constant 0 : i32
        %lt3A_944 = vector.broadcast %lt3A_943 : i32 to vector<16xi32>
        %lt3A_945 = arith.cmpi slt, %xor3A_23, %lt3A_944 : vector<16xi32>
        %add3A_946 = arith.constant 16 : i32
        %add3A_947 = vector.broadcast %add3A_946 : i32 to vector<16xi32>
        %add3A_948 = arith.addi %xor3A_23, %add3A_947 : vector<16xi32>
        %select_n3A_949 = arith.select %lt3A_945, %add3A_948, %xor3A_23 : vector<16xi1>, vector<16xi32>
        %broadcast_in_dim3A_950 = vector.shape_cast %select_n3A_949 : vector<16xi32> to vector<16x1xi32>
        %gather3A_951 = vector.shape_cast %broadcast_in_dim3A_950 : vector<16x1xi32> to vector<16xi32>
        %gather3A_952 = tpu.dynamic_gather %add3A_942[%gather3A_951] in [0] : vector<16xf32>, vector<16xi32> -> vector<16xf32>
        %select_n3A_953 = arith.select %eq3A_36, %add3A_931, %gather3A_952 : vector<16xi1>, vector<16xf32>
        %lt3A_954 = arith.constant 0 : i32
        %lt3A_955 = vector.broadcast %lt3A_954 : i32 to vector<16xi32>
        %lt3A_956 = arith.cmpi slt, %xor3A_23, %lt3A_955 : vector<16xi32>
        %add3A_957 = arith.constant 16 : i32
        %add3A_958 = vector.broadcast %add3A_957 : i32 to vector<16xi32>
        %add3A_959 = arith.addi %xor3A_23, %add3A_958 : vector<16xi32>
        %select_n3A_960 = arith.select %lt3A_956, %add3A_959, %xor3A_23 : vector<16xi1>, vector<16xi32>
        %broadcast_in_dim3A_961 = vector.shape_cast %select_n3A_960 : vector<16xi32> to vector<16x1xi32>
        %gather3A_962 = vector.shape_cast %broadcast_in_dim3A_961 : vector<16x1xi32> to vector<16xi32>
        %gather3A_963 = tpu.dynamic_gather %add3A_477[%gather3A_962] in [0] : vector<16xf32>, vector<16xi32> -> vector<16xf32>
        %add3A_964 = arith.addf %add3A_477, %gather3A_963 : vector<16xf32>
        %lt3A_965 = arith.constant 0 : i32
        %lt3A_966 = vector.broadcast %lt3A_965 : i32 to vector<16xi32>
        %lt3A_967 = arith.cmpi slt, %xor3A_23, %lt3A_966 : vector<16xi32>
        %add3A_968 = arith.constant 16 : i32
        %add3A_969 = vector.broadcast %add3A_968 : i32 to vector<16xi32>
        %add3A_970 = arith.addi %xor3A_23, %add3A_969 : vector<16xi32>
        %select_n3A_971 = arith.select %lt3A_967, %add3A_970, %xor3A_23 : vector<16xi1>, vector<16xi32>
        %broadcast_in_dim3A_972 = vector.shape_cast %select_n3A_971 : vector<16xi32> to vector<16x1xi32>
        %gather3A_973 = vector.shape_cast %broadcast_in_dim3A_972 : vector<16x1xi32> to vector<16xi32>
        %gather3A_974 = tpu.dynamic_gather %add3A_566[%gather3A_973] in [0] : vector<16xf32>, vector<16xi32> -> vector<16xf32>
        %add3A_975 = arith.addf %add3A_566, %gather3A_974 : vector<16xf32>
        %lt3A_976 = arith.constant 0 : i32
        %lt3A_977 = vector.broadcast %lt3A_976 : i32 to vector<16xi32>
        %lt3A_978 = arith.cmpi slt, %xor3A_23, %lt3A_977 : vector<16xi32>
        %add3A_979 = arith.constant 16 : i32
        %add3A_980 = vector.broadcast %add3A_979 : i32 to vector<16xi32>
        %add3A_981 = arith.addi %xor3A_23, %add3A_980 : vector<16xi32>
        %select_n3A_982 = arith.select %lt3A_978, %add3A_981, %xor3A_23 : vector<16xi1>, vector<16xi32>
        %broadcast_in_dim3A_983 = vector.shape_cast %select_n3A_982 : vector<16xi32> to vector<16x1xi32>
        %gather3A_984 = vector.shape_cast %broadcast_in_dim3A_983 : vector<16x1xi32> to vector<16xi32>
        %gather3A_985 = tpu.dynamic_gather %add3A_975[%gather3A_984] in [0] : vector<16xf32>, vector<16xi32> -> vector<16xf32>
        %select_n3A_986 = arith.select %eq3A_36, %add3A_964, %gather3A_985 : vector<16xi1>, vector<16xf32>
        %lt3A_987 = arith.constant 0 : i32
        %lt3A_988 = vector.broadcast %lt3A_987 : i32 to vector<16xi32>
        %lt3A_989 = arith.cmpi slt, %xor3A_23, %lt3A_988 : vector<16xi32>
        %add3A_990 = arith.constant 16 : i32
        %add3A_991 = vector.broadcast %add3A_990 : i32 to vector<16xi32>
        %add3A_992 = arith.addi %xor3A_23, %add3A_991 : vector<16xi32>
        %select_n3A_993 = arith.select %lt3A_989, %add3A_992, %xor3A_23 : vector<16xi1>, vector<16xi32>
        %broadcast_in_dim3A_994 = vector.shape_cast %select_n3A_993 : vector<16xi32> to vector<16x1xi32>
        %gather3A_995 = vector.shape_cast %broadcast_in_dim3A_994 : vector<16x1xi32> to vector<16xi32>
        %gather3A_996 = tpu.dynamic_gather %add3A_655[%gather3A_995] in [0] : vector<16xf32>, vector<16xi32> -> vector<16xf32>
        %add3A_997 = arith.addf %add3A_655, %gather3A_996 : vector<16xf32>
        %lt3A_998 = arith.constant 0 : i32
        %lt3A_999 = vector.broadcast %lt3A_998 : i32 to vector<16xi32>
        %lt3A_1000 = arith.cmpi slt, %xor3A_23, %lt3A_999 : vector<16xi32>
        %add3A_1001 = arith.constant 16 : i32
        %add3A_1002 = vector.broadcast %add3A_1001 : i32 to vector<16xi32>
        %add3A_1003 = arith.addi %xor3A_23, %add3A_1002 : vector<16xi32>
        %select_n3A_1004 = arith.select %lt3A_1000, %add3A_1003, %xor3A_23 : vector<16xi1>, vector<16xi32>
        %broadcast_in_dim3A_1005 = vector.shape_cast %select_n3A_1004 : vector<16xi32> to vector<16x1xi32>
        %gather3A_1006 = vector.shape_cast %broadcast_in_dim3A_1005 : vector<16x1xi32> to vector<16xi32>
        %gather3A_1007 = tpu.dynamic_gather %add3A_744[%gather3A_1006] in [0] : vector<16xf32>, vector<16xi32> -> vector<16xf32>
        %add3A_1008 = arith.addf %add3A_744, %gather3A_1007 : vector<16xf32>
        %lt3A_1009 = arith.constant 0 : i32
        %lt3A_1010 = vector.broadcast %lt3A_1009 : i32 to vector<16xi32>
        %lt3A_1011 = arith.cmpi slt, %xor3A_23, %lt3A_1010 : vector<16xi32>
        %add3A_1012 = arith.constant 16 : i32
        %add3A_1013 = vector.broadcast %add3A_1012 : i32 to vector<16xi32>
        %add3A_1014 = arith.addi %xor3A_23, %add3A_1013 : vector<16xi32>
        %select_n3A_1015 = arith.select %lt3A_1011, %add3A_1014, %xor3A_23 : vector<16xi1>, vector<16xi32>
        %broadcast_in_dim3A_1016 = vector.shape_cast %select_n3A_1015 : vector<16xi32> to vector<16x1xi32>
        %gather3A_1017 = vector.shape_cast %broadcast_in_dim3A_1016 : vector<16x1xi32> to vector<16xi32>
        %gather3A_1018 = tpu.dynamic_gather %add3A_1008[%gather3A_1017] in [0] : vector<16xf32>, vector<16xi32> -> vector<16xf32>
        %select_n3A_1019 = arith.select %eq3A_36, %add3A_997, %gather3A_1018 : vector<16xi1>, vector<16xf32>
        %lt3A_1020 = arith.constant 0 : i32
        %lt3A_1021 = vector.broadcast %lt3A_1020 : i32 to vector<16xi32>
        %lt3A_1022 = arith.cmpi slt, %xor3A_23, %lt3A_1021 : vector<16xi32>
        %add3A_1023 = arith.constant 16 : i32
        %add3A_1024 = vector.broadcast %add3A_1023 : i32 to vector<16xi32>
        %add3A_1025 = arith.addi %xor3A_23, %add3A_1024 : vector<16xi32>
        %select_n3A_1026 = arith.select %lt3A_1022, %add3A_1025, %xor3A_23 : vector<16xi1>, vector<16xi32>
        %broadcast_in_dim3A_1027 = vector.shape_cast %select_n3A_1026 : vector<16xi32> to vector<16x1xi32>
        %gather3A_1028 = vector.shape_cast %broadcast_in_dim3A_1027 : vector<16x1xi32> to vector<16xi32>
        %gather3A_1029 = tpu.dynamic_gather %add3A_833[%gather3A_1028] in [0] : vector<16xf32>, vector<16xi32> -> vector<16xf32>
        %add3A_1030 = arith.addf %add3A_833, %gather3A_1029 : vector<16xf32>
        %lt3A_1031 = arith.constant 0 : i32
        %lt3A_1032 = vector.broadcast %lt3A_1031 : i32 to vector<16xi32>
        %lt3A_1033 = arith.cmpi slt, %xor3A_23, %lt3A_1032 : vector<16xi32>
        %add3A_1034 = arith.constant 16 : i32
        %add3A_1035 = vector.broadcast %add3A_1034 : i32 to vector<16xi32>
        %add3A_1036 = arith.addi %xor3A_23, %add3A_1035 : vector<16xi32>
        %select_n3A_1037 = arith.select %lt3A_1033, %add3A_1036, %xor3A_23 : vector<16xi1>, vector<16xi32>
        %broadcast_in_dim3A_1038 = vector.shape_cast %select_n3A_1037 : vector<16xi32> to vector<16x1xi32>
        %gather3A_1039 = vector.shape_cast %broadcast_in_dim3A_1038 : vector<16x1xi32> to vector<16xi32>
        %gather3A_1040 = tpu.dynamic_gather %add3A_922[%gather3A_1039] in [0] : vector<16xf32>, vector<16xi32> -> vector<16xf32>
        %add3A_1041 = arith.addf %add3A_922, %gather3A_1040 : vector<16xf32>
        %lt3A_1042 = arith.constant 0 : i32
        %lt3A_1043 = vector.broadcast %lt3A_1042 : i32 to vector<16xi32>
        %lt3A_1044 = arith.cmpi slt, %xor3A_23, %lt3A_1043 : vector<16xi32>
        %add3A_1045 = arith.constant 16 : i32
        %add3A_1046 = vector.broadcast %add3A_1045 : i32 to vector<16xi32>
        %add3A_1047 = arith.addi %xor3A_23, %add3A_1046 : vector<16xi32>
        %select_n3A_1048 = arith.select %lt3A_1044, %add3A_1047, %xor3A_23 : vector<16xi1>, vector<16xi32>
        %broadcast_in_dim3A_1049 = vector.shape_cast %select_n3A_1048 : vector<16xi32> to vector<16x1xi32>
        %gather3A_1050 = vector.shape_cast %broadcast_in_dim3A_1049 : vector<16x1xi32> to vector<16xi32>
        %gather3A_1051 = tpu.dynamic_gather %add3A_1041[%gather3A_1050] in [0] : vector<16xf32>, vector<16xi32> -> vector<16xf32>
        %select_n3A_1052 = arith.select %eq3A_36, %add3A_1030, %gather3A_1051 : vector<16xi1>, vector<16xf32>
        %lt3A_1053 = arith.constant 0 : i32
        %lt3A_1054 = vector.broadcast %lt3A_1053 : i32 to vector<16xi32>
        %lt3A_1055 = arith.cmpi slt, %xor3A_26, %lt3A_1054 : vector<16xi32>
        %add3A_1056 = arith.constant 16 : i32
        %add3A_1057 = vector.broadcast %add3A_1056 : i32 to vector<16xi32>
        %add3A_1058 = arith.addi %xor3A_26, %add3A_1057 : vector<16xi32>
        %select_n3A_1059 = arith.select %lt3A_1055, %add3A_1058, %xor3A_26 : vector<16xi1>, vector<16xi32>
        %broadcast_in_dim3A_1060 = vector.shape_cast %select_n3A_1059 : vector<16xi32> to vector<16x1xi32>
        %gather3A_1061 = vector.shape_cast %broadcast_in_dim3A_1060 : vector<16x1xi32> to vector<16xi32>
        %gather3A_1062 = tpu.dynamic_gather %select_n3A_953[%gather3A_1061] in [0] : vector<16xf32>, vector<16xi32> -> vector<16xf32>
        %add3A_1063 = arith.addf %select_n3A_953, %gather3A_1062 : vector<16xf32>
        %lt3A_1064 = arith.constant 0 : i32
        %lt3A_1065 = vector.broadcast %lt3A_1064 : i32 to vector<16xi32>
        %lt3A_1066 = arith.cmpi slt, %xor3A_26, %lt3A_1065 : vector<16xi32>
        %add3A_1067 = arith.constant 16 : i32
        %add3A_1068 = vector.broadcast %add3A_1067 : i32 to vector<16xi32>
        %add3A_1069 = arith.addi %xor3A_26, %add3A_1068 : vector<16xi32>
        %select_n3A_1070 = arith.select %lt3A_1066, %add3A_1069, %xor3A_26 : vector<16xi1>, vector<16xi32>
        %broadcast_in_dim3A_1071 = vector.shape_cast %select_n3A_1070 : vector<16xi32> to vector<16x1xi32>
        %gather3A_1072 = vector.shape_cast %broadcast_in_dim3A_1071 : vector<16x1xi32> to vector<16xi32>
        %gather3A_1073 = tpu.dynamic_gather %select_n3A_986[%gather3A_1072] in [0] : vector<16xf32>, vector<16xi32> -> vector<16xf32>
        %add3A_1074 = arith.addf %select_n3A_986, %gather3A_1073 : vector<16xf32>
        %lt3A_1075 = arith.constant 0 : i32
        %lt3A_1076 = vector.broadcast %lt3A_1075 : i32 to vector<16xi32>
        %lt3A_1077 = arith.cmpi slt, %xor3A_26, %lt3A_1076 : vector<16xi32>
        %add3A_1078 = arith.constant 16 : i32
        %add3A_1079 = vector.broadcast %add3A_1078 : i32 to vector<16xi32>
        %add3A_1080 = arith.addi %xor3A_26, %add3A_1079 : vector<16xi32>
        %select_n3A_1081 = arith.select %lt3A_1077, %add3A_1080, %xor3A_26 : vector<16xi1>, vector<16xi32>
        %broadcast_in_dim3A_1082 = vector.shape_cast %select_n3A_1081 : vector<16xi32> to vector<16x1xi32>
        %gather3A_1083 = vector.shape_cast %broadcast_in_dim3A_1082 : vector<16x1xi32> to vector<16xi32>
        %gather3A_1084 = tpu.dynamic_gather %add3A_1074[%gather3A_1083] in [0] : vector<16xf32>, vector<16xi32> -> vector<16xf32>
        %select_n3A_1085 = arith.select %eq3A_42, %add3A_1063, %gather3A_1084 : vector<16xi1>, vector<16xf32>
        %lt3A_1086 = arith.constant 0 : i32
        %lt3A_1087 = vector.broadcast %lt3A_1086 : i32 to vector<16xi32>
        %lt3A_1088 = arith.cmpi slt, %xor3A_26, %lt3A_1087 : vector<16xi32>
        %add3A_1089 = arith.constant 16 : i32
        %add3A_1090 = vector.broadcast %add3A_1089 : i32 to vector<16xi32>
        %add3A_1091 = arith.addi %xor3A_26, %add3A_1090 : vector<16xi32>
        %select_n3A_1092 = arith.select %lt3A_1088, %add3A_1091, %xor3A_26 : vector<16xi1>, vector<16xi32>
        %broadcast_in_dim3A_1093 = vector.shape_cast %select_n3A_1092 : vector<16xi32> to vector<16x1xi32>
        %gather3A_1094 = vector.shape_cast %broadcast_in_dim3A_1093 : vector<16x1xi32> to vector<16xi32>
        %gather3A_1095 = tpu.dynamic_gather %select_n3A_1019[%gather3A_1094] in [0] : vector<16xf32>, vector<16xi32> -> vector<16xf32>
        %add3A_1096 = arith.addf %select_n3A_1019, %gather3A_1095 : vector<16xf32>
        %lt3A_1097 = arith.constant 0 : i32
        %lt3A_1098 = vector.broadcast %lt3A_1097 : i32 to vector<16xi32>
        %lt3A_1099 = arith.cmpi slt, %xor3A_26, %lt3A_1098 : vector<16xi32>
        %add3A_1100 = arith.constant 16 : i32
        %add3A_1101 = vector.broadcast %add3A_1100 : i32 to vector<16xi32>
        %add3A_1102 = arith.addi %xor3A_26, %add3A_1101 : vector<16xi32>
        %select_n3A_1103 = arith.select %lt3A_1099, %add3A_1102, %xor3A_26 : vector<16xi1>, vector<16xi32>
        %broadcast_in_dim3A_1104 = vector.shape_cast %select_n3A_1103 : vector<16xi32> to vector<16x1xi32>
        %gather3A_1105 = vector.shape_cast %broadcast_in_dim3A_1104 : vector<16x1xi32> to vector<16xi32>
        %gather3A_1106 = tpu.dynamic_gather %select_n3A_1052[%gather3A_1105] in [0] : vector<16xf32>, vector<16xi32> -> vector<16xf32>
        %add3A_1107 = arith.addf %select_n3A_1052, %gather3A_1106 : vector<16xf32>
        %lt3A_1108 = arith.constant 0 : i32
        %lt3A_1109 = vector.broadcast %lt3A_1108 : i32 to vector<16xi32>
        %lt3A_1110 = arith.cmpi slt, %xor3A_26, %lt3A_1109 : vector<16xi32>
        %add3A_1111 = arith.constant 16 : i32
        %add3A_1112 = vector.broadcast %add3A_1111 : i32 to vector<16xi32>
        %add3A_1113 = arith.addi %xor3A_26, %add3A_1112 : vector<16xi32>
        %select_n3A_1114 = arith.select %lt3A_1110, %add3A_1113, %xor3A_26 : vector<16xi1>, vector<16xi32>
        %broadcast_in_dim3A_1115 = vector.shape_cast %select_n3A_1114 : vector<16xi32> to vector<16x1xi32>
        %gather3A_1116 = vector.shape_cast %broadcast_in_dim3A_1115 : vector<16x1xi32> to vector<16xi32>
        %gather3A_1117 = tpu.dynamic_gather %add3A_1107[%gather3A_1116] in [0] : vector<16xf32>, vector<16xi32> -> vector<16xf32>
        %select_n3A_1118 = arith.select %eq3A_42, %add3A_1096, %gather3A_1117 : vector<16xi1>, vector<16xf32>
        %lt3A_1119 = arith.constant 0 : i32
        %lt3A_1120 = vector.broadcast %lt3A_1119 : i32 to vector<16xi32>
        %lt3A_1121 = arith.cmpi slt, %xor3A_29, %lt3A_1120 : vector<16xi32>
        %add3A_1122 = arith.constant 16 : i32
        %add3A_1123 = vector.broadcast %add3A_1122 : i32 to vector<16xi32>
        %add3A_1124 = arith.addi %xor3A_29, %add3A_1123 : vector<16xi32>
        %select_n3A_1125 = arith.select %lt3A_1121, %add3A_1124, %xor3A_29 : vector<16xi1>, vector<16xi32>
        %broadcast_in_dim3A_1126 = vector.shape_cast %select_n3A_1125 : vector<16xi32> to vector<16x1xi32>
        %gather3A_1127 = vector.shape_cast %broadcast_in_dim3A_1126 : vector<16x1xi32> to vector<16xi32>
        %gather3A_1128 = tpu.dynamic_gather %select_n3A_1085[%gather3A_1127] in [0] : vector<16xf32>, vector<16xi32> -> vector<16xf32>
        %add3A_1129 = arith.addf %select_n3A_1085, %gather3A_1128 : vector<16xf32>
        %lt3A_1130 = arith.constant 0 : i32
        %lt3A_1131 = vector.broadcast %lt3A_1130 : i32 to vector<16xi32>
        %lt3A_1132 = arith.cmpi slt, %xor3A_29, %lt3A_1131 : vector<16xi32>
        %add3A_1133 = arith.constant 16 : i32
        %add3A_1134 = vector.broadcast %add3A_1133 : i32 to vector<16xi32>
        %add3A_1135 = arith.addi %xor3A_29, %add3A_1134 : vector<16xi32>
        %select_n3A_1136 = arith.select %lt3A_1132, %add3A_1135, %xor3A_29 : vector<16xi1>, vector<16xi32>
        %broadcast_in_dim3A_1137 = vector.shape_cast %select_n3A_1136 : vector<16xi32> to vector<16x1xi32>
        %gather3A_1138 = vector.shape_cast %broadcast_in_dim3A_1137 : vector<16x1xi32> to vector<16xi32>
        %gather3A_1139 = tpu.dynamic_gather %select_n3A_1118[%gather3A_1138] in [0] : vector<16xf32>, vector<16xi32> -> vector<16xf32>
        %add3A_1140 = arith.addf %select_n3A_1118, %gather3A_1139 : vector<16xf32>
        %lt3A_1141 = arith.constant 0 : i32
        %lt3A_1142 = vector.broadcast %lt3A_1141 : i32 to vector<16xi32>
        %lt3A_1143 = arith.cmpi slt, %xor3A_29, %lt3A_1142 : vector<16xi32>
        %add3A_1144 = arith.constant 16 : i32
        %add3A_1145 = vector.broadcast %add3A_1144 : i32 to vector<16xi32>
        %add3A_1146 = arith.addi %xor3A_29, %add3A_1145 : vector<16xi32>
        %select_n3A_1147 = arith.select %lt3A_1143, %add3A_1146, %xor3A_29 : vector<16xi1>, vector<16xi32>
        %broadcast_in_dim3A_1148 = vector.shape_cast %select_n3A_1147 : vector<16xi32> to vector<16x1xi32>
        %gather3A_1149 = vector.shape_cast %broadcast_in_dim3A_1148 : vector<16x1xi32> to vector<16xi32>
        %gather3A_1150 = tpu.dynamic_gather %add3A_1140[%gather3A_1149] in [0] : vector<16xf32>, vector<16xi32> -> vector<16xf32>
        %select_n3A_1151 = arith.select %eq3A_48, %add3A_1129, %gather3A_1150 : vector<16xi1>, vector<16xf32>
        %lt3A_1152 = arith.constant 0 : i32
        %lt3A_1153 = vector.broadcast %lt3A_1152 : i32 to vector<16xi32>
        %lt3A_1154 = arith.cmpi slt, %xor3A_32, %lt3A_1153 : vector<16xi32>
        %add3A_1155 = arith.constant 16 : i32
        %add3A_1156 = vector.broadcast %add3A_1155 : i32 to vector<16xi32>
        %add3A_1157 = arith.addi %xor3A_32, %add3A_1156 : vector<16xi32>
        %select_n3A_1158 = arith.select %lt3A_1154, %add3A_1157, %xor3A_32 : vector<16xi1>, vector<16xi32>
        %broadcast_in_dim3A_1159 = vector.shape_cast %select_n3A_1158 : vector<16xi32> to vector<16x1xi32>
        %gather3A_1160 = vector.shape_cast %broadcast_in_dim3A_1159 : vector<16x1xi32> to vector<16xi32>
        %gather3A_1161 = tpu.dynamic_gather %select_n3A_1151[%gather3A_1160] in [0] : vector<16xf32>, vector<16xi32> -> vector<16xf32>
        %add3A_1162 = arith.addf %select_n3A_1151, %gather3A_1161 : vector<16xf32>
        tpu.vector_store_idx %arg13[%scan3A_212], %add3A_1162 masked %eq3A_54 : memref<10000xf32, #tpu.memory_space<vmem>>[vector<16xi32>], vector<16xf32>, vector<16xi1>
        %add3A_1163 = arith.addi %scan3A_212, %broadcast_in_dim3A_82 : vector<16xi32>
        scf.yield %add3A_1163 : vector<16xi32>
      }
      %scan3A_175 = arith.constant 16 : i32
      %add3A_176 = arith.constant 2 : i32
      %add3A_177 = arith.addi %add3A_153, %add3A_176 : i32
      %lt3A = arith.constant 78 : i32
      %lt3A_178 = arith.cmpi slt, %add3A_177, %lt3A : i32
      %convert_element_type3A = arith.extui %lt3A_178 : i1 to i32
      %cond3A = arith.constant 0 : i32
      %cond3A_179 = arith.cmpi ne, %convert_element_type3A, %cond3A : i32
      scf.if %cond3A_179 {
        %add3A_211 = arith.constant 2 : i32
        %add3A_212 = arith.addi %add3A_153, %add3A_211 : i32
        %mul3A_213 = arith.constant 128 : i32
        %mul3A_214 = arith.muli %add3A_212, %mul3A_213 : i32
        %mul3A_215 = arith.constant 128 : i32
        %mul3A_216 = arith.muli %add3A_212, %mul3A_215 : i32
        %dma_start3A_217 = tpu.memref_slice %arg7[%mul3A_214] : memref<10000xi32, #tpu.memory_space<vmem>> -> memref<128xi32, #tpu.memory_space<vmem>>
        %dma_start3A_218 = arith.constant 0 : i32
        %dma_start3A_219 = arith.constant 0 : i32
        %dma_start3A_220 = tpu.memref_slice %arg2[%dma_start3A_218, %dma_start3A_219] : memref<10000x64xi32, #tpu.memory_space<hbm>> -> memref<10000x64xi32, #tpu.memory_space<hbm>>
        tpu.enqueue_indirect_dma source(%dma_start3A_220 : memref<10000x64xi32, #tpu.memory_space<hbm>>) target(%arg9 : memref<128x64xi32, #tpu.memory_space<vmem>>) offsets(%dma_start3A_217 : memref<128xi32, #tpu.memory_space<vmem>>) semaphore(%arg15 : memref<!tpu.dma_semaphore, #tpu.memory_space<semaphore_mem>>)
        %dma_start3A_221 = tpu.memref_slice %arg8[%mul3A_216] : memref<10000xi32, #tpu.memory_space<vmem>> -> memref<128xi32, #tpu.memory_space<vmem>>
        %dma_start3A_222 = arith.constant 0 : i32
        %dma_start3A_223 = arith.constant 0 : i32
        %dma_start3A_224 = tpu.memref_slice %arg3[%dma_start3A_222, %dma_start3A_223] : memref<10000x64xi32, #tpu.memory_space<hbm>> -> memref<10000x64xi32, #tpu.memory_space<hbm>>
        tpu.enqueue_indirect_dma source(%dma_start3A_224 : memref<10000x64xi32, #tpu.memory_space<hbm>>) target(%arg11 : memref<128x64xi32, #tpu.memory_space<vmem>>) offsets(%dma_start3A_221 : memref<128xi32, #tpu.memory_space<vmem>>) semaphore(%arg17 : memref<!tpu.dma_semaphore, #tpu.memory_space<semaphore_mem>>)
      } else {
      }
      %add3A_180 = arith.constant 1 : i32
      %add3A_181 = arith.addi %mul3A_151, %add3A_180 : i32
      %mul3A_182 = arith.constant 128 : i32
      %mul3A_183 = arith.muli %add3A_181, %mul3A_182 : i32
      %mul3A_184 = arith.constant 128 : i32
      %mul3A_185 = arith.muli %add3A_181, %mul3A_184 : i32
      %dma_wait3A_186 = tpu.memref_slice %arg7[%mul3A_183] : memref<10000xi32, #tpu.memory_space<vmem>> -> memref<128xi32, #tpu.memory_space<vmem>>
      %dma_wait3A_187 = arith.constant 0 : i32
      %dma_wait3A_188 = arith.constant 0 : i32
      %dma_wait3A_189 = tpu.memref_slice %arg2[%dma_wait3A_187, %dma_wait3A_188] : memref<10000x64xi32, #tpu.memory_space<hbm>> -> memref<10000x64xi32, #tpu.memory_space<hbm>>
      tpu.wait_indirect_dma semaphore(%arg16 : memref<!tpu.dma_semaphore, #tpu.memory_space<semaphore_mem>>) src(%dma_wait3A_189 : memref<10000x64xi32, #tpu.memory_space<hbm>>) dst(%arg10 : memref<128x64xi32, #tpu.memory_space<vmem>>)
      %dma_wait3A_190 = tpu.memref_slice %arg8[%mul3A_185] : memref<10000xi32, #tpu.memory_space<vmem>> -> memref<128xi32, #tpu.memory_space<vmem>>
      %dma_wait3A_191 = arith.constant 0 : i32
      %dma_wait3A_192 = arith.constant 0 : i32
      %dma_wait3A_193 = tpu.memref_slice %arg3[%dma_wait3A_191, %dma_wait3A_192] : memref<10000x64xi32, #tpu.memory_space<hbm>> -> memref<10000x64xi32, #tpu.memory_space<hbm>>
      tpu.wait_indirect_dma semaphore(%arg18 : memref<!tpu.dma_semaphore, #tpu.memory_space<semaphore_mem>>) src(%dma_wait3A_193 : memref<10000x64xi32, #tpu.memory_space<hbm>>) dst(%arg12 : memref<128x64xi32, #tpu.memory_space<vmem>>)
      %mul3A_194 = arith.constant 128 : i32
      %mul3A_195 = arith.muli %add3A_181, %mul3A_194 : i32
      %add3A_196 = vector.broadcast %mul3A_195 : i32 to vector<16xi32>
      %add3A_197 = arith.addi %or3A_77, %add3A_196 : vector<16xi32>
      %scan3A_198 = arith.constant 0 : i32
      %scan3A_199 = arith.constant 16 : i32
      %scan3A_200 = arith.addi %scan3A_198, %scan3A_199 : i32
      %scan3A_201 = arith.constant 1 : i32
      %scan3A_202 = scf.for %scan3A_211 = %scan3A_198 to %scan3A_200 step %scan3A_201 iter_args(%scan3A_212 = %add3A_197) -> (vector<16xi32>)  : i32 {
        %mul3A_213 = arith.constant 8 : i32
        %mul3A_214 = arith.muli %scan3A_211, %mul3A_213 : i32
        %add3A_215 = arith.constant 0 : i32
        %add3A_216 = arith.addi %mul3A_214, %add3A_215 : i32
        %get3A_217 = arith.index_cast %add3A_216 : i32 to index
        %get3A_218 = arith.constant 0 : index
        %get3A_219 = tpu.vector_load %arg10[%get3A_217, %get3A_218] {strides = array<i32>} : memref<128x64xi32, #tpu.memory_space<vmem>>, vector<16xi32>,
        %get3A_220 = arith.index_cast %add3A_216 : i32 to index
        %get3A_221 = arith.constant 0 : index
        %get3A_222 = tpu.vector_load %arg12[%get3A_220, %get3A_221] {strides = array<i32>} : memref<128x64xi32, #tpu.memory_space<vmem>>, vector<16xi32>,
        %bitcast3A = vector.bitcast %get3A_219 : vector<16xi32> to vector<32xbf16>
        %bitcast3A_223 = vector.bitcast %get3A_222 : vector<16xi32> to vector<32xbf16>
        %add3A_224 = arith.addf %bitcast3A, %bitcast3A_223 : vector<32xbf16>
        %max3A = arith.maximumf %add3A_224, %broadcast_in_dim3A_80 : vector<32xbf16>
        %bitcast3A_225 = vector.bitcast %max3A : vector<32xbf16> to vector<16xi32>
        %shift_left3A_226 = arith.constant 16 : i32
        %shift_left3A_227 = vector.broadcast %shift_left3A_226 : i32 to vector<16xi32>
        %shift_left3A_228 = arith.shli %bitcast3A_225, %shift_left3A_227 : vector<16xi32>
        %bitcast3A_229 = vector.bitcast %shift_left3A_228 : vector<16xi32> to vector<16xf32>
        %and3A_230 = arith.andi %bitcast3A_225, %broadcast_in_dim3A_84 : vector<16xi32>
        %bitcast3A_231 = vector.bitcast %and3A_230 : vector<16xi32> to vector<16xf32>
        %mul3A_232 = arith.mulf %bitcast3A_229, %get3A_5 : vector<16xf32>
        %add3A_233 = arith.addf %get3A_21, %mul3A_232 : vector<16xf32>
        %mul3A_234 = arith.mulf %bitcast3A_231, %get3A_13 : vector<16xf32>
        %add3A_235 = arith.addf %broadcast_in_dim3A_78, %mul3A_234 : vector<16xf32>
        %get3A_236 = arith.index_cast %add3A_216 : i32 to index
        %get3A_237 = arith.constant 16 : index
        %get3A_238 = tpu.vector_load %arg10[%get3A_236, %get3A_237] {strides = array<i32>} : memref<128x64xi32, #tpu.memory_space<vmem>>, vector<16xi32>,
        %get3A_239 = arith.index_cast %add3A_216 : i32 to index
        %get3A_240 = arith.constant 16 : index
        %get3A_241 = tpu.vector_load %arg12[%get3A_239, %get3A_240] {strides = array<i32>} : memref<128x64xi32, #tpu.memory_space<vmem>>, vector<16xi32>,
        %bitcast3A_242 = vector.bitcast %get3A_238 : vector<16xi32> to vector<32xbf16>
        %bitcast3A_243 = vector.bitcast %get3A_241 : vector<16xi32> to vector<32xbf16>
        %add3A_244 = arith.addf %bitcast3A_242, %bitcast3A_243 : vector<32xbf16>
        %max3A_245 = arith.maximumf %add3A_244, %broadcast_in_dim3A_80 : vector<32xbf16>
        %bitcast3A_246 = vector.bitcast %max3A_245 : vector<32xbf16> to vector<16xi32>
        %shift_left3A_247 = arith.constant 16 : i32
        %shift_left3A_248 = vector.broadcast %shift_left3A_247 : i32 to vector<16xi32>
        %shift_left3A_249 = arith.shli %bitcast3A_246, %shift_left3A_248 : vector<16xi32>
        %bitcast3A_250 = vector.bitcast %shift_left3A_249 : vector<16xi32> to vector<16xf32>
        %and3A_251 = arith.andi %bitcast3A_246, %broadcast_in_dim3A_84 : vector<16xi32>
        %bitcast3A_252 = vector.bitcast %and3A_251 : vector<16xi32> to vector<16xf32>
        %mul3A_253 = arith.mulf %bitcast3A_250, %get3A_7 : vector<16xf32>
        %add3A_254 = arith.addf %add3A_233, %mul3A_253 : vector<16xf32>
        %mul3A_255 = arith.mulf %bitcast3A_252, %get3A_15 : vector<16xf32>
        %add3A_256 = arith.addf %add3A_235, %mul3A_255 : vector<16xf32>
        %get3A_257 = arith.index_cast %add3A_216 : i32 to index
        %get3A_258 = arith.constant 32 : index
        %get3A_259 = tpu.vector_load %arg10[%get3A_257, %get3A_258] {strides = array<i32>} : memref<128x64xi32, #tpu.memory_space<vmem>>, vector<16xi32>,
        %get3A_260 = arith.index_cast %add3A_216 : i32 to index
        %get3A_261 = arith.constant 32 : index
        %get3A_262 = tpu.vector_load %arg12[%get3A_260, %get3A_261] {strides = array<i32>} : memref<128x64xi32, #tpu.memory_space<vmem>>, vector<16xi32>,
        %bitcast3A_263 = vector.bitcast %get3A_259 : vector<16xi32> to vector<32xbf16>
        %bitcast3A_264 = vector.bitcast %get3A_262 : vector<16xi32> to vector<32xbf16>
        %add3A_265 = arith.addf %bitcast3A_263, %bitcast3A_264 : vector<32xbf16>
        %max3A_266 = arith.maximumf %add3A_265, %broadcast_in_dim3A_80 : vector<32xbf16>
        %bitcast3A_267 = vector.bitcast %max3A_266 : vector<32xbf16> to vector<16xi32>
        %shift_left3A_268 = arith.constant 16 : i32
        %shift_left3A_269 = vector.broadcast %shift_left3A_268 : i32 to vector<16xi32>
        %shift_left3A_270 = arith.shli %bitcast3A_267, %shift_left3A_269 : vector<16xi32>
        %bitcast3A_271 = vector.bitcast %shift_left3A_270 : vector<16xi32> to vector<16xf32>
        %and3A_272 = arith.andi %bitcast3A_267, %broadcast_in_dim3A_84 : vector<16xi32>
        %bitcast3A_273 = vector.bitcast %and3A_272 : vector<16xi32> to vector<16xf32>
        %mul3A_274 = arith.mulf %bitcast3A_271, %get3A_9 : vector<16xf32>
        %add3A_275 = arith.addf %add3A_254, %mul3A_274 : vector<16xf32>
        %mul3A_276 = arith.mulf %bitcast3A_273, %get3A_17 : vector<16xf32>
        %add3A_277 = arith.addf %add3A_256, %mul3A_276 : vector<16xf32>
        %get3A_278 = arith.index_cast %add3A_216 : i32 to index
        %get3A_279 = arith.constant 48 : index
        %get3A_280 = tpu.vector_load %arg10[%get3A_278, %get3A_279] {strides = array<i32>} : memref<128x64xi32, #tpu.memory_space<vmem>>, vector<16xi32>,
        %get3A_281 = arith.index_cast %add3A_216 : i32 to index
        %get3A_282 = arith.constant 48 : index
        %get3A_283 = tpu.vector_load %arg12[%get3A_281, %get3A_282] {strides = array<i32>} : memref<128x64xi32, #tpu.memory_space<vmem>>, vector<16xi32>,
        %bitcast3A_284 = vector.bitcast %get3A_280 : vector<16xi32> to vector<32xbf16>
        %bitcast3A_285 = vector.bitcast %get3A_283 : vector<16xi32> to vector<32xbf16>
        %add3A_286 = arith.addf %bitcast3A_284, %bitcast3A_285 : vector<32xbf16>
        %max3A_287 = arith.maximumf %add3A_286, %broadcast_in_dim3A_80 : vector<32xbf16>
        %bitcast3A_288 = vector.bitcast %max3A_287 : vector<32xbf16> to vector<16xi32>
        %shift_left3A_289 = arith.constant 16 : i32
        %shift_left3A_290 = vector.broadcast %shift_left3A_289 : i32 to vector<16xi32>
        %shift_left3A_291 = arith.shli %bitcast3A_288, %shift_left3A_290 : vector<16xi32>
        %bitcast3A_292 = vector.bitcast %shift_left3A_291 : vector<16xi32> to vector<16xf32>
        %and3A_293 = arith.andi %bitcast3A_288, %broadcast_in_dim3A_84 : vector<16xi32>
        %bitcast3A_294 = vector.bitcast %and3A_293 : vector<16xi32> to vector<16xf32>
        %mul3A_295 = arith.mulf %bitcast3A_292, %get3A_11 : vector<16xf32>
        %add3A_296 = arith.addf %add3A_275, %mul3A_295 : vector<16xf32>
        %mul3A_297 = arith.mulf %bitcast3A_294, %get3A_19 : vector<16xf32>
        %add3A_298 = arith.addf %add3A_277, %mul3A_297 : vector<16xf32>
        %add3A_299 = arith.addf %add3A_296, %add3A_298 : vector<16xf32>
        %mul3A_300 = arith.constant 8 : i32
        %mul3A_301 = arith.muli %scan3A_211, %mul3A_300 : i32
        %add3A_302 = arith.constant 1 : i32
        %add3A_303 = arith.addi %mul3A_301, %add3A_302 : i32
        %get3A_304 = arith.index_cast %add3A_303 : i32 to index
        %get3A_305 = arith.constant 0 : index
        %get3A_306 = tpu.vector_load %arg10[%get3A_304, %get3A_305] {strides = array<i32>} : memref<128x64xi32, #tpu.memory_space<vmem>>, vector<16xi32>,
        %get3A_307 = arith.index_cast %add3A_303 : i32 to index
        %get3A_308 = arith.constant 0 : index
        %get3A_309 = tpu.vector_load %arg12[%get3A_307, %get3A_308] {strides = array<i32>} : memref<128x64xi32, #tpu.memory_space<vmem>>, vector<16xi32>,
        %bitcast3A_310 = vector.bitcast %get3A_306 : vector<16xi32> to vector<32xbf16>
        %bitcast3A_311 = vector.bitcast %get3A_309 : vector<16xi32> to vector<32xbf16>
        %add3A_312 = arith.addf %bitcast3A_310, %bitcast3A_311 : vector<32xbf16>
        %max3A_313 = arith.maximumf %add3A_312, %broadcast_in_dim3A_80 : vector<32xbf16>
        %bitcast3A_314 = vector.bitcast %max3A_313 : vector<32xbf16> to vector<16xi32>
        %shift_left3A_315 = arith.constant 16 : i32
        %shift_left3A_316 = vector.broadcast %shift_left3A_315 : i32 to vector<16xi32>
        %shift_left3A_317 = arith.shli %bitcast3A_314, %shift_left3A_316 : vector<16xi32>
        %bitcast3A_318 = vector.bitcast %shift_left3A_317 : vector<16xi32> to vector<16xf32>
        %and3A_319 = arith.andi %bitcast3A_314, %broadcast_in_dim3A_84 : vector<16xi32>
        %bitcast3A_320 = vector.bitcast %and3A_319 : vector<16xi32> to vector<16xf32>
        %mul3A_321 = arith.mulf %bitcast3A_318, %get3A_5 : vector<16xf32>
        %add3A_322 = arith.addf %get3A_21, %mul3A_321 : vector<16xf32>
        %mul3A_323 = arith.mulf %bitcast3A_320, %get3A_13 : vector<16xf32>
        %add3A_324 = arith.addf %broadcast_in_dim3A_78, %mul3A_323 : vector<16xf32>
        %get3A_325 = arith.index_cast %add3A_303 : i32 to index
        %get3A_326 = arith.constant 16 : index
        %get3A_327 = tpu.vector_load %arg10[%get3A_325, %get3A_326] {strides = array<i32>} : memref<128x64xi32, #tpu.memory_space<vmem>>, vector<16xi32>,
        %get3A_328 = arith.index_cast %add3A_303 : i32 to index
        %get3A_329 = arith.constant 16 : index
        %get3A_330 = tpu.vector_load %arg12[%get3A_328, %get3A_329] {strides = array<i32>} : memref<128x64xi32, #tpu.memory_space<vmem>>, vector<16xi32>,
        %bitcast3A_331 = vector.bitcast %get3A_327 : vector<16xi32> to vector<32xbf16>
        %bitcast3A_332 = vector.bitcast %get3A_330 : vector<16xi32> to vector<32xbf16>
        %add3A_333 = arith.addf %bitcast3A_331, %bitcast3A_332 : vector<32xbf16>
        %max3A_334 = arith.maximumf %add3A_333, %broadcast_in_dim3A_80 : vector<32xbf16>
        %bitcast3A_335 = vector.bitcast %max3A_334 : vector<32xbf16> to vector<16xi32>
        %shift_left3A_336 = arith.constant 16 : i32
        %shift_left3A_337 = vector.broadcast %shift_left3A_336 : i32 to vector<16xi32>
        %shift_left3A_338 = arith.shli %bitcast3A_335, %shift_left3A_337 : vector<16xi32>
        %bitcast3A_339 = vector.bitcast %shift_left3A_338 : vector<16xi32> to vector<16xf32>
        %and3A_340 = arith.andi %bitcast3A_335, %broadcast_in_dim3A_84 : vector<16xi32>
        %bitcast3A_341 = vector.bitcast %and3A_340 : vector<16xi32> to vector<16xf32>
        %mul3A_342 = arith.mulf %bitcast3A_339, %get3A_7 : vector<16xf32>
        %add3A_343 = arith.addf %add3A_322, %mul3A_342 : vector<16xf32>
        %mul3A_344 = arith.mulf %bitcast3A_341, %get3A_15 : vector<16xf32>
        %add3A_345 = arith.addf %add3A_324, %mul3A_344 : vector<16xf32>
        %get3A_346 = arith.index_cast %add3A_303 : i32 to index
        %get3A_347 = arith.constant 32 : index
        %get3A_348 = tpu.vector_load %arg10[%get3A_346, %get3A_347] {strides = array<i32>} : memref<128x64xi32, #tpu.memory_space<vmem>>, vector<16xi32>,
        %get3A_349 = arith.index_cast %add3A_303 : i32 to index
        %get3A_350 = arith.constant 32 : index
        %get3A_351 = tpu.vector_load %arg12[%get3A_349, %get3A_350] {strides = array<i32>} : memref<128x64xi32, #tpu.memory_space<vmem>>, vector<16xi32>,
        %bitcast3A_352 = vector.bitcast %get3A_348 : vector<16xi32> to vector<32xbf16>
        %bitcast3A_353 = vector.bitcast %get3A_351 : vector<16xi32> to vector<32xbf16>
        %add3A_354 = arith.addf %bitcast3A_352, %bitcast3A_353 : vector<32xbf16>
        %max3A_355 = arith.maximumf %add3A_354, %broadcast_in_dim3A_80 : vector<32xbf16>
        %bitcast3A_356 = vector.bitcast %max3A_355 : vector<32xbf16> to vector<16xi32>
        %shift_left3A_357 = arith.constant 16 : i32
        %shift_left3A_358 = vector.broadcast %shift_left3A_357 : i32 to vector<16xi32>
        %shift_left3A_359 = arith.shli %bitcast3A_356, %shift_left3A_358 : vector<16xi32>
        %bitcast3A_360 = vector.bitcast %shift_left3A_359 : vector<16xi32> to vector<16xf32>
        %and3A_361 = arith.andi %bitcast3A_356, %broadcast_in_dim3A_84 : vector<16xi32>
        %bitcast3A_362 = vector.bitcast %and3A_361 : vector<16xi32> to vector<16xf32>
        %mul3A_363 = arith.mulf %bitcast3A_360, %get3A_9 : vector<16xf32>
        %add3A_364 = arith.addf %add3A_343, %mul3A_363 : vector<16xf32>
        %mul3A_365 = arith.mulf %bitcast3A_362, %get3A_17 : vector<16xf32>
        %add3A_366 = arith.addf %add3A_345, %mul3A_365 : vector<16xf32>
        %get3A_367 = arith.index_cast %add3A_303 : i32 to index
        %get3A_368 = arith.constant 48 : index
        %get3A_369 = tpu.vector_load %arg10[%get3A_367, %get3A_368] {strides = array<i32>} : memref<128x64xi32, #tpu.memory_space<vmem>>, vector<16xi32>,
        %get3A_370 = arith.index_cast %add3A_303 : i32 to index
        %get3A_371 = arith.constant 48 : index
        %get3A_372 = tpu.vector_load %arg12[%get3A_370, %get3A_371] {strides = array<i32>} : memref<128x64xi32, #tpu.memory_space<vmem>>, vector<16xi32>,
        %bitcast3A_373 = vector.bitcast %get3A_369 : vector<16xi32> to vector<32xbf16>
        %bitcast3A_374 = vector.bitcast %get3A_372 : vector<16xi32> to vector<32xbf16>
        %add3A_375 = arith.addf %bitcast3A_373, %bitcast3A_374 : vector<32xbf16>
        %max3A_376 = arith.maximumf %add3A_375, %broadcast_in_dim3A_80 : vector<32xbf16>
        %bitcast3A_377 = vector.bitcast %max3A_376 : vector<32xbf16> to vector<16xi32>
        %shift_left3A_378 = arith.constant 16 : i32
        %shift_left3A_379 = vector.broadcast %shift_left3A_378 : i32 to vector<16xi32>
        %shift_left3A_380 = arith.shli %bitcast3A_377, %shift_left3A_379 : vector<16xi32>
        %bitcast3A_381 = vector.bitcast %shift_left3A_380 : vector<16xi32> to vector<16xf32>
        %and3A_382 = arith.andi %bitcast3A_377, %broadcast_in_dim3A_84 : vector<16xi32>
        %bitcast3A_383 = vector.bitcast %and3A_382 : vector<16xi32> to vector<16xf32>
        %mul3A_384 = arith.mulf %bitcast3A_381, %get3A_11 : vector<16xf32>
        %add3A_385 = arith.addf %add3A_364, %mul3A_384 : vector<16xf32>
        %mul3A_386 = arith.mulf %bitcast3A_383, %get3A_19 : vector<16xf32>
        %add3A_387 = arith.addf %add3A_366, %mul3A_386 : vector<16xf32>
        %add3A_388 = arith.addf %add3A_385, %add3A_387 : vector<16xf32>
        %mul3A_389 = arith.constant 8 : i32
        %mul3A_390 = arith.muli %scan3A_211, %mul3A_389 : i32
        %add3A_391 = arith.constant 2 : i32
        %add3A_392 = arith.addi %mul3A_390, %add3A_391 : i32
        %get3A_393 = arith.index_cast %add3A_392 : i32 to index
        %get3A_394 = arith.constant 0 : index
        %get3A_395 = tpu.vector_load %arg10[%get3A_393, %get3A_394] {strides = array<i32>} : memref<128x64xi32, #tpu.memory_space<vmem>>, vector<16xi32>,
        %get3A_396 = arith.index_cast %add3A_392 : i32 to index
        %get3A_397 = arith.constant 0 : index
        %get3A_398 = tpu.vector_load %arg12[%get3A_396, %get3A_397] {strides = array<i32>} : memref<128x64xi32, #tpu.memory_space<vmem>>, vector<16xi32>,
        %bitcast3A_399 = vector.bitcast %get3A_395 : vector<16xi32> to vector<32xbf16>
        %bitcast3A_400 = vector.bitcast %get3A_398 : vector<16xi32> to vector<32xbf16>
        %add3A_401 = arith.addf %bitcast3A_399, %bitcast3A_400 : vector<32xbf16>
        %max3A_402 = arith.maximumf %add3A_401, %broadcast_in_dim3A_80 : vector<32xbf16>
        %bitcast3A_403 = vector.bitcast %max3A_402 : vector<32xbf16> to vector<16xi32>
        %shift_left3A_404 = arith.constant 16 : i32
        %shift_left3A_405 = vector.broadcast %shift_left3A_404 : i32 to vector<16xi32>
        %shift_left3A_406 = arith.shli %bitcast3A_403, %shift_left3A_405 : vector<16xi32>
        %bitcast3A_407 = vector.bitcast %shift_left3A_406 : vector<16xi32> to vector<16xf32>
        %and3A_408 = arith.andi %bitcast3A_403, %broadcast_in_dim3A_84 : vector<16xi32>
        %bitcast3A_409 = vector.bitcast %and3A_408 : vector<16xi32> to vector<16xf32>
        %mul3A_410 = arith.mulf %bitcast3A_407, %get3A_5 : vector<16xf32>
        %add3A_411 = arith.addf %get3A_21, %mul3A_410 : vector<16xf32>
        %mul3A_412 = arith.mulf %bitcast3A_409, %get3A_13 : vector<16xf32>
        %add3A_413 = arith.addf %broadcast_in_dim3A_78, %mul3A_412 : vector<16xf32>
        %get3A_414 = arith.index_cast %add3A_392 : i32 to index
        %get3A_415 = arith.constant 16 : index
        %get3A_416 = tpu.vector_load %arg10[%get3A_414, %get3A_415] {strides = array<i32>} : memref<128x64xi32, #tpu.memory_space<vmem>>, vector<16xi32>,
        %get3A_417 = arith.index_cast %add3A_392 : i32 to index
        %get3A_418 = arith.constant 16 : index
        %get3A_419 = tpu.vector_load %arg12[%get3A_417, %get3A_418] {strides = array<i32>} : memref<128x64xi32, #tpu.memory_space<vmem>>, vector<16xi32>,
        %bitcast3A_420 = vector.bitcast %get3A_416 : vector<16xi32> to vector<32xbf16>
        %bitcast3A_421 = vector.bitcast %get3A_419 : vector<16xi32> to vector<32xbf16>
        %add3A_422 = arith.addf %bitcast3A_420, %bitcast3A_421 : vector<32xbf16>
        %max3A_423 = arith.maximumf %add3A_422, %broadcast_in_dim3A_80 : vector<32xbf16>
        %bitcast3A_424 = vector.bitcast %max3A_423 : vector<32xbf16> to vector<16xi32>
        %shift_left3A_425 = arith.constant 16 : i32
        %shift_left3A_426 = vector.broadcast %shift_left3A_425 : i32 to vector<16xi32>
        %shift_left3A_427 = arith.shli %bitcast3A_424, %shift_left3A_426 : vector<16xi32>
        %bitcast3A_428 = vector.bitcast %shift_left3A_427 : vector<16xi32> to vector<16xf32>
        %and3A_429 = arith.andi %bitcast3A_424, %broadcast_in_dim3A_84 : vector<16xi32>
        %bitcast3A_430 = vector.bitcast %and3A_429 : vector<16xi32> to vector<16xf32>
        %mul3A_431 = arith.mulf %bitcast3A_428, %get3A_7 : vector<16xf32>
        %add3A_432 = arith.addf %add3A_411, %mul3A_431 : vector<16xf32>
        %mul3A_433 = arith.mulf %bitcast3A_430, %get3A_15 : vector<16xf32>
        %add3A_434 = arith.addf %add3A_413, %mul3A_433 : vector<16xf32>
        %get3A_435 = arith.index_cast %add3A_392 : i32 to index
        %get3A_436 = arith.constant 32 : index
        %get3A_437 = tpu.vector_load %arg10[%get3A_435, %get3A_436] {strides = array<i32>} : memref<128x64xi32, #tpu.memory_space<vmem>>, vector<16xi32>,
        %get3A_438 = arith.index_cast %add3A_392 : i32 to index
        %get3A_439 = arith.constant 32 : index
        %get3A_440 = tpu.vector_load %arg12[%get3A_438, %get3A_439] {strides = array<i32>} : memref<128x64xi32, #tpu.memory_space<vmem>>, vector<16xi32>,
        %bitcast3A_441 = vector.bitcast %get3A_437 : vector<16xi32> to vector<32xbf16>
        %bitcast3A_442 = vector.bitcast %get3A_440 : vector<16xi32> to vector<32xbf16>
        %add3A_443 = arith.addf %bitcast3A_441, %bitcast3A_442 : vector<32xbf16>
        %max3A_444 = arith.maximumf %add3A_443, %broadcast_in_dim3A_80 : vector<32xbf16>
        %bitcast3A_445 = vector.bitcast %max3A_444 : vector<32xbf16> to vector<16xi32>
        %shift_left3A_446 = arith.constant 16 : i32
        %shift_left3A_447 = vector.broadcast %shift_left3A_446 : i32 to vector<16xi32>
        %shift_left3A_448 = arith.shli %bitcast3A_445, %shift_left3A_447 : vector<16xi32>
        %bitcast3A_449 = vector.bitcast %shift_left3A_448 : vector<16xi32> to vector<16xf32>
        %and3A_450 = arith.andi %bitcast3A_445, %broadcast_in_dim3A_84 : vector<16xi32>
        %bitcast3A_451 = vector.bitcast %and3A_450 : vector<16xi32> to vector<16xf32>
        %mul3A_452 = arith.mulf %bitcast3A_449, %get3A_9 : vector<16xf32>
        %add3A_453 = arith.addf %add3A_432, %mul3A_452 : vector<16xf32>
        %mul3A_454 = arith.mulf %bitcast3A_451, %get3A_17 : vector<16xf32>
        %add3A_455 = arith.addf %add3A_434, %mul3A_454 : vector<16xf32>
        %get3A_456 = arith.index_cast %add3A_392 : i32 to index
        %get3A_457 = arith.constant 48 : index
        %get3A_458 = tpu.vector_load %arg10[%get3A_456, %get3A_457] {strides = array<i32>} : memref<128x64xi32, #tpu.memory_space<vmem>>, vector<16xi32>,
        %get3A_459 = arith.index_cast %add3A_392 : i32 to index
        %get3A_460 = arith.constant 48 : index
        %get3A_461 = tpu.vector_load %arg12[%get3A_459, %get3A_460] {strides = array<i32>} : memref<128x64xi32, #tpu.memory_space<vmem>>, vector<16xi32>,
        %bitcast3A_462 = vector.bitcast %get3A_458 : vector<16xi32> to vector<32xbf16>
        %bitcast3A_463 = vector.bitcast %get3A_461 : vector<16xi32> to vector<32xbf16>
        %add3A_464 = arith.addf %bitcast3A_462, %bitcast3A_463 : vector<32xbf16>
        %max3A_465 = arith.maximumf %add3A_464, %broadcast_in_dim3A_80 : vector<32xbf16>
        %bitcast3A_466 = vector.bitcast %max3A_465 : vector<32xbf16> to vector<16xi32>
        %shift_left3A_467 = arith.constant 16 : i32
        %shift_left3A_468 = vector.broadcast %shift_left3A_467 : i32 to vector<16xi32>
        %shift_left3A_469 = arith.shli %bitcast3A_466, %shift_left3A_468 : vector<16xi32>
        %bitcast3A_470 = vector.bitcast %shift_left3A_469 : vector<16xi32> to vector<16xf32>
        %and3A_471 = arith.andi %bitcast3A_466, %broadcast_in_dim3A_84 : vector<16xi32>
        %bitcast3A_472 = vector.bitcast %and3A_471 : vector<16xi32> to vector<16xf32>
        %mul3A_473 = arith.mulf %bitcast3A_470, %get3A_11 : vector<16xf32>
        %add3A_474 = arith.addf %add3A_453, %mul3A_473 : vector<16xf32>
        %mul3A_475 = arith.mulf %bitcast3A_472, %get3A_19 : vector<16xf32>
        %add3A_476 = arith.addf %add3A_455, %mul3A_475 : vector<16xf32>
        %add3A_477 = arith.addf %add3A_474, %add3A_476 : vector<16xf32>
        %mul3A_478 = arith.constant 8 : i32
        %mul3A_479 = arith.muli %scan3A_211, %mul3A_478 : i32
        %add3A_480 = arith.constant 3 : i32
        %add3A_481 = arith.addi %mul3A_479, %add3A_480 : i32
        %get3A_482 = arith.index_cast %add3A_481 : i32 to index
        %get3A_483 = arith.constant 0 : index
        %get3A_484 = tpu.vector_load %arg10[%get3A_482, %get3A_483] {strides = array<i32>} : memref<128x64xi32, #tpu.memory_space<vmem>>, vector<16xi32>,
        %get3A_485 = arith.index_cast %add3A_481 : i32 to index
        %get3A_486 = arith.constant 0 : index
        %get3A_487 = tpu.vector_load %arg12[%get3A_485, %get3A_486] {strides = array<i32>} : memref<128x64xi32, #tpu.memory_space<vmem>>, vector<16xi32>,
        %bitcast3A_488 = vector.bitcast %get3A_484 : vector<16xi32> to vector<32xbf16>
        %bitcast3A_489 = vector.bitcast %get3A_487 : vector<16xi32> to vector<32xbf16>
        %add3A_490 = arith.addf %bitcast3A_488, %bitcast3A_489 : vector<32xbf16>
        %max3A_491 = arith.maximumf %add3A_490, %broadcast_in_dim3A_80 : vector<32xbf16>
        %bitcast3A_492 = vector.bitcast %max3A_491 : vector<32xbf16> to vector<16xi32>
        %shift_left3A_493 = arith.constant 16 : i32
        %shift_left3A_494 = vector.broadcast %shift_left3A_493 : i32 to vector<16xi32>
        %shift_left3A_495 = arith.shli %bitcast3A_492, %shift_left3A_494 : vector<16xi32>
        %bitcast3A_496 = vector.bitcast %shift_left3A_495 : vector<16xi32> to vector<16xf32>
        %and3A_497 = arith.andi %bitcast3A_492, %broadcast_in_dim3A_84 : vector<16xi32>
        %bitcast3A_498 = vector.bitcast %and3A_497 : vector<16xi32> to vector<16xf32>
        %mul3A_499 = arith.mulf %bitcast3A_496, %get3A_5 : vector<16xf32>
        %add3A_500 = arith.addf %get3A_21, %mul3A_499 : vector<16xf32>
        %mul3A_501 = arith.mulf %bitcast3A_498, %get3A_13 : vector<16xf32>
        %add3A_502 = arith.addf %broadcast_in_dim3A_78, %mul3A_501 : vector<16xf32>
        %get3A_503 = arith.index_cast %add3A_481 : i32 to index
        %get3A_504 = arith.constant 16 : index
        %get3A_505 = tpu.vector_load %arg10[%get3A_503, %get3A_504] {strides = array<i32>} : memref<128x64xi32, #tpu.memory_space<vmem>>, vector<16xi32>,
        %get3A_506 = arith.index_cast %add3A_481 : i32 to index
        %get3A_507 = arith.constant 16 : index
        %get3A_508 = tpu.vector_load %arg12[%get3A_506, %get3A_507] {strides = array<i32>} : memref<128x64xi32, #tpu.memory_space<vmem>>, vector<16xi32>,
        %bitcast3A_509 = vector.bitcast %get3A_505 : vector<16xi32> to vector<32xbf16>
        %bitcast3A_510 = vector.bitcast %get3A_508 : vector<16xi32> to vector<32xbf16>
        %add3A_511 = arith.addf %bitcast3A_509, %bitcast3A_510 : vector<32xbf16>
        %max3A_512 = arith.maximumf %add3A_511, %broadcast_in_dim3A_80 : vector<32xbf16>
        %bitcast3A_513 = vector.bitcast %max3A_512 : vector<32xbf16> to vector<16xi32>
        %shift_left3A_514 = arith.constant 16 : i32
        %shift_left3A_515 = vector.broadcast %shift_left3A_514 : i32 to vector<16xi32>
        %shift_left3A_516 = arith.shli %bitcast3A_513, %shift_left3A_515 : vector<16xi32>
        %bitcast3A_517 = vector.bitcast %shift_left3A_516 : vector<16xi32> to vector<16xf32>
        %and3A_518 = arith.andi %bitcast3A_513, %broadcast_in_dim3A_84 : vector<16xi32>
        %bitcast3A_519 = vector.bitcast %and3A_518 : vector<16xi32> to vector<16xf32>
        %mul3A_520 = arith.mulf %bitcast3A_517, %get3A_7 : vector<16xf32>
        %add3A_521 = arith.addf %add3A_500, %mul3A_520 : vector<16xf32>
        %mul3A_522 = arith.mulf %bitcast3A_519, %get3A_15 : vector<16xf32>
        %add3A_523 = arith.addf %add3A_502, %mul3A_522 : vector<16xf32>
        %get3A_524 = arith.index_cast %add3A_481 : i32 to index
        %get3A_525 = arith.constant 32 : index
        %get3A_526 = tpu.vector_load %arg10[%get3A_524, %get3A_525] {strides = array<i32>} : memref<128x64xi32, #tpu.memory_space<vmem>>, vector<16xi32>,
        %get3A_527 = arith.index_cast %add3A_481 : i32 to index
        %get3A_528 = arith.constant 32 : index
        %get3A_529 = tpu.vector_load %arg12[%get3A_527, %get3A_528] {strides = array<i32>} : memref<128x64xi32, #tpu.memory_space<vmem>>, vector<16xi32>,
        %bitcast3A_530 = vector.bitcast %get3A_526 : vector<16xi32> to vector<32xbf16>
        %bitcast3A_531 = vector.bitcast %get3A_529 : vector<16xi32> to vector<32xbf16>
        %add3A_532 = arith.addf %bitcast3A_530, %bitcast3A_531 : vector<32xbf16>
        %max3A_533 = arith.maximumf %add3A_532, %broadcast_in_dim3A_80 : vector<32xbf16>
        %bitcast3A_534 = vector.bitcast %max3A_533 : vector<32xbf16> to vector<16xi32>
        %shift_left3A_535 = arith.constant 16 : i32
        %shift_left3A_536 = vector.broadcast %shift_left3A_535 : i32 to vector<16xi32>
        %shift_left3A_537 = arith.shli %bitcast3A_534, %shift_left3A_536 : vector<16xi32>
        %bitcast3A_538 = vector.bitcast %shift_left3A_537 : vector<16xi32> to vector<16xf32>
        %and3A_539 = arith.andi %bitcast3A_534, %broadcast_in_dim3A_84 : vector<16xi32>
        %bitcast3A_540 = vector.bitcast %and3A_539 : vector<16xi32> to vector<16xf32>
        %mul3A_541 = arith.mulf %bitcast3A_538, %get3A_9 : vector<16xf32>
        %add3A_542 = arith.addf %add3A_521, %mul3A_541 : vector<16xf32>
        %mul3A_543 = arith.mulf %bitcast3A_540, %get3A_17 : vector<16xf32>
        %add3A_544 = arith.addf %add3A_523, %mul3A_543 : vector<16xf32>
        %get3A_545 = arith.index_cast %add3A_481 : i32 to index
        %get3A_546 = arith.constant 48 : index
        %get3A_547 = tpu.vector_load %arg10[%get3A_545, %get3A_546] {strides = array<i32>} : memref<128x64xi32, #tpu.memory_space<vmem>>, vector<16xi32>,
        %get3A_548 = arith.index_cast %add3A_481 : i32 to index
        %get3A_549 = arith.constant 48 : index
        %get3A_550 = tpu.vector_load %arg12[%get3A_548, %get3A_549] {strides = array<i32>} : memref<128x64xi32, #tpu.memory_space<vmem>>, vector<16xi32>,
        %bitcast3A_551 = vector.bitcast %get3A_547 : vector<16xi32> to vector<32xbf16>
        %bitcast3A_552 = vector.bitcast %get3A_550 : vector<16xi32> to vector<32xbf16>
        %add3A_553 = arith.addf %bitcast3A_551, %bitcast3A_552 : vector<32xbf16>
        %max3A_554 = arith.maximumf %add3A_553, %broadcast_in_dim3A_80 : vector<32xbf16>
        %bitcast3A_555 = vector.bitcast %max3A_554 : vector<32xbf16> to vector<16xi32>
        %shift_left3A_556 = arith.constant 16 : i32
        %shift_left3A_557 = vector.broadcast %shift_left3A_556 : i32 to vector<16xi32>
        %shift_left3A_558 = arith.shli %bitcast3A_555, %shift_left3A_557 : vector<16xi32>
        %bitcast3A_559 = vector.bitcast %shift_left3A_558 : vector<16xi32> to vector<16xf32>
        %and3A_560 = arith.andi %bitcast3A_555, %broadcast_in_dim3A_84 : vector<16xi32>
        %bitcast3A_561 = vector.bitcast %and3A_560 : vector<16xi32> to vector<16xf32>
        %mul3A_562 = arith.mulf %bitcast3A_559, %get3A_11 : vector<16xf32>
        %add3A_563 = arith.addf %add3A_542, %mul3A_562 : vector<16xf32>
        %mul3A_564 = arith.mulf %bitcast3A_561, %get3A_19 : vector<16xf32>
        %add3A_565 = arith.addf %add3A_544, %mul3A_564 : vector<16xf32>
        %add3A_566 = arith.addf %add3A_563, %add3A_565 : vector<16xf32>
        %mul3A_567 = arith.constant 8 : i32
        %mul3A_568 = arith.muli %scan3A_211, %mul3A_567 : i32
        %add3A_569 = arith.constant 4 : i32
        %add3A_570 = arith.addi %mul3A_568, %add3A_569 : i32
        %get3A_571 = arith.index_cast %add3A_570 : i32 to index
        %get3A_572 = arith.constant 0 : index
        %get3A_573 = tpu.vector_load %arg10[%get3A_571, %get3A_572] {strides = array<i32>} : memref<128x64xi32, #tpu.memory_space<vmem>>, vector<16xi32>,
        %get3A_574 = arith.index_cast %add3A_570 : i32 to index
        %get3A_575 = arith.constant 0 : index
        %get3A_576 = tpu.vector_load %arg12[%get3A_574, %get3A_575] {strides = array<i32>} : memref<128x64xi32, #tpu.memory_space<vmem>>, vector<16xi32>,
        %bitcast3A_577 = vector.bitcast %get3A_573 : vector<16xi32> to vector<32xbf16>
        %bitcast3A_578 = vector.bitcast %get3A_576 : vector<16xi32> to vector<32xbf16>
        %add3A_579 = arith.addf %bitcast3A_577, %bitcast3A_578 : vector<32xbf16>
        %max3A_580 = arith.maximumf %add3A_579, %broadcast_in_dim3A_80 : vector<32xbf16>
        %bitcast3A_581 = vector.bitcast %max3A_580 : vector<32xbf16> to vector<16xi32>
        %shift_left3A_582 = arith.constant 16 : i32
        %shift_left3A_583 = vector.broadcast %shift_left3A_582 : i32 to vector<16xi32>
        %shift_left3A_584 = arith.shli %bitcast3A_581, %shift_left3A_583 : vector<16xi32>
        %bitcast3A_585 = vector.bitcast %shift_left3A_584 : vector<16xi32> to vector<16xf32>
        %and3A_586 = arith.andi %bitcast3A_581, %broadcast_in_dim3A_84 : vector<16xi32>
        %bitcast3A_587 = vector.bitcast %and3A_586 : vector<16xi32> to vector<16xf32>
        %mul3A_588 = arith.mulf %bitcast3A_585, %get3A_5 : vector<16xf32>
        %add3A_589 = arith.addf %get3A_21, %mul3A_588 : vector<16xf32>
        %mul3A_590 = arith.mulf %bitcast3A_587, %get3A_13 : vector<16xf32>
        %add3A_591 = arith.addf %broadcast_in_dim3A_78, %mul3A_590 : vector<16xf32>
        %get3A_592 = arith.index_cast %add3A_570 : i32 to index
        %get3A_593 = arith.constant 16 : index
        %get3A_594 = tpu.vector_load %arg10[%get3A_592, %get3A_593] {strides = array<i32>} : memref<128x64xi32, #tpu.memory_space<vmem>>, vector<16xi32>,
        %get3A_595 = arith.index_cast %add3A_570 : i32 to index
        %get3A_596 = arith.constant 16 : index
        %get3A_597 = tpu.vector_load %arg12[%get3A_595, %get3A_596] {strides = array<i32>} : memref<128x64xi32, #tpu.memory_space<vmem>>, vector<16xi32>,
        %bitcast3A_598 = vector.bitcast %get3A_594 : vector<16xi32> to vector<32xbf16>
        %bitcast3A_599 = vector.bitcast %get3A_597 : vector<16xi32> to vector<32xbf16>
        %add3A_600 = arith.addf %bitcast3A_598, %bitcast3A_599 : vector<32xbf16>
        %max3A_601 = arith.maximumf %add3A_600, %broadcast_in_dim3A_80 : vector<32xbf16>
        %bitcast3A_602 = vector.bitcast %max3A_601 : vector<32xbf16> to vector<16xi32>
        %shift_left3A_603 = arith.constant 16 : i32
        %shift_left3A_604 = vector.broadcast %shift_left3A_603 : i32 to vector<16xi32>
        %shift_left3A_605 = arith.shli %bitcast3A_602, %shift_left3A_604 : vector<16xi32>
        %bitcast3A_606 = vector.bitcast %shift_left3A_605 : vector<16xi32> to vector<16xf32>
        %and3A_607 = arith.andi %bitcast3A_602, %broadcast_in_dim3A_84 : vector<16xi32>
        %bitcast3A_608 = vector.bitcast %and3A_607 : vector<16xi32> to vector<16xf32>
        %mul3A_609 = arith.mulf %bitcast3A_606, %get3A_7 : vector<16xf32>
        %add3A_610 = arith.addf %add3A_589, %mul3A_609 : vector<16xf32>
        %mul3A_611 = arith.mulf %bitcast3A_608, %get3A_15 : vector<16xf32>
        %add3A_612 = arith.addf %add3A_591, %mul3A_611 : vector<16xf32>
        %get3A_613 = arith.index_cast %add3A_570 : i32 to index
        %get3A_614 = arith.constant 32 : index
        %get3A_615 = tpu.vector_load %arg10[%get3A_613, %get3A_614] {strides = array<i32>} : memref<128x64xi32, #tpu.memory_space<vmem>>, vector<16xi32>,
        %get3A_616 = arith.index_cast %add3A_570 : i32 to index
        %get3A_617 = arith.constant 32 : index
        %get3A_618 = tpu.vector_load %arg12[%get3A_616, %get3A_617] {strides = array<i32>} : memref<128x64xi32, #tpu.memory_space<vmem>>, vector<16xi32>,
        %bitcast3A_619 = vector.bitcast %get3A_615 : vector<16xi32> to vector<32xbf16>
        %bitcast3A_620 = vector.bitcast %get3A_618 : vector<16xi32> to vector<32xbf16>
        %add3A_621 = arith.addf %bitcast3A_619, %bitcast3A_620 : vector<32xbf16>
        %max3A_622 = arith.maximumf %add3A_621, %broadcast_in_dim3A_80 : vector<32xbf16>
        %bitcast3A_623 = vector.bitcast %max3A_622 : vector<32xbf16> to vector<16xi32>
        %shift_left3A_624 = arith.constant 16 : i32
        %shift_left3A_625 = vector.broadcast %shift_left3A_624 : i32 to vector<16xi32>
        %shift_left3A_626 = arith.shli %bitcast3A_623, %shift_left3A_625 : vector<16xi32>
        %bitcast3A_627 = vector.bitcast %shift_left3A_626 : vector<16xi32> to vector<16xf32>
        %and3A_628 = arith.andi %bitcast3A_623, %broadcast_in_dim3A_84 : vector<16xi32>
        %bitcast3A_629 = vector.bitcast %and3A_628 : vector<16xi32> to vector<16xf32>
        %mul3A_630 = arith.mulf %bitcast3A_627, %get3A_9 : vector<16xf32>
        %add3A_631 = arith.addf %add3A_610, %mul3A_630 : vector<16xf32>
        %mul3A_632 = arith.mulf %bitcast3A_629, %get3A_17 : vector<16xf32>
        %add3A_633 = arith.addf %add3A_612, %mul3A_632 : vector<16xf32>
        %get3A_634 = arith.index_cast %add3A_570 : i32 to index
        %get3A_635 = arith.constant 48 : index
        %get3A_636 = tpu.vector_load %arg10[%get3A_634, %get3A_635] {strides = array<i32>} : memref<128x64xi32, #tpu.memory_space<vmem>>, vector<16xi32>,
        %get3A_637 = arith.index_cast %add3A_570 : i32 to index
        %get3A_638 = arith.constant 48 : index
        %get3A_639 = tpu.vector_load %arg12[%get3A_637, %get3A_638] {strides = array<i32>} : memref<128x64xi32, #tpu.memory_space<vmem>>, vector<16xi32>,
        %bitcast3A_640 = vector.bitcast %get3A_636 : vector<16xi32> to vector<32xbf16>
        %bitcast3A_641 = vector.bitcast %get3A_639 : vector<16xi32> to vector<32xbf16>
        %add3A_642 = arith.addf %bitcast3A_640, %bitcast3A_641 : vector<32xbf16>
        %max3A_643 = arith.maximumf %add3A_642, %broadcast_in_dim3A_80 : vector<32xbf16>
        %bitcast3A_644 = vector.bitcast %max3A_643 : vector<32xbf16> to vector<16xi32>
        %shift_left3A_645 = arith.constant 16 : i32
        %shift_left3A_646 = vector.broadcast %shift_left3A_645 : i32 to vector<16xi32>
        %shift_left3A_647 = arith.shli %bitcast3A_644, %shift_left3A_646 : vector<16xi32>
        %bitcast3A_648 = vector.bitcast %shift_left3A_647 : vector<16xi32> to vector<16xf32>
        %and3A_649 = arith.andi %bitcast3A_644, %broadcast_in_dim3A_84 : vector<16xi32>
        %bitcast3A_650 = vector.bitcast %and3A_649 : vector<16xi32> to vector<16xf32>
        %mul3A_651 = arith.mulf %bitcast3A_648, %get3A_11 : vector<16xf32>
        %add3A_652 = arith.addf %add3A_631, %mul3A_651 : vector<16xf32>
        %mul3A_653 = arith.mulf %bitcast3A_650, %get3A_19 : vector<16xf32>
        %add3A_654 = arith.addf %add3A_633, %mul3A_653 : vector<16xf32>
        %add3A_655 = arith.addf %add3A_652, %add3A_654 : vector<16xf32>
        %mul3A_656 = arith.constant 8 : i32
        %mul3A_657 = arith.muli %scan3A_211, %mul3A_656 : i32
        %add3A_658 = arith.constant 5 : i32
        %add3A_659 = arith.addi %mul3A_657, %add3A_658 : i32
        %get3A_660 = arith.index_cast %add3A_659 : i32 to index
        %get3A_661 = arith.constant 0 : index
        %get3A_662 = tpu.vector_load %arg10[%get3A_660, %get3A_661] {strides = array<i32>} : memref<128x64xi32, #tpu.memory_space<vmem>>, vector<16xi32>,
        %get3A_663 = arith.index_cast %add3A_659 : i32 to index
        %get3A_664 = arith.constant 0 : index
        %get3A_665 = tpu.vector_load %arg12[%get3A_663, %get3A_664] {strides = array<i32>} : memref<128x64xi32, #tpu.memory_space<vmem>>, vector<16xi32>,
        %bitcast3A_666 = vector.bitcast %get3A_662 : vector<16xi32> to vector<32xbf16>
        %bitcast3A_667 = vector.bitcast %get3A_665 : vector<16xi32> to vector<32xbf16>
        %add3A_668 = arith.addf %bitcast3A_666, %bitcast3A_667 : vector<32xbf16>
        %max3A_669 = arith.maximumf %add3A_668, %broadcast_in_dim3A_80 : vector<32xbf16>
        %bitcast3A_670 = vector.bitcast %max3A_669 : vector<32xbf16> to vector<16xi32>
        %shift_left3A_671 = arith.constant 16 : i32
        %shift_left3A_672 = vector.broadcast %shift_left3A_671 : i32 to vector<16xi32>
        %shift_left3A_673 = arith.shli %bitcast3A_670, %shift_left3A_672 : vector<16xi32>
        %bitcast3A_674 = vector.bitcast %shift_left3A_673 : vector<16xi32> to vector<16xf32>
        %and3A_675 = arith.andi %bitcast3A_670, %broadcast_in_dim3A_84 : vector<16xi32>
        %bitcast3A_676 = vector.bitcast %and3A_675 : vector<16xi32> to vector<16xf32>
        %mul3A_677 = arith.mulf %bitcast3A_674, %get3A_5 : vector<16xf32>
        %add3A_678 = arith.addf %get3A_21, %mul3A_677 : vector<16xf32>
        %mul3A_679 = arith.mulf %bitcast3A_676, %get3A_13 : vector<16xf32>
        %add3A_680 = arith.addf %broadcast_in_dim3A_78, %mul3A_679 : vector<16xf32>
        %get3A_681 = arith.index_cast %add3A_659 : i32 to index
        %get3A_682 = arith.constant 16 : index
        %get3A_683 = tpu.vector_load %arg10[%get3A_681, %get3A_682] {strides = array<i32>} : memref<128x64xi32, #tpu.memory_space<vmem>>, vector<16xi32>,
        %get3A_684 = arith.index_cast %add3A_659 : i32 to index
        %get3A_685 = arith.constant 16 : index
        %get3A_686 = tpu.vector_load %arg12[%get3A_684, %get3A_685] {strides = array<i32>} : memref<128x64xi32, #tpu.memory_space<vmem>>, vector<16xi32>,
        %bitcast3A_687 = vector.bitcast %get3A_683 : vector<16xi32> to vector<32xbf16>
        %bitcast3A_688 = vector.bitcast %get3A_686 : vector<16xi32> to vector<32xbf16>
        %add3A_689 = arith.addf %bitcast3A_687, %bitcast3A_688 : vector<32xbf16>
        %max3A_690 = arith.maximumf %add3A_689, %broadcast_in_dim3A_80 : vector<32xbf16>
        %bitcast3A_691 = vector.bitcast %max3A_690 : vector<32xbf16> to vector<16xi32>
        %shift_left3A_692 = arith.constant 16 : i32
        %shift_left3A_693 = vector.broadcast %shift_left3A_692 : i32 to vector<16xi32>
        %shift_left3A_694 = arith.shli %bitcast3A_691, %shift_left3A_693 : vector<16xi32>
        %bitcast3A_695 = vector.bitcast %shift_left3A_694 : vector<16xi32> to vector<16xf32>
        %and3A_696 = arith.andi %bitcast3A_691, %broadcast_in_dim3A_84 : vector<16xi32>
        %bitcast3A_697 = vector.bitcast %and3A_696 : vector<16xi32> to vector<16xf32>
        %mul3A_698 = arith.mulf %bitcast3A_695, %get3A_7 : vector<16xf32>
        %add3A_699 = arith.addf %add3A_678, %mul3A_698 : vector<16xf32>
        %mul3A_700 = arith.mulf %bitcast3A_697, %get3A_15 : vector<16xf32>
        %add3A_701 = arith.addf %add3A_680, %mul3A_700 : vector<16xf32>
        %get3A_702 = arith.index_cast %add3A_659 : i32 to index
        %get3A_703 = arith.constant 32 : index
        %get3A_704 = tpu.vector_load %arg10[%get3A_702, %get3A_703] {strides = array<i32>} : memref<128x64xi32, #tpu.memory_space<vmem>>, vector<16xi32>,
        %get3A_705 = arith.index_cast %add3A_659 : i32 to index
        %get3A_706 = arith.constant 32 : index
        %get3A_707 = tpu.vector_load %arg12[%get3A_705, %get3A_706] {strides = array<i32>} : memref<128x64xi32, #tpu.memory_space<vmem>>, vector<16xi32>,
        %bitcast3A_708 = vector.bitcast %get3A_704 : vector<16xi32> to vector<32xbf16>
        %bitcast3A_709 = vector.bitcast %get3A_707 : vector<16xi32> to vector<32xbf16>
        %add3A_710 = arith.addf %bitcast3A_708, %bitcast3A_709 : vector<32xbf16>
        %max3A_711 = arith.maximumf %add3A_710, %broadcast_in_dim3A_80 : vector<32xbf16>
        %bitcast3A_712 = vector.bitcast %max3A_711 : vector<32xbf16> to vector<16xi32>
        %shift_left3A_713 = arith.constant 16 : i32
        %shift_left3A_714 = vector.broadcast %shift_left3A_713 : i32 to vector<16xi32>
        %shift_left3A_715 = arith.shli %bitcast3A_712, %shift_left3A_714 : vector<16xi32>
        %bitcast3A_716 = vector.bitcast %shift_left3A_715 : vector<16xi32> to vector<16xf32>
        %and3A_717 = arith.andi %bitcast3A_712, %broadcast_in_dim3A_84 : vector<16xi32>
        %bitcast3A_718 = vector.bitcast %and3A_717 : vector<16xi32> to vector<16xf32>
        %mul3A_719 = arith.mulf %bitcast3A_716, %get3A_9 : vector<16xf32>
        %add3A_720 = arith.addf %add3A_699, %mul3A_719 : vector<16xf32>
        %mul3A_721 = arith.mulf %bitcast3A_718, %get3A_17 : vector<16xf32>
        %add3A_722 = arith.addf %add3A_701, %mul3A_721 : vector<16xf32>
        %get3A_723 = arith.index_cast %add3A_659 : i32 to index
        %get3A_724 = arith.constant 48 : index
        %get3A_725 = tpu.vector_load %arg10[%get3A_723, %get3A_724] {strides = array<i32>} : memref<128x64xi32, #tpu.memory_space<vmem>>, vector<16xi32>,
        %get3A_726 = arith.index_cast %add3A_659 : i32 to index
        %get3A_727 = arith.constant 48 : index
        %get3A_728 = tpu.vector_load %arg12[%get3A_726, %get3A_727] {strides = array<i32>} : memref<128x64xi32, #tpu.memory_space<vmem>>, vector<16xi32>,
        %bitcast3A_729 = vector.bitcast %get3A_725 : vector<16xi32> to vector<32xbf16>
        %bitcast3A_730 = vector.bitcast %get3A_728 : vector<16xi32> to vector<32xbf16>
        %add3A_731 = arith.addf %bitcast3A_729, %bitcast3A_730 : vector<32xbf16>
        %max3A_732 = arith.maximumf %add3A_731, %broadcast_in_dim3A_80 : vector<32xbf16>
        %bitcast3A_733 = vector.bitcast %max3A_732 : vector<32xbf16> to vector<16xi32>
        %shift_left3A_734 = arith.constant 16 : i32
        %shift_left3A_735 = vector.broadcast %shift_left3A_734 : i32 to vector<16xi32>
        %shift_left3A_736 = arith.shli %bitcast3A_733, %shift_left3A_735 : vector<16xi32>
        %bitcast3A_737 = vector.bitcast %shift_left3A_736 : vector<16xi32> to vector<16xf32>
        %and3A_738 = arith.andi %bitcast3A_733, %broadcast_in_dim3A_84 : vector<16xi32>
        %bitcast3A_739 = vector.bitcast %and3A_738 : vector<16xi32> to vector<16xf32>
        %mul3A_740 = arith.mulf %bitcast3A_737, %get3A_11 : vector<16xf32>
        %add3A_741 = arith.addf %add3A_720, %mul3A_740 : vector<16xf32>
        %mul3A_742 = arith.mulf %bitcast3A_739, %get3A_19 : vector<16xf32>
        %add3A_743 = arith.addf %add3A_722, %mul3A_742 : vector<16xf32>
        %add3A_744 = arith.addf %add3A_741, %add3A_743 : vector<16xf32>
        %mul3A_745 = arith.constant 8 : i32
        %mul3A_746 = arith.muli %scan3A_211, %mul3A_745 : i32
        %add3A_747 = arith.constant 6 : i32
        %add3A_748 = arith.addi %mul3A_746, %add3A_747 : i32
        %get3A_749 = arith.index_cast %add3A_748 : i32 to index
        %get3A_750 = arith.constant 0 : index
        %get3A_751 = tpu.vector_load %arg10[%get3A_749, %get3A_750] {strides = array<i32>} : memref<128x64xi32, #tpu.memory_space<vmem>>, vector<16xi32>,
        %get3A_752 = arith.index_cast %add3A_748 : i32 to index
        %get3A_753 = arith.constant 0 : index
        %get3A_754 = tpu.vector_load %arg12[%get3A_752, %get3A_753] {strides = array<i32>} : memref<128x64xi32, #tpu.memory_space<vmem>>, vector<16xi32>,
        %bitcast3A_755 = vector.bitcast %get3A_751 : vector<16xi32> to vector<32xbf16>
        %bitcast3A_756 = vector.bitcast %get3A_754 : vector<16xi32> to vector<32xbf16>
        %add3A_757 = arith.addf %bitcast3A_755, %bitcast3A_756 : vector<32xbf16>
        %max3A_758 = arith.maximumf %add3A_757, %broadcast_in_dim3A_80 : vector<32xbf16>
        %bitcast3A_759 = vector.bitcast %max3A_758 : vector<32xbf16> to vector<16xi32>
        %shift_left3A_760 = arith.constant 16 : i32
        %shift_left3A_761 = vector.broadcast %shift_left3A_760 : i32 to vector<16xi32>
        %shift_left3A_762 = arith.shli %bitcast3A_759, %shift_left3A_761 : vector<16xi32>
        %bitcast3A_763 = vector.bitcast %shift_left3A_762 : vector<16xi32> to vector<16xf32>
        %and3A_764 = arith.andi %bitcast3A_759, %broadcast_in_dim3A_84 : vector<16xi32>
        %bitcast3A_765 = vector.bitcast %and3A_764 : vector<16xi32> to vector<16xf32>
        %mul3A_766 = arith.mulf %bitcast3A_763, %get3A_5 : vector<16xf32>
        %add3A_767 = arith.addf %get3A_21, %mul3A_766 : vector<16xf32>
        %mul3A_768 = arith.mulf %bitcast3A_765, %get3A_13 : vector<16xf32>
        %add3A_769 = arith.addf %broadcast_in_dim3A_78, %mul3A_768 : vector<16xf32>
        %get3A_770 = arith.index_cast %add3A_748 : i32 to index
        %get3A_771 = arith.constant 16 : index
        %get3A_772 = tpu.vector_load %arg10[%get3A_770, %get3A_771] {strides = array<i32>} : memref<128x64xi32, #tpu.memory_space<vmem>>, vector<16xi32>,
        %get3A_773 = arith.index_cast %add3A_748 : i32 to index
        %get3A_774 = arith.constant 16 : index
        %get3A_775 = tpu.vector_load %arg12[%get3A_773, %get3A_774] {strides = array<i32>} : memref<128x64xi32, #tpu.memory_space<vmem>>, vector<16xi32>,
        %bitcast3A_776 = vector.bitcast %get3A_772 : vector<16xi32> to vector<32xbf16>
        %bitcast3A_777 = vector.bitcast %get3A_775 : vector<16xi32> to vector<32xbf16>
        %add3A_778 = arith.addf %bitcast3A_776, %bitcast3A_777 : vector<32xbf16>
        %max3A_779 = arith.maximumf %add3A_778, %broadcast_in_dim3A_80 : vector<32xbf16>
        %bitcast3A_780 = vector.bitcast %max3A_779 : vector<32xbf16> to vector<16xi32>
        %shift_left3A_781 = arith.constant 16 : i32
        %shift_left3A_782 = vector.broadcast %shift_left3A_781 : i32 to vector<16xi32>
        %shift_left3A_783 = arith.shli %bitcast3A_780, %shift_left3A_782 : vector<16xi32>
        %bitcast3A_784 = vector.bitcast %shift_left3A_783 : vector<16xi32> to vector<16xf32>
        %and3A_785 = arith.andi %bitcast3A_780, %broadcast_in_dim3A_84 : vector<16xi32>
        %bitcast3A_786 = vector.bitcast %and3A_785 : vector<16xi32> to vector<16xf32>
        %mul3A_787 = arith.mulf %bitcast3A_784, %get3A_7 : vector<16xf32>
        %add3A_788 = arith.addf %add3A_767, %mul3A_787 : vector<16xf32>
        %mul3A_789 = arith.mulf %bitcast3A_786, %get3A_15 : vector<16xf32>
        %add3A_790 = arith.addf %add3A_769, %mul3A_789 : vector<16xf32>
        %get3A_791 = arith.index_cast %add3A_748 : i32 to index
        %get3A_792 = arith.constant 32 : index
        %get3A_793 = tpu.vector_load %arg10[%get3A_791, %get3A_792] {strides = array<i32>} : memref<128x64xi32, #tpu.memory_space<vmem>>, vector<16xi32>,
        %get3A_794 = arith.index_cast %add3A_748 : i32 to index
        %get3A_795 = arith.constant 32 : index
        %get3A_796 = tpu.vector_load %arg12[%get3A_794, %get3A_795] {strides = array<i32>} : memref<128x64xi32, #tpu.memory_space<vmem>>, vector<16xi32>,
        %bitcast3A_797 = vector.bitcast %get3A_793 : vector<16xi32> to vector<32xbf16>
        %bitcast3A_798 = vector.bitcast %get3A_796 : vector<16xi32> to vector<32xbf16>
        %add3A_799 = arith.addf %bitcast3A_797, %bitcast3A_798 : vector<32xbf16>
        %max3A_800 = arith.maximumf %add3A_799, %broadcast_in_dim3A_80 : vector<32xbf16>
        %bitcast3A_801 = vector.bitcast %max3A_800 : vector<32xbf16> to vector<16xi32>
        %shift_left3A_802 = arith.constant 16 : i32
        %shift_left3A_803 = vector.broadcast %shift_left3A_802 : i32 to vector<16xi32>
        %shift_left3A_804 = arith.shli %bitcast3A_801, %shift_left3A_803 : vector<16xi32>
        %bitcast3A_805 = vector.bitcast %shift_left3A_804 : vector<16xi32> to vector<16xf32>
        %and3A_806 = arith.andi %bitcast3A_801, %broadcast_in_dim3A_84 : vector<16xi32>
        %bitcast3A_807 = vector.bitcast %and3A_806 : vector<16xi32> to vector<16xf32>
        %mul3A_808 = arith.mulf %bitcast3A_805, %get3A_9 : vector<16xf32>
        %add3A_809 = arith.addf %add3A_788, %mul3A_808 : vector<16xf32>
        %mul3A_810 = arith.mulf %bitcast3A_807, %get3A_17 : vector<16xf32>
        %add3A_811 = arith.addf %add3A_790, %mul3A_810 : vector<16xf32>
        %get3A_812 = arith.index_cast %add3A_748 : i32 to index
        %get3A_813 = arith.constant 48 : index
        %get3A_814 = tpu.vector_load %arg10[%get3A_812, %get3A_813] {strides = array<i32>} : memref<128x64xi32, #tpu.memory_space<vmem>>, vector<16xi32>,
        %get3A_815 = arith.index_cast %add3A_748 : i32 to index
        %get3A_816 = arith.constant 48 : index
        %get3A_817 = tpu.vector_load %arg12[%get3A_815, %get3A_816] {strides = array<i32>} : memref<128x64xi32, #tpu.memory_space<vmem>>, vector<16xi32>,
        %bitcast3A_818 = vector.bitcast %get3A_814 : vector<16xi32> to vector<32xbf16>
        %bitcast3A_819 = vector.bitcast %get3A_817 : vector<16xi32> to vector<32xbf16>
        %add3A_820 = arith.addf %bitcast3A_818, %bitcast3A_819 : vector<32xbf16>
        %max3A_821 = arith.maximumf %add3A_820, %broadcast_in_dim3A_80 : vector<32xbf16>
        %bitcast3A_822 = vector.bitcast %max3A_821 : vector<32xbf16> to vector<16xi32>
        %shift_left3A_823 = arith.constant 16 : i32
        %shift_left3A_824 = vector.broadcast %shift_left3A_823 : i32 to vector<16xi32>
        %shift_left3A_825 = arith.shli %bitcast3A_822, %shift_left3A_824 : vector<16xi32>
        %bitcast3A_826 = vector.bitcast %shift_left3A_825 : vector<16xi32> to vector<16xf32>
        %and3A_827 = arith.andi %bitcast3A_822, %broadcast_in_dim3A_84 : vector<16xi32>
        %bitcast3A_828 = vector.bitcast %and3A_827 : vector<16xi32> to vector<16xf32>
        %mul3A_829 = arith.mulf %bitcast3A_826, %get3A_11 : vector<16xf32>
        %add3A_830 = arith.addf %add3A_809, %mul3A_829 : vector<16xf32>
        %mul3A_831 = arith.mulf %bitcast3A_828, %get3A_19 : vector<16xf32>
        %add3A_832 = arith.addf %add3A_811, %mul3A_831 : vector<16xf32>
        %add3A_833 = arith.addf %add3A_830, %add3A_832 : vector<16xf32>
        %mul3A_834 = arith.constant 8 : i32
        %mul3A_835 = arith.muli %scan3A_211, %mul3A_834 : i32
        %add3A_836 = arith.constant 7 : i32
        %add3A_837 = arith.addi %mul3A_835, %add3A_836 : i32
        %get3A_838 = arith.index_cast %add3A_837 : i32 to index
        %get3A_839 = arith.constant 0 : index
        %get3A_840 = tpu.vector_load %arg10[%get3A_838, %get3A_839] {strides = array<i32>} : memref<128x64xi32, #tpu.memory_space<vmem>>, vector<16xi32>,
        %get3A_841 = arith.index_cast %add3A_837 : i32 to index
        %get3A_842 = arith.constant 0 : index
        %get3A_843 = tpu.vector_load %arg12[%get3A_841, %get3A_842] {strides = array<i32>} : memref<128x64xi32, #tpu.memory_space<vmem>>, vector<16xi32>,
        %bitcast3A_844 = vector.bitcast %get3A_840 : vector<16xi32> to vector<32xbf16>
        %bitcast3A_845 = vector.bitcast %get3A_843 : vector<16xi32> to vector<32xbf16>
        %add3A_846 = arith.addf %bitcast3A_844, %bitcast3A_845 : vector<32xbf16>
        %max3A_847 = arith.maximumf %add3A_846, %broadcast_in_dim3A_80 : vector<32xbf16>
        %bitcast3A_848 = vector.bitcast %max3A_847 : vector<32xbf16> to vector<16xi32>
        %shift_left3A_849 = arith.constant 16 : i32
        %shift_left3A_850 = vector.broadcast %shift_left3A_849 : i32 to vector<16xi32>
        %shift_left3A_851 = arith.shli %bitcast3A_848, %shift_left3A_850 : vector<16xi32>
        %bitcast3A_852 = vector.bitcast %shift_left3A_851 : vector<16xi32> to vector<16xf32>
        %and3A_853 = arith.andi %bitcast3A_848, %broadcast_in_dim3A_84 : vector<16xi32>
        %bitcast3A_854 = vector.bitcast %and3A_853 : vector<16xi32> to vector<16xf32>
        %mul3A_855 = arith.mulf %bitcast3A_852, %get3A_5 : vector<16xf32>
        %add3A_856 = arith.addf %get3A_21, %mul3A_855 : vector<16xf32>
        %mul3A_857 = arith.mulf %bitcast3A_854, %get3A_13 : vector<16xf32>
        %add3A_858 = arith.addf %broadcast_in_dim3A_78, %mul3A_857 : vector<16xf32>
        %get3A_859 = arith.index_cast %add3A_837 : i32 to index
        %get3A_860 = arith.constant 16 : index
        %get3A_861 = tpu.vector_load %arg10[%get3A_859, %get3A_860] {strides = array<i32>} : memref<128x64xi32, #tpu.memory_space<vmem>>, vector<16xi32>,
        %get3A_862 = arith.index_cast %add3A_837 : i32 to index
        %get3A_863 = arith.constant 16 : index
        %get3A_864 = tpu.vector_load %arg12[%get3A_862, %get3A_863] {strides = array<i32>} : memref<128x64xi32, #tpu.memory_space<vmem>>, vector<16xi32>,
        %bitcast3A_865 = vector.bitcast %get3A_861 : vector<16xi32> to vector<32xbf16>
        %bitcast3A_866 = vector.bitcast %get3A_864 : vector<16xi32> to vector<32xbf16>
        %add3A_867 = arith.addf %bitcast3A_865, %bitcast3A_866 : vector<32xbf16>
        %max3A_868 = arith.maximumf %add3A_867, %broadcast_in_dim3A_80 : vector<32xbf16>
        %bitcast3A_869 = vector.bitcast %max3A_868 : vector<32xbf16> to vector<16xi32>
        %shift_left3A_870 = arith.constant 16 : i32
        %shift_left3A_871 = vector.broadcast %shift_left3A_870 : i32 to vector<16xi32>
        %shift_left3A_872 = arith.shli %bitcast3A_869, %shift_left3A_871 : vector<16xi32>
        %bitcast3A_873 = vector.bitcast %shift_left3A_872 : vector<16xi32> to vector<16xf32>
        %and3A_874 = arith.andi %bitcast3A_869, %broadcast_in_dim3A_84 : vector<16xi32>
        %bitcast3A_875 = vector.bitcast %and3A_874 : vector<16xi32> to vector<16xf32>
        %mul3A_876 = arith.mulf %bitcast3A_873, %get3A_7 : vector<16xf32>
        %add3A_877 = arith.addf %add3A_856, %mul3A_876 : vector<16xf32>
        %mul3A_878 = arith.mulf %bitcast3A_875, %get3A_15 : vector<16xf32>
        %add3A_879 = arith.addf %add3A_858, %mul3A_878 : vector<16xf32>
        %get3A_880 = arith.index_cast %add3A_837 : i32 to index
        %get3A_881 = arith.constant 32 : index
        %get3A_882 = tpu.vector_load %arg10[%get3A_880, %get3A_881] {strides = array<i32>} : memref<128x64xi32, #tpu.memory_space<vmem>>, vector<16xi32>,
        %get3A_883 = arith.index_cast %add3A_837 : i32 to index
        %get3A_884 = arith.constant 32 : index
        %get3A_885 = tpu.vector_load %arg12[%get3A_883, %get3A_884] {strides = array<i32>} : memref<128x64xi32, #tpu.memory_space<vmem>>, vector<16xi32>,
        %bitcast3A_886 = vector.bitcast %get3A_882 : vector<16xi32> to vector<32xbf16>
        %bitcast3A_887 = vector.bitcast %get3A_885 : vector<16xi32> to vector<32xbf16>
        %add3A_888 = arith.addf %bitcast3A_886, %bitcast3A_887 : vector<32xbf16>
        %max3A_889 = arith.maximumf %add3A_888, %broadcast_in_dim3A_80 : vector<32xbf16>
        %bitcast3A_890 = vector.bitcast %max3A_889 : vector<32xbf16> to vector<16xi32>
        %shift_left3A_891 = arith.constant 16 : i32
        %shift_left3A_892 = vector.broadcast %shift_left3A_891 : i32 to vector<16xi32>
        %shift_left3A_893 = arith.shli %bitcast3A_890, %shift_left3A_892 : vector<16xi32>
        %bitcast3A_894 = vector.bitcast %shift_left3A_893 : vector<16xi32> to vector<16xf32>
        %and3A_895 = arith.andi %bitcast3A_890, %broadcast_in_dim3A_84 : vector<16xi32>
        %bitcast3A_896 = vector.bitcast %and3A_895 : vector<16xi32> to vector<16xf32>
        %mul3A_897 = arith.mulf %bitcast3A_894, %get3A_9 : vector<16xf32>
        %add3A_898 = arith.addf %add3A_877, %mul3A_897 : vector<16xf32>
        %mul3A_899 = arith.mulf %bitcast3A_896, %get3A_17 : vector<16xf32>
        %add3A_900 = arith.addf %add3A_879, %mul3A_899 : vector<16xf32>
        %get3A_901 = arith.index_cast %add3A_837 : i32 to index
        %get3A_902 = arith.constant 48 : index
        %get3A_903 = tpu.vector_load %arg10[%get3A_901, %get3A_902] {strides = array<i32>} : memref<128x64xi32, #tpu.memory_space<vmem>>, vector<16xi32>,
        %get3A_904 = arith.index_cast %add3A_837 : i32 to index
        %get3A_905 = arith.constant 48 : index
        %get3A_906 = tpu.vector_load %arg12[%get3A_904, %get3A_905] {strides = array<i32>} : memref<128x64xi32, #tpu.memory_space<vmem>>, vector<16xi32>,
        %bitcast3A_907 = vector.bitcast %get3A_903 : vector<16xi32> to vector<32xbf16>
        %bitcast3A_908 = vector.bitcast %get3A_906 : vector<16xi32> to vector<32xbf16>
        %add3A_909 = arith.addf %bitcast3A_907, %bitcast3A_908 : vector<32xbf16>
        %max3A_910 = arith.maximumf %add3A_909, %broadcast_in_dim3A_80 : vector<32xbf16>
        %bitcast3A_911 = vector.bitcast %max3A_910 : vector<32xbf16> to vector<16xi32>
        %shift_left3A_912 = arith.constant 16 : i32
        %shift_left3A_913 = vector.broadcast %shift_left3A_912 : i32 to vector<16xi32>
        %shift_left3A_914 = arith.shli %bitcast3A_911, %shift_left3A_913 : vector<16xi32>
        %bitcast3A_915 = vector.bitcast %shift_left3A_914 : vector<16xi32> to vector<16xf32>
        %and3A_916 = arith.andi %bitcast3A_911, %broadcast_in_dim3A_84 : vector<16xi32>
        %bitcast3A_917 = vector.bitcast %and3A_916 : vector<16xi32> to vector<16xf32>
        %mul3A_918 = arith.mulf %bitcast3A_915, %get3A_11 : vector<16xf32>
        %add3A_919 = arith.addf %add3A_898, %mul3A_918 : vector<16xf32>
        %mul3A_920 = arith.mulf %bitcast3A_917, %get3A_19 : vector<16xf32>
        %add3A_921 = arith.addf %add3A_900, %mul3A_920 : vector<16xf32>
        %add3A_922 = arith.addf %add3A_919, %add3A_921 : vector<16xf32>
        %lt3A_923 = arith.constant 0 : i32
        %lt3A_924 = vector.broadcast %lt3A_923 : i32 to vector<16xi32>
        %lt3A_925 = arith.cmpi slt, %xor3A_23, %lt3A_924 : vector<16xi32>
        %add3A_926 = arith.constant 16 : i32
        %add3A_927 = vector.broadcast %add3A_926 : i32 to vector<16xi32>
        %add3A_928 = arith.addi %xor3A_23, %add3A_927 : vector<16xi32>
        %select_n3A = arith.select %lt3A_925, %add3A_928, %xor3A_23 : vector<16xi1>, vector<16xi32>
        %broadcast_in_dim3A_929 = vector.shape_cast %select_n3A : vector<16xi32> to vector<16x1xi32>
        %gather3A = vector.shape_cast %broadcast_in_dim3A_929 : vector<16x1xi32> to vector<16xi32>
        %gather3A_930 = tpu.dynamic_gather %add3A_299[%gather3A] in [0] : vector<16xf32>, vector<16xi32> -> vector<16xf32>
        %add3A_931 = arith.addf %add3A_299, %gather3A_930 : vector<16xf32>
        %lt3A_932 = arith.constant 0 : i32
        %lt3A_933 = vector.broadcast %lt3A_932 : i32 to vector<16xi32>
        %lt3A_934 = arith.cmpi slt, %xor3A_23, %lt3A_933 : vector<16xi32>
        %add3A_935 = arith.constant 16 : i32
        %add3A_936 = vector.broadcast %add3A_935 : i32 to vector<16xi32>
        %add3A_937 = arith.addi %xor3A_23, %add3A_936 : vector<16xi32>
        %select_n3A_938 = arith.select %lt3A_934, %add3A_937, %xor3A_23 : vector<16xi1>, vector<16xi32>
        %broadcast_in_dim3A_939 = vector.shape_cast %select_n3A_938 : vector<16xi32> to vector<16x1xi32>
        %gather3A_940 = vector.shape_cast %broadcast_in_dim3A_939 : vector<16x1xi32> to vector<16xi32>
        %gather3A_941 = tpu.dynamic_gather %add3A_388[%gather3A_940] in [0] : vector<16xf32>, vector<16xi32> -> vector<16xf32>
        %add3A_942 = arith.addf %add3A_388, %gather3A_941 : vector<16xf32>
        %lt3A_943 = arith.constant 0 : i32
        %lt3A_944 = vector.broadcast %lt3A_943 : i32 to vector<16xi32>
        %lt3A_945 = arith.cmpi slt, %xor3A_23, %lt3A_944 : vector<16xi32>
        %add3A_946 = arith.constant 16 : i32
        %add3A_947 = vector.broadcast %add3A_946 : i32 to vector<16xi32>
        %add3A_948 = arith.addi %xor3A_23, %add3A_947 : vector<16xi32>
        %select_n3A_949 = arith.select %lt3A_945, %add3A_948, %xor3A_23 : vector<16xi1>, vector<16xi32>
        %broadcast_in_dim3A_950 = vector.shape_cast %select_n3A_949 : vector<16xi32> to vector<16x1xi32>
        %gather3A_951 = vector.shape_cast %broadcast_in_dim3A_950 : vector<16x1xi32> to vector<16xi32>
        %gather3A_952 = tpu.dynamic_gather %add3A_942[%gather3A_951] in [0] : vector<16xf32>, vector<16xi32> -> vector<16xf32>
        %select_n3A_953 = arith.select %eq3A_36, %add3A_931, %gather3A_952 : vector<16xi1>, vector<16xf32>
        %lt3A_954 = arith.constant 0 : i32
        %lt3A_955 = vector.broadcast %lt3A_954 : i32 to vector<16xi32>
        %lt3A_956 = arith.cmpi slt, %xor3A_23, %lt3A_955 : vector<16xi32>
        %add3A_957 = arith.constant 16 : i32
        %add3A_958 = vector.broadcast %add3A_957 : i32 to vector<16xi32>
        %add3A_959 = arith.addi %xor3A_23, %add3A_958 : vector<16xi32>
        %select_n3A_960 = arith.select %lt3A_956, %add3A_959, %xor3A_23 : vector<16xi1>, vector<16xi32>
        %broadcast_in_dim3A_961 = vector.shape_cast %select_n3A_960 : vector<16xi32> to vector<16x1xi32>
        %gather3A_962 = vector.shape_cast %broadcast_in_dim3A_961 : vector<16x1xi32> to vector<16xi32>
        %gather3A_963 = tpu.dynamic_gather %add3A_477[%gather3A_962] in [0] : vector<16xf32>, vector<16xi32> -> vector<16xf32>
        %add3A_964 = arith.addf %add3A_477, %gather3A_963 : vector<16xf32>
        %lt3A_965 = arith.constant 0 : i32
        %lt3A_966 = vector.broadcast %lt3A_965 : i32 to vector<16xi32>
        %lt3A_967 = arith.cmpi slt, %xor3A_23, %lt3A_966 : vector<16xi32>
        %add3A_968 = arith.constant 16 : i32
        %add3A_969 = vector.broadcast %add3A_968 : i32 to vector<16xi32>
        %add3A_970 = arith.addi %xor3A_23, %add3A_969 : vector<16xi32>
        %select_n3A_971 = arith.select %lt3A_967, %add3A_970, %xor3A_23 : vector<16xi1>, vector<16xi32>
        %broadcast_in_dim3A_972 = vector.shape_cast %select_n3A_971 : vector<16xi32> to vector<16x1xi32>
        %gather3A_973 = vector.shape_cast %broadcast_in_dim3A_972 : vector<16x1xi32> to vector<16xi32>
        %gather3A_974 = tpu.dynamic_gather %add3A_566[%gather3A_973] in [0] : vector<16xf32>, vector<16xi32> -> vector<16xf32>
        %add3A_975 = arith.addf %add3A_566, %gather3A_974 : vector<16xf32>
        %lt3A_976 = arith.constant 0 : i32
        %lt3A_977 = vector.broadcast %lt3A_976 : i32 to vector<16xi32>
        %lt3A_978 = arith.cmpi slt, %xor3A_23, %lt3A_977 : vector<16xi32>
        %add3A_979 = arith.constant 16 : i32
        %add3A_980 = vector.broadcast %add3A_979 : i32 to vector<16xi32>
        %add3A_981 = arith.addi %xor3A_23, %add3A_980 : vector<16xi32>
        %select_n3A_982 = arith.select %lt3A_978, %add3A_981, %xor3A_23 : vector<16xi1>, vector<16xi32>
        %broadcast_in_dim3A_983 = vector.shape_cast %select_n3A_982 : vector<16xi32> to vector<16x1xi32>
        %gather3A_984 = vector.shape_cast %broadcast_in_dim3A_983 : vector<16x1xi32> to vector<16xi32>
        %gather3A_985 = tpu.dynamic_gather %add3A_975[%gather3A_984] in [0] : vector<16xf32>, vector<16xi32> -> vector<16xf32>
        %select_n3A_986 = arith.select %eq3A_36, %add3A_964, %gather3A_985 : vector<16xi1>, vector<16xf32>
        %lt3A_987 = arith.constant 0 : i32
        %lt3A_988 = vector.broadcast %lt3A_987 : i32 to vector<16xi32>
        %lt3A_989 = arith.cmpi slt, %xor3A_23, %lt3A_988 : vector<16xi32>
        %add3A_990 = arith.constant 16 : i32
        %add3A_991 = vector.broadcast %add3A_990 : i32 to vector<16xi32>
        %add3A_992 = arith.addi %xor3A_23, %add3A_991 : vector<16xi32>
        %select_n3A_993 = arith.select %lt3A_989, %add3A_992, %xor3A_23 : vector<16xi1>, vector<16xi32>
        %broadcast_in_dim3A_994 = vector.shape_cast %select_n3A_993 : vector<16xi32> to vector<16x1xi32>
        %gather3A_995 = vector.shape_cast %broadcast_in_dim3A_994 : vector<16x1xi32> to vector<16xi32>
        %gather3A_996 = tpu.dynamic_gather %add3A_655[%gather3A_995] in [0] : vector<16xf32>, vector<16xi32> -> vector<16xf32>
        %add3A_997 = arith.addf %add3A_655, %gather3A_996 : vector<16xf32>
        %lt3A_998 = arith.constant 0 : i32
        %lt3A_999 = vector.broadcast %lt3A_998 : i32 to vector<16xi32>
        %lt3A_1000 = arith.cmpi slt, %xor3A_23, %lt3A_999 : vector<16xi32>
        %add3A_1001 = arith.constant 16 : i32
        %add3A_1002 = vector.broadcast %add3A_1001 : i32 to vector<16xi32>
        %add3A_1003 = arith.addi %xor3A_23, %add3A_1002 : vector<16xi32>
        %select_n3A_1004 = arith.select %lt3A_1000, %add3A_1003, %xor3A_23 : vector<16xi1>, vector<16xi32>
        %broadcast_in_dim3A_1005 = vector.shape_cast %select_n3A_1004 : vector<16xi32> to vector<16x1xi32>
        %gather3A_1006 = vector.shape_cast %broadcast_in_dim3A_1005 : vector<16x1xi32> to vector<16xi32>
        %gather3A_1007 = tpu.dynamic_gather %add3A_744[%gather3A_1006] in [0] : vector<16xf32>, vector<16xi32> -> vector<16xf32>
        %add3A_1008 = arith.addf %add3A_744, %gather3A_1007 : vector<16xf32>
        %lt3A_1009 = arith.constant 0 : i32
        %lt3A_1010 = vector.broadcast %lt3A_1009 : i32 to vector<16xi32>
        %lt3A_1011 = arith.cmpi slt, %xor3A_23, %lt3A_1010 : vector<16xi32>
        %add3A_1012 = arith.constant 16 : i32
        %add3A_1013 = vector.broadcast %add3A_1012 : i32 to vector<16xi32>
        %add3A_1014 = arith.addi %xor3A_23, %add3A_1013 : vector<16xi32>
        %select_n3A_1015 = arith.select %lt3A_1011, %add3A_1014, %xor3A_23 : vector<16xi1>, vector<16xi32>
        %broadcast_in_dim3A_1016 = vector.shape_cast %select_n3A_1015 : vector<16xi32> to vector<16x1xi32>
        %gather3A_1017 = vector.shape_cast %broadcast_in_dim3A_1016 : vector<16x1xi32> to vector<16xi32>
        %gather3A_1018 = tpu.dynamic_gather %add3A_1008[%gather3A_1017] in [0] : vector<16xf32>, vector<16xi32> -> vector<16xf32>
        %select_n3A_1019 = arith.select %eq3A_36, %add3A_997, %gather3A_1018 : vector<16xi1>, vector<16xf32>
        %lt3A_1020 = arith.constant 0 : i32
        %lt3A_1021 = vector.broadcast %lt3A_1020 : i32 to vector<16xi32>
        %lt3A_1022 = arith.cmpi slt, %xor3A_23, %lt3A_1021 : vector<16xi32>
        %add3A_1023 = arith.constant 16 : i32
        %add3A_1024 = vector.broadcast %add3A_1023 : i32 to vector<16xi32>
        %add3A_1025 = arith.addi %xor3A_23, %add3A_1024 : vector<16xi32>
        %select_n3A_1026 = arith.select %lt3A_1022, %add3A_1025, %xor3A_23 : vector<16xi1>, vector<16xi32>
        %broadcast_in_dim3A_1027 = vector.shape_cast %select_n3A_1026 : vector<16xi32> to vector<16x1xi32>
        %gather3A_1028 = vector.shape_cast %broadcast_in_dim3A_1027 : vector<16x1xi32> to vector<16xi32>
        %gather3A_1029 = tpu.dynamic_gather %add3A_833[%gather3A_1028] in [0] : vector<16xf32>, vector<16xi32> -> vector<16xf32>
        %add3A_1030 = arith.addf %add3A_833, %gather3A_1029 : vector<16xf32>
        %lt3A_1031 = arith.constant 0 : i32
        %lt3A_1032 = vector.broadcast %lt3A_1031 : i32 to vector<16xi32>
        %lt3A_1033 = arith.cmpi slt, %xor3A_23, %lt3A_1032 : vector<16xi32>
        %add3A_1034 = arith.constant 16 : i32
        %add3A_1035 = vector.broadcast %add3A_1034 : i32 to vector<16xi32>
        %add3A_1036 = arith.addi %xor3A_23, %add3A_1035 : vector<16xi32>
        %select_n3A_1037 = arith.select %lt3A_1033, %add3A_1036, %xor3A_23 : vector<16xi1>, vector<16xi32>
        %broadcast_in_dim3A_1038 = vector.shape_cast %select_n3A_1037 : vector<16xi32> to vector<16x1xi32>
        %gather3A_1039 = vector.shape_cast %broadcast_in_dim3A_1038 : vector<16x1xi32> to vector<16xi32>
        %gather3A_1040 = tpu.dynamic_gather %add3A_922[%gather3A_1039] in [0] : vector<16xf32>, vector<16xi32> -> vector<16xf32>
        %add3A_1041 = arith.addf %add3A_922, %gather3A_1040 : vector<16xf32>
        %lt3A_1042 = arith.constant 0 : i32
        %lt3A_1043 = vector.broadcast %lt3A_1042 : i32 to vector<16xi32>
        %lt3A_1044 = arith.cmpi slt, %xor3A_23, %lt3A_1043 : vector<16xi32>
        %add3A_1045 = arith.constant 16 : i32
        %add3A_1046 = vector.broadcast %add3A_1045 : i32 to vector<16xi32>
        %add3A_1047 = arith.addi %xor3A_23, %add3A_1046 : vector<16xi32>
        %select_n3A_1048 = arith.select %lt3A_1044, %add3A_1047, %xor3A_23 : vector<16xi1>, vector<16xi32>
        %broadcast_in_dim3A_1049 = vector.shape_cast %select_n3A_1048 : vector<16xi32> to vector<16x1xi32>
        %gather3A_1050 = vector.shape_cast %broadcast_in_dim3A_1049 : vector<16x1xi32> to vector<16xi32>
        %gather3A_1051 = tpu.dynamic_gather %add3A_1041[%gather3A_1050] in [0] : vector<16xf32>, vector<16xi32> -> vector<16xf32>
        %select_n3A_1052 = arith.select %eq3A_36, %add3A_1030, %gather3A_1051 : vector<16xi1>, vector<16xf32>
        %lt3A_1053 = arith.constant 0 : i32
        %lt3A_1054 = vector.broadcast %lt3A_1053 : i32 to vector<16xi32>
        %lt3A_1055 = arith.cmpi slt, %xor3A_26, %lt3A_1054 : vector<16xi32>
        %add3A_1056 = arith.constant 16 : i32
        %add3A_1057 = vector.broadcast %add3A_1056 : i32 to vector<16xi32>
        %add3A_1058 = arith.addi %xor3A_26, %add3A_1057 : vector<16xi32>
        %select_n3A_1059 = arith.select %lt3A_1055, %add3A_1058, %xor3A_26 : vector<16xi1>, vector<16xi32>
        %broadcast_in_dim3A_1060 = vector.shape_cast %select_n3A_1059 : vector<16xi32> to vector<16x1xi32>
        %gather3A_1061 = vector.shape_cast %broadcast_in_dim3A_1060 : vector<16x1xi32> to vector<16xi32>
        %gather3A_1062 = tpu.dynamic_gather %select_n3A_953[%gather3A_1061] in [0] : vector<16xf32>, vector<16xi32> -> vector<16xf32>
        %add3A_1063 = arith.addf %select_n3A_953, %gather3A_1062 : vector<16xf32>
        %lt3A_1064 = arith.constant 0 : i32
        %lt3A_1065 = vector.broadcast %lt3A_1064 : i32 to vector<16xi32>
        %lt3A_1066 = arith.cmpi slt, %xor3A_26, %lt3A_1065 : vector<16xi32>
        %add3A_1067 = arith.constant 16 : i32
        %add3A_1068 = vector.broadcast %add3A_1067 : i32 to vector<16xi32>
        %add3A_1069 = arith.addi %xor3A_26, %add3A_1068 : vector<16xi32>
        %select_n3A_1070 = arith.select %lt3A_1066, %add3A_1069, %xor3A_26 : vector<16xi1>, vector<16xi32>
        %broadcast_in_dim3A_1071 = vector.shape_cast %select_n3A_1070 : vector<16xi32> to vector<16x1xi32>
        %gather3A_1072 = vector.shape_cast %broadcast_in_dim3A_1071 : vector<16x1xi32> to vector<16xi32>
        %gather3A_1073 = tpu.dynamic_gather %select_n3A_986[%gather3A_1072] in [0] : vector<16xf32>, vector<16xi32> -> vector<16xf32>
        %add3A_1074 = arith.addf %select_n3A_986, %gather3A_1073 : vector<16xf32>
        %lt3A_1075 = arith.constant 0 : i32
        %lt3A_1076 = vector.broadcast %lt3A_1075 : i32 to vector<16xi32>
        %lt3A_1077 = arith.cmpi slt, %xor3A_26, %lt3A_1076 : vector<16xi32>
        %add3A_1078 = arith.constant 16 : i32
        %add3A_1079 = vector.broadcast %add3A_1078 : i32 to vector<16xi32>
        %add3A_1080 = arith.addi %xor3A_26, %add3A_1079 : vector<16xi32>
        %select_n3A_1081 = arith.select %lt3A_1077, %add3A_1080, %xor3A_26 : vector<16xi1>, vector<16xi32>
        %broadcast_in_dim3A_1082 = vector.shape_cast %select_n3A_1081 : vector<16xi32> to vector<16x1xi32>
        %gather3A_1083 = vector.shape_cast %broadcast_in_dim3A_1082 : vector<16x1xi32> to vector<16xi32>
        %gather3A_1084 = tpu.dynamic_gather %add3A_1074[%gather3A_1083] in [0] : vector<16xf32>, vector<16xi32> -> vector<16xf32>
        %select_n3A_1085 = arith.select %eq3A_42, %add3A_1063, %gather3A_1084 : vector<16xi1>, vector<16xf32>
        %lt3A_1086 = arith.constant 0 : i32
        %lt3A_1087 = vector.broadcast %lt3A_1086 : i32 to vector<16xi32>
        %lt3A_1088 = arith.cmpi slt, %xor3A_26, %lt3A_1087 : vector<16xi32>
        %add3A_1089 = arith.constant 16 : i32
        %add3A_1090 = vector.broadcast %add3A_1089 : i32 to vector<16xi32>
        %add3A_1091 = arith.addi %xor3A_26, %add3A_1090 : vector<16xi32>
        %select_n3A_1092 = arith.select %lt3A_1088, %add3A_1091, %xor3A_26 : vector<16xi1>, vector<16xi32>
        %broadcast_in_dim3A_1093 = vector.shape_cast %select_n3A_1092 : vector<16xi32> to vector<16x1xi32>
        %gather3A_1094 = vector.shape_cast %broadcast_in_dim3A_1093 : vector<16x1xi32> to vector<16xi32>
        %gather3A_1095 = tpu.dynamic_gather %select_n3A_1019[%gather3A_1094] in [0] : vector<16xf32>, vector<16xi32> -> vector<16xf32>
        %add3A_1096 = arith.addf %select_n3A_1019, %gather3A_1095 : vector<16xf32>
        %lt3A_1097 = arith.constant 0 : i32
        %lt3A_1098 = vector.broadcast %lt3A_1097 : i32 to vector<16xi32>
        %lt3A_1099 = arith.cmpi slt, %xor3A_26, %lt3A_1098 : vector<16xi32>
        %add3A_1100 = arith.constant 16 : i32
        %add3A_1101 = vector.broadcast %add3A_1100 : i32 to vector<16xi32>
        %add3A_1102 = arith.addi %xor3A_26, %add3A_1101 : vector<16xi32>
        %select_n3A_1103 = arith.select %lt3A_1099, %add3A_1102, %xor3A_26 : vector<16xi1>, vector<16xi32>
        %broadcast_in_dim3A_1104 = vector.shape_cast %select_n3A_1103 : vector<16xi32> to vector<16x1xi32>
        %gather3A_1105 = vector.shape_cast %broadcast_in_dim3A_1104 : vector<16x1xi32> to vector<16xi32>
        %gather3A_1106 = tpu.dynamic_gather %select_n3A_1052[%gather3A_1105] in [0] : vector<16xf32>, vector<16xi32> -> vector<16xf32>
        %add3A_1107 = arith.addf %select_n3A_1052, %gather3A_1106 : vector<16xf32>
        %lt3A_1108 = arith.constant 0 : i32
        %lt3A_1109 = vector.broadcast %lt3A_1108 : i32 to vector<16xi32>
        %lt3A_1110 = arith.cmpi slt, %xor3A_26, %lt3A_1109 : vector<16xi32>
        %add3A_1111 = arith.constant 16 : i32
        %add3A_1112 = vector.broadcast %add3A_1111 : i32 to vector<16xi32>
        %add3A_1113 = arith.addi %xor3A_26, %add3A_1112 : vector<16xi32>
        %select_n3A_1114 = arith.select %lt3A_1110, %add3A_1113, %xor3A_26 : vector<16xi1>, vector<16xi32>
        %broadcast_in_dim3A_1115 = vector.shape_cast %select_n3A_1114 : vector<16xi32> to vector<16x1xi32>
        %gather3A_1116 = vector.shape_cast %broadcast_in_dim3A_1115 : vector<16x1xi32> to vector<16xi32>
        %gather3A_1117 = tpu.dynamic_gather %add3A_1107[%gather3A_1116] in [0] : vector<16xf32>, vector<16xi32> -> vector<16xf32>
        %select_n3A_1118 = arith.select %eq3A_42, %add3A_1096, %gather3A_1117 : vector<16xi1>, vector<16xf32>
        %lt3A_1119 = arith.constant 0 : i32
        %lt3A_1120 = vector.broadcast %lt3A_1119 : i32 to vector<16xi32>
        %lt3A_1121 = arith.cmpi slt, %xor3A_29, %lt3A_1120 : vector<16xi32>
        %add3A_1122 = arith.constant 16 : i32
        %add3A_1123 = vector.broadcast %add3A_1122 : i32 to vector<16xi32>
        %add3A_1124 = arith.addi %xor3A_29, %add3A_1123 : vector<16xi32>
        %select_n3A_1125 = arith.select %lt3A_1121, %add3A_1124, %xor3A_29 : vector<16xi1>, vector<16xi32>
        %broadcast_in_dim3A_1126 = vector.shape_cast %select_n3A_1125 : vector<16xi32> to vector<16x1xi32>
        %gather3A_1127 = vector.shape_cast %broadcast_in_dim3A_1126 : vector<16x1xi32> to vector<16xi32>
        %gather3A_1128 = tpu.dynamic_gather %select_n3A_1085[%gather3A_1127] in [0] : vector<16xf32>, vector<16xi32> -> vector<16xf32>
        %add3A_1129 = arith.addf %select_n3A_1085, %gather3A_1128 : vector<16xf32>
        %lt3A_1130 = arith.constant 0 : i32
        %lt3A_1131 = vector.broadcast %lt3A_1130 : i32 to vector<16xi32>
        %lt3A_1132 = arith.cmpi slt, %xor3A_29, %lt3A_1131 : vector<16xi32>
        %add3A_1133 = arith.constant 16 : i32
        %add3A_1134 = vector.broadcast %add3A_1133 : i32 to vector<16xi32>
        %add3A_1135 = arith.addi %xor3A_29, %add3A_1134 : vector<16xi32>
        %select_n3A_1136 = arith.select %lt3A_1132, %add3A_1135, %xor3A_29 : vector<16xi1>, vector<16xi32>
        %broadcast_in_dim3A_1137 = vector.shape_cast %select_n3A_1136 : vector<16xi32> to vector<16x1xi32>
        %gather3A_1138 = vector.shape_cast %broadcast_in_dim3A_1137 : vector<16x1xi32> to vector<16xi32>
        %gather3A_1139 = tpu.dynamic_gather %select_n3A_1118[%gather3A_1138] in [0] : vector<16xf32>, vector<16xi32> -> vector<16xf32>
        %add3A_1140 = arith.addf %select_n3A_1118, %gather3A_1139 : vector<16xf32>
        %lt3A_1141 = arith.constant 0 : i32
        %lt3A_1142 = vector.broadcast %lt3A_1141 : i32 to vector<16xi32>
        %lt3A_1143 = arith.cmpi slt, %xor3A_29, %lt3A_1142 : vector<16xi32>
        %add3A_1144 = arith.constant 16 : i32
        %add3A_1145 = vector.broadcast %add3A_1144 : i32 to vector<16xi32>
        %add3A_1146 = arith.addi %xor3A_29, %add3A_1145 : vector<16xi32>
        %select_n3A_1147 = arith.select %lt3A_1143, %add3A_1146, %xor3A_29 : vector<16xi1>, vector<16xi32>
        %broadcast_in_dim3A_1148 = vector.shape_cast %select_n3A_1147 : vector<16xi32> to vector<16x1xi32>
        %gather3A_1149 = vector.shape_cast %broadcast_in_dim3A_1148 : vector<16x1xi32> to vector<16xi32>
        %gather3A_1150 = tpu.dynamic_gather %add3A_1140[%gather3A_1149] in [0] : vector<16xf32>, vector<16xi32> -> vector<16xf32>
        %select_n3A_1151 = arith.select %eq3A_48, %add3A_1129, %gather3A_1150 : vector<16xi1>, vector<16xf32>
        %lt3A_1152 = arith.constant 0 : i32
        %lt3A_1153 = vector.broadcast %lt3A_1152 : i32 to vector<16xi32>
        %lt3A_1154 = arith.cmpi slt, %xor3A_32, %lt3A_1153 : vector<16xi32>
        %add3A_1155 = arith.constant 16 : i32
        %add3A_1156 = vector.broadcast %add3A_1155 : i32 to vector<16xi32>
        %add3A_1157 = arith.addi %xor3A_32, %add3A_1156 : vector<16xi32>
        %select_n3A_1158 = arith.select %lt3A_1154, %add3A_1157, %xor3A_32 : vector<16xi1>, vector<16xi32>
        %broadcast_in_dim3A_1159 = vector.shape_cast %select_n3A_1158 : vector<16xi32> to vector<16x1xi32>
        %gather3A_1160 = vector.shape_cast %broadcast_in_dim3A_1159 : vector<16x1xi32> to vector<16xi32>
        %gather3A_1161 = tpu.dynamic_gather %select_n3A_1151[%gather3A_1160] in [0] : vector<16xf32>, vector<16xi32> -> vector<16xf32>
        %add3A_1162 = arith.addf %select_n3A_1151, %gather3A_1161 : vector<16xf32>
        tpu.vector_store_idx %arg13[%scan3A_212], %add3A_1162 masked %eq3A_54 : memref<10000xf32, #tpu.memory_space<vmem>>[vector<16xi32>], vector<16xf32>, vector<16xi1>
        %add3A_1163 = arith.addi %scan3A_212, %broadcast_in_dim3A_82 : vector<16xi32>
        scf.yield %add3A_1163 : vector<16xi32>
      }
      %scan3A_203 = arith.constant 16 : i32
      %add3A_204 = arith.constant 2 : i32
      %add3A_205 = arith.addi %add3A_181, %add3A_204 : i32
      %lt3A_206 = arith.constant 78 : i32
      %lt3A_207 = arith.cmpi slt, %add3A_205, %lt3A_206 : i32
      %convert_element_type3A_208 = arith.extui %lt3A_207 : i1 to i32
      %cond3A_209 = arith.constant 0 : i32
      %cond3A_210 = arith.cmpi ne, %convert_element_type3A_208, %cond3A_209 : i32
      scf.if %cond3A_210 {
        %add3A_211 = arith.constant 2 : i32
        %add3A_212 = arith.addi %add3A_181, %add3A_211 : i32
        %mul3A_213 = arith.constant 128 : i32
        %mul3A_214 = arith.muli %add3A_212, %mul3A_213 : i32
        %mul3A_215 = arith.constant 128 : i32
        %mul3A_216 = arith.muli %add3A_212, %mul3A_215 : i32
        %dma_start3A_217 = tpu.memref_slice %arg7[%mul3A_214] : memref<10000xi32, #tpu.memory_space<vmem>> -> memref<128xi32, #tpu.memory_space<vmem>>
        %dma_start3A_218 = arith.constant 0 : i32
        %dma_start3A_219 = arith.constant 0 : i32
        %dma_start3A_220 = tpu.memref_slice %arg2[%dma_start3A_218, %dma_start3A_219] : memref<10000x64xi32, #tpu.memory_space<hbm>> -> memref<10000x64xi32, #tpu.memory_space<hbm>>
        tpu.enqueue_indirect_dma source(%dma_start3A_220 : memref<10000x64xi32, #tpu.memory_space<hbm>>) target(%arg10 : memref<128x64xi32, #tpu.memory_space<vmem>>) offsets(%dma_start3A_217 : memref<128xi32, #tpu.memory_space<vmem>>) semaphore(%arg16 : memref<!tpu.dma_semaphore, #tpu.memory_space<semaphore_mem>>)
        %dma_start3A_221 = tpu.memref_slice %arg8[%mul3A_216] : memref<10000xi32, #tpu.memory_space<vmem>> -> memref<128xi32, #tpu.memory_space<vmem>>
        %dma_start3A_222 = arith.constant 0 : i32
        %dma_start3A_223 = arith.constant 0 : i32
        %dma_start3A_224 = tpu.memref_slice %arg3[%dma_start3A_222, %dma_start3A_223] : memref<10000x64xi32, #tpu.memory_space<hbm>> -> memref<10000x64xi32, #tpu.memory_space<hbm>>
        tpu.enqueue_indirect_dma source(%dma_start3A_224 : memref<10000x64xi32, #tpu.memory_space<hbm>>) target(%arg12 : memref<128x64xi32, #tpu.memory_space<vmem>>) offsets(%dma_start3A_221 : memref<128xi32, #tpu.memory_space<vmem>>) semaphore(%arg18 : memref<!tpu.dma_semaphore, #tpu.memory_space<semaphore_mem>>)
      } else {
      }
    }
    %scan3A_108 = arith.constant 39 : i32
    %dma_start3A_109 = arith.constant 0 : i32
    %dma_start3A_110 = arith.constant 0 : i32
    %dma_start3A_111 = tpu.memref_slice %arg9[%dma_start3A_109, %dma_start3A_110] : memref<128x64xi32, #tpu.memory_space<vmem>> -> memref<16x64xi32, #tpu.memory_space<vmem>>
    %dma_start3A_112 = arith.constant 9984 : i32
    %dma_start3A_113 = tpu.memref_slice %arg7[%dma_start3A_112] : memref<10000xi32, #tpu.memory_space<vmem>> -> memref<16xi32, #tpu.memory_space<vmem>>
    %dma_start3A_114 = arith.constant 0 : i32
    %dma_start3A_115 = arith.constant 0 : i32
    %dma_start3A_116 = tpu.memref_slice %arg2[%dma_start3A_114, %dma_start3A_115] : memref<10000x64xi32, #tpu.memory_space<hbm>> -> memref<10000x64xi32, #tpu.memory_space<hbm>>
    tpu.enqueue_indirect_dma source(%dma_start3A_116 : memref<10000x64xi32, #tpu.memory_space<hbm>>) target(%dma_start3A_111 : memref<16x64xi32, #tpu.memory_space<vmem>>) offsets(%dma_start3A_113 : memref<16xi32, #tpu.memory_space<vmem>>) semaphore(%arg15 : memref<!tpu.dma_semaphore, #tpu.memory_space<semaphore_mem>>)
    %dma_start3A_117 = arith.constant 0 : i32
    %dma_start3A_118 = arith.constant 0 : i32
    %dma_start3A_119 = tpu.memref_slice %arg11[%dma_start3A_117, %dma_start3A_118] : memref<128x64xi32, #tpu.memory_space<vmem>> -> memref<16x64xi32, #tpu.memory_space<vmem>>
    %dma_start3A_120 = arith.constant 9984 : i32
    %dma_start3A_121 = tpu.memref_slice %arg8[%dma_start3A_120] : memref<10000xi32, #tpu.memory_space<vmem>> -> memref<16xi32, #tpu.memory_space<vmem>>
    %dma_start3A_122 = arith.constant 0 : i32
    %dma_start3A_123 = arith.constant 0 : i32
    %dma_start3A_124 = tpu.memref_slice %arg3[%dma_start3A_122, %dma_start3A_123] : memref<10000x64xi32, #tpu.memory_space<hbm>> -> memref<10000x64xi32, #tpu.memory_space<hbm>>
    tpu.enqueue_indirect_dma source(%dma_start3A_124 : memref<10000x64xi32, #tpu.memory_space<hbm>>) target(%dma_start3A_119 : memref<16x64xi32, #tpu.memory_space<vmem>>) offsets(%dma_start3A_121 : memref<16xi32, #tpu.memory_space<vmem>>) semaphore(%arg17 : memref<!tpu.dma_semaphore, #tpu.memory_space<semaphore_mem>>)
    %dma_wait3A = arith.constant 0 : i32
    %dma_wait3A_125 = arith.constant 0 : i32
    %dma_wait3A_126 = tpu.memref_slice %arg9[%dma_wait3A, %dma_wait3A_125] : memref<128x64xi32, #tpu.memory_space<vmem>> -> memref<16x64xi32, #tpu.memory_space<vmem>>
    %dma_wait3A_127 = arith.constant 9984 : i32
    %dma_wait3A_128 = tpu.memref_slice %arg7[%dma_wait3A_127] : memref<10000xi32, #tpu.memory_space<vmem>> -> memref<16xi32, #tpu.memory_space<vmem>>
    %dma_wait3A_129 = arith.constant 0 : i32
    %dma_wait3A_130 = arith.constant 0 : i32
    %dma_wait3A_131 = tpu.memref_slice %arg2[%dma_wait3A_129, %dma_wait3A_130] : memref<10000x64xi32, #tpu.memory_space<hbm>> -> memref<10000x64xi32, #tpu.memory_space<hbm>>
    tpu.wait_indirect_dma semaphore(%arg15 : memref<!tpu.dma_semaphore, #tpu.memory_space<semaphore_mem>>) src(%dma_wait3A_131 : memref<10000x64xi32, #tpu.memory_space<hbm>>) dst(%dma_wait3A_126 : memref<16x64xi32, #tpu.memory_space<vmem>>)
    %dma_wait3A_132 = arith.constant 0 : i32
    %dma_wait3A_133 = arith.constant 0 : i32
    %dma_wait3A_134 = tpu.memref_slice %arg11[%dma_wait3A_132, %dma_wait3A_133] : memref<128x64xi32, #tpu.memory_space<vmem>> -> memref<16x64xi32, #tpu.memory_space<vmem>>
    %dma_wait3A_135 = arith.constant 9984 : i32
    %dma_wait3A_136 = tpu.memref_slice %arg8[%dma_wait3A_135] : memref<10000xi32, #tpu.memory_space<vmem>> -> memref<16xi32, #tpu.memory_space<vmem>>
    %dma_wait3A_137 = arith.constant 0 : i32
    %dma_wait3A_138 = arith.constant 0 : i32
    %dma_wait3A_139 = tpu.memref_slice %arg3[%dma_wait3A_137, %dma_wait3A_138] : memref<10000x64xi32, #tpu.memory_space<hbm>> -> memref<10000x64xi32, #tpu.memory_space<hbm>>
    tpu.wait_indirect_dma semaphore(%arg17 : memref<!tpu.dma_semaphore, #tpu.memory_space<semaphore_mem>>) src(%dma_wait3A_139 : memref<10000x64xi32, #tpu.memory_space<hbm>>) dst(%dma_wait3A_134 : memref<16x64xi32, #tpu.memory_space<vmem>>)
    %add3A_140 = arith.constant 9984 : i32
    %add3A_141 = vector.broadcast %add3A_140 : i32 to vector<16xi32>
    %add3A_142 = arith.addi %or3A_77, %add3A_141 : vector<16xi32>
    %scan3A_143 = arith.constant 0 : i32
    %scan3A_144 = arith.constant 2 : i32
    %scan3A_145 = arith.addi %scan3A_143, %scan3A_144 : i32
    %scan3A_146 = arith.constant 1 : i32
    %scan3A_147 = scf.for %scan3A_149 = %scan3A_143 to %scan3A_145 step %scan3A_146 iter_args(%scan3A_150 = %add3A_142) -> (vector<16xi32>)  : i32 {
      %mul3A_151 = arith.constant 8 : i32
      %mul3A_152 = arith.muli %scan3A_149, %mul3A_151 : i32
      %add3A_153 = arith.constant 0 : i32
      %add3A_154 = arith.addi %mul3A_152, %add3A_153 : i32
      %get3A_155 = arith.index_cast %add3A_154 : i32 to index
      %get3A_156 = arith.constant 0 : index
      %get3A_157 = tpu.vector_load %arg9[%get3A_155, %get3A_156] {strides = array<i32>} : memref<128x64xi32, #tpu.memory_space<vmem>>, vector<16xi32>,
      %get3A_158 = arith.index_cast %add3A_154 : i32 to index
      %get3A_159 = arith.constant 0 : index
      %get3A_160 = tpu.vector_load %arg11[%get3A_158, %get3A_159] {strides = array<i32>} : memref<128x64xi32, #tpu.memory_space<vmem>>, vector<16xi32>,
      %bitcast3A = vector.bitcast %get3A_157 : vector<16xi32> to vector<32xbf16>
      %bitcast3A_161 = vector.bitcast %get3A_160 : vector<16xi32> to vector<32xbf16>
      %add3A_162 = arith.addf %bitcast3A, %bitcast3A_161 : vector<32xbf16>
      %max3A = arith.maximumf %add3A_162, %broadcast_in_dim3A_80 : vector<32xbf16>
      %bitcast3A_163 = vector.bitcast %max3A : vector<32xbf16> to vector<16xi32>
      %shift_left3A_164 = arith.constant 16 : i32
      %shift_left3A_165 = vector.broadcast %shift_left3A_164 : i32 to vector<16xi32>
      %shift_left3A_166 = arith.shli %bitcast3A_163, %shift_left3A_165 : vector<16xi32>
      %bitcast3A_167 = vector.bitcast %shift_left3A_166 : vector<16xi32> to vector<16xf32>
      %and3A_168 = arith.andi %bitcast3A_163, %broadcast_in_dim3A_84 : vector<16xi32>
      %bitcast3A_169 = vector.bitcast %and3A_168 : vector<16xi32> to vector<16xf32>
      %mul3A_170 = arith.mulf %bitcast3A_167, %get3A_5 : vector<16xf32>
      %add3A_171 = arith.addf %get3A_21, %mul3A_170 : vector<16xf32>
      %mul3A_172 = arith.mulf %bitcast3A_169, %get3A_13 : vector<16xf32>
      %add3A_173 = arith.addf %broadcast_in_dim3A_78, %mul3A_172 : vector<16xf32>
      %get3A_174 = arith.index_cast %add3A_154 : i32 to index
      %get3A_175 = arith.constant 16 : index
      %get3A_176 = tpu.vector_load %arg9[%get3A_174, %get3A_175] {strides = array<i32>} : memref<128x64xi32, #tpu.memory_space<vmem>>, vector<16xi32>,
      %get3A_177 = arith.index_cast %add3A_154 : i32 to index
      %get3A_178 = arith.constant 16 : index
      %get3A_179 = tpu.vector_load %arg11[%get3A_177, %get3A_178] {strides = array<i32>} : memref<128x64xi32, #tpu.memory_space<vmem>>, vector<16xi32>,
      %bitcast3A_180 = vector.bitcast %get3A_176 : vector<16xi32> to vector<32xbf16>
      %bitcast3A_181 = vector.bitcast %get3A_179 : vector<16xi32> to vector<32xbf16>
      %add3A_182 = arith.addf %bitcast3A_180, %bitcast3A_181 : vector<32xbf16>
      %max3A_183 = arith.maximumf %add3A_182, %broadcast_in_dim3A_80 : vector<32xbf16>
      %bitcast3A_184 = vector.bitcast %max3A_183 : vector<32xbf16> to vector<16xi32>
      %shift_left3A_185 = arith.constant 16 : i32
      %shift_left3A_186 = vector.broadcast %shift_left3A_185 : i32 to vector<16xi32>
      %shift_left3A_187 = arith.shli %bitcast3A_184, %shift_left3A_186 : vector<16xi32>
      %bitcast3A_188 = vector.bitcast %shift_left3A_187 : vector<16xi32> to vector<16xf32>
      %and3A_189 = arith.andi %bitcast3A_184, %broadcast_in_dim3A_84 : vector<16xi32>
      %bitcast3A_190 = vector.bitcast %and3A_189 : vector<16xi32> to vector<16xf32>
      %mul3A_191 = arith.mulf %bitcast3A_188, %get3A_7 : vector<16xf32>
      %add3A_192 = arith.addf %add3A_171, %mul3A_191 : vector<16xf32>
      %mul3A_193 = arith.mulf %bitcast3A_190, %get3A_15 : vector<16xf32>
      %add3A_194 = arith.addf %add3A_173, %mul3A_193 : vector<16xf32>
      %get3A_195 = arith.index_cast %add3A_154 : i32 to index
      %get3A_196 = arith.constant 32 : index
      %get3A_197 = tpu.vector_load %arg9[%get3A_195, %get3A_196] {strides = array<i32>} : memref<128x64xi32, #tpu.memory_space<vmem>>, vector<16xi32>,
      %get3A_198 = arith.index_cast %add3A_154 : i32 to index
      %get3A_199 = arith.constant 32 : index
      %get3A_200 = tpu.vector_load %arg11[%get3A_198, %get3A_199] {strides = array<i32>} : memref<128x64xi32, #tpu.memory_space<vmem>>, vector<16xi32>,
      %bitcast3A_201 = vector.bitcast %get3A_197 : vector<16xi32> to vector<32xbf16>
      %bitcast3A_202 = vector.bitcast %get3A_200 : vector<16xi32> to vector<32xbf16>
      %add3A_203 = arith.addf %bitcast3A_201, %bitcast3A_202 : vector<32xbf16>
      %max3A_204 = arith.maximumf %add3A_203, %broadcast_in_dim3A_80 : vector<32xbf16>
      %bitcast3A_205 = vector.bitcast %max3A_204 : vector<32xbf16> to vector<16xi32>
      %shift_left3A_206 = arith.constant 16 : i32
      %shift_left3A_207 = vector.broadcast %shift_left3A_206 : i32 to vector<16xi32>
      %shift_left3A_208 = arith.shli %bitcast3A_205, %shift_left3A_207 : vector<16xi32>
      %bitcast3A_209 = vector.bitcast %shift_left3A_208 : vector<16xi32> to vector<16xf32>
      %and3A_210 = arith.andi %bitcast3A_205, %broadcast_in_dim3A_84 : vector<16xi32>
      %bitcast3A_211 = vector.bitcast %and3A_210 : vector<16xi32> to vector<16xf32>
      %mul3A_212 = arith.mulf %bitcast3A_209, %get3A_9 : vector<16xf32>
      %add3A_213 = arith.addf %add3A_192, %mul3A_212 : vector<16xf32>
      %mul3A_214 = arith.mulf %bitcast3A_211, %get3A_17 : vector<16xf32>
      %add3A_215 = arith.addf %add3A_194, %mul3A_214 : vector<16xf32>
      %get3A_216 = arith.index_cast %add3A_154 : i32 to index
      %get3A_217 = arith.constant 48 : index
      %get3A_218 = tpu.vector_load %arg9[%get3A_216, %get3A_217] {strides = array<i32>} : memref<128x64xi32, #tpu.memory_space<vmem>>, vector<16xi32>,
      %get3A_219 = arith.index_cast %add3A_154 : i32 to index
      %get3A_220 = arith.constant 48 : index
      %get3A_221 = tpu.vector_load %arg11[%get3A_219, %get3A_220] {strides = array<i32>} : memref<128x64xi32, #tpu.memory_space<vmem>>, vector<16xi32>,
      %bitcast3A_222 = vector.bitcast %get3A_218 : vector<16xi32> to vector<32xbf16>
      %bitcast3A_223 = vector.bitcast %get3A_221 : vector<16xi32> to vector<32xbf16>
      %add3A_224 = arith.addf %bitcast3A_222, %bitcast3A_223 : vector<32xbf16>
      %max3A_225 = arith.maximumf %add3A_224, %broadcast_in_dim3A_80 : vector<32xbf16>
      %bitcast3A_226 = vector.bitcast %max3A_225 : vector<32xbf16> to vector<16xi32>
      %shift_left3A_227 = arith.constant 16 : i32
      %shift_left3A_228 = vector.broadcast %shift_left3A_227 : i32 to vector<16xi32>
      %shift_left3A_229 = arith.shli %bitcast3A_226, %shift_left3A_228 : vector<16xi32>
      %bitcast3A_230 = vector.bitcast %shift_left3A_229 : vector<16xi32> to vector<16xf32>
      %and3A_231 = arith.andi %bitcast3A_226, %broadcast_in_dim3A_84 : vector<16xi32>
      %bitcast3A_232 = vector.bitcast %and3A_231 : vector<16xi32> to vector<16xf32>
      %mul3A_233 = arith.mulf %bitcast3A_230, %get3A_11 : vector<16xf32>
      %add3A_234 = arith.addf %add3A_213, %mul3A_233 : vector<16xf32>
      %mul3A_235 = arith.mulf %bitcast3A_232, %get3A_19 : vector<16xf32>
      %add3A_236 = arith.addf %add3A_215, %mul3A_235 : vector<16xf32>
      %add3A_237 = arith.addf %add3A_234, %add3A_236 : vector<16xf32>
      %mul3A_238 = arith.constant 8 : i32
      %mul3A_239 = arith.muli %scan3A_149, %mul3A_238 : i32
      %add3A_240 = arith.constant 1 : i32
      %add3A_241 = arith.addi %mul3A_239, %add3A_240 : i32
      %get3A_242 = arith.index_cast %add3A_241 : i32 to index
      %get3A_243 = arith.constant 0 : index
      %get3A_244 = tpu.vector_load %arg9[%get3A_242, %get3A_243] {strides = array<i32>} : memref<128x64xi32, #tpu.memory_space<vmem>>, vector<16xi32>,
      %get3A_245 = arith.index_cast %add3A_241 : i32 to index
      %get3A_246 = arith.constant 0 : index
      %get3A_247 = tpu.vector_load %arg11[%get3A_245, %get3A_246] {strides = array<i32>} : memref<128x64xi32, #tpu.memory_space<vmem>>, vector<16xi32>,
      %bitcast3A_248 = vector.bitcast %get3A_244 : vector<16xi32> to vector<32xbf16>
      %bitcast3A_249 = vector.bitcast %get3A_247 : vector<16xi32> to vector<32xbf16>
      %add3A_250 = arith.addf %bitcast3A_248, %bitcast3A_249 : vector<32xbf16>
      %max3A_251 = arith.maximumf %add3A_250, %broadcast_in_dim3A_80 : vector<32xbf16>
      %bitcast3A_252 = vector.bitcast %max3A_251 : vector<32xbf16> to vector<16xi32>
      %shift_left3A_253 = arith.constant 16 : i32
      %shift_left3A_254 = vector.broadcast %shift_left3A_253 : i32 to vector<16xi32>
      %shift_left3A_255 = arith.shli %bitcast3A_252, %shift_left3A_254 : vector<16xi32>
      %bitcast3A_256 = vector.bitcast %shift_left3A_255 : vector<16xi32> to vector<16xf32>
      %and3A_257 = arith.andi %bitcast3A_252, %broadcast_in_dim3A_84 : vector<16xi32>
      %bitcast3A_258 = vector.bitcast %and3A_257 : vector<16xi32> to vector<16xf32>
      %mul3A_259 = arith.mulf %bitcast3A_256, %get3A_5 : vector<16xf32>
      %add3A_260 = arith.addf %get3A_21, %mul3A_259 : vector<16xf32>
      %mul3A_261 = arith.mulf %bitcast3A_258, %get3A_13 : vector<16xf32>
      %add3A_262 = arith.addf %broadcast_in_dim3A_78, %mul3A_261 : vector<16xf32>
      %get3A_263 = arith.index_cast %add3A_241 : i32 to index
      %get3A_264 = arith.constant 16 : index
      %get3A_265 = tpu.vector_load %arg9[%get3A_263, %get3A_264] {strides = array<i32>} : memref<128x64xi32, #tpu.memory_space<vmem>>, vector<16xi32>,
      %get3A_266 = arith.index_cast %add3A_241 : i32 to index
      %get3A_267 = arith.constant 16 : index
      %get3A_268 = tpu.vector_load %arg11[%get3A_266, %get3A_267] {strides = array<i32>} : memref<128x64xi32, #tpu.memory_space<vmem>>, vector<16xi32>,
      %bitcast3A_269 = vector.bitcast %get3A_265 : vector<16xi32> to vector<32xbf16>
      %bitcast3A_270 = vector.bitcast %get3A_268 : vector<16xi32> to vector<32xbf16>
      %add3A_271 = arith.addf %bitcast3A_269, %bitcast3A_270 : vector<32xbf16>
      %max3A_272 = arith.maximumf %add3A_271, %broadcast_in_dim3A_80 : vector<32xbf16>
      %bitcast3A_273 = vector.bitcast %max3A_272 : vector<32xbf16> to vector<16xi32>
      %shift_left3A_274 = arith.constant 16 : i32
      %shift_left3A_275 = vector.broadcast %shift_left3A_274 : i32 to vector<16xi32>
      %shift_left3A_276 = arith.shli %bitcast3A_273, %shift_left3A_275 : vector<16xi32>
      %bitcast3A_277 = vector.bitcast %shift_left3A_276 : vector<16xi32> to vector<16xf32>
      %and3A_278 = arith.andi %bitcast3A_273, %broadcast_in_dim3A_84 : vector<16xi32>
      %bitcast3A_279 = vector.bitcast %and3A_278 : vector<16xi32> to vector<16xf32>
      %mul3A_280 = arith.mulf %bitcast3A_277, %get3A_7 : vector<16xf32>
      %add3A_281 = arith.addf %add3A_260, %mul3A_280 : vector<16xf32>
      %mul3A_282 = arith.mulf %bitcast3A_279, %get3A_15 : vector<16xf32>
      %add3A_283 = arith.addf %add3A_262, %mul3A_282 : vector<16xf32>
      %get3A_284 = arith.index_cast %add3A_241 : i32 to index
      %get3A_285 = arith.constant 32 : index
      %get3A_286 = tpu.vector_load %arg9[%get3A_284, %get3A_285] {strides = array<i32>} : memref<128x64xi32, #tpu.memory_space<vmem>>, vector<16xi32>,
      %get3A_287 = arith.index_cast %add3A_241 : i32 to index
      %get3A_288 = arith.constant 32 : index
      %get3A_289 = tpu.vector_load %arg11[%get3A_287, %get3A_288] {strides = array<i32>} : memref<128x64xi32, #tpu.memory_space<vmem>>, vector<16xi32>,
      %bitcast3A_290 = vector.bitcast %get3A_286 : vector<16xi32> to vector<32xbf16>
      %bitcast3A_291 = vector.bitcast %get3A_289 : vector<16xi32> to vector<32xbf16>
      %add3A_292 = arith.addf %bitcast3A_290, %bitcast3A_291 : vector<32xbf16>
      %max3A_293 = arith.maximumf %add3A_292, %broadcast_in_dim3A_80 : vector<32xbf16>
      %bitcast3A_294 = vector.bitcast %max3A_293 : vector<32xbf16> to vector<16xi32>
      %shift_left3A_295 = arith.constant 16 : i32
      %shift_left3A_296 = vector.broadcast %shift_left3A_295 : i32 to vector<16xi32>
      %shift_left3A_297 = arith.shli %bitcast3A_294, %shift_left3A_296 : vector<16xi32>
      %bitcast3A_298 = vector.bitcast %shift_left3A_297 : vector<16xi32> to vector<16xf32>
      %and3A_299 = arith.andi %bitcast3A_294, %broadcast_in_dim3A_84 : vector<16xi32>
      %bitcast3A_300 = vector.bitcast %and3A_299 : vector<16xi32> to vector<16xf32>
      %mul3A_301 = arith.mulf %bitcast3A_298, %get3A_9 : vector<16xf32>
      %add3A_302 = arith.addf %add3A_281, %mul3A_301 : vector<16xf32>
      %mul3A_303 = arith.mulf %bitcast3A_300, %get3A_17 : vector<16xf32>
      %add3A_304 = arith.addf %add3A_283, %mul3A_303 : vector<16xf32>
      %get3A_305 = arith.index_cast %add3A_241 : i32 to index
      %get3A_306 = arith.constant 48 : index
      %get3A_307 = tpu.vector_load %arg9[%get3A_305, %get3A_306] {strides = array<i32>} : memref<128x64xi32, #tpu.memory_space<vmem>>, vector<16xi32>,
      %get3A_308 = arith.index_cast %add3A_241 : i32 to index
      %get3A_309 = arith.constant 48 : index
      %get3A_310 = tpu.vector_load %arg11[%get3A_308, %get3A_309] {strides = array<i32>} : memref<128x64xi32, #tpu.memory_space<vmem>>, vector<16xi32>,
      %bitcast3A_311 = vector.bitcast %get3A_307 : vector<16xi32> to vector<32xbf16>
      %bitcast3A_312 = vector.bitcast %get3A_310 : vector<16xi32> to vector<32xbf16>
      %add3A_313 = arith.addf %bitcast3A_311, %bitcast3A_312 : vector<32xbf16>
      %max3A_314 = arith.maximumf %add3A_313, %broadcast_in_dim3A_80 : vector<32xbf16>
      %bitcast3A_315 = vector.bitcast %max3A_314 : vector<32xbf16> to vector<16xi32>
      %shift_left3A_316 = arith.constant 16 : i32
      %shift_left3A_317 = vector.broadcast %shift_left3A_316 : i32 to vector<16xi32>
      %shift_left3A_318 = arith.shli %bitcast3A_315, %shift_left3A_317 : vector<16xi32>
      %bitcast3A_319 = vector.bitcast %shift_left3A_318 : vector<16xi32> to vector<16xf32>
      %and3A_320 = arith.andi %bitcast3A_315, %broadcast_in_dim3A_84 : vector<16xi32>
      %bitcast3A_321 = vector.bitcast %and3A_320 : vector<16xi32> to vector<16xf32>
      %mul3A_322 = arith.mulf %bitcast3A_319, %get3A_11 : vector<16xf32>
      %add3A_323 = arith.addf %add3A_302, %mul3A_322 : vector<16xf32>
      %mul3A_324 = arith.mulf %bitcast3A_321, %get3A_19 : vector<16xf32>
      %add3A_325 = arith.addf %add3A_304, %mul3A_324 : vector<16xf32>
      %add3A_326 = arith.addf %add3A_323, %add3A_325 : vector<16xf32>
      %mul3A_327 = arith.constant 8 : i32
      %mul3A_328 = arith.muli %scan3A_149, %mul3A_327 : i32
      %add3A_329 = arith.constant 2 : i32
      %add3A_330 = arith.addi %mul3A_328, %add3A_329 : i32
      %get3A_331 = arith.index_cast %add3A_330 : i32 to index
      %get3A_332 = arith.constant 0 : index
      %get3A_333 = tpu.vector_load %arg9[%get3A_331, %get3A_332] {strides = array<i32>} : memref<128x64xi32, #tpu.memory_space<vmem>>, vector<16xi32>,
      %get3A_334 = arith.index_cast %add3A_330 : i32 to index
      %get3A_335 = arith.constant 0 : index
      %get3A_336 = tpu.vector_load %arg11[%get3A_334, %get3A_335] {strides = array<i32>} : memref<128x64xi32, #tpu.memory_space<vmem>>, vector<16xi32>,
      %bitcast3A_337 = vector.bitcast %get3A_333 : vector<16xi32> to vector<32xbf16>
      %bitcast3A_338 = vector.bitcast %get3A_336 : vector<16xi32> to vector<32xbf16>
      %add3A_339 = arith.addf %bitcast3A_337, %bitcast3A_338 : vector<32xbf16>
      %max3A_340 = arith.maximumf %add3A_339, %broadcast_in_dim3A_80 : vector<32xbf16>
      %bitcast3A_341 = vector.bitcast %max3A_340 : vector<32xbf16> to vector<16xi32>
      %shift_left3A_342 = arith.constant 16 : i32
      %shift_left3A_343 = vector.broadcast %shift_left3A_342 : i32 to vector<16xi32>
      %shift_left3A_344 = arith.shli %bitcast3A_341, %shift_left3A_343 : vector<16xi32>
      %bitcast3A_345 = vector.bitcast %shift_left3A_344 : vector<16xi32> to vector<16xf32>
      %and3A_346 = arith.andi %bitcast3A_341, %broadcast_in_dim3A_84 : vector<16xi32>
      %bitcast3A_347 = vector.bitcast %and3A_346 : vector<16xi32> to vector<16xf32>
      %mul3A_348 = arith.mulf %bitcast3A_345, %get3A_5 : vector<16xf32>
      %add3A_349 = arith.addf %get3A_21, %mul3A_348 : vector<16xf32>
      %mul3A_350 = arith.mulf %bitcast3A_347, %get3A_13 : vector<16xf32>
      %add3A_351 = arith.addf %broadcast_in_dim3A_78, %mul3A_350 : vector<16xf32>
      %get3A_352 = arith.index_cast %add3A_330 : i32 to index
      %get3A_353 = arith.constant 16 : index
      %get3A_354 = tpu.vector_load %arg9[%get3A_352, %get3A_353] {strides = array<i32>} : memref<128x64xi32, #tpu.memory_space<vmem>>, vector<16xi32>,
      %get3A_355 = arith.index_cast %add3A_330 : i32 to index
      %get3A_356 = arith.constant 16 : index
      %get3A_357 = tpu.vector_load %arg11[%get3A_355, %get3A_356] {strides = array<i32>} : memref<128x64xi32, #tpu.memory_space<vmem>>, vector<16xi32>,
      %bitcast3A_358 = vector.bitcast %get3A_354 : vector<16xi32> to vector<32xbf16>
      %bitcast3A_359 = vector.bitcast %get3A_357 : vector<16xi32> to vector<32xbf16>
      %add3A_360 = arith.addf %bitcast3A_358, %bitcast3A_359 : vector<32xbf16>
      %max3A_361 = arith.maximumf %add3A_360, %broadcast_in_dim3A_80 : vector<32xbf16>
      %bitcast3A_362 = vector.bitcast %max3A_361 : vector<32xbf16> to vector<16xi32>
      %shift_left3A_363 = arith.constant 16 : i32
      %shift_left3A_364 = vector.broadcast %shift_left3A_363 : i32 to vector<16xi32>
      %shift_left3A_365 = arith.shli %bitcast3A_362, %shift_left3A_364 : vector<16xi32>
      %bitcast3A_366 = vector.bitcast %shift_left3A_365 : vector<16xi32> to vector<16xf32>
      %and3A_367 = arith.andi %bitcast3A_362, %broadcast_in_dim3A_84 : vector<16xi32>
      %bitcast3A_368 = vector.bitcast %and3A_367 : vector<16xi32> to vector<16xf32>
      %mul3A_369 = arith.mulf %bitcast3A_366, %get3A_7 : vector<16xf32>
      %add3A_370 = arith.addf %add3A_349, %mul3A_369 : vector<16xf32>
      %mul3A_371 = arith.mulf %bitcast3A_368, %get3A_15 : vector<16xf32>
      %add3A_372 = arith.addf %add3A_351, %mul3A_371 : vector<16xf32>
      %get3A_373 = arith.index_cast %add3A_330 : i32 to index
      %get3A_374 = arith.constant 32 : index
      %get3A_375 = tpu.vector_load %arg9[%get3A_373, %get3A_374] {strides = array<i32>} : memref<128x64xi32, #tpu.memory_space<vmem>>, vector<16xi32>,
      %get3A_376 = arith.index_cast %add3A_330 : i32 to index
      %get3A_377 = arith.constant 32 : index
      %get3A_378 = tpu.vector_load %arg11[%get3A_376, %get3A_377] {strides = array<i32>} : memref<128x64xi32, #tpu.memory_space<vmem>>, vector<16xi32>,
      %bitcast3A_379 = vector.bitcast %get3A_375 : vector<16xi32> to vector<32xbf16>
      %bitcast3A_380 = vector.bitcast %get3A_378 : vector<16xi32> to vector<32xbf16>
      %add3A_381 = arith.addf %bitcast3A_379, %bitcast3A_380 : vector<32xbf16>
      %max3A_382 = arith.maximumf %add3A_381, %broadcast_in_dim3A_80 : vector<32xbf16>
      %bitcast3A_383 = vector.bitcast %max3A_382 : vector<32xbf16> to vector<16xi32>
      %shift_left3A_384 = arith.constant 16 : i32
      %shift_left3A_385 = vector.broadcast %shift_left3A_384 : i32 to vector<16xi32>
      %shift_left3A_386 = arith.shli %bitcast3A_383, %shift_left3A_385 : vector<16xi32>
      %bitcast3A_387 = vector.bitcast %shift_left3A_386 : vector<16xi32> to vector<16xf32>
      %and3A_388 = arith.andi %bitcast3A_383, %broadcast_in_dim3A_84 : vector<16xi32>
      %bitcast3A_389 = vector.bitcast %and3A_388 : vector<16xi32> to vector<16xf32>
      %mul3A_390 = arith.mulf %bitcast3A_387, %get3A_9 : vector<16xf32>
      %add3A_391 = arith.addf %add3A_370, %mul3A_390 : vector<16xf32>
      %mul3A_392 = arith.mulf %bitcast3A_389, %get3A_17 : vector<16xf32>
      %add3A_393 = arith.addf %add3A_372, %mul3A_392 : vector<16xf32>
      %get3A_394 = arith.index_cast %add3A_330 : i32 to index
      %get3A_395 = arith.constant 48 : index
      %get3A_396 = tpu.vector_load %arg9[%get3A_394, %get3A_395] {strides = array<i32>} : memref<128x64xi32, #tpu.memory_space<vmem>>, vector<16xi32>,
      %get3A_397 = arith.index_cast %add3A_330 : i32 to index
      %get3A_398 = arith.constant 48 : index
      %get3A_399 = tpu.vector_load %arg11[%get3A_397, %get3A_398] {strides = array<i32>} : memref<128x64xi32, #tpu.memory_space<vmem>>, vector<16xi32>,
      %bitcast3A_400 = vector.bitcast %get3A_396 : vector<16xi32> to vector<32xbf16>
      %bitcast3A_401 = vector.bitcast %get3A_399 : vector<16xi32> to vector<32xbf16>
      %add3A_402 = arith.addf %bitcast3A_400, %bitcast3A_401 : vector<32xbf16>
      %max3A_403 = arith.maximumf %add3A_402, %broadcast_in_dim3A_80 : vector<32xbf16>
      %bitcast3A_404 = vector.bitcast %max3A_403 : vector<32xbf16> to vector<16xi32>
      %shift_left3A_405 = arith.constant 16 : i32
      %shift_left3A_406 = vector.broadcast %shift_left3A_405 : i32 to vector<16xi32>
      %shift_left3A_407 = arith.shli %bitcast3A_404, %shift_left3A_406 : vector<16xi32>
      %bitcast3A_408 = vector.bitcast %shift_left3A_407 : vector<16xi32> to vector<16xf32>
      %and3A_409 = arith.andi %bitcast3A_404, %broadcast_in_dim3A_84 : vector<16xi32>
      %bitcast3A_410 = vector.bitcast %and3A_409 : vector<16xi32> to vector<16xf32>
      %mul3A_411 = arith.mulf %bitcast3A_408, %get3A_11 : vector<16xf32>
      %add3A_412 = arith.addf %add3A_391, %mul3A_411 : vector<16xf32>
      %mul3A_413 = arith.mulf %bitcast3A_410, %get3A_19 : vector<16xf32>
      %add3A_414 = arith.addf %add3A_393, %mul3A_413 : vector<16xf32>
      %add3A_415 = arith.addf %add3A_412, %add3A_414 : vector<16xf32>
      %mul3A_416 = arith.constant 8 : i32
      %mul3A_417 = arith.muli %scan3A_149, %mul3A_416 : i32
      %add3A_418 = arith.constant 3 : i32
      %add3A_419 = arith.addi %mul3A_417, %add3A_418 : i32
      %get3A_420 = arith.index_cast %add3A_419 : i32 to index
      %get3A_421 = arith.constant 0 : index
      %get3A_422 = tpu.vector_load %arg9[%get3A_420, %get3A_421] {strides = array<i32>} : memref<128x64xi32, #tpu.memory_space<vmem>>, vector<16xi32>,
      %get3A_423 = arith.index_cast %add3A_419 : i32 to index
      %get3A_424 = arith.constant 0 : index
      %get3A_425 = tpu.vector_load %arg11[%get3A_423, %get3A_424] {strides = array<i32>} : memref<128x64xi32, #tpu.memory_space<vmem>>, vector<16xi32>,
      %bitcast3A_426 = vector.bitcast %get3A_422 : vector<16xi32> to vector<32xbf16>
      %bitcast3A_427 = vector.bitcast %get3A_425 : vector<16xi32> to vector<32xbf16>
      %add3A_428 = arith.addf %bitcast3A_426, %bitcast3A_427 : vector<32xbf16>
      %max3A_429 = arith.maximumf %add3A_428, %broadcast_in_dim3A_80 : vector<32xbf16>
      %bitcast3A_430 = vector.bitcast %max3A_429 : vector<32xbf16> to vector<16xi32>
      %shift_left3A_431 = arith.constant 16 : i32
      %shift_left3A_432 = vector.broadcast %shift_left3A_431 : i32 to vector<16xi32>
      %shift_left3A_433 = arith.shli %bitcast3A_430, %shift_left3A_432 : vector<16xi32>
      %bitcast3A_434 = vector.bitcast %shift_left3A_433 : vector<16xi32> to vector<16xf32>
      %and3A_435 = arith.andi %bitcast3A_430, %broadcast_in_dim3A_84 : vector<16xi32>
      %bitcast3A_436 = vector.bitcast %and3A_435 : vector<16xi32> to vector<16xf32>
      %mul3A_437 = arith.mulf %bitcast3A_434, %get3A_5 : vector<16xf32>
      %add3A_438 = arith.addf %get3A_21, %mul3A_437 : vector<16xf32>
      %mul3A_439 = arith.mulf %bitcast3A_436, %get3A_13 : vector<16xf32>
      %add3A_440 = arith.addf %broadcast_in_dim3A_78, %mul3A_439 : vector<16xf32>
      %get3A_441 = arith.index_cast %add3A_419 : i32 to index
      %get3A_442 = arith.constant 16 : index
      %get3A_443 = tpu.vector_load %arg9[%get3A_441, %get3A_442] {strides = array<i32>} : memref<128x64xi32, #tpu.memory_space<vmem>>, vector<16xi32>,
      %get3A_444 = arith.index_cast %add3A_419 : i32 to index
      %get3A_445 = arith.constant 16 : index
      %get3A_446 = tpu.vector_load %arg11[%get3A_444, %get3A_445] {strides = array<i32>} : memref<128x64xi32, #tpu.memory_space<vmem>>, vector<16xi32>,
      %bitcast3A_447 = vector.bitcast %get3A_443 : vector<16xi32> to vector<32xbf16>
      %bitcast3A_448 = vector.bitcast %get3A_446 : vector<16xi32> to vector<32xbf16>
      %add3A_449 = arith.addf %bitcast3A_447, %bitcast3A_448 : vector<32xbf16>
      %max3A_450 = arith.maximumf %add3A_449, %broadcast_in_dim3A_80 : vector<32xbf16>
      %bitcast3A_451 = vector.bitcast %max3A_450 : vector<32xbf16> to vector<16xi32>
      %shift_left3A_452 = arith.constant 16 : i32
      %shift_left3A_453 = vector.broadcast %shift_left3A_452 : i32 to vector<16xi32>
      %shift_left3A_454 = arith.shli %bitcast3A_451, %shift_left3A_453 : vector<16xi32>
      %bitcast3A_455 = vector.bitcast %shift_left3A_454 : vector<16xi32> to vector<16xf32>
      %and3A_456 = arith.andi %bitcast3A_451, %broadcast_in_dim3A_84 : vector<16xi32>
      %bitcast3A_457 = vector.bitcast %and3A_456 : vector<16xi32> to vector<16xf32>
      %mul3A_458 = arith.mulf %bitcast3A_455, %get3A_7 : vector<16xf32>
      %add3A_459 = arith.addf %add3A_438, %mul3A_458 : vector<16xf32>
      %mul3A_460 = arith.mulf %bitcast3A_457, %get3A_15 : vector<16xf32>
      %add3A_461 = arith.addf %add3A_440, %mul3A_460 : vector<16xf32>
      %get3A_462 = arith.index_cast %add3A_419 : i32 to index
      %get3A_463 = arith.constant 32 : index
      %get3A_464 = tpu.vector_load %arg9[%get3A_462, %get3A_463] {strides = array<i32>} : memref<128x64xi32, #tpu.memory_space<vmem>>, vector<16xi32>,
      %get3A_465 = arith.index_cast %add3A_419 : i32 to index
      %get3A_466 = arith.constant 32 : index
      %get3A_467 = tpu.vector_load %arg11[%get3A_465, %get3A_466] {strides = array<i32>} : memref<128x64xi32, #tpu.memory_space<vmem>>, vector<16xi32>,
      %bitcast3A_468 = vector.bitcast %get3A_464 : vector<16xi32> to vector<32xbf16>
      %bitcast3A_469 = vector.bitcast %get3A_467 : vector<16xi32> to vector<32xbf16>
      %add3A_470 = arith.addf %bitcast3A_468, %bitcast3A_469 : vector<32xbf16>
      %max3A_471 = arith.maximumf %add3A_470, %broadcast_in_dim3A_80 : vector<32xbf16>
      %bitcast3A_472 = vector.bitcast %max3A_471 : vector<32xbf16> to vector<16xi32>
      %shift_left3A_473 = arith.constant 16 : i32
      %shift_left3A_474 = vector.broadcast %shift_left3A_473 : i32 to vector<16xi32>
      %shift_left3A_475 = arith.shli %bitcast3A_472, %shift_left3A_474 : vector<16xi32>
      %bitcast3A_476 = vector.bitcast %shift_left3A_475 : vector<16xi32> to vector<16xf32>
      %and3A_477 = arith.andi %bitcast3A_472, %broadcast_in_dim3A_84 : vector<16xi32>
      %bitcast3A_478 = vector.bitcast %and3A_477 : vector<16xi32> to vector<16xf32>
      %mul3A_479 = arith.mulf %bitcast3A_476, %get3A_9 : vector<16xf32>
      %add3A_480 = arith.addf %add3A_459, %mul3A_479 : vector<16xf32>
      %mul3A_481 = arith.mulf %bitcast3A_478, %get3A_17 : vector<16xf32>
      %add3A_482 = arith.addf %add3A_461, %mul3A_481 : vector<16xf32>
      %get3A_483 = arith.index_cast %add3A_419 : i32 to index
      %get3A_484 = arith.constant 48 : index
      %get3A_485 = tpu.vector_load %arg9[%get3A_483, %get3A_484] {strides = array<i32>} : memref<128x64xi32, #tpu.memory_space<vmem>>, vector<16xi32>,
      %get3A_486 = arith.index_cast %add3A_419 : i32 to index
      %get3A_487 = arith.constant 48 : index
      %get3A_488 = tpu.vector_load %arg11[%get3A_486, %get3A_487] {strides = array<i32>} : memref<128x64xi32, #tpu.memory_space<vmem>>, vector<16xi32>,
      %bitcast3A_489 = vector.bitcast %get3A_485 : vector<16xi32> to vector<32xbf16>
      %bitcast3A_490 = vector.bitcast %get3A_488 : vector<16xi32> to vector<32xbf16>
      %add3A_491 = arith.addf %bitcast3A_489, %bitcast3A_490 : vector<32xbf16>
      %max3A_492 = arith.maximumf %add3A_491, %broadcast_in_dim3A_80 : vector<32xbf16>
      %bitcast3A_493 = vector.bitcast %max3A_492 : vector<32xbf16> to vector<16xi32>
      %shift_left3A_494 = arith.constant 16 : i32
      %shift_left3A_495 = vector.broadcast %shift_left3A_494 : i32 to vector<16xi32>
      %shift_left3A_496 = arith.shli %bitcast3A_493, %shift_left3A_495 : vector<16xi32>
      %bitcast3A_497 = vector.bitcast %shift_left3A_496 : vector<16xi32> to vector<16xf32>
      %and3A_498 = arith.andi %bitcast3A_493, %broadcast_in_dim3A_84 : vector<16xi32>
      %bitcast3A_499 = vector.bitcast %and3A_498 : vector<16xi32> to vector<16xf32>
      %mul3A_500 = arith.mulf %bitcast3A_497, %get3A_11 : vector<16xf32>
      %add3A_501 = arith.addf %add3A_480, %mul3A_500 : vector<16xf32>
      %mul3A_502 = arith.mulf %bitcast3A_499, %get3A_19 : vector<16xf32>
      %add3A_503 = arith.addf %add3A_482, %mul3A_502 : vector<16xf32>
      %add3A_504 = arith.addf %add3A_501, %add3A_503 : vector<16xf32>
      %mul3A_505 = arith.constant 8 : i32
      %mul3A_506 = arith.muli %scan3A_149, %mul3A_505 : i32
      %add3A_507 = arith.constant 4 : i32
      %add3A_508 = arith.addi %mul3A_506, %add3A_507 : i32
      %get3A_509 = arith.index_cast %add3A_508 : i32 to index
      %get3A_510 = arith.constant 0 : index
      %get3A_511 = tpu.vector_load %arg9[%get3A_509, %get3A_510] {strides = array<i32>} : memref<128x64xi32, #tpu.memory_space<vmem>>, vector<16xi32>,
      %get3A_512 = arith.index_cast %add3A_508 : i32 to index
      %get3A_513 = arith.constant 0 : index
      %get3A_514 = tpu.vector_load %arg11[%get3A_512, %get3A_513] {strides = array<i32>} : memref<128x64xi32, #tpu.memory_space<vmem>>, vector<16xi32>,
      %bitcast3A_515 = vector.bitcast %get3A_511 : vector<16xi32> to vector<32xbf16>
      %bitcast3A_516 = vector.bitcast %get3A_514 : vector<16xi32> to vector<32xbf16>
      %add3A_517 = arith.addf %bitcast3A_515, %bitcast3A_516 : vector<32xbf16>
      %max3A_518 = arith.maximumf %add3A_517, %broadcast_in_dim3A_80 : vector<32xbf16>
      %bitcast3A_519 = vector.bitcast %max3A_518 : vector<32xbf16> to vector<16xi32>
      %shift_left3A_520 = arith.constant 16 : i32
      %shift_left3A_521 = vector.broadcast %shift_left3A_520 : i32 to vector<16xi32>
      %shift_left3A_522 = arith.shli %bitcast3A_519, %shift_left3A_521 : vector<16xi32>
      %bitcast3A_523 = vector.bitcast %shift_left3A_522 : vector<16xi32> to vector<16xf32>
      %and3A_524 = arith.andi %bitcast3A_519, %broadcast_in_dim3A_84 : vector<16xi32>
      %bitcast3A_525 = vector.bitcast %and3A_524 : vector<16xi32> to vector<16xf32>
      %mul3A_526 = arith.mulf %bitcast3A_523, %get3A_5 : vector<16xf32>
      %add3A_527 = arith.addf %get3A_21, %mul3A_526 : vector<16xf32>
      %mul3A_528 = arith.mulf %bitcast3A_525, %get3A_13 : vector<16xf32>
      %add3A_529 = arith.addf %broadcast_in_dim3A_78, %mul3A_528 : vector<16xf32>
      %get3A_530 = arith.index_cast %add3A_508 : i32 to index
      %get3A_531 = arith.constant 16 : index
      %get3A_532 = tpu.vector_load %arg9[%get3A_530, %get3A_531] {strides = array<i32>} : memref<128x64xi32, #tpu.memory_space<vmem>>, vector<16xi32>,
      %get3A_533 = arith.index_cast %add3A_508 : i32 to index
      %get3A_534 = arith.constant 16 : index
      %get3A_535 = tpu.vector_load %arg11[%get3A_533, %get3A_534] {strides = array<i32>} : memref<128x64xi32, #tpu.memory_space<vmem>>, vector<16xi32>,
      %bitcast3A_536 = vector.bitcast %get3A_532 : vector<16xi32> to vector<32xbf16>
      %bitcast3A_537 = vector.bitcast %get3A_535 : vector<16xi32> to vector<32xbf16>
      %add3A_538 = arith.addf %bitcast3A_536, %bitcast3A_537 : vector<32xbf16>
      %max3A_539 = arith.maximumf %add3A_538, %broadcast_in_dim3A_80 : vector<32xbf16>
      %bitcast3A_540 = vector.bitcast %max3A_539 : vector<32xbf16> to vector<16xi32>
      %shift_left3A_541 = arith.constant 16 : i32
      %shift_left3A_542 = vector.broadcast %shift_left3A_541 : i32 to vector<16xi32>
      %shift_left3A_543 = arith.shli %bitcast3A_540, %shift_left3A_542 : vector<16xi32>
      %bitcast3A_544 = vector.bitcast %shift_left3A_543 : vector<16xi32> to vector<16xf32>
      %and3A_545 = arith.andi %bitcast3A_540, %broadcast_in_dim3A_84 : vector<16xi32>
      %bitcast3A_546 = vector.bitcast %and3A_545 : vector<16xi32> to vector<16xf32>
      %mul3A_547 = arith.mulf %bitcast3A_544, %get3A_7 : vector<16xf32>
      %add3A_548 = arith.addf %add3A_527, %mul3A_547 : vector<16xf32>
      %mul3A_549 = arith.mulf %bitcast3A_546, %get3A_15 : vector<16xf32>
      %add3A_550 = arith.addf %add3A_529, %mul3A_549 : vector<16xf32>
      %get3A_551 = arith.index_cast %add3A_508 : i32 to index
      %get3A_552 = arith.constant 32 : index
      %get3A_553 = tpu.vector_load %arg9[%get3A_551, %get3A_552] {strides = array<i32>} : memref<128x64xi32, #tpu.memory_space<vmem>>, vector<16xi32>,
      %get3A_554 = arith.index_cast %add3A_508 : i32 to index
      %get3A_555 = arith.constant 32 : index
      %get3A_556 = tpu.vector_load %arg11[%get3A_554, %get3A_555] {strides = array<i32>} : memref<128x64xi32, #tpu.memory_space<vmem>>, vector<16xi32>,
      %bitcast3A_557 = vector.bitcast %get3A_553 : vector<16xi32> to vector<32xbf16>
      %bitcast3A_558 = vector.bitcast %get3A_556 : vector<16xi32> to vector<32xbf16>
      %add3A_559 = arith.addf %bitcast3A_557, %bitcast3A_558 : vector<32xbf16>
      %max3A_560 = arith.maximumf %add3A_559, %broadcast_in_dim3A_80 : vector<32xbf16>
      %bitcast3A_561 = vector.bitcast %max3A_560 : vector<32xbf16> to vector<16xi32>
      %shift_left3A_562 = arith.constant 16 : i32
      %shift_left3A_563 = vector.broadcast %shift_left3A_562 : i32 to vector<16xi32>
      %shift_left3A_564 = arith.shli %bitcast3A_561, %shift_left3A_563 : vector<16xi32>
      %bitcast3A_565 = vector.bitcast %shift_left3A_564 : vector<16xi32> to vector<16xf32>
      %and3A_566 = arith.andi %bitcast3A_561, %broadcast_in_dim3A_84 : vector<16xi32>
      %bitcast3A_567 = vector.bitcast %and3A_566 : vector<16xi32> to vector<16xf32>
      %mul3A_568 = arith.mulf %bitcast3A_565, %get3A_9 : vector<16xf32>
      %add3A_569 = arith.addf %add3A_548, %mul3A_568 : vector<16xf32>
      %mul3A_570 = arith.mulf %bitcast3A_567, %get3A_17 : vector<16xf32>
      %add3A_571 = arith.addf %add3A_550, %mul3A_570 : vector<16xf32>
      %get3A_572 = arith.index_cast %add3A_508 : i32 to index
      %get3A_573 = arith.constant 48 : index
      %get3A_574 = tpu.vector_load %arg9[%get3A_572, %get3A_573] {strides = array<i32>} : memref<128x64xi32, #tpu.memory_space<vmem>>, vector<16xi32>,
      %get3A_575 = arith.index_cast %add3A_508 : i32 to index
      %get3A_576 = arith.constant 48 : index
      %get3A_577 = tpu.vector_load %arg11[%get3A_575, %get3A_576] {strides = array<i32>} : memref<128x64xi32, #tpu.memory_space<vmem>>, vector<16xi32>,
      %bitcast3A_578 = vector.bitcast %get3A_574 : vector<16xi32> to vector<32xbf16>
      %bitcast3A_579 = vector.bitcast %get3A_577 : vector<16xi32> to vector<32xbf16>
      %add3A_580 = arith.addf %bitcast3A_578, %bitcast3A_579 : vector<32xbf16>
      %max3A_581 = arith.maximumf %add3A_580, %broadcast_in_dim3A_80 : vector<32xbf16>
      %bitcast3A_582 = vector.bitcast %max3A_581 : vector<32xbf16> to vector<16xi32>
      %shift_left3A_583 = arith.constant 16 : i32
      %shift_left3A_584 = vector.broadcast %shift_left3A_583 : i32 to vector<16xi32>
      %shift_left3A_585 = arith.shli %bitcast3A_582, %shift_left3A_584 : vector<16xi32>
      %bitcast3A_586 = vector.bitcast %shift_left3A_585 : vector<16xi32> to vector<16xf32>
      %and3A_587 = arith.andi %bitcast3A_582, %broadcast_in_dim3A_84 : vector<16xi32>
      %bitcast3A_588 = vector.bitcast %and3A_587 : vector<16xi32> to vector<16xf32>
      %mul3A_589 = arith.mulf %bitcast3A_586, %get3A_11 : vector<16xf32>
      %add3A_590 = arith.addf %add3A_569, %mul3A_589 : vector<16xf32>
      %mul3A_591 = arith.mulf %bitcast3A_588, %get3A_19 : vector<16xf32>
      %add3A_592 = arith.addf %add3A_571, %mul3A_591 : vector<16xf32>
      %add3A_593 = arith.addf %add3A_590, %add3A_592 : vector<16xf32>
      %mul3A_594 = arith.constant 8 : i32
      %mul3A_595 = arith.muli %scan3A_149, %mul3A_594 : i32
      %add3A_596 = arith.constant 5 : i32
      %add3A_597 = arith.addi %mul3A_595, %add3A_596 : i32
      %get3A_598 = arith.index_cast %add3A_597 : i32 to index
      %get3A_599 = arith.constant 0 : index
      %get3A_600 = tpu.vector_load %arg9[%get3A_598, %get3A_599] {strides = array<i32>} : memref<128x64xi32, #tpu.memory_space<vmem>>, vector<16xi32>,
      %get3A_601 = arith.index_cast %add3A_597 : i32 to index
      %get3A_602 = arith.constant 0 : index
      %get3A_603 = tpu.vector_load %arg11[%get3A_601, %get3A_602] {strides = array<i32>} : memref<128x64xi32, #tpu.memory_space<vmem>>, vector<16xi32>,
      %bitcast3A_604 = vector.bitcast %get3A_600 : vector<16xi32> to vector<32xbf16>
      %bitcast3A_605 = vector.bitcast %get3A_603 : vector<16xi32> to vector<32xbf16>
      %add3A_606 = arith.addf %bitcast3A_604, %bitcast3A_605 : vector<32xbf16>
      %max3A_607 = arith.maximumf %add3A_606, %broadcast_in_dim3A_80 : vector<32xbf16>
      %bitcast3A_608 = vector.bitcast %max3A_607 : vector<32xbf16> to vector<16xi32>
      %shift_left3A_609 = arith.constant 16 : i32
      %shift_left3A_610 = vector.broadcast %shift_left3A_609 : i32 to vector<16xi32>
      %shift_left3A_611 = arith.shli %bitcast3A_608, %shift_left3A_610 : vector<16xi32>
      %bitcast3A_612 = vector.bitcast %shift_left3A_611 : vector<16xi32> to vector<16xf32>
      %and3A_613 = arith.andi %bitcast3A_608, %broadcast_in_dim3A_84 : vector<16xi32>
      %bitcast3A_614 = vector.bitcast %and3A_613 : vector<16xi32> to vector<16xf32>
      %mul3A_615 = arith.mulf %bitcast3A_612, %get3A_5 : vector<16xf32>
      %add3A_616 = arith.addf %get3A_21, %mul3A_615 : vector<16xf32>
      %mul3A_617 = arith.mulf %bitcast3A_614, %get3A_13 : vector<16xf32>
      %add3A_618 = arith.addf %broadcast_in_dim3A_78, %mul3A_617 : vector<16xf32>
      %get3A_619 = arith.index_cast %add3A_597 : i32 to index
      %get3A_620 = arith.constant 16 : index
      %get3A_621 = tpu.vector_load %arg9[%get3A_619, %get3A_620] {strides = array<i32>} : memref<128x64xi32, #tpu.memory_space<vmem>>, vector<16xi32>,
      %get3A_622 = arith.index_cast %add3A_597 : i32 to index
      %get3A_623 = arith.constant 16 : index
      %get3A_624 = tpu.vector_load %arg11[%get3A_622, %get3A_623] {strides = array<i32>} : memref<128x64xi32, #tpu.memory_space<vmem>>, vector<16xi32>,
      %bitcast3A_625 = vector.bitcast %get3A_621 : vector<16xi32> to vector<32xbf16>
      %bitcast3A_626 = vector.bitcast %get3A_624 : vector<16xi32> to vector<32xbf16>
      %add3A_627 = arith.addf %bitcast3A_625, %bitcast3A_626 : vector<32xbf16>
      %max3A_628 = arith.maximumf %add3A_627, %broadcast_in_dim3A_80 : vector<32xbf16>
      %bitcast3A_629 = vector.bitcast %max3A_628 : vector<32xbf16> to vector<16xi32>
      %shift_left3A_630 = arith.constant 16 : i32
      %shift_left3A_631 = vector.broadcast %shift_left3A_630 : i32 to vector<16xi32>
      %shift_left3A_632 = arith.shli %bitcast3A_629, %shift_left3A_631 : vector<16xi32>
      %bitcast3A_633 = vector.bitcast %shift_left3A_632 : vector<16xi32> to vector<16xf32>
      %and3A_634 = arith.andi %bitcast3A_629, %broadcast_in_dim3A_84 : vector<16xi32>
      %bitcast3A_635 = vector.bitcast %and3A_634 : vector<16xi32> to vector<16xf32>
      %mul3A_636 = arith.mulf %bitcast3A_633, %get3A_7 : vector<16xf32>
      %add3A_637 = arith.addf %add3A_616, %mul3A_636 : vector<16xf32>
      %mul3A_638 = arith.mulf %bitcast3A_635, %get3A_15 : vector<16xf32>
      %add3A_639 = arith.addf %add3A_618, %mul3A_638 : vector<16xf32>
      %get3A_640 = arith.index_cast %add3A_597 : i32 to index
      %get3A_641 = arith.constant 32 : index
      %get3A_642 = tpu.vector_load %arg9[%get3A_640, %get3A_641] {strides = array<i32>} : memref<128x64xi32, #tpu.memory_space<vmem>>, vector<16xi32>,
      %get3A_643 = arith.index_cast %add3A_597 : i32 to index
      %get3A_644 = arith.constant 32 : index
      %get3A_645 = tpu.vector_load %arg11[%get3A_643, %get3A_644] {strides = array<i32>} : memref<128x64xi32, #tpu.memory_space<vmem>>, vector<16xi32>,
      %bitcast3A_646 = vector.bitcast %get3A_642 : vector<16xi32> to vector<32xbf16>
      %bitcast3A_647 = vector.bitcast %get3A_645 : vector<16xi32> to vector<32xbf16>
      %add3A_648 = arith.addf %bitcast3A_646, %bitcast3A_647 : vector<32xbf16>
      %max3A_649 = arith.maximumf %add3A_648, %broadcast_in_dim3A_80 : vector<32xbf16>
      %bitcast3A_650 = vector.bitcast %max3A_649 : vector<32xbf16> to vector<16xi32>
      %shift_left3A_651 = arith.constant 16 : i32
      %shift_left3A_652 = vector.broadcast %shift_left3A_651 : i32 to vector<16xi32>
      %shift_left3A_653 = arith.shli %bitcast3A_650, %shift_left3A_652 : vector<16xi32>
      %bitcast3A_654 = vector.bitcast %shift_left3A_653 : vector<16xi32> to vector<16xf32>
      %and3A_655 = arith.andi %bitcast3A_650, %broadcast_in_dim3A_84 : vector<16xi32>
      %bitcast3A_656 = vector.bitcast %and3A_655 : vector<16xi32> to vector<16xf32>
      %mul3A_657 = arith.mulf %bitcast3A_654, %get3A_9 : vector<16xf32>
      %add3A_658 = arith.addf %add3A_637, %mul3A_657 : vector<16xf32>
      %mul3A_659 = arith.mulf %bitcast3A_656, %get3A_17 : vector<16xf32>
      %add3A_660 = arith.addf %add3A_639, %mul3A_659 : vector<16xf32>
      %get3A_661 = arith.index_cast %add3A_597 : i32 to index
      %get3A_662 = arith.constant 48 : index
      %get3A_663 = tpu.vector_load %arg9[%get3A_661, %get3A_662] {strides = array<i32>} : memref<128x64xi32, #tpu.memory_space<vmem>>, vector<16xi32>,
      %get3A_664 = arith.index_cast %add3A_597 : i32 to index
      %get3A_665 = arith.constant 48 : index
      %get3A_666 = tpu.vector_load %arg11[%get3A_664, %get3A_665] {strides = array<i32>} : memref<128x64xi32, #tpu.memory_space<vmem>>, vector<16xi32>,
      %bitcast3A_667 = vector.bitcast %get3A_663 : vector<16xi32> to vector<32xbf16>
      %bitcast3A_668 = vector.bitcast %get3A_666 : vector<16xi32> to vector<32xbf16>
      %add3A_669 = arith.addf %bitcast3A_667, %bitcast3A_668 : vector<32xbf16>
      %max3A_670 = arith.maximumf %add3A_669, %broadcast_in_dim3A_80 : vector<32xbf16>
      %bitcast3A_671 = vector.bitcast %max3A_670 : vector<32xbf16> to vector<16xi32>
      %shift_left3A_672 = arith.constant 16 : i32
      %shift_left3A_673 = vector.broadcast %shift_left3A_672 : i32 to vector<16xi32>
      %shift_left3A_674 = arith.shli %bitcast3A_671, %shift_left3A_673 : vector<16xi32>
      %bitcast3A_675 = vector.bitcast %shift_left3A_674 : vector<16xi32> to vector<16xf32>
      %and3A_676 = arith.andi %bitcast3A_671, %broadcast_in_dim3A_84 : vector<16xi32>
      %bitcast3A_677 = vector.bitcast %and3A_676 : vector<16xi32> to vector<16xf32>
      %mul3A_678 = arith.mulf %bitcast3A_675, %get3A_11 : vector<16xf32>
      %add3A_679 = arith.addf %add3A_658, %mul3A_678 : vector<16xf32>
      %mul3A_680 = arith.mulf %bitcast3A_677, %get3A_19 : vector<16xf32>
      %add3A_681 = arith.addf %add3A_660, %mul3A_680 : vector<16xf32>
      %add3A_682 = arith.addf %add3A_679, %add3A_681 : vector<16xf32>
      %mul3A_683 = arith.constant 8 : i32
      %mul3A_684 = arith.muli %scan3A_149, %mul3A_683 : i32
      %add3A_685 = arith.constant 6 : i32
      %add3A_686 = arith.addi %mul3A_684, %add3A_685 : i32
      %get3A_687 = arith.index_cast %add3A_686 : i32 to index
      %get3A_688 = arith.constant 0 : index
      %get3A_689 = tpu.vector_load %arg9[%get3A_687, %get3A_688] {strides = array<i32>} : memref<128x64xi32, #tpu.memory_space<vmem>>, vector<16xi32>,
      %get3A_690 = arith.index_cast %add3A_686 : i32 to index
      %get3A_691 = arith.constant 0 : index
      %get3A_692 = tpu.vector_load %arg11[%get3A_690, %get3A_691] {strides = array<i32>} : memref<128x64xi32, #tpu.memory_space<vmem>>, vector<16xi32>,
      %bitcast3A_693 = vector.bitcast %get3A_689 : vector<16xi32> to vector<32xbf16>
      %bitcast3A_694 = vector.bitcast %get3A_692 : vector<16xi32> to vector<32xbf16>
      %add3A_695 = arith.addf %bitcast3A_693, %bitcast3A_694 : vector<32xbf16>
      %max3A_696 = arith.maximumf %add3A_695, %broadcast_in_dim3A_80 : vector<32xbf16>
      %bitcast3A_697 = vector.bitcast %max3A_696 : vector<32xbf16> to vector<16xi32>
      %shift_left3A_698 = arith.constant 16 : i32
      %shift_left3A_699 = vector.broadcast %shift_left3A_698 : i32 to vector<16xi32>
      %shift_left3A_700 = arith.shli %bitcast3A_697, %shift_left3A_699 : vector<16xi32>
      %bitcast3A_701 = vector.bitcast %shift_left3A_700 : vector<16xi32> to vector<16xf32>
      %and3A_702 = arith.andi %bitcast3A_697, %broadcast_in_dim3A_84 : vector<16xi32>
      %bitcast3A_703 = vector.bitcast %and3A_702 : vector<16xi32> to vector<16xf32>
      %mul3A_704 = arith.mulf %bitcast3A_701, %get3A_5 : vector<16xf32>
      %add3A_705 = arith.addf %get3A_21, %mul3A_704 : vector<16xf32>
      %mul3A_706 = arith.mulf %bitcast3A_703, %get3A_13 : vector<16xf32>
      %add3A_707 = arith.addf %broadcast_in_dim3A_78, %mul3A_706 : vector<16xf32>
      %get3A_708 = arith.index_cast %add3A_686 : i32 to index
      %get3A_709 = arith.constant 16 : index
      %get3A_710 = tpu.vector_load %arg9[%get3A_708, %get3A_709] {strides = array<i32>} : memref<128x64xi32, #tpu.memory_space<vmem>>, vector<16xi32>,
      %get3A_711 = arith.index_cast %add3A_686 : i32 to index
      %get3A_712 = arith.constant 16 : index
      %get3A_713 = tpu.vector_load %arg11[%get3A_711, %get3A_712] {strides = array<i32>} : memref<128x64xi32, #tpu.memory_space<vmem>>, vector<16xi32>,
      %bitcast3A_714 = vector.bitcast %get3A_710 : vector<16xi32> to vector<32xbf16>
      %bitcast3A_715 = vector.bitcast %get3A_713 : vector<16xi32> to vector<32xbf16>
      %add3A_716 = arith.addf %bitcast3A_714, %bitcast3A_715 : vector<32xbf16>
      %max3A_717 = arith.maximumf %add3A_716, %broadcast_in_dim3A_80 : vector<32xbf16>
      %bitcast3A_718 = vector.bitcast %max3A_717 : vector<32xbf16> to vector<16xi32>
      %shift_left3A_719 = arith.constant 16 : i32
      %shift_left3A_720 = vector.broadcast %shift_left3A_719 : i32 to vector<16xi32>
      %shift_left3A_721 = arith.shli %bitcast3A_718, %shift_left3A_720 : vector<16xi32>
      %bitcast3A_722 = vector.bitcast %shift_left3A_721 : vector<16xi32> to vector<16xf32>
      %and3A_723 = arith.andi %bitcast3A_718, %broadcast_in_dim3A_84 : vector<16xi32>
      %bitcast3A_724 = vector.bitcast %and3A_723 : vector<16xi32> to vector<16xf32>
      %mul3A_725 = arith.mulf %bitcast3A_722, %get3A_7 : vector<16xf32>
      %add3A_726 = arith.addf %add3A_705, %mul3A_725 : vector<16xf32>
      %mul3A_727 = arith.mulf %bitcast3A_724, %get3A_15 : vector<16xf32>
      %add3A_728 = arith.addf %add3A_707, %mul3A_727 : vector<16xf32>
      %get3A_729 = arith.index_cast %add3A_686 : i32 to index
      %get3A_730 = arith.constant 32 : index
      %get3A_731 = tpu.vector_load %arg9[%get3A_729, %get3A_730] {strides = array<i32>} : memref<128x64xi32, #tpu.memory_space<vmem>>, vector<16xi32>,
      %get3A_732 = arith.index_cast %add3A_686 : i32 to index
      %get3A_733 = arith.constant 32 : index
      %get3A_734 = tpu.vector_load %arg11[%get3A_732, %get3A_733] {strides = array<i32>} : memref<128x64xi32, #tpu.memory_space<vmem>>, vector<16xi32>,
      %bitcast3A_735 = vector.bitcast %get3A_731 : vector<16xi32> to vector<32xbf16>
      %bitcast3A_736 = vector.bitcast %get3A_734 : vector<16xi32> to vector<32xbf16>
      %add3A_737 = arith.addf %bitcast3A_735, %bitcast3A_736 : vector<32xbf16>
      %max3A_738 = arith.maximumf %add3A_737, %broadcast_in_dim3A_80 : vector<32xbf16>
      %bitcast3A_739 = vector.bitcast %max3A_738 : vector<32xbf16> to vector<16xi32>
      %shift_left3A_740 = arith.constant 16 : i32
      %shift_left3A_741 = vector.broadcast %shift_left3A_740 : i32 to vector<16xi32>
      %shift_left3A_742 = arith.shli %bitcast3A_739, %shift_left3A_741 : vector<16xi32>
      %bitcast3A_743 = vector.bitcast %shift_left3A_742 : vector<16xi32> to vector<16xf32>
      %and3A_744 = arith.andi %bitcast3A_739, %broadcast_in_dim3A_84 : vector<16xi32>
      %bitcast3A_745 = vector.bitcast %and3A_744 : vector<16xi32> to vector<16xf32>
      %mul3A_746 = arith.mulf %bitcast3A_743, %get3A_9 : vector<16xf32>
      %add3A_747 = arith.addf %add3A_726, %mul3A_746 : vector<16xf32>
      %mul3A_748 = arith.mulf %bitcast3A_745, %get3A_17 : vector<16xf32>
      %add3A_749 = arith.addf %add3A_728, %mul3A_748 : vector<16xf32>
      %get3A_750 = arith.index_cast %add3A_686 : i32 to index
      %get3A_751 = arith.constant 48 : index
      %get3A_752 = tpu.vector_load %arg9[%get3A_750, %get3A_751] {strides = array<i32>} : memref<128x64xi32, #tpu.memory_space<vmem>>, vector<16xi32>,
      %get3A_753 = arith.index_cast %add3A_686 : i32 to index
      %get3A_754 = arith.constant 48 : index
      %get3A_755 = tpu.vector_load %arg11[%get3A_753, %get3A_754] {strides = array<i32>} : memref<128x64xi32, #tpu.memory_space<vmem>>, vector<16xi32>,
      %bitcast3A_756 = vector.bitcast %get3A_752 : vector<16xi32> to vector<32xbf16>
      %bitcast3A_757 = vector.bitcast %get3A_755 : vector<16xi32> to vector<32xbf16>
      %add3A_758 = arith.addf %bitcast3A_756, %bitcast3A_757 : vector<32xbf16>
      %max3A_759 = arith.maximumf %add3A_758, %broadcast_in_dim3A_80 : vector<32xbf16>
      %bitcast3A_760 = vector.bitcast %max3A_759 : vector<32xbf16> to vector<16xi32>
      %shift_left3A_761 = arith.constant 16 : i32
      %shift_left3A_762 = vector.broadcast %shift_left3A_761 : i32 to vector<16xi32>
      %shift_left3A_763 = arith.shli %bitcast3A_760, %shift_left3A_762 : vector<16xi32>
      %bitcast3A_764 = vector.bitcast %shift_left3A_763 : vector<16xi32> to vector<16xf32>
      %and3A_765 = arith.andi %bitcast3A_760, %broadcast_in_dim3A_84 : vector<16xi32>
      %bitcast3A_766 = vector.bitcast %and3A_765 : vector<16xi32> to vector<16xf32>
      %mul3A_767 = arith.mulf %bitcast3A_764, %get3A_11 : vector<16xf32>
      %add3A_768 = arith.addf %add3A_747, %mul3A_767 : vector<16xf32>
      %mul3A_769 = arith.mulf %bitcast3A_766, %get3A_19 : vector<16xf32>
      %add3A_770 = arith.addf %add3A_749, %mul3A_769 : vector<16xf32>
      %add3A_771 = arith.addf %add3A_768, %add3A_770 : vector<16xf32>
      %mul3A_772 = arith.constant 8 : i32
      %mul3A_773 = arith.muli %scan3A_149, %mul3A_772 : i32
      %add3A_774 = arith.constant 7 : i32
      %add3A_775 = arith.addi %mul3A_773, %add3A_774 : i32
      %get3A_776 = arith.index_cast %add3A_775 : i32 to index
      %get3A_777 = arith.constant 0 : index
      %get3A_778 = tpu.vector_load %arg9[%get3A_776, %get3A_777] {strides = array<i32>} : memref<128x64xi32, #tpu.memory_space<vmem>>, vector<16xi32>,
      %get3A_779 = arith.index_cast %add3A_775 : i32 to index
      %get3A_780 = arith.constant 0 : index
      %get3A_781 = tpu.vector_load %arg11[%get3A_779, %get3A_780] {strides = array<i32>} : memref<128x64xi32, #tpu.memory_space<vmem>>, vector<16xi32>,
      %bitcast3A_782 = vector.bitcast %get3A_778 : vector<16xi32> to vector<32xbf16>
      %bitcast3A_783 = vector.bitcast %get3A_781 : vector<16xi32> to vector<32xbf16>
      %add3A_784 = arith.addf %bitcast3A_782, %bitcast3A_783 : vector<32xbf16>
      %max3A_785 = arith.maximumf %add3A_784, %broadcast_in_dim3A_80 : vector<32xbf16>
      %bitcast3A_786 = vector.bitcast %max3A_785 : vector<32xbf16> to vector<16xi32>
      %shift_left3A_787 = arith.constant 16 : i32
      %shift_left3A_788 = vector.broadcast %shift_left3A_787 : i32 to vector<16xi32>
      %shift_left3A_789 = arith.shli %bitcast3A_786, %shift_left3A_788 : vector<16xi32>
      %bitcast3A_790 = vector.bitcast %shift_left3A_789 : vector<16xi32> to vector<16xf32>
      %and3A_791 = arith.andi %bitcast3A_786, %broadcast_in_dim3A_84 : vector<16xi32>
      %bitcast3A_792 = vector.bitcast %and3A_791 : vector<16xi32> to vector<16xf32>
      %mul3A_793 = arith.mulf %bitcast3A_790, %get3A_5 : vector<16xf32>
      %add3A_794 = arith.addf %get3A_21, %mul3A_793 : vector<16xf32>
      %mul3A_795 = arith.mulf %bitcast3A_792, %get3A_13 : vector<16xf32>
      %add3A_796 = arith.addf %broadcast_in_dim3A_78, %mul3A_795 : vector<16xf32>
      %get3A_797 = arith.index_cast %add3A_775 : i32 to index
      %get3A_798 = arith.constant 16 : index
      %get3A_799 = tpu.vector_load %arg9[%get3A_797, %get3A_798] {strides = array<i32>} : memref<128x64xi32, #tpu.memory_space<vmem>>, vector<16xi32>,
      %get3A_800 = arith.index_cast %add3A_775 : i32 to index
      %get3A_801 = arith.constant 16 : index
      %get3A_802 = tpu.vector_load %arg11[%get3A_800, %get3A_801] {strides = array<i32>} : memref<128x64xi32, #tpu.memory_space<vmem>>, vector<16xi32>,
      %bitcast3A_803 = vector.bitcast %get3A_799 : vector<16xi32> to vector<32xbf16>
      %bitcast3A_804 = vector.bitcast %get3A_802 : vector<16xi32> to vector<32xbf16>
      %add3A_805 = arith.addf %bitcast3A_803, %bitcast3A_804 : vector<32xbf16>
      %max3A_806 = arith.maximumf %add3A_805, %broadcast_in_dim3A_80 : vector<32xbf16>
      %bitcast3A_807 = vector.bitcast %max3A_806 : vector<32xbf16> to vector<16xi32>
      %shift_left3A_808 = arith.constant 16 : i32
      %shift_left3A_809 = vector.broadcast %shift_left3A_808 : i32 to vector<16xi32>
      %shift_left3A_810 = arith.shli %bitcast3A_807, %shift_left3A_809 : vector<16xi32>
      %bitcast3A_811 = vector.bitcast %shift_left3A_810 : vector<16xi32> to vector<16xf32>
      %and3A_812 = arith.andi %bitcast3A_807, %broadcast_in_dim3A_84 : vector<16xi32>
      %bitcast3A_813 = vector.bitcast %and3A_812 : vector<16xi32> to vector<16xf32>
      %mul3A_814 = arith.mulf %bitcast3A_811, %get3A_7 : vector<16xf32>
      %add3A_815 = arith.addf %add3A_794, %mul3A_814 : vector<16xf32>
      %mul3A_816 = arith.mulf %bitcast3A_813, %get3A_15 : vector<16xf32>
      %add3A_817 = arith.addf %add3A_796, %mul3A_816 : vector<16xf32>
      %get3A_818 = arith.index_cast %add3A_775 : i32 to index
      %get3A_819 = arith.constant 32 : index
      %get3A_820 = tpu.vector_load %arg9[%get3A_818, %get3A_819] {strides = array<i32>} : memref<128x64xi32, #tpu.memory_space<vmem>>, vector<16xi32>,
      %get3A_821 = arith.index_cast %add3A_775 : i32 to index
      %get3A_822 = arith.constant 32 : index
      %get3A_823 = tpu.vector_load %arg11[%get3A_821, %get3A_822] {strides = array<i32>} : memref<128x64xi32, #tpu.memory_space<vmem>>, vector<16xi32>,
      %bitcast3A_824 = vector.bitcast %get3A_820 : vector<16xi32> to vector<32xbf16>
      %bitcast3A_825 = vector.bitcast %get3A_823 : vector<16xi32> to vector<32xbf16>
      %add3A_826 = arith.addf %bitcast3A_824, %bitcast3A_825 : vector<32xbf16>
      %max3A_827 = arith.maximumf %add3A_826, %broadcast_in_dim3A_80 : vector<32xbf16>
      %bitcast3A_828 = vector.bitcast %max3A_827 : vector<32xbf16> to vector<16xi32>
      %shift_left3A_829 = arith.constant 16 : i32
      %shift_left3A_830 = vector.broadcast %shift_left3A_829 : i32 to vector<16xi32>
      %shift_left3A_831 = arith.shli %bitcast3A_828, %shift_left3A_830 : vector<16xi32>
      %bitcast3A_832 = vector.bitcast %shift_left3A_831 : vector<16xi32> to vector<16xf32>
      %and3A_833 = arith.andi %bitcast3A_828, %broadcast_in_dim3A_84 : vector<16xi32>
      %bitcast3A_834 = vector.bitcast %and3A_833 : vector<16xi32> to vector<16xf32>
      %mul3A_835 = arith.mulf %bitcast3A_832, %get3A_9 : vector<16xf32>
      %add3A_836 = arith.addf %add3A_815, %mul3A_835 : vector<16xf32>
      %mul3A_837 = arith.mulf %bitcast3A_834, %get3A_17 : vector<16xf32>
      %add3A_838 = arith.addf %add3A_817, %mul3A_837 : vector<16xf32>
      %get3A_839 = arith.index_cast %add3A_775 : i32 to index
      %get3A_840 = arith.constant 48 : index
      %get3A_841 = tpu.vector_load %arg9[%get3A_839, %get3A_840] {strides = array<i32>} : memref<128x64xi32, #tpu.memory_space<vmem>>, vector<16xi32>,
      %get3A_842 = arith.index_cast %add3A_775 : i32 to index
      %get3A_843 = arith.constant 48 : index
      %get3A_844 = tpu.vector_load %arg11[%get3A_842, %get3A_843] {strides = array<i32>} : memref<128x64xi32, #tpu.memory_space<vmem>>, vector<16xi32>,
      %bitcast3A_845 = vector.bitcast %get3A_841 : vector<16xi32> to vector<32xbf16>
      %bitcast3A_846 = vector.bitcast %get3A_844 : vector<16xi32> to vector<32xbf16>
      %add3A_847 = arith.addf %bitcast3A_845, %bitcast3A_846 : vector<32xbf16>
      %max3A_848 = arith.maximumf %add3A_847, %broadcast_in_dim3A_80 : vector<32xbf16>
      %bitcast3A_849 = vector.bitcast %max3A_848 : vector<32xbf16> to vector<16xi32>
      %shift_left3A_850 = arith.constant 16 : i32
      %shift_left3A_851 = vector.broadcast %shift_left3A_850 : i32 to vector<16xi32>
      %shift_left3A_852 = arith.shli %bitcast3A_849, %shift_left3A_851 : vector<16xi32>
      %bitcast3A_853 = vector.bitcast %shift_left3A_852 : vector<16xi32> to vector<16xf32>
      %and3A_854 = arith.andi %bitcast3A_849, %broadcast_in_dim3A_84 : vector<16xi32>
      %bitcast3A_855 = vector.bitcast %and3A_854 : vector<16xi32> to vector<16xf32>
      %mul3A_856 = arith.mulf %bitcast3A_853, %get3A_11 : vector<16xf32>
      %add3A_857 = arith.addf %add3A_836, %mul3A_856 : vector<16xf32>
      %mul3A_858 = arith.mulf %bitcast3A_855, %get3A_19 : vector<16xf32>
      %add3A_859 = arith.addf %add3A_838, %mul3A_858 : vector<16xf32>
      %add3A_860 = arith.addf %add3A_857, %add3A_859 : vector<16xf32>
      %lt3A = arith.constant 0 : i32
      %lt3A_861 = vector.broadcast %lt3A : i32 to vector<16xi32>
      %lt3A_862 = arith.cmpi slt, %xor3A_23, %lt3A_861 : vector<16xi32>
      %add3A_863 = arith.constant 16 : i32
      %add3A_864 = vector.broadcast %add3A_863 : i32 to vector<16xi32>
      %add3A_865 = arith.addi %xor3A_23, %add3A_864 : vector<16xi32>
      %select_n3A = arith.select %lt3A_862, %add3A_865, %xor3A_23 : vector<16xi1>, vector<16xi32>
      %broadcast_in_dim3A_866 = vector.shape_cast %select_n3A : vector<16xi32> to vector<16x1xi32>
      %gather3A = vector.shape_cast %broadcast_in_dim3A_866 : vector<16x1xi32> to vector<16xi32>
      %gather3A_867 = tpu.dynamic_gather %add3A_237[%gather3A] in [0] : vector<16xf32>, vector<16xi32> -> vector<16xf32>
      %add3A_868 = arith.addf %add3A_237, %gather3A_867 : vector<16xf32>
      %lt3A_869 = arith.constant 0 : i32
      %lt3A_870 = vector.broadcast %lt3A_869 : i32 to vector<16xi32>
      %lt3A_871 = arith.cmpi slt, %xor3A_23, %lt3A_870 : vector<16xi32>
      %add3A_872 = arith.constant 16 : i32
      %add3A_873 = vector.broadcast %add3A_872 : i32 to vector<16xi32>
      %add3A_874 = arith.addi %xor3A_23, %add3A_873 : vector<16xi32>
      %select_n3A_875 = arith.select %lt3A_871, %add3A_874, %xor3A_23 : vector<16xi1>, vector<16xi32>
      %broadcast_in_dim3A_876 = vector.shape_cast %select_n3A_875 : vector<16xi32> to vector<16x1xi32>
      %gather3A_877 = vector.shape_cast %broadcast_in_dim3A_876 : vector<16x1xi32> to vector<16xi32>
      %gather3A_878 = tpu.dynamic_gather %add3A_326[%gather3A_877] in [0] : vector<16xf32>, vector<16xi32> -> vector<16xf32>
      %add3A_879 = arith.addf %add3A_326, %gather3A_878 : vector<16xf32>
      %lt3A_880 = arith.constant 0 : i32
      %lt3A_881 = vector.broadcast %lt3A_880 : i32 to vector<16xi32>
      %lt3A_882 = arith.cmpi slt, %xor3A_23, %lt3A_881 : vector<16xi32>
      %add3A_883 = arith.constant 16 : i32
      %add3A_884 = vector.broadcast %add3A_883 : i32 to vector<16xi32>
      %add3A_885 = arith.addi %xor3A_23, %add3A_884 : vector<16xi32>
      %select_n3A_886 = arith.select %lt3A_882, %add3A_885, %xor3A_23 : vector<16xi1>, vector<16xi32>
      %broadcast_in_dim3A_887 = vector.shape_cast %select_n3A_886 : vector<16xi32> to vector<16x1xi32>
      %gather3A_888 = vector.shape_cast %broadcast_in_dim3A_887 : vector<16x1xi32> to vector<16xi32>
      %gather3A_889 = tpu.dynamic_gather %add3A_879[%gather3A_888] in [0] : vector<16xf32>, vector<16xi32> -> vector<16xf32>
      %select_n3A_890 = arith.select %eq3A_36, %add3A_868, %gather3A_889 : vector<16xi1>, vector<16xf32>
      %lt3A_891 = arith.constant 0 : i32
      %lt3A_892 = vector.broadcast %lt3A_891 : i32 to vector<16xi32>
      %lt3A_893 = arith.cmpi slt, %xor3A_23, %lt3A_892 : vector<16xi32>
      %add3A_894 = arith.constant 16 : i32
      %add3A_895 = vector.broadcast %add3A_894 : i32 to vector<16xi32>
      %add3A_896 = arith.addi %xor3A_23, %add3A_895 : vector<16xi32>
      %select_n3A_897 = arith.select %lt3A_893, %add3A_896, %xor3A_23 : vector<16xi1>, vector<16xi32>
      %broadcast_in_dim3A_898 = vector.shape_cast %select_n3A_897 : vector<16xi32> to vector<16x1xi32>
      %gather3A_899 = vector.shape_cast %broadcast_in_dim3A_898 : vector<16x1xi32> to vector<16xi32>
      %gather3A_900 = tpu.dynamic_gather %add3A_415[%gather3A_899] in [0] : vector<16xf32>, vector<16xi32> -> vector<16xf32>
      %add3A_901 = arith.addf %add3A_415, %gather3A_900 : vector<16xf32>
      %lt3A_902 = arith.constant 0 : i32
      %lt3A_903 = vector.broadcast %lt3A_902 : i32 to vector<16xi32>
      %lt3A_904 = arith.cmpi slt, %xor3A_23, %lt3A_903 : vector<16xi32>
      %add3A_905 = arith.constant 16 : i32
      %add3A_906 = vector.broadcast %add3A_905 : i32 to vector<16xi32>
      %add3A_907 = arith.addi %xor3A_23, %add3A_906 : vector<16xi32>
      %select_n3A_908 = arith.select %lt3A_904, %add3A_907, %xor3A_23 : vector<16xi1>, vector<16xi32>
      %broadcast_in_dim3A_909 = vector.shape_cast %select_n3A_908 : vector<16xi32> to vector<16x1xi32>
      %gather3A_910 = vector.shape_cast %broadcast_in_dim3A_909 : vector<16x1xi32> to vector<16xi32>
      %gather3A_911 = tpu.dynamic_gather %add3A_504[%gather3A_910] in [0] : vector<16xf32>, vector<16xi32> -> vector<16xf32>
      %add3A_912 = arith.addf %add3A_504, %gather3A_911 : vector<16xf32>
      %lt3A_913 = arith.constant 0 : i32
      %lt3A_914 = vector.broadcast %lt3A_913 : i32 to vector<16xi32>
      %lt3A_915 = arith.cmpi slt, %xor3A_23, %lt3A_914 : vector<16xi32>
      %add3A_916 = arith.constant 16 : i32
      %add3A_917 = vector.broadcast %add3A_916 : i32 to vector<16xi32>
      %add3A_918 = arith.addi %xor3A_23, %add3A_917 : vector<16xi32>
      %select_n3A_919 = arith.select %lt3A_915, %add3A_918, %xor3A_23 : vector<16xi1>, vector<16xi32>
      %broadcast_in_dim3A_920 = vector.shape_cast %select_n3A_919 : vector<16xi32> to vector<16x1xi32>
      %gather3A_921 = vector.shape_cast %broadcast_in_dim3A_920 : vector<16x1xi32> to vector<16xi32>
      %gather3A_922 = tpu.dynamic_gather %add3A_912[%gather3A_921] in [0] : vector<16xf32>, vector<16xi32> -> vector<16xf32>
      %select_n3A_923 = arith.select %eq3A_36, %add3A_901, %gather3A_922 : vector<16xi1>, vector<16xf32>
      %lt3A_924 = arith.constant 0 : i32
      %lt3A_925 = vector.broadcast %lt3A_924 : i32 to vector<16xi32>
      %lt3A_926 = arith.cmpi slt, %xor3A_23, %lt3A_925 : vector<16xi32>
      %add3A_927 = arith.constant 16 : i32
      %add3A_928 = vector.broadcast %add3A_927 : i32 to vector<16xi32>
      %add3A_929 = arith.addi %xor3A_23, %add3A_928 : vector<16xi32>
      %select_n3A_930 = arith.select %lt3A_926, %add3A_929, %xor3A_23 : vector<16xi1>, vector<16xi32>
      %broadcast_in_dim3A_931 = vector.shape_cast %select_n3A_930 : vector<16xi32> to vector<16x1xi32>
      %gather3A_932 = vector.shape_cast %broadcast_in_dim3A_931 : vector<16x1xi32> to vector<16xi32>
      %gather3A_933 = tpu.dynamic_gather %add3A_593[%gather3A_932] in [0] : vector<16xf32>, vector<16xi32> -> vector<16xf32>
      %add3A_934 = arith.addf %add3A_593, %gather3A_933 : vector<16xf32>
      %lt3A_935 = arith.constant 0 : i32
      %lt3A_936 = vector.broadcast %lt3A_935 : i32 to vector<16xi32>
      %lt3A_937 = arith.cmpi slt, %xor3A_23, %lt3A_936 : vector<16xi32>
      %add3A_938 = arith.constant 16 : i32
      %add3A_939 = vector.broadcast %add3A_938 : i32 to vector<16xi32>
      %add3A_940 = arith.addi %xor3A_23, %add3A_939 : vector<16xi32>
      %select_n3A_941 = arith.select %lt3A_937, %add3A_940, %xor3A_23 : vector<16xi1>, vector<16xi32>
      %broadcast_in_dim3A_942 = vector.shape_cast %select_n3A_941 : vector<16xi32> to vector<16x1xi32>
      %gather3A_943 = vector.shape_cast %broadcast_in_dim3A_942 : vector<16x1xi32> to vector<16xi32>
      %gather3A_944 = tpu.dynamic_gather %add3A_682[%gather3A_943] in [0] : vector<16xf32>, vector<16xi32> -> vector<16xf32>
      %add3A_945 = arith.addf %add3A_682, %gather3A_944 : vector<16xf32>
      %lt3A_946 = arith.constant 0 : i32
      %lt3A_947 = vector.broadcast %lt3A_946 : i32 to vector<16xi32>
      %lt3A_948 = arith.cmpi slt, %xor3A_23, %lt3A_947 : vector<16xi32>
      %add3A_949 = arith.constant 16 : i32
      %add3A_950 = vector.broadcast %add3A_949 : i32 to vector<16xi32>
      %add3A_951 = arith.addi %xor3A_23, %add3A_950 : vector<16xi32>
      %select_n3A_952 = arith.select %lt3A_948, %add3A_951, %xor3A_23 : vector<16xi1>, vector<16xi32>
      %broadcast_in_dim3A_953 = vector.shape_cast %select_n3A_952 : vector<16xi32> to vector<16x1xi32>
      %gather3A_954 = vector.shape_cast %broadcast_in_dim3A_953 : vector<16x1xi32> to vector<16xi32>
      %gather3A_955 = tpu.dynamic_gather %add3A_945[%gather3A_954] in [0] : vector<16xf32>, vector<16xi32> -> vector<16xf32>
      %select_n3A_956 = arith.select %eq3A_36, %add3A_934, %gather3A_955 : vector<16xi1>, vector<16xf32>
      %lt3A_957 = arith.constant 0 : i32
      %lt3A_958 = vector.broadcast %lt3A_957 : i32 to vector<16xi32>
      %lt3A_959 = arith.cmpi slt, %xor3A_23, %lt3A_958 : vector<16xi32>
      %add3A_960 = arith.constant 16 : i32
      %add3A_961 = vector.broadcast %add3A_960 : i32 to vector<16xi32>
      %add3A_962 = arith.addi %xor3A_23, %add3A_961 : vector<16xi32>
      %select_n3A_963 = arith.select %lt3A_959, %add3A_962, %xor3A_23 : vector<16xi1>, vector<16xi32>
      %broadcast_in_dim3A_964 = vector.shape_cast %select_n3A_963 : vector<16xi32> to vector<16x1xi32>
      %gather3A_965 = vector.shape_cast %broadcast_in_dim3A_964 : vector<16x1xi32> to vector<16xi32>
      %gather3A_966 = tpu.dynamic_gather %add3A_771[%gather3A_965] in [0] : vector<16xf32>, vector<16xi32> -> vector<16xf32>
      %add3A_967 = arith.addf %add3A_771, %gather3A_966 : vector<16xf32>
      %lt3A_968 = arith.constant 0 : i32
      %lt3A_969 = vector.broadcast %lt3A_968 : i32 to vector<16xi32>
      %lt3A_970 = arith.cmpi slt, %xor3A_23, %lt3A_969 : vector<16xi32>
      %add3A_971 = arith.constant 16 : i32
      %add3A_972 = vector.broadcast %add3A_971 : i32 to vector<16xi32>
      %add3A_973 = arith.addi %xor3A_23, %add3A_972 : vector<16xi32>
      %select_n3A_974 = arith.select %lt3A_970, %add3A_973, %xor3A_23 : vector<16xi1>, vector<16xi32>
      %broadcast_in_dim3A_975 = vector.shape_cast %select_n3A_974 : vector<16xi32> to vector<16x1xi32>
      %gather3A_976 = vector.shape_cast %broadcast_in_dim3A_975 : vector<16x1xi32> to vector<16xi32>
      %gather3A_977 = tpu.dynamic_gather %add3A_860[%gather3A_976] in [0] : vector<16xf32>, vector<16xi32> -> vector<16xf32>
      %add3A_978 = arith.addf %add3A_860, %gather3A_977 : vector<16xf32>
      %lt3A_979 = arith.constant 0 : i32
      %lt3A_980 = vector.broadcast %lt3A_979 : i32 to vector<16xi32>
      %lt3A_981 = arith.cmpi slt, %xor3A_23, %lt3A_980 : vector<16xi32>
      %add3A_982 = arith.constant 16 : i32
      %add3A_983 = vector.broadcast %add3A_982 : i32 to vector<16xi32>
      %add3A_984 = arith.addi %xor3A_23, %add3A_983 : vector<16xi32>
      %select_n3A_985 = arith.select %lt3A_981, %add3A_984, %xor3A_23 : vector<16xi1>, vector<16xi32>
      %broadcast_in_dim3A_986 = vector.shape_cast %select_n3A_985 : vector<16xi32> to vector<16x1xi32>
      %gather3A_987 = vector.shape_cast %broadcast_in_dim3A_986 : vector<16x1xi32> to vector<16xi32>
      %gather3A_988 = tpu.dynamic_gather %add3A_978[%gather3A_987] in [0] : vector<16xf32>, vector<16xi32> -> vector<16xf32>
      %select_n3A_989 = arith.select %eq3A_36, %add3A_967, %gather3A_988 : vector<16xi1>, vector<16xf32>
      %lt3A_990 = arith.constant 0 : i32
      %lt3A_991 = vector.broadcast %lt3A_990 : i32 to vector<16xi32>
      %lt3A_992 = arith.cmpi slt, %xor3A_26, %lt3A_991 : vector<16xi32>
      %add3A_993 = arith.constant 16 : i32
      %add3A_994 = vector.broadcast %add3A_993 : i32 to vector<16xi32>
      %add3A_995 = arith.addi %xor3A_26, %add3A_994 : vector<16xi32>
      %select_n3A_996 = arith.select %lt3A_992, %add3A_995, %xor3A_26 : vector<16xi1>, vector<16xi32>
      %broadcast_in_dim3A_997 = vector.shape_cast %select_n3A_996 : vector<16xi32> to vector<16x1xi32>
      %gather3A_998 = vector.shape_cast %broadcast_in_dim3A_997 : vector<16x1xi32> to vector<16xi32>
      %gather3A_999 = tpu.dynamic_gather %select_n3A_890[%gather3A_998] in [0] : vector<16xf32>, vector<16xi32> -> vector<16xf32>
      %add3A_1000 = arith.addf %select_n3A_890, %gather3A_999 : vector<16xf32>
      %lt3A_1001 = arith.constant 0 : i32
      %lt3A_1002 = vector.broadcast %lt3A_1001 : i32 to vector<16xi32>
      %lt3A_1003 = arith.cmpi slt, %xor3A_26, %lt3A_1002 : vector<16xi32>
      %add3A_1004 = arith.constant 16 : i32
      %add3A_1005 = vector.broadcast %add3A_1004 : i32 to vector<16xi32>
      %add3A_1006 = arith.addi %xor3A_26, %add3A_1005 : vector<16xi32>
      %select_n3A_1007 = arith.select %lt3A_1003, %add3A_1006, %xor3A_26 : vector<16xi1>, vector<16xi32>
      %broadcast_in_dim3A_1008 = vector.shape_cast %select_n3A_1007 : vector<16xi32> to vector<16x1xi32>
      %gather3A_1009 = vector.shape_cast %broadcast_in_dim3A_1008 : vector<16x1xi32> to vector<16xi32>
      %gather3A_1010 = tpu.dynamic_gather %select_n3A_923[%gather3A_1009] in [0] : vector<16xf32>, vector<16xi32> -> vector<16xf32>
      %add3A_1011 = arith.addf %select_n3A_923, %gather3A_1010 : vector<16xf32>
      %lt3A_1012 = arith.constant 0 : i32
      %lt3A_1013 = vector.broadcast %lt3A_1012 : i32 to vector<16xi32>
      %lt3A_1014 = arith.cmpi slt, %xor3A_26, %lt3A_1013 : vector<16xi32>
      %add3A_1015 = arith.constant 16 : i32
      %add3A_1016 = vector.broadcast %add3A_1015 : i32 to vector<16xi32>
      %add3A_1017 = arith.addi %xor3A_26, %add3A_1016 : vector<16xi32>
      %select_n3A_1018 = arith.select %lt3A_1014, %add3A_1017, %xor3A_26 : vector<16xi1>, vector<16xi32>
      %broadcast_in_dim3A_1019 = vector.shape_cast %select_n3A_1018 : vector<16xi32> to vector<16x1xi32>
      %gather3A_1020 = vector.shape_cast %broadcast_in_dim3A_1019 : vector<16x1xi32> to vector<16xi32>
      %gather3A_1021 = tpu.dynamic_gather %add3A_1011[%gather3A_1020] in [0] : vector<16xf32>, vector<16xi32> -> vector<16xf32>
      %select_n3A_1022 = arith.select %eq3A_42, %add3A_1000, %gather3A_1021 : vector<16xi1>, vector<16xf32>
      %lt3A_1023 = arith.constant 0 : i32
      %lt3A_1024 = vector.broadcast %lt3A_1023 : i32 to vector<16xi32>
      %lt3A_1025 = arith.cmpi slt, %xor3A_26, %lt3A_1024 : vector<16xi32>
      %add3A_1026 = arith.constant 16 : i32
      %add3A_1027 = vector.broadcast %add3A_1026 : i32 to vector<16xi32>
      %add3A_1028 = arith.addi %xor3A_26, %add3A_1027 : vector<16xi32>
      %select_n3A_1029 = arith.select %lt3A_1025, %add3A_1028, %xor3A_26 : vector<16xi1>, vector<16xi32>
      %broadcast_in_dim3A_1030 = vector.shape_cast %select_n3A_1029 : vector<16xi32> to vector<16x1xi32>
      %gather3A_1031 = vector.shape_cast %broadcast_in_dim3A_1030 : vector<16x1xi32> to vector<16xi32>
      %gather3A_1032 = tpu.dynamic_gather %select_n3A_956[%gather3A_1031] in [0] : vector<16xf32>, vector<16xi32> -> vector<16xf32>
      %add3A_1033 = arith.addf %select_n3A_956, %gather3A_1032 : vector<16xf32>
      %lt3A_1034 = arith.constant 0 : i32
      %lt3A_1035 = vector.broadcast %lt3A_1034 : i32 to vector<16xi32>
      %lt3A_1036 = arith.cmpi slt, %xor3A_26, %lt3A_1035 : vector<16xi32>
      %add3A_1037 = arith.constant 16 : i32
      %add3A_1038 = vector.broadcast %add3A_1037 : i32 to vector<16xi32>
      %add3A_1039 = arith.addi %xor3A_26, %add3A_1038 : vector<16xi32>
      %select_n3A_1040 = arith.select %lt3A_1036, %add3A_1039, %xor3A_26 : vector<16xi1>, vector<16xi32>
      %broadcast_in_dim3A_1041 = vector.shape_cast %select_n3A_1040 : vector<16xi32> to vector<16x1xi32>
      %gather3A_1042 = vector.shape_cast %broadcast_in_dim3A_1041 : vector<16x1xi32> to vector<16xi32>
      %gather3A_1043 = tpu.dynamic_gather %select_n3A_989[%gather3A_1042] in [0] : vector<16xf32>, vector<16xi32> -> vector<16xf32>
      %add3A_1044 = arith.addf %select_n3A_989, %gather3A_1043 : vector<16xf32>
      %lt3A_1045 = arith.constant 0 : i32
      %lt3A_1046 = vector.broadcast %lt3A_1045 : i32 to vector<16xi32>
      %lt3A_1047 = arith.cmpi slt, %xor3A_26, %lt3A_1046 : vector<16xi32>
      %add3A_1048 = arith.constant 16 : i32
      %add3A_1049 = vector.broadcast %add3A_1048 : i32 to vector<16xi32>
      %add3A_1050 = arith.addi %xor3A_26, %add3A_1049 : vector<16xi32>
      %select_n3A_1051 = arith.select %lt3A_1047, %add3A_1050, %xor3A_26 : vector<16xi1>, vector<16xi32>
      %broadcast_in_dim3A_1052 = vector.shape_cast %select_n3A_1051 : vector<16xi32> to vector<16x1xi32>
      %gather3A_1053 = vector.shape_cast %broadcast_in_dim3A_1052 : vector<16x1xi32> to vector<16xi32>
      %gather3A_1054 = tpu.dynamic_gather %add3A_1044[%gather3A_1053] in [0] : vector<16xf32>, vector<16xi32> -> vector<16xf32>
      %select_n3A_1055 = arith.select %eq3A_42, %add3A_1033, %gather3A_1054 : vector<16xi1>, vector<16xf32>
      %lt3A_1056 = arith.constant 0 : i32
      %lt3A_1057 = vector.broadcast %lt3A_1056 : i32 to vector<16xi32>
      %lt3A_1058 = arith.cmpi slt, %xor3A_29, %lt3A_1057 : vector<16xi32>
      %add3A_1059 = arith.constant 16 : i32
      %add3A_1060 = vector.broadcast %add3A_1059 : i32 to vector<16xi32>
      %add3A_1061 = arith.addi %xor3A_29, %add3A_1060 : vector<16xi32>
      %select_n3A_1062 = arith.select %lt3A_1058, %add3A_1061, %xor3A_29 : vector<16xi1>, vector<16xi32>
      %broadcast_in_dim3A_1063 = vector.shape_cast %select_n3A_1062 : vector<16xi32> to vector<16x1xi32>
      %gather3A_1064 = vector.shape_cast %broadcast_in_dim3A_1063 : vector<16x1xi32> to vector<16xi32>
      %gather3A_1065 = tpu.dynamic_gather %select_n3A_1022[%gather3A_1064] in [0] : vector<16xf32>, vector<16xi32> -> vector<16xf32>
      %add3A_1066 = arith.addf %select_n3A_1022, %gather3A_1065 : vector<16xf32>
      %lt3A_1067 = arith.constant 0 : i32
      %lt3A_1068 = vector.broadcast %lt3A_1067 : i32 to vector<16xi32>
      %lt3A_1069 = arith.cmpi slt, %xor3A_29, %lt3A_1068 : vector<16xi32>
      %add3A_1070 = arith.constant 16 : i32
      %add3A_1071 = vector.broadcast %add3A_1070 : i32 to vector<16xi32>
      %add3A_1072 = arith.addi %xor3A_29, %add3A_1071 : vector<16xi32>
      %select_n3A_1073 = arith.select %lt3A_1069, %add3A_1072, %xor3A_29 : vector<16xi1>, vector<16xi32>
      %broadcast_in_dim3A_1074 = vector.shape_cast %select_n3A_1073 : vector<16xi32> to vector<16x1xi32>
      %gather3A_1075 = vector.shape_cast %broadcast_in_dim3A_1074 : vector<16x1xi32> to vector<16xi32>
      %gather3A_1076 = tpu.dynamic_gather %select_n3A_1055[%gather3A_1075] in [0] : vector<16xf32>, vector<16xi32> -> vector<16xf32>
      %add3A_1077 = arith.addf %select_n3A_1055, %gather3A_1076 : vector<16xf32>
      %lt3A_1078 = arith.constant 0 : i32
      %lt3A_1079 = vector.broadcast %lt3A_1078 : i32 to vector<16xi32>
      %lt3A_1080 = arith.cmpi slt, %xor3A_29, %lt3A_1079 : vector<16xi32>
      %add3A_1081 = arith.constant 16 : i32
      %add3A_1082 = vector.broadcast %add3A_1081 : i32 to vector<16xi32>
      %add3A_1083 = arith.addi %xor3A_29, %add3A_1082 : vector<16xi32>
      %select_n3A_1084 = arith.select %lt3A_1080, %add3A_1083, %xor3A_29 : vector<16xi1>, vector<16xi32>
      %broadcast_in_dim3A_1085 = vector.shape_cast %select_n3A_1084 : vector<16xi32> to vector<16x1xi32>
      %gather3A_1086 = vector.shape_cast %broadcast_in_dim3A_1085 : vector<16x1xi32> to vector<16xi32>
      %gather3A_1087 = tpu.dynamic_gather %add3A_1077[%gather3A_1086] in [0] : vector<16xf32>, vector<16xi32> -> vector<16xf32>
      %select_n3A_1088 = arith.select %eq3A_48, %add3A_1066, %gather3A_1087 : vector<16xi1>, vector<16xf32>
      %lt3A_1089 = arith.constant 0 : i32
      %lt3A_1090 = vector.broadcast %lt3A_1089 : i32 to vector<16xi32>
      %lt3A_1091 = arith.cmpi slt, %xor3A_32, %lt3A_1090 : vector<16xi32>
      %add3A_1092 = arith.constant 16 : i32
      %add3A_1093 = vector.broadcast %add3A_1092 : i32 to vector<16xi32>
      %add3A_1094 = arith.addi %xor3A_32, %add3A_1093 : vector<16xi32>
      %select_n3A_1095 = arith.select %lt3A_1091, %add3A_1094, %xor3A_32 : vector<16xi1>, vector<16xi32>
      %broadcast_in_dim3A_1096 = vector.shape_cast %select_n3A_1095 : vector<16xi32> to vector<16x1xi32>
      %gather3A_1097 = vector.shape_cast %broadcast_in_dim3A_1096 : vector<16x1xi32> to vector<16xi32>
      %gather3A_1098 = tpu.dynamic_gather %select_n3A_1088[%gather3A_1097] in [0] : vector<16xf32>, vector<16xi32> -> vector<16xf32>
      %add3A_1099 = arith.addf %select_n3A_1088, %gather3A_1098 : vector<16xf32>
      tpu.vector_store_idx %arg13[%scan3A_150], %add3A_1099 masked %eq3A_54 : memref<10000xf32, #tpu.memory_space<vmem>>[vector<16xi32>], vector<16xf32>, vector<16xi1>
      %add3A_1100 = arith.addi %scan3A_150, %broadcast_in_dim3A_82 : vector<16xi32>
      scf.yield %add3A_1100 : vector<16xi32>
    }
    %scan3A_148 = arith.constant 2 : i32
    "tpu.region"() ({
      %run_scoped3A_149 = tpu.sem_alloc : memref<!tpu.dma_semaphore, #tpu.memory_space<semaphore_mem>>
      %dma_start3A_150 = tpu.memref_slice %arg6[%mul3A_2] : memref<320000xf32, #tpu.memory_space<hbm>> -> memref<10000xf32, #tpu.memory_space<hbm>>
      %dma_start3A_151 = tpu.memref_slice %arg6[%mul3A_2] : memref<320000xf32, #tpu.memory_space<hbm>> -> memref<10000xf32, #tpu.memory_space<hbm>>
      tpu.enqueue_dma source(%arg13 : memref<10000xf32, #tpu.memory_space<vmem>>) target(%dma_start3A_151 : memref<10000xf32, #tpu.memory_space<hbm>>) target_semaphore(%run_scoped3A_149 : memref<!tpu.dma_semaphore, #tpu.memory_space<semaphore_mem>>)
      %dma_wait3A_152 = tpu.memref_slice %arg6[%mul3A_2] : memref<320000xf32, #tpu.memory_space<hbm>> -> memref<10000xf32, #tpu.memory_space<hbm>>
      %dma_wait3A_153 = tpu.memref_slice %arg6[%mul3A_2] : memref<320000xf32, #tpu.memory_space<hbm>> -> memref<10000xf32, #tpu.memory_space<hbm>>
      tpu.wait_dma2 semaphore(%run_scoped3A_149 : memref<!tpu.dma_semaphore, #tpu.memory_space<semaphore_mem>>) src(%arg13 : memref<10000xf32, #tpu.memory_space<vmem>>) dst(%dma_wait3A_153 : memref<10000xf32, #tpu.memory_space<hbm>>)
      tpu.yield
    }) : () -> ()
    return
  }
}

module attributes {stable_mosaic.version = 14 : i64} {
  func.func @_proj_body(%arg0: i32, %arg1: memref<1000x128xf32, #tpu.memory_space<vmem>>, %arg2: memref<256x128xf32, #tpu.memory_space<vmem>>, %arg3: memref<1x128xf32, #tpu.memory_space<vmem>>, %arg4: memref<1x128xf32, #tpu.memory_space<vmem>>, %arg5: memref<1x1xf32, #tpu.memory_space<vmem>>, %arg6: memref<1000x64xi32, #tpu.memory_space<vmem>>, %arg7: memref<1000x64xi32, #tpu.memory_space<vmem>>, %arg8: memref<1x144xf32, #tpu.memory_space<vmem>>) attributes {dimension_semantics = [#tpu.dimension_semantics<arbitrary>], iteration_bounds = array<i64: 10>, scalar_prefetch = 0 : i64, scratch_operands = 0 : i64, tpu.core_type = #tpu.core_type<tc>, window_params = [{transform_indices = @transform_0, window_bounds = array<i64: 1000, 128>}, {pipeline_mode = #tpu.pipeline_mode<synchronous>, transform_indices = @transform_1, window_bounds = array<i64: 256, 128>}, {pipeline_mode = #tpu.pipeline_mode<synchronous>, transform_indices = @transform_2, window_bounds = array<i64: 1, 128>}, {pipeline_mode = #tpu.pipeline_mode<synchronous>, transform_indices = @transform_3, window_bounds = array<i64: 1, 128>}, {pipeline_mode = #tpu.pipeline_mode<synchronous>, transform_indices = @transform_4, window_bounds = array<i64: 1, 1>}, {transform_indices = @transform_5, window_bounds = array<i64: 1000, 64>}, {transform_indices = @transform_6, window_bounds = array<i64: 1000, 64>}, {pipeline_mode = #tpu.pipeline_mode<synchronous>, transform_indices = @transform_7, window_bounds = array<i64: 1, 144>}]} {
    %get3A = arith.constant 0 : index
    %get3A_0 = arith.constant 0 : index
    %get3A_1 = vector.load %arg1[%get3A, %get3A_0] : memref<1000x128xf32, #tpu.memory_space<vmem>>, vector<1000x128xf32>
    %get3A_2 = arith.constant 0 : index
    %get3A_3 = arith.constant 0 : index
    %get3A_4 = vector.load %arg2[%get3A_2, %get3A_3] : memref<256x128xf32, #tpu.memory_space<vmem>>, vector<256x128xf32>
    %slice3A = vector.extract_strided_slice %get3A_4 {offsets = [0, 0], sizes = [128, 128], strides = [1, 1]} : vector<256x128xf32> to vector<128x128xf32>
    %dot_general3A = arith.constant dense<0.000000e+00> : vector<1000x128xf32>
    %dot_general3A_5 = tpu.matmul %get3A_1, %slice3A, %dot_general3A {dimension_numbers = #tpu.dot_dimension_numbers<[1], [0], [0], [1], [0, 0, 1, 1], [], []>, transpose_lhs_hint = false} : vector<1000x128xf32>, vector<128x128xf32>, vector<1000x128xf32> -> vector<1000x128xf32>
    %slice3A_6 = vector.extract_strided_slice %get3A_4 {offsets = [128, 0], sizes = [128, 128], strides = [1, 1]} : vector<256x128xf32> to vector<128x128xf32>
    %dot_general3A_7 = arith.constant dense<0.000000e+00> : vector<1000x128xf32>
    %dot_general3A_8 = tpu.matmul %get3A_1, %slice3A_6, %dot_general3A_7 {dimension_numbers = #tpu.dot_dimension_numbers<[1], [0], [0], [1], [0, 0, 1, 1], [], []>, transpose_lhs_hint = false} : vector<1000x128xf32>, vector<128x128xf32>, vector<1000x128xf32> -> vector<1000x128xf32>
    %get3A_9 = arith.constant 0 : index
    %get3A_10 = arith.constant 0 : index
    %get3A_11 = vector.load %arg3[%get3A_9, %get3A_10] : memref<1x128xf32, #tpu.memory_space<vmem>>, vector<1x128xf32>
    %add3A = vector.broadcast %get3A_11 : vector<1x128xf32> to vector<1000x128xf32>
    %add3A_12 = arith.addf %dot_general3A_8, %add3A : vector<1000x128xf32>
    %slice3A_13 = vector.extract_strided_slice %dot_general3A_5 {offsets = [0, 0], sizes = [1000, 64], strides = [1, 1]} : vector<1000x128xf32> to vector<1000x64xf32>
    %convert_element_type3A = arith.truncf %slice3A_13 : vector<1000x64xf32> to vector<1000x64xbf16>
    %bitcast_convert_type3A = tpu.bitcast %convert_element_type3A : vector<1000x64xbf16> -> vector<1000x64xi16>
    %convert_element_type3A_14 = arith.extui %bitcast_convert_type3A : vector<1000x64xi16> to vector<1000x64xi32>
    %slice3A_15 = vector.extract_strided_slice %dot_general3A_5 {offsets = [0, 64], sizes = [1000, 64], strides = [1, 1]} : vector<1000x128xf32> to vector<1000x64xf32>
    %convert_element_type3A_16 = arith.truncf %slice3A_15 : vector<1000x64xf32> to vector<1000x64xbf16>
    %bitcast_convert_type3A_17 = tpu.bitcast %convert_element_type3A_16 : vector<1000x64xbf16> -> vector<1000x64xi16>
    %convert_element_type3A_18 = arith.extui %bitcast_convert_type3A_17 : vector<1000x64xi16> to vector<1000x64xi32>
    %shift_left3A = arith.constant 16 : i32
    %shift_left3A_19 = vector.broadcast %shift_left3A : i32 to vector<1000x64xi32>
    %shift_left3A_20 = arith.shli %convert_element_type3A_18, %shift_left3A_19 : vector<1000x64xi32>
    %or3A = arith.ori %shift_left3A_20, %convert_element_type3A_14 : vector<1000x64xi32>
    %swap3A = arith.constant 0 : index
    %swap3A_21 = arith.constant 0 : index
    %swap3A_22 = vector.load %arg6[%swap3A, %swap3A_21] : memref<1000x64xi32, #tpu.memory_space<vmem>>, vector<1000x64xi32>
    tpu.vector_store %arg6[%swap3A, %swap3A_21], %or3A {strides = array<i32>} : memref<1000x64xi32, #tpu.memory_space<vmem>>, vector<1000x64xi32>,
    %slice3A_23 = vector.extract_strided_slice %add3A_12 {offsets = [0, 0], sizes = [1000, 64], strides = [1, 1]} : vector<1000x128xf32> to vector<1000x64xf32>
    %convert_element_type3A_24 = arith.truncf %slice3A_23 : vector<1000x64xf32> to vector<1000x64xbf16>
    %bitcast_convert_type3A_25 = tpu.bitcast %convert_element_type3A_24 : vector<1000x64xbf16> -> vector<1000x64xi16>
    %convert_element_type3A_26 = arith.extui %bitcast_convert_type3A_25 : vector<1000x64xi16> to vector<1000x64xi32>
    %slice3A_27 = vector.extract_strided_slice %add3A_12 {offsets = [0, 64], sizes = [1000, 64], strides = [1, 1]} : vector<1000x128xf32> to vector<1000x64xf32>
    %convert_element_type3A_28 = arith.truncf %slice3A_27 : vector<1000x64xf32> to vector<1000x64xbf16>
    %bitcast_convert_type3A_29 = tpu.bitcast %convert_element_type3A_28 : vector<1000x64xbf16> -> vector<1000x64xi16>
    %convert_element_type3A_30 = arith.extui %bitcast_convert_type3A_29 : vector<1000x64xi16> to vector<1000x64xi32>
    %shift_left3A_31 = arith.constant 16 : i32
    %shift_left3A_32 = vector.broadcast %shift_left3A_31 : i32 to vector<1000x64xi32>
    %shift_left3A_33 = arith.shli %convert_element_type3A_30, %shift_left3A_32 : vector<1000x64xi32>
    %or3A_34 = arith.ori %shift_left3A_33, %convert_element_type3A_26 : vector<1000x64xi32>
    %swap3A_35 = arith.constant 0 : index
    %swap3A_36 = arith.constant 0 : index
    %swap3A_37 = vector.load %arg7[%swap3A_35, %swap3A_36] : memref<1000x64xi32, #tpu.memory_space<vmem>>, vector<1000x64xi32>
    tpu.vector_store %arg7[%swap3A_35, %swap3A_36], %or3A_34 {strides = array<i32>} : memref<1000x64xi32, #tpu.memory_space<vmem>>, vector<1000x64xi32>,
    %eq3A = arith.constant 0 : i32
    %eq3A_38 = arith.cmpi eq, %arg0, %eq3A : i32
    %convert_element_type3A_39 = arith.extui %eq3A_38 : i1 to i32
    %cond3A = arith.constant 0 : i32
    %cond3A_40 = arith.cmpi ne, %convert_element_type3A_39, %cond3A : i32
    scf.if %cond3A_40 {
      %get3A_41 = arith.constant 0 : index
      %get3A_42 = arith.constant 0 : index
      %get3A_43 = vector.load %arg4[%get3A_41, %get3A_42] : memref<1x128xf32, #tpu.memory_space<vmem>>, vector<1x128xf32>
      %broadcast_in_dim3A = arith.constant 6.250000e-02 : f32
      %broadcast_in_dim3A_44 = vector.broadcast %broadcast_in_dim3A : f32 to vector<1x16xf32>
      %get3A_45 = arith.constant 0 : index
      %get3A_46 = arith.constant 0 : index
      %get3A_47 = vector.load %arg5[%get3A_45, %get3A_46] : memref<1x1xf32, #tpu.memory_space<vmem>>, vector<1x1xf32>
      %get3A_48 = vector.extract %get3A_47[0, 0] : f32 from vector<1x1xf32>
      %mul3A = vector.broadcast %get3A_48 : f32 to vector<1x16xf32>
      %mul3A_49 = arith.mulf %broadcast_in_dim3A_44, %mul3A : vector<1x16xf32>
      %concatenate3A = tpu.concatenate %get3A_43, %mul3A_49 in 1 : vector<1x128xf32>, vector<1x16xf32> -> vector<1x144xf32>
      %swap3A_50 = arith.constant 0 : index
      %swap3A_51 = arith.constant 0 : index
      %swap3A_52 = vector.load %arg8[%swap3A_50, %swap3A_51] : memref<1x144xf32, #tpu.memory_space<vmem>>, vector<1x144xf32>
      tpu.vector_store %arg8[%swap3A_50, %swap3A_51], %concatenate3A {strides = array<i32>} : memref<1x144xf32, #tpu.memory_space<vmem>>, vector<1x144xf32>,
    } else {
    }
    return
  }
  func.func @transform_0(%arg0: i32) -> (i32, i32) {
    %c0_i32 = arith.constant 0 : i32
    %c0_i32_0 = arith.constant 0 : i32
    return %arg0, %c0_i32 : i32, i32
  }
  func.func @transform_1(%arg0: i32) -> (i32, i32) {
    %c0_i32 = arith.constant 0 : i32
    %c0_i32_0 = arith.constant 0 : i32
    %c0_i32_1 = arith.constant 0 : i32
    return %c0_i32, %c0_i32_0 : i32, i32
  }
  func.func @transform_2(%arg0: i32) -> (i32, i32) {
    %c0_i32 = arith.constant 0 : i32
    %c0_i32_0 = arith.constant 0 : i32
    %c0_i32_1 = arith.constant 0 : i32
    return %c0_i32, %c0_i32_0 : i32, i32
  }
  func.func @transform_3(%arg0: i32) -> (i32, i32) {
    %c0_i32 = arith.constant 0 : i32
    %c0_i32_0 = arith.constant 0 : i32
    %c0_i32_1 = arith.constant 0 : i32
    return %c0_i32, %c0_i32_0 : i32, i32
  }
  func.func @transform_4(%arg0: i32) -> (i32, i32) {
    %c0_i32 = arith.constant 0 : i32
    %c0_i32_0 = arith.constant 0 : i32
    %c0_i32_1 = arith.constant 0 : i32
    return %c0_i32, %c0_i32_0 : i32, i32
  }
  func.func @transform_5(%arg0: i32) -> (i32, i32) {
    %c0_i32 = arith.constant 0 : i32
    %c0_i32_0 = arith.constant 0 : i32
    return %arg0, %c0_i32 : i32, i32
  }
  func.func @transform_6(%arg0: i32) -> (i32, i32) {
    %c0_i32 = arith.constant 0 : i32
    %c0_i32_0 = arith.constant 0 : i32
    return %arg0, %c0_i32 : i32, i32
  }
  func.func @transform_7(%arg0: i32) -> (i32, i32) {
    %c0_i32 = arith.constant 0 : i32
    %c0_i32_0 = arith.constant 0 : i32
    %c0_i32_1 = arith.constant 0 : i32
    return %c0_i32, %c0_i32_0 : i32, i32
  }
}

</mosaic_0001>

<sc_bundles>
// kernel: kernel.4.cloned.1.call-start
scs
__scs_entry_jumppad:
0x0: {  	(pc) =	sbr.rel $0x88, $3  }
0x1: {  	(tag) =	ssettag $0x0;
	lr =	simm.s32 $0x1  }
0x2: {  	[smem:$0x3F9B] =	sst lr;
	_ =	strace $0xD0000000  }
0x3: {  	_ = 	snop  }
0x4: {  	_ = 	snop  }
0x5: {  	_ = 	snop  }
0x6: {  	_ = 	snop  }
0x7: {  	_ = 	snop  }
__scs_overlays_trampoline_lowered:
0x8: {  	[smem:$0x3FAA] =	sst s0  }
0x9: {  	[smem:$0x3FAB] =	sst s1  }
0xa: {  	[smem:$0x3FAC] =	sst s2  }
0xb: {  	[smem:$0x3FAD] =	sst s3  }
0xc: {  	[smem:$0x3FAE] =	sst s4  }
0xd: {  	[smem:$0x3FAF] =	sst s5  }
0xe: {  	[smem:$0x3FB0] =	sst s6  }
0xf: {  	[smem:$0x3FB1] =	sst s7  }
0x10: {  	[smem:$0x3FB2] =	sst s8  }
0x11: {  	[smem:$0x3FB3] =	sst s9;
	s0 =	simm.s32 @!p0 $0x0  }
0x12: {  	s1 =	sld [smem:$0x3F99];
	s0 =	simm.s32 @p0 $0x1  }
0x13: {  	[smem:$0x3FB4] =	sst s0;
	s0 =	simm.s32 @!p1 $0x0  }
0x14: {  	s2 =	sld [smem:$0x3F98];
	s0 =	simm.s32 @p1 $0x1  }
0x15: {  	[smem:$0x3FB5] =	sst s0;
	s0 =	simm.s32 @!p2 $0x0  }
0x16: {  	s3 =	sld [smem:$0x3FDB];
	s0 =	simm.s32 @p2 $0x1  }
0x17: {  	s4 =	simm.s32 $0x1BF5;
	[smem:$0x3FB7] =	sst s0  }
0x18: {  	s0 =	sld [smem:$0x3F9A];
	_ =	swait.ge [sflag:s4], $0x0  }
0x19: {  	s7 =	sld [smem:$0x3F9B]  }
0x1a: {  	s8 =	sadd.s32 $0xFFFFE003, lr  }
0x1b: {  	s9 =	sadd.s32 $0xFFFFFEF7, lr;
	s5 =	simm.s32 $0xFFFFFFFF;
	p2 =	slt.u32 s8, $0xFFFFF086  }
0x1c: {  	p1 =	slt.u32 s9, $0xF7A;
	s5 =	simm.s32 @!p2 $0x0  }
0x1d: {  	s5 =	simm.s32 @p1 $0x1;
	p0 =	seq.s32 s7, s2  }
0x1e: {  	s7 =	smul.u32 @!p0 $0xF7A, s2;
	p2 =	seq.s32 @!p0 s5, $0x0  }
0x1f: {  	s9 =	smul.u32 $0xF7A, s1;
	s8 =	simm.s32 @!p0 $0x1BF5;
	p2 =	por !p2, p0  }
0x20: {  	[sflag:s8] =	ssyncset.s32 @!p0 $0xFFFFF086;
	s6 =	sadd.s32 @!p0 s3, s7;
	s7 =	simm.s32 @!p0 $0x108  }
0x21: {  	s3 =	sadd.s32 s3, s9;
	s6 =	sadd.s32 @!p0 $0x88, s6;
	s7 =	simm.s32 @p2 $0x1082  }
0x22: {  	[simem:s7], [sflag:s8] =	dma.local @!p0 [hbm:s6], $0xF7A  }
0x23: {  	s9 =	sor.u32 $0xD0000000, s2;
	s6 =	simm.s32 $0x108;
	_ =	swait.ge @!p0 [sflag:s8], $0x0  }
0x24: {  	s3 =	sadd.s32 $0x88, s3;
	s6 =	simm.s32 @!p1 $0x1082;
	[sflag:s4] =	ssyncset.s32 $0xFFFFF086  }
0x25: {  	[simem:s6], [sflag:s4] =	dma.local [hbm:s3], $0xF7A  }
0x26: {  	[smem:$0x3F9B] =	sst s1;
	(tag) =	ssettag s2;
	_ =	strace s9  }
0x27: {  	s1 =	sld [smem:$0x3FAB]  }
0x28: {  	s2 =	sld [smem:$0x3FAC]  }
0x29: {  	s4 =	sld [smem:$0x3FAE]  }
0x2a: {  	p0 =	seq.s32 s5, $0x0;
	s5 =	sld [smem:$0x3FAF]  }
0x2b: {  	s6 =	sld [smem:$0x3FB0]  }
0x2c: {  	s7 =	sld [smem:$0x3FB1]  }
0x2d: {  	s3 =	simm.s32 $0x108;
	s8 =	sld [smem:$0x3FB2]  }
0x2e: {  	s3 =	simm.s32 @!p0 $0x1082;
	s9 =	sld [smem:$0x3FB3]  }
0x2f: {  	lr =	sadd.s32 s0, s3;
	s0 =	sld [smem:$0x3FAA]  }
0x30: {  	s3 =	sld [smem:$0x3FAD]  }
0x31: {  	[smem:$0x3FB6] =	sst s10  }
0x32: {  	s10 =	sld [smem:$0x3FB4];
	_ =	sdelay $0x3  }
0x33: {  	p0 =	seq.s32 s10, $0x1;
	s10 =	sld [smem:$0x3FB6];
	_ =	sdelay $0x3  }
0x34: {  	[smem:$0x3FB6] =	sst s10  }
0x35: {  	s10 =	sld [smem:$0x3FB5];
	_ =	sdelay $0x3  }
0x36: {  	p1 =	seq.s32 s10, $0x1;
	s10 =	sld [smem:$0x3FB6];
	_ =	sdelay $0x3  }
0x37: {  	[smem:$0x3FB6] =	sst s10  }
0x38: {  	s10 =	sld [smem:$0x3FB7]  }
0x39: {  	_ = 	snop;
	(pc) =	sbr.ind lr, $3  }
0x3a: {  	_ = 	snop  }
0x3b: {  	_ = 	snop  }
0x3c: {  	p2 =	seq.s32 s10, $0x1;
	s10 =	sld [smem:$0x3FB6]  }
0x3d: {  	_ =	shalt  }
0x3e: {  	_ =	shalt  }
0x3f: {  	_ =	shalt  }
0x40: {  	_ =	shalt  }
0x41: {  	_ =	shalt  }
0x42: {  	_ =	shalt  }
0x43: {  	_ =	shalt  }
0x44: {  	_ =	shalt  }
0x45: {  	_ =	shalt  }
0x46: {  	_ =	shalt  }
0x47: {  	_ =	shalt  }
0x48: {  	_ =	shalt  }
0x49: {  	_ =	shalt  }
0x4a: {  	_ =	shalt  }
0x4b: {  	_ =	shalt  }
0x4c: {  	_ =	shalt  }
0x4d: {  	_ =	shalt  }
0x4e: {  	_ =	shalt  }
0x4f: {  	_ =	shalt  }
0x50: {  	_ =	shalt  }
0x51: {  	_ =	shalt  }
0x52: {  	_ =	shalt  }
0x53: {  	_ =	shalt  }
0x54: {  	_ =	shalt  }
0x55: {  	_ =	shalt  }
0x56: {  	_ =	shalt  }
0x57: {  	_ =	shalt  }
0x58: {  	_ =	shalt  }
0x59: {  	_ =	shalt  }
0x5a: {  	_ =	shalt  }
0x5b: {  	_ =	shalt  }
0x5c: {  	_ =	shalt  }
0x5d: {  	_ =	shalt  }
0x5e: {  	_ =	shalt  }
0x5f: {  	_ =	shalt  }
0x60: {  	_ =	shalt  }
0x61: {  	_ =	shalt  }
0x62: {  	_ =	shalt  }
0x63: {  	_ =	shalt  }
0x64: {  	_ =	shalt  }
0x65: {  	_ =	shalt  }
0x66: {  	_ =	shalt  }
0x67: {  	_ =	shalt  }
0x68: {  	_ =	shalt  }
0x69: {  	_ =	shalt  }
0x6a: {  	_ =	shalt  }
0x6b: {  	_ =	shalt  }
0x6c: {  	_ =	shalt  }
0x6d: {  	_ =	shalt  }
0x6e: {  	_ =	shalt  }
0x6f: {  	_ =	shalt  }
0x70: {  	_ =	shalt  }
0x71: {  	_ =	shalt  }
0x72: {  	_ =	shalt  }
0x73: {  	_ =	shalt  }
0x74: {  	_ =	shalt  }
0x75: {  	_ =	shalt  }
0x76: {  	_ =	shalt  }
0x77: {  	_ =	shalt  }
0x78: {  	_ =	shalt  }
0x79: {  	_ =	shalt  }
0x7a: {  	_ =	shalt  }
0x7b: {  	_ =	shalt  }
0x7c: {  	_ =	shalt  }
0x7d: {  	_ =	shalt  }
0x7e: {  	_ =	shalt  }
0x7f: {  	_ =	shalt  }
0x80: {  	_ =	shalt  }
0x81: {  	_ =	shalt  }
0x82: {  	_ =	shalt  }
0x83: {  	_ =	shalt  }
0x84: {  	_ =	shalt  }
0x85: {  	_ =	shalt  }
0x86: {  	_ =	shalt  }
0x87: {  	_ =	shalt  }
.Lfunc_end0:
.L_simem_size_0:
called_computation_lowered:
.L_overlay_start_0:
0x88: {  	s2 =	sld [smem:$0x3FD9]  }
0x89: {  	s3 =	sld [smem:$0x3FFE];
	_ =	sdelay $0x1  }
0x8a: {  	s1 =	srdreg.scid  }
0x8b: {  	s0 =	sand.u32 $0x1, s1  }
0x8c: {  	s17 =	sshll.u32 s0, $0xA;
	s2 =	sadd.s32 s3, s2  }
0x8d: {  	s2 =	sadd.s32 s2, s17  }
0x8e: {  	[smem:$0x3FC2] =	sst s2  }
0x8f: {  	_ = 	snop  }
0x90: {  	s2 =	sld [smem:$0x3FD0];
	(tm) =	ssettm $0x1  }
0x91: {  	s18 =	sld [smem:$0x3FFB];
	_ =	sdelay $0x3  }
0x92: {  	_ =	strace s18  }
0x93: {  	s3 =	sld [smem:$0x3FFC];
	_ =	sdelay $0x3  }
0x94: {  	_ =	strace s3  }
0x95: {  	s3 =	sld [smem:$0x3FFD];
	_ =	sdelay $0x3  }
0x96: {  	_ =	strace s3  }
0x97: {  	_ =	strace $0x8FFFFFFF  }
0x98: {  	s19 =	sld [smem:$0x3FDB];
	_ =	sdelay $0x1  }
0x99: {  	s4 =	simm.s32 $_scs_section_size  }
0x9a: {  	s5 =	simm.s32 $_size__tile_overlayer_lowered;
	s6 =	simm.s32 $_tile_overlayer_lowered  }
0x9b: {  	s22 =	simm.s32 $0x1BFF;
	s21 =	sshll.u32 s6, $0x1;
	s3 =	sadd.s32 s4, s19  }
0x9c: {  	s7 =	simm.s32 $0x0;
	s20 =	sshll.u32 s5, $0x1;
	s5 =	sadd.s32 s21, s3  }
0x9d: {  	[timem:s7], [sflag:s22] =	dma.local [hbm:s5], s20  }
0x9e: {  	_ =	swait.ge [sflag:s22], s20  }
0x9f: {  	s4 =	ssub.s32 $0x0, s20;
	[sflag:s22] =	ssyncset.done $0x0  }
0xa0: {  	[sflag:s22] =	ssyncadd.s32 s4;
	_ =	sdelay $0x1  }
0xa1: {  	s23 =	simm.s32 $0x1B8B  }
0xa2: {  	_ =	swait.ge [sflag:s23], $0x1  }
0xa3: {  	[sflag:s23] =	ssyncset.done $0x0  }
0xa4: {  	s25 =	simm.s32 $0x1B8E;
	s24 =	sld [smem:$0x3FFE];
	[sflag:s23] =	ssyncadd.s32 $0xFFFFFFFF  }
0xa5: {  	s26 =	simm.s32 $execute0_lowered;
	[smem:$0x3FD2] =	sst s25  }
0xa6: {  	s5 =	sshll.u32 s26, $0x1;
	_ =	strace $0x80000046;
	[dreg:$0x1] =	wrdreg $0xFFFFFFFF  }
0xa7: {  	s28 =	simm.s32 $_size_execute0_lowered;
	s3 =	sadd.s32 s3, s5;
	[dreg:$0x0] =	wrdreg $0x0  }
0xa8: {  	s5 =	sshll.u32 s28, $0x1;
	[dreg:$0x2] =	wrdreg s3  }
0xa9: {  	[dreg:$0x3] =	wrdreg s5  }
0xaa: {  	[dreg:$0x4] =	wrdreg $0xC0  }
0xab: {  	_ =	task [dreg:s7], $0x5FFFF  }
0xac: {  	[dreg:$0x1] =	wrdreg $0xFFFFFFFF  }
0xad: {  	[dreg:$0x0] =	wrdreg $0x60  }
0xae: {  	[dreg:$0x2] =	wrdreg s24  }
0xaf: {  	[dreg:$0x3] =	wrdreg s2  }
0xb0: {  	[dreg:$0x4] =	wrdreg $0x9  }
0xb1: {  	_ =	task.clear_ibuf [dreg:s7], $0x5FFFF;
	_ =	strace $0x90000046  }
0xb2: {  	s29 =	simm.s32 $0x9;
	_ =	strace $0x80000048  }
0xb3: {  	_ =	swait.ge [sflag:s29], $0x1  }
0xb4: {  	[sflag:s29] =	ssyncadd.s32 $0xFFFFFFFF  }
0xb5: {  	_ =	strace $0x90000048  }
0xb6: {  	_ =	sfence  }
0xb7: {  	s30 =	sld [smem:$0x0];
	_ =	sdelay $0x2  }
0xb8: {  	s31 =	sshll.u32 s1, $0xD;
	s1 =	sshrl.u32 s1, $0x2  }
0xb9: {  	s3 =	sand.u32 $0x4000, s31;
	s1 =	sadd.s32 s1, s30  }
0xba: {  	s0 =	sor.u32 s3, s0;
	s1 =	sshll.u32 s1, $0x11  }
0xbb: {  	s0 =	sor.u32 s1, s0  }
0xbc: {  	s0 =	sadd.s32 $0x8F2B, s0  }
0xbd: {  	[sflag:s0] =	ssyncadd.remote.s32 $0x1  }
0xbe: {  	_ =	sfence.sel $0xFFFF  }
0xbf: {  	[dreg:$0x0] =	wrdreg $0xFFFFFFFF;
	(pc) =	sbr.abs _section_cstart, $3  }
0xc0: {  	[dreg:$0x1] =	wrdreg $0xFFFFFFFF  }
0xc1: {  	_ =	task.clear_ibuf [dreg:s7], $0x2FFFF;
	_ =	strace $0x9FFFFFFF  }
0xc2: {  	(tm) =	ssettm $0x7FFFFFFF  }
0xc3: {  	_ =	shalt  }
tec
execute0_lowered:
.L_overlay_start_1:
0x0: {  	(tag) =	ssettag $0x1  }
0x1: {  	v0 =	vimm.s32 $0x77335511  }
0x2: {  	v1 =	vimm.s32 $0x66224400;
	v2 =	vimm.s32 $0xFEDCBA98;
	v3 =	vimm.s32 $0x76543210  }
0x3: {  	v4 =	vimm.s32 $0xBA98FEDC;
	v0 =	vunpack.c.l.s4.s8 v0;
	v1 =	vunpack.c.l.s4.s8 v1  }
0x4: {  	v5 =	vimm.s32 $0x32107654;
	v6 =	vimm.s32 $0xDCFE98BA;
	v7 =	vimm.s32 $0x54761032  }
0x5: {  	v2 =	vunpack.c.l.s4.s8 v2;
	v0 =	vunpack.c.0.s8.s32 v0;
	v1 =	vunpack.c.0.s8.s32 v1  }
0x6: {  	vm1 =	vcmask $0x2F20;
	v3 =	vunpack.c.l.s4.s8 v3;
	v4 =	vunpack.c.l.s4.s8 v4  }
0x7: {  	v2 =	vunpack.c.0.s8.s32 v2;
	v0 =	vcombine.low v1, v0;
	v1 =	vunpack.c.l.s4.s8 v5  }
0x8: {  	vm2 =	vcmask $0xF00;
	vm0 =	vmmov $0xff;
	v3 =	vunpack.c.0.s8.s32 v3  }
0x9: {  	v4 =	vunpack.c.0.s8.s32 v4;
	v2 =	vand.u32 $0xF, v2;
	v5 =	vunpack.c.0.s8.s32 v1  }
0xa: {  	v1 =	vcombine.low v2, v3;
	v3 =	vunpack.c.l.s4.s8 v6;
	v6 =	vunpack.c.l.s4.s8 v7  }
0xb: {  	vm4 =	vcmask $0x700;
	vm3 =	vcmask $0xB08;
	v4 =	vcombine.low v5, v4  }
0xc: {  	vm6 =	vcmask $0x300;
	v5 =	vunpack.c.0.s8.s32 v3;
	v6 =	vunpack.c.0.s8.s32 v6  }
0xd: {  	s1 =	rddreg [dreg:$0x0];
	s2 =	srdreg.scid;
	vm7 =	vcmask $0x1310;
	vm12 =	vcmask $0x1B18;
	v3 =	vand.u32 $0xF, v4  }
0xe: {  	s0 =	stileid.u32;
	s8 =	rddreg [dreg:$0x1];
	s11 =	simm.s32 $0x2710;
	v4 =	vcombine.low v6, v5;
	v5 =	vimm.s32 $0xEFCDAB89;
	v6 =	vimm.s32 $0x67452301  }
0xf: {  	vm13 =	vcmask $0x2320;
	s12 =	simm.s32 $0xF530;
	s13 =	simm.s32 $0x80;
	s14 =	simm.s32 $0x4E20;
	v5 =	vunpack.c.l.s4.s8 v5;
	v6 =	vunpack.c.l.s4.s8 v6  }
0x10: {  	s15 =	simm.s32 $0x8E20;
	s16 =	simm.s32 $0x6E20;
	s17 =	simm.s32 $0x2790;
	vm14 =	vcmask $0x3730;
	vm15 =	vcmask $0x3B38;
	vm1 =	vmor vm2, vm1  }
0x11: {  	s18 =	simm.s32 $0xAE20;
	s19 =	simm.s32 $0x1;
	s20 =	simm.s32 $0x3;
	vm2 =	vcmask $0x1710;
	v5 =	vunpack.c.0.s8.s32 v5;
	v6 =	vunpack.c.0.s8.s32 v6  }
0x12: {  	s21 =	simm.s32 $0xCE20;
	s22 =	simm.s32 $0x2;
	s23 =	simm.s32 $0x4;
	vm6 =	vmor vm6, vm3;
	vm3 =	vcmask $0x2720;
	vm5 =	vmor vm4, vm2  }
0x13: {  	s24 =	simm.s32 $0x10;
	s25 =	simm.s32 $0x2700;
	s26 =	simm.s32 $0x4E10;
	vm6 =	vmor vm6, vm7;
	v5 =	vcombine.low v6, v5;
	v6 =	vimm.s32 $0x2707  }
0x14: {  	s4 =	sand.u32 $0x1, s2;
	s3 =	sshll.u32 s0, $0x1;
	s2 =	simm.s32 $0x0;
	vm6 =	vmor vm6, vm12;
	v6 =	vsel vm4, $0x2700, v6;
	vm4 =	vcmask $0xF08  }
0x15: {  	s28 =	simm.s32 $0x0;
	s3 =	sor.u32 s4, s3;
	[smem:$0x7FF] =	sst s2;
	vm5 =	vmor vm5, vm3;
	vm6 =	vmor vm6, vm13;
	v6 =	vsel vm4, $0x2704, v6  }
0x16: {  	s6 =	ssub.s32 $0x2, s4;
	s4 =	sadd.s32 $0x1400, s1;
	s5 =	smul.u32 $0x2710, s3;
	vm4 =	vcmask $0x2B28;
	v6 =	vsel vm2, $0x2702, v6;
	vm2 =	vcmask $0x1F18  }
0x17: {  	_ =	strace $0x80000047;
	s3 =	sadd.s32 $0x14E00, s1;
	s10 =	sshrl.u32 s6, $0x1;
	v2 =	vimm.bf16 $0.0e+00;
	vm4 =	vmor vm6, vm4;
	v6 =	vsel vm2, $0x2706, v6  }
0x18: {  	s31 =	ssub.s32 s6, s10;
	s10 =	simm.s32 $0x5;
	s9 =	sshrl.u32 s5, $0x3;
	vm2 =	vcmask $0x3330;
	v6 =	vsel vm3, $0x2701, v6;
	vm3 =	vcmask $0x2F28  }
0x19: {  	s5 =	sadd.s32 $0x1200, s1;
	s7 =	sadd.s32 s9, s1;
	s8 =	sadd.s32 s8, s9;
	v4 =	vand.u32 $0xF, v4;
	vm4 =	vmor vm4, vm2;
	v6 =	vsel vm3, $0x2705, v6  }
0x1a: {  	s9 =	smax.u32 s31, $0x1;
	s6 =	sadd.s32 $0x28800, s7;
	s7 =	sadd.s32 $0x32440, s7;
	vm2 =	vmor vm5, vm14;
	vm3 =	vmor vm4, vm15;
	v6 =	vsel vm14, $0x2703, v6  }
.LBB2_1:
0x1b: {  	[tilespmem:s2], [sflag:$0x5] =	stream.linear.gather [hbm4b:s6+s2], $0x2710, $0x38;
	[tilespmem:$0xF5C0] =	vst v63  }
0x1c: {  	_ =	swait.ge [sflag:s10], $0x2710  }
0x1d: {  	[sflag:s10] =	ssyncset.done $0x0  }
0x1e: {  	[sflag:s10] =	ssyncadd.s32 $0xFFFFD8F0  }
0x1f: {  	[tilespmem:s11], [sflag:$0x5] =	stream.linear.gather [hbm4b:s7+s2], $0x2710, $0x38;
	[tilespmem:$0xF5C0] =	vst v63  }
0x20: {  	_ =	swait.ge [sflag:s10], $0x2710  }
0x21: {  	[sflag:s10] =	ssyncset.done $0x0  }
0x22: {  	[sflag:s10] =	ssyncadd.s32 $0xFFFFD8F0  }
0x23: {  	[tilespmem:s12], [sflag:$0x5] =	stream.linear.gather [hbm4b:s5+s2], $0x90, $0x38;
	[tilespmem:$0xF5C0] =	vst v63  }
0x24: {  	_ =	swait.ge [sflag:s10], $0x90  }
0x25: {  	[sflag:s10] =	ssyncset.done $0x0  }
0x26: {  	[sflag:s10] =	ssyncadd.s32 $0xFFFFFF70  }
0x27: {  	v7 =	vld [tilespmem:$0xF530]  }
0x28: {  	v8 =	vld [tilespmem:$0xF540]  }
0x29: {  	v9 =	vld [tilespmem:$0xF550]  }
0x2a: {  	v10 =	vld [tilespmem:$0xF560]  }
0x2b: {  	v11 =	vld [tilespmem:$0xF570]  }
0x2c: {  	v12 =	vld [tilespmem:$0xF580]  }
0x2d: {  	v13 =	vld [tilespmem:$0xF590]  }
0x2e: {  	v14 =	vld [tilespmem:$0xF5A0]  }
0x2f: {  	v15 =	vld [tilespmem:$0xF5B0];
	[tilespmem:s14], [sflag:$0x1] =	stream.indirect.gather [hbm4b:s3+s13], $0x40, s2, s13, $0xb8  }
0x30: {  	_ = 	snop  }
0x31: {  	[tilespmem:s15], [sflag:$0x3] =	stream.indirect.gather [hbm4b:s4+s13], $0x40, s11, s13, $0xb8;
	[tilespmem:$0xF5C0] =	vst v63  }
0x32: {  	_ = 	snop  }
0x33: {  	[tilespmem:s16], [sflag:$0x2] =	stream.indirect.gather [hbm4b:s3+s13], $0x40, s13, s13, $0xb8;
	[tilespmem:$0xF5C0] =	vst v63  }
0x34: {  	s29 =	simm.s32 $0x0  }
0x35: {  	[tilespmem:s18], [sflag:$0x4] =	stream.indirect.gather [hbm4b:s4+s13], $0x40, s17, s13, $0xb8;
	[tilespmem:$0xF5C0] =	vst v63  }
.LBB2_2:
0x36: {  	_ =	swait.ge [sflag:s19], $0x2000  }
0x37: {  	[sflag:s19] =	ssyncset.done $0x0  }
0x38: {  	[sflag:s19] =	ssyncadd.s32 $0xFFFFE000  }
0x39: {  	_ =	swait.ge [sflag:s20], $0x2000  }
0x3a: {  	[sflag:s20] =	ssyncset.done $0x0  }
0x3b: {  	s1 =	simm.s32 $0x0;
	[sflag:s20] =	ssyncadd.s32 $0xFFFFE000  }
0x3c: {  	v16 =	vld [tilespmem:s1+$0x8E50]  }
0x3d: {  	v17 =	vld [tilespmem:s1+$0x4E50]  }
0x3e: {  	v18 =	vld [tilespmem:s1+$0x8E90]  }
0x3f: {  	v19 =	vld [tilespmem:s1+$0x4E90]  }
0x40: {  	v20 =	vld [tilespmem:s1+$0x8ED0]  }
0x41: {  	v21 =	vld [tilespmem:s1+$0x4ED0]  }
0x42: {  	v36 =	vld [tilespmem:s1+$0x8F40]  }
0x43: {  	v37 =	vld [tilespmem:s1+$0x4F40]  }
0x44: {  	v52 =	vld [tilespmem:s1+$0x8F00]  }
0x45: {  	v54 =	vld [tilespmem:s1+$0x8F80]  }
0x46: {  	v47 =	vld [tilespmem:s1+$0x4F80]  }
0x47: {  	v48 =	vld [tilespmem:s1+$0x8FC0]  }
0x48: {  	v49 =	vld [tilespmem:s1+$0x4FC0]  }
0x49: {  	v60 =	vld [tilespmem:s1+$0x8EB0]  }
0x4a: {  	v61 =	vld [tilespmem:s1+$0x4EB0]  }
0x4b: {  	v44 =	vld [tilespmem:s1+$0x4F00]  }
0x4c: {  	v22 =	vld [tilespmem:s1+$0x8F50];
	v16 =	vadd.bf16 v16, v17  }
0x4d: {  	v23 =	vld [tilespmem:s1+$0x4F50];
	v18 =	vadd.bf16 v18, v19;
	v20 =	vadd.bf16 v20, v21  }
0x4e: {  	v24 =	vld [tilespmem:s1+$0x8E40];
	v53 =	vadd.bf16 v36, v37;
	v47 =	vadd.bf16 v54, v47  }
0x4f: {  	v25 =	vld [tilespmem:s1+$0x4E40];
	v48 =	vadd.bf16 v48, v49;
	v49 =	vadd.bf16 v60, v61  }
0x50: {  	v17 =	vld [tilespmem:s1+$0x8F10];
	v57 =	vadd.bf16 v52, v44;
	v16 =	vmax.bf16 v16, v2;
	v18 =	vmax.bf16 v18, v2  }
0x51: {  	v19 =	vld [tilespmem:s1+$0x4F10];
	v47 =	vmax.bf16 v47, v2;
	v48 =	vmax.bf16 v48, v2;
	v49 =	vmax.bf16 v49, v2  }
0x52: {  	v28 =	vld [tilespmem:s1+$0x8F90];
	v26 =	vshll.u32 v16, $0x10;
	v16 =	vand.u32 $0xFFFF0000, v16;
	v62 =	vshll.u32 v47, $0x10  }
0x53: {  	v31 =	vld [tilespmem:s1+$0x8FD0];
	v47 =	vand.u32 $0xFFFF0000, v47;
	v39 =	vmul.f32 v16, v14;
	v16 =	vshll.u32 v18, $0x10  }
0x54: {  	v32 =	vld [tilespmem:s1+$0x4FD0];
	v35 =	vmul.f32 v26, v10;
	v18 =	vand.u32 $0xFFFF0000, v18;
	v29 =	vmul.f32 v16, v10  }
0x55: {  	v33 =	vld [tilespmem:s1+$0x8E80];
	v16 =	vmax.bf16 v20, v2;
	v20 =	vadd.bf16 v22, v23;
	v30 =	vmul.f32 v18, v14  }
0x56: {  	v21 =	vld [tilespmem:s1+$0x4F90];
	v22 =	vadd.bf16 v24, v25;
	v17 =	vadd.bf16 v17, v19;
	v18 =	vshll.u32 v16, $0x10  }
0x57: {  	v34 =	vld [tilespmem:s1+$0x4EC0];
	v16 =	vand.u32 $0xFFFF0000, v16;
	v26 =	vmul.f32 v18, v10;
	v18 =	vmax.bf16 v20, v2  }
0x58: {  	v24 =	vld [tilespmem:s1+$0x4E80];
	v27 =	vmul.f32 v16, v14;
	v20 =	vmax.bf16 v22, v2;
	v17 =	vmax.bf16 v17, v2  }
0x59: {  	v25 =	vld [tilespmem:s1+$0x8EC0];
	v19 =	vshll.u32 v18, $0x10;
	v16 =	vand.u32 $0xFFFF0000, v18;
	v18 =	vshll.u32 v20, $0x10  }
0x5a: {  	v23 =	vmul.f32 v19, v10;
	v19 =	vand.u32 $0xFFFF0000, v20;
	v42 =	vmul.f32 v18, v9  }
0x5b: {  	v18 =	vshll.u32 v17, $0x10;
	v20 =	vadd.bf16 v28, v21;
	v16 =	vmul.f32 v16, v14  }
0x5c: {  	v17 =	vand.u32 $0xFFFF0000, v17;
	v28 =	vld [tilespmem:s1+$0x9010];
	v43 =	vmul.f32 v19, v13;
	v22 =	vmul.f32 v18, v10  }
0x5d: {  	v21 =	vmul.f32 v17, v14;
	v18 =	vadd.bf16 v31, v32;
	v31 =	vld [tilespmem:s1+$0x5010];
	v19 =	vadd.bf16 v33, v24  }
0x5e: {  	v63 =	vld [tilespmem:s1+$0x8E30];
	v25 =	vadd.bf16 v25, v34;
	v33 =	vmax.bf16 v53, v2;
	v17 =	vmax.bf16 v20, v2  }
0x5f: {  	v24 =	vld [tilespmem:s1+$0x4E30];
	v32 =	vmul.f32 v62, v9;
	v34 =	vmul.f32 v47, v13;
	v20 =	vshll.u32 v17, $0x10  }
0x60: {  	v17 =	vand.u32 $0xFFFF0000, v17;
	v51 =	vmax.bf16 v18, v2;
	v19 =	vmax.bf16 v19, v2  }
0x61: {  	v56 =	vld [tilespmem:s1+$0x8E70];
	v25 =	vmax.bf16 v25, v2;
	v20 =	vmul.f32 v20, v10;
	v38 =	vshll.u32 v19, $0x10  }
0x62: {  	v58 =	vld [tilespmem:s1+$0x8E20];
	v55 =	vshll.u32 v25, $0x10;
	v25 =	vand.u32 $0xFFFF0000, v25;
	v28 =	vadd.bf16 v28, v31  }
0x63: {  	v54 =	vld [tilespmem:s1+$0x4F30];
	v41 =	vmul.f32 v25, v13;
	v25 =	vshll.u32 v33, $0x10;
	v31 =	vand.u32 $0xFFFF0000, v33  }
0x64: {  	v53 =	vld [tilespmem:s1+$0x8F30];
	v24 =	vadd.bf16 v63, v24;
	v36 =	vmul.f32 v25, v9;
	v25 =	vmax.bf16 v28, v2  }
0x65: {  	v45 =	vmul.f32 v38, v9;
	v38 =	vmul.f32 v31, v13;
	v28 =	vld [tilespmem:s1+$0x4E70];
	v31 =	vshll.u32 v25, $0x10  }
0x66: {  	v17 =	vmul.f32 v17, v14;
	v59 =	vmax.bf16 v24, v2;
	v24 =	vmul.f32 v31, v10;
	v31 =	vld [tilespmem:s1+$0x4E20]  }
0x67: {  	v18 =	vshll.u32 v51, $0x10;
	v40 =	vand.u32 $0xFFFF0000, v19;
	v19 =	vand.u32 $0xFFFF0000, v51  }
0x68: {  	v46 =	vmul.f32 v40, v13;
	v40 =	vmul.f32 v55, v9;
	v33 =	vmax.bf16 v57, v2  }
0x69: {  	v53 =	vadd.bf16 v53, v54;
	v51 =	vshll.u32 v33, $0x10;
	v33 =	vand.u32 $0xFFFF0000, v33  }
0x6a: {  	v37 =	vmul.f32 v51, v9;
	v33 =	vmul.f32 v33, v13;
	v28 =	vadd.bf16 v56, v28;
	v56 =	vld [tilespmem:s1+$0x8E60]  }
0x6b: {  	v53 =	vmax.bf16 v53, v2;
	v50 =	vshll.u32 v59, $0x10;
	v31 =	vadd.bf16 v58, v31;
	v58 =	vld [tilespmem:s1+$0x4E60]  }
0x6c: {  	v44 =	vand.u32 $0xFFFF0000, v59;
	v59 =	vshll.u32 v49, $0x10;
	v52 =	vmax.bf16 v28, v2  }
0x6d: {  	v50 =	vmul.f32 v50, v8;
	v63 =	vshll.u32 v52, $0x10;
	v31 =	vmax.bf16 v31, v2  }
0x6e: {  	v60 =	vld [tilespmem:s1+$0x9000];
	v47 =	vmul.f32 v63, v8;
	v55 =	vshll.u32 v31, $0x10;
	v31 =	vand.u32 $0xFFFF0000, v31  }
0x6f: {  	v49 =	vand.u32 $0xFFFF0000, v49;
	v63 =	vld [tilespmem:s1+$0x5000];
	v55 =	vmul.f32 v55, v7;
	v57 =	vmul.f32 v31, v11  }
0x70: {  	v44 =	vmul.f32 v44, v12;
	v49 =	vmul.f32 v49, v12;
	v58 =	vadd.bf16 v56, v58  }
0x71: {  	v28 =	vshll.u32 v48, $0x10;
	v61 =	vadd.f32 v55, v15;
	v62 =	vadd.f32 $0.0e+00, v57  }
0x72: {  	v28 =	vmul.f32 v28, v9;
	v52 =	vand.u32 $0xFFFF0000, v52;
	v31 =	vand.u32 $0xFFFF0000, v48  }
0x73: {  	v55 =	vld [tilespmem:s1+$0x4EF0];
	v54 =	vmax.bf16 v58, v2;
	v50 =	vadd.f32 v50, v61;
	v44 =	vadd.f32 v44, v62  }
0x74: {  	v48 =	vadd.bf16 v60, v63;
	v60 =	vshll.u32 v54, $0x10;
	v54 =	vand.u32 $0xFFFF0000, v54;
	v62 =	vld [tilespmem:s1+$0x4EA0]  }
0x75: {  	v61 =	vmul.f32 v54, v11;
	v54 =	vld [tilespmem:s1+$0x8EA0];
	v42 =	vadd.f32 v42, v50;
	v43 =	vadd.f32 v43, v44  }
0x76: {  	v51 =	vmul.f32 v52, v12;
	v52 =	vmul.f32 v59, v8;
	v59 =	vshll.u32 v53, $0x10;
	v44 =	vld [tilespmem:s1+$0x8EF0]  }
0x77: {  	v53 =	vand.u32 $0xFFFF0000, v53;
	v56 =	vld [tilespmem:s1+$0x4F70];
	v35 =	vadd.f32 v35, v42;
	v39 =	vadd.f32 v39, v43  }
0x78: {  	v25 =	vand.u32 $0xFFFF0000, v25;
	v53 =	vmul.f32 v53, v12;
	v43 =	vld [tilespmem:s1+$0x8F70];
	v42 =	vmul.f32 v60, v7  }
0x79: {  	v48 =	vmax.bf16 v48, v2;
	v50 =	vmul.f32 v59, v8;
	v35 =	vadd.f32 v39, v35  }
0x7a: {  	v63 =	vshll.u32 v48, $0x10;
	v42 =	vadd.f32 v42, v15;
	v39 =	vadd.f32 $0.0e+00, v61  }
0x7b: {  	v62 =	vadd.bf16 v54, v62;
	v44 =	vadd.bf16 v44, v55;
	v60 =	vperm.xlane v35, v1  }
0x7c: {  	v54 =	vld [tilespmem:s1+$0x4F20];
	v42 =	vadd.f32 v47, v42;
	v47 =	vand.u32 $0xFFFF0000, v48;
	v48 =	vmul.f32 v63, v9  }
0x7d: {  	v39 =	vadd.f32 v51, v39;
	v51 =	vld [tilespmem:s1+$0x8F20];
	v63 =	vmax.bf16 v62, v2;
	v43 =	vadd.bf16 v43, v56  }
0x7e: {  	v44 =	vmax.bf16 v44, v2;
	v35 =	vadd.f32 v60, v35;
	v42 =	vadd.f32 v45, v42  }
0x7f: {  	v55 =	vld [tilespmem:s1+$0x8FB0];
	v61 =	vshll.u32 v44, $0x10;
	v39 =	vadd.f32 v46, v39;
	v44 =	vand.u32 $0xFFFF0000, v44  }
0x80: {  	v60 =	vld [tilespmem:s1+$0x4FB0];
	v46 =	vshll.u32 v63, $0x10;
	v45 =	vmul.f32 v61, v8;
	v43 =	vmax.bf16 v43, v2  }
0x81: {  	v57 =	vld [tilespmem:s1+$0x4EE0];
	v62 =	vmul.f32 v46, v7;
	v29 =	vadd.f32 v29, v42;
	v30 =	vadd.f32 v30, v39  }
0x82: {  	v56 =	vld [tilespmem:s1+$0x4F60];
	v44 =	vmul.f32 v44, v12;
	v61 =	vshll.u32 v43, $0x10;
	v51 =	vadd.bf16 v51, v54  }
0x83: {  	v46 =	vld [tilespmem:s1+$0x8EE0];
	v39 =	vadd.f32 v62, v15;
	v29 =	vadd.f32 v30, v29;
	v30 =	vand.u32 $0xFFFF0000, v63  }
0x84: {  	v43 =	vand.u32 $0xFFFF0000, v43;
	v54 =	vmul.f32 v61, v8;
	v62 =	vld [tilespmem:s1+$0x8F60];
	v30 =	vmul.f32 v30, v11  }
0x85: {  	v51 =	vmax.bf16 v51, v2;
	v42 =	vadd.bf16 v55, v60;
	v39 =	vadd.f32 v52, v39  }
0x86: {  	v63 =	vperm.xlane v29, v1;
	v59 =	vshll.u32 v51, $0x10;
	v60 =	vand.u32 $0xFFFF0000, v51  }
0x87: {  	v30 =	vadd.f32 $0.0e+00, v30;
	v61 =	vmul.f32 v59, v7;
	v39 =	vadd.f32 v40, v39  }
0x88: {  	v55 =	vmul.f32 v60, v11;
	v29 =	vadd.f32 v63, v29;
	v63 =	vadd.bf16 v46, v57  }
0x89: {  	v43 =	vmul.f32 v43, v12;
	v62 =	vadd.bf16 v62, v56;
	v30 =	vadd.f32 v49, v30  }
0x8a: {  	v42 =	vmax.bf16 v42, v2;
	v57 =	vadd.f32 v61, v15;
	v59 =	vadd.f32 $0.0e+00, v55  }
0x8b: {  	v60 =	vld [tilespmem:s1+$0x8FF0];
	v26 =	vadd.f32 v26, v39;
	v58 =	vmax.bf16 v63, v2;
	v30 =	vadd.f32 v41, v30  }
0x8c: {  	v61 =	vld [tilespmem:s1+$0x4FF0];
	v41 =	vadd.f32 v50, v57;
	v39 =	vand.u32 $0xFFFF0000, v58;
	v40 =	vadd.f32 v53, v59  }
0x8d: {  	v39 =	vmul.f32 v39, v11;
	v27 =	vadd.f32 v27, v30;
	v30 =	vshll.u32 v58, $0x10  }
0x8e: {  	v36 =	vadd.f32 v36, v41;
	v38 =	vadd.f32 v38, v40;
	v40 =	vld [tilespmem:s1+$0x8FA0];
	v30 =	vmul.f32 v30, v7  }
0x8f: {  	v63 =	vshll.u32 v42, $0x10;
	v55 =	vmax.bf16 v62, v2;
	v41 =	vld [tilespmem:s1+$0x4FA0];
	v39 =	vadd.f32 $0.0e+00, v39  }
0x90: {  	v57 =	vld [tilespmem:s1+$0x8FE0];
	v23 =	vadd.f32 v23, v36;
	v36 =	vand.u32 $0xFFFF0000, v55;
	v30 =	vadd.f32 v30, v15  }
0x91: {  	v58 =	vld [tilespmem:s1+$0x4FE0];
	v46 =	vadd.bf16 v60, v61;
	v36 =	vmul.f32 v36, v11;
	v39 =	vadd.f32 v44, v39  }
0x92: {  	v56 =	vshll.u32 v55, $0x10;
	v16 =	vadd.f32 v16, v38;
	v30 =	vadd.f32 v45, v30  }
0x93: {  	v45 =	vmul.f32 v56, v7;
	v36 =	vadd.f32 $0.0e+00, v36;
	v33 =	vadd.f32 v33, v39  }
0x94: {  	v59 =	vand.u32 $0xFFFF0000, v42;
	v40 =	vadd.bf16 v40, v41;
	v30 =	vadd.f32 v37, v30  }
0x95: {  	v61 =	vmul.f32 v63, v8;
	v60 =	vadd.f32 v45, v15;
	v36 =	vadd.f32 v43, v36  }
0x96: {  	v45 =	vadd.bf16 v57, v58;
	v21 =	vadd.f32 v21, v33;
	v49 =	vmax.bf16 v40, v2  }
0x97: {  	v40 =	vshll.u32 v49, $0x10;
	v22 =	vadd.f32 v22, v30;
	v30 =	vmax.bf16 v46, v2  }
0x98: {  	v62 =	vadd.f32 v54, v60;
	v34 =	vadd.f32 v34, v36;
	v50 =	vmax.bf16 v45, v2  }
0x99: {  	v36 =	vand.u32 $0xFFFF0000, v49;
	v51 =	vmul.f32 v40, v7;
	v63 =	vshll.u32 v30, $0x10  }
0x9a: {  	v41 =	vshll.u32 v50, $0x10;
	v39 =	vand.u32 $0xFFFF0000, v50;
	v36 =	vmul.f32 v36, v11  }
0x9b: {  	v30 =	vand.u32 $0xFFFF0000, v30;
	v41 =	vmul.f32 v41, v7;
	v39 =	vmul.f32 v39, v11  }
0x9c: {  	v32 =	vadd.f32 v32, v62;
	v46 =	vmul.f32 v63, v8;
	v36 =	vadd.f32 $0.0e+00, v36  }
0x9d: {  	v30 =	vmul.f32 v30, v12;
	v52 =	vadd.f32 v41, v15;
	v39 =	vadd.f32 $0.0e+00, v39  }
0x9e: {  	v37 =	vmul.f32 v59, v12;
	v20 =	vadd.f32 v20, v32;
	v32 =	vadd.f32 v51, v15  }
0x9f: {  	v53 =	vmul.f32 v47, v13;
	v33 =	vadd.f32 v46, v52;
	v30 =	vadd.f32 v30, v39  }
0xa0: {  	v31 =	vmul.f32 v31, v13;
	v36 =	vadd.f32 v37, v36;
	v32 =	vadd.f32 v61, v32  }
0xa1: {  	v25 =	vmul.f32 v25, v14;
	v33 =	vadd.f32 v48, v33;
	v30 =	vadd.f32 v53, v30  }
0xa2: {  	v19 =	vmul.f32 v19, v14;
	v31 =	vadd.f32 v31, v36;
	v28 =	vadd.f32 v28, v32  }
0xa3: {  	v18 =	vmul.f32 v18, v10;
	v24 =	vadd.f32 v24, v33;
	v25 =	vadd.f32 v25, v30  }
0xa4: {  	v17 =	vadd.f32 v17, v34;
	v19 =	vadd.f32 v19, v31  }
0xa5: {  	v18 =	vadd.f32 v18, v28;
	v24 =	vadd.f32 v25, v24  }
0xa6: {  	v21 =	vadd.f32 v21, v22;
	v17 =	vadd.f32 v17, v20  }
0xa7: {  	v18 =	vadd.f32 v19, v18;
	v19 =	vperm.xlane v24, v1  }
0xa8: {  	v16 =	vadd.f32 v16, v23;
	v22 =	vperm.xlane v21, v1;
	v23 =	vperm.xlane v17, v1  }
0xa9: {  	v20 =	vadd.f32 v27, v26;
	v25 =	vperm.xlane v18, v1;
	v19 =	vadd.f32 v19, v24  }
0xaa: {  	v21 =	vadd.f32 v22, v21;
	v22 =	vperm.xlane v16, v1;
	v17 =	vadd.f32 v23, v17  }
0xab: {  	v24 =	vperm.xlane v20, v1;
	v18 =	vadd.f32 v25, v18;
	v19 =	vperm.xlane v19, v1  }
0xac: {  	v16 =	vadd.f32 v22, v16;
	v17 =	vperm.xlane v17, v1  }
0xad: {  	v21 =	vperm.xlane v21, v1;
	v20 =	vadd.f32 v24, v20;
	v18 =	vsel vm0, v18, v19  }
0xae: {  	v16 =	vsel vm0, v16, v17;
	v19 =	vperm.xlane v18, v3  }
0xaf: {  	v23 =	vperm.xlane v29, v1;
	v20 =	vsel vm0, v20, v21;
	v21 =	vperm.xlane v16, v3  }
0xb0: {  	v17 =	vperm.xlane v20, v3;
	v18 =	vadd.f32 v19, v18  }
0xb1: {  	v22 =	vsel vm0, v35, v23;
	v16 =	vadd.f32 v21, v16  }
0xb2: {  	v19 =	vperm.xlane v22, v3;
	v17 =	vadd.f32 v17, v20;
	v18 =	vperm.xlane v18, v3;
	_ =	sdelay $0x1  }
0xb3: {  	v19 =	vadd.f32 v19, v22;
	v17 =	vperm.xlane v17, v3;
	v16 =	vsel vm1, v16, v18  }
0xb4: {  	v18 =	vperm.xlane v16, v4  }
0xb5: {  	v17 =	vsel vm1, v19, v17  }
0xb6: {  	v19 =	vperm.xlane v17, v4;
	v16 =	vadd.f32 v18, v16;
	_ =	sdelay $0x1  }
0xb7: {  	v17 =	vadd.f32 v19, v17;
	v18 =	vperm.xlane v16, v4  }
0xb8: {  	s30 =	sshll.u32 s29, $0x8  }
0xb9: {  	v16 =	vor.u32 s30, v0;
	v17 =	vsel vm2, v17, v18  }
0xba: {  	v18 =	vperm.xlane v17, v5;
	_ =	sdelay $0x1  }
0xbb: {  	v17 =	vadd.f32 v18, v17;
	_ =	sdelay $0x1  }
0xbc: {  	s31 =	simm.s32 $0x200;
	[tilespmem:v16+s21+$0x0] =	vst.idx.msk vm3, v17  }
0xbd: {  	v17 =	vld [tilespmem:s31+$0x8E50]  }
0xbe: {  	v18 =	vld [tilespmem:s31+$0x4E50]  }
0xbf: {  	v19 =	vld [tilespmem:s31+$0x8E90]  }
0xc0: {  	v20 =	vld [tilespmem:s31+$0x4E90]  }
0xc1: {  	v21 =	vld [tilespmem:s31+$0x8ED0]  }
0xc2: {  	v22 =	vld [tilespmem:s31+$0x4ED0]  }
0xc3: {  	v23 =	vld [tilespmem:s31+$0x8F50]  }
0xc4: {  	v59 =	vld [tilespmem:s31+$0x8F80]  }
0xc5: {  	v61 =	vld [tilespmem:s31+$0x4F80]  }
0xc6: {  	v24 =	vld [tilespmem:s31+$0x4F50]  }
0xc7: {  	v25 =	vld [tilespmem:s31+$0x8E40]  }
0xc8: {  	v26 =	vld [tilespmem:s31+$0x4E40]  }
0xc9: {  	v28 =	vld [tilespmem:s31+$0x8F90];
	v17 =	vadd.bf16 v17, v18;
	v19 =	vadd.bf16 v19, v20  }
0xca: {  	v18 =	vld [tilespmem:s31+$0x8F10];
	v48 =	vadd.bf16 v59, v61  }
0xcb: {  	v20 =	vld [tilespmem:s31+$0x4F10];
	v21 =	vadd.bf16 v21, v22;
	v17 =	vmax.bf16 v17, v2;
	v19 =	vmax.bf16 v19, v2  }
0xcc: {  	v30 =	vld [tilespmem:s31+$0x8E80];
	v48 =	vmax.bf16 v48, v2;
	v27 =	vshll.u32 v17, $0x10;
	v17 =	vand.u32 $0xFFFF0000, v17  }
0xcd: {  	v31 =	vld [tilespmem:s31+$0x4EC0];
	v29 =	vmul.f32 v27, v10;
	v33 =	vmul.f32 v17, v14;
	v17 =	vshll.u32 v19, $0x10  }
0xce: {  	v22 =	vld [tilespmem:s31+$0x4F90];
	v19 =	vand.u32 $0xFFFF0000, v19;
	v35 =	vmul.f32 v17, v10;
	v17 =	vmax.bf16 v21, v2  }
0xcf: {  	v27 =	vld [tilespmem:s31+$0x8FD0];
	v21 =	vadd.bf16 v23, v24;
	v39 =	vmul.f32 v19, v14;
	v23 =	vadd.bf16 v25, v26  }
0xd0: {  	v24 =	vld [tilespmem:s31+$0x4FD0];
	v18 =	vadd.bf16 v18, v20;
	v19 =	vshll.u32 v17, $0x10;
	v17 =	vand.u32 $0xFFFF0000, v17  }
0xd1: {  	v25 =	vld [tilespmem:s31+$0x4E80];
	v37 =	vmul.f32 v19, v10;
	v19 =	vmax.bf16 v21, v2;
	v38 =	vmul.f32 v17, v14  }
0xd2: {  	v26 =	vld [tilespmem:s31+$0x8EC0];
	v21 =	vmax.bf16 v23, v2;
	v18 =	vmax.bf16 v18, v2;
	v20 =	vshll.u32 v19, $0x10  }
0xd3: {  	v54 =	vld [tilespmem:s31+$0x8F40];
	v17 =	vand.u32 $0xFFFF0000, v19;
	v19 =	vshll.u32 v21, $0x10;
	v36 =	vmul.f32 v20, v10  }
0xd4: {  	v55 =	vld [tilespmem:s31+$0x4F40];
	v20 =	vand.u32 $0xFFFF0000, v21;
	v34 =	vmul.f32 v19, v9;
	v19 =	vshll.u32 v18, $0x10  }
0xd5: {  	v58 =	vld [tilespmem:s31+$0x4F00];
	v21 =	vadd.bf16 v28, v22;
	v18 =	vand.u32 $0xFFFF0000, v18;
	v44 =	vmul.f32 v20, v13  }
0xd6: {  	v28 =	vld [tilespmem:s31+$0x9010];
	v23 =	vmul.f32 v19, v10;
	v22 =	vmul.f32 v18, v14;
	v19 =	vadd.bf16 v27, v24  }
0xd7: {  	v24 =	vld [tilespmem:s31+$0x5010];
	v20 =	vadd.bf16 v30, v25;
	v26 =	vadd.bf16 v26, v31;
	v18 =	vmax.bf16 v21, v2  }
0xd8: {  	v59 =	vshll.u32 v48, $0x10;
	v27 =	vld [tilespmem:s31+$0x8E30];
	v21 =	vshll.u32 v18, $0x10  }
0xd9: {  	v25 =	vld [tilespmem:s31+$0x4E30];
	v30 =	vmax.bf16 v19, v2;
	v20 =	vmax.bf16 v20, v2;
	v26 =	vmax.bf16 v26, v2  }
0xda: {  	v31 =	vld [tilespmem:s31+$0x8F00];
	v21 =	vmul.f32 v21, v10;
	v19 =	vshll.u32 v30, $0x10;
	v56 =	vshll.u32 v20, $0x10  }
0xdb: {  	v62 =	vld [tilespmem:s31+$0x8FC0];
	v57 =	vand.u32 $0xFFFF0000, v20;
	v20 =	vand.u32 $0xFFFF0000, v30;
	v30 =	vadd.bf16 v54, v55  }
0xdc: {  	v63 =	vld [tilespmem:s31+$0x8E20];
	v60 =	vshll.u32 v26, $0x10;
	v26 =	vand.u32 $0xFFFF0000, v26;
	v46 =	vmul.f32 v56, v9  }
0xdd: {  	v18 =	vand.u32 $0xFFFF0000, v18;
	v54 =	vld [tilespmem:s31+$0x8F30];
	v47 =	vmul.f32 v57, v13;
	v43 =	vmul.f32 v26, v13  }
0xde: {  	v55 =	vld [tilespmem:s31+$0x4F30];
	v30 =	vmax.bf16 v30, v2;
	v24 =	vadd.bf16 v28, v24;
	v25 =	vadd.bf16 v27, v25  }
0xdf: {  	v27 =	vld [tilespmem:s31+$0x8E70];
	v31 =	vadd.bf16 v31, v58;
	v26 =	vshll.u32 v30, $0x10;
	v28 =	vand.u32 $0xFFFF0000, v30  }
0xe0: {  	v30 =	vld [tilespmem:s31+$0x4FC0];
	v40 =	vmul.f32 v26, v9;
	v24 =	vmax.bf16 v24, v2;
	v41 =	vmul.f32 v28, v13  }
0xe1: {  	v26 =	vld [tilespmem:s31+$0x4E70];
	v56 =	vmax.bf16 v25, v2;
	v31 =	vmax.bf16 v31, v2;
	v28 =	vshll.u32 v24, $0x10  }
0xe2: {  	v25 =	vand.u32 $0xFFFF0000, v24;
	v57 =	vshll.u32 v56, $0x10;
	v24 =	vmul.f32 v28, v10;
	v28 =	vld [tilespmem:s31+$0x4E20]  }
0xe3: {  	v18 =	vmul.f32 v18, v14;
	v58 =	vshll.u32 v31, $0x10;
	v51 =	vmul.f32 v57, v8;
	v57 =	vld [tilespmem:s31+$0x8E60]  }
0xe4: {  	v42 =	vmul.f32 v60, v9;
	v50 =	vand.u32 $0xFFFF0000, v56;
	v32 =	vmul.f32 v58, v9;
	v58 =	vld [tilespmem:s31+$0x4E60]  }
0xe5: {  	v31 =	vand.u32 $0xFFFF0000, v31;
	v54 =	vadd.bf16 v54, v55;
	v30 =	vadd.bf16 v62, v30  }
0xe6: {  	v48 =	vand.u32 $0xFFFF0000, v48;
	v50 =	vmul.f32 v50, v12;
	v31 =	vmul.f32 v31, v13  }
0xe7: {  	v52 =	vld [tilespmem:s31+$0x8EB0];
	v54 =	vmax.bf16 v54, v2;
	v26 =	vadd.bf16 v27, v26;
	v60 =	vmax.bf16 v30, v2  }
0xe8: {  	v27 =	vld [tilespmem:s31+$0x4EB0];
	v30 =	vmul.f32 v48, v13;
	v45 =	vadd.bf16 v63, v28;
	v28 =	vmul.f32 v59, v9  }
0xe9: {  	v61 =	vmax.bf16 v26, v2;
	v26 =	vshll.u32 v60, $0x10;
	v58 =	vadd.bf16 v57, v58  }
0xea: {  	v62 =	vshll.u32 v61, $0x10;
	v26 =	vmul.f32 v26, v9;
	v45 =	vmax.bf16 v45, v2  }
0xeb: {  	v49 =	vld [tilespmem:s31+$0x9000];
	v48 =	vmul.f32 v62, v8;
	v63 =	vshll.u32 v45, $0x10;
	v45 =	vand.u32 $0xFFFF0000, v45  }
0xec: {  	v59 =	vld [tilespmem:s31+$0x5000];
	v53 =	vand.u32 $0xFFFF0000, v61;
	v56 =	vmul.f32 v63, v7;
	v45 =	vmul.f32 v45, v11  }
0xed: {  	v53 =	vmul.f32 v53, v12;
	v55 =	vmax.bf16 v58, v2;
	v52 =	vadd.bf16 v52, v27  }
0xee: {  	v27 =	vand.u32 $0xFFFF0000, v60;
	v56 =	vadd.f32 v56, v15;
	v45 =	vadd.f32 $0.0e+00, v45  }
0xef: {  	v61 =	vshll.u32 v55, $0x10;
	v55 =	vand.u32 $0xFFFF0000, v55;
	v52 =	vmax.bf16 v52, v2  }
0xf0: {  	v60 =	vshll.u32 v52, $0x10;
	v51 =	vadd.f32 v51, v56;
	v45 =	vadd.f32 v50, v45  }
0xf1: {  	v57 =	vld [tilespmem:s31+$0x4F70];
	v62 =	vmul.f32 v55, v11;
	v49 =	vadd.bf16 v49, v59;
	v50 =	vmul.f32 v60, v8  }
0xf2: {  	v60 =	vshll.u32 v54, $0x10;
	v56 =	vld [tilespmem:s31+$0x4EF0];
	v34 =	vadd.f32 v34, v51;
	v44 =	vadd.f32 v44, v45  }
0xf3: {  	v52 =	vand.u32 $0xFFFF0000, v52;
	v45 =	vld [tilespmem:s31+$0x8EF0];
	v51 =	vmul.f32 v60, v8;
	v60 =	vadd.f32 $0.0e+00, v62  }
0xf4: {  	v29 =	vadd.f32 v29, v34;
	v33 =	vadd.f32 v33, v44;
	v44 =	vld [tilespmem:s31+$0x8F70];
	v34 =	vmul.f32 v61, v7  }
0xf5: {  	v58 =	vld [tilespmem:s31+$0x4EA0];
	v52 =	vmul.f32 v52, v12;
	v49 =	vmax.bf16 v49, v2;
	v60 =	vadd.f32 v53, v60  }
0xf6: {  	v55 =	vld [tilespmem:s31+$0x8EA0];
	v54 =	vand.u32 $0xFFFF0000, v54;
	v29 =	vadd.f32 v33, v29;
	v34 =	vadd.f32 v34, v15  }
0xf7: {  	v59 =	vshll.u32 v49, $0x10;
	v54 =	vmul.f32 v54, v12;
	v47 =	vadd.f32 v47, v60  }
0xf8: {  	v53 =	vld [tilespmem:s31+$0x8F20];
	v45 =	vadd.bf16 v45, v56;
	v63 =	vperm.xlane v29, v1;
	v48 =	vadd.f32 v48, v34  }
0xf9: {  	v33 =	vmul.f32 v59, v9;
	v56 =	vld [tilespmem:s31+$0x8FB0];
	v39 =	vadd.f32 v39, v47;
	v62 =	vadd.bf16 v44, v57  }
0xfa: {  	v47 =	vld [tilespmem:s31+$0x4FB0];
	v45 =	vmax.bf16 v45, v2;
	v29 =	vadd.f32 v63, v29;
	v46 =	vadd.f32 v46, v48  }
0xfb: {  	v61 =	vshll.u32 v45, $0x10;
	v63 =	vadd.bf16 v55, v58;
	v60 =	vand.u32 $0xFFFF0000, v45;
	v45 =	vld [tilespmem:s31+$0x4F20]  }
0xfc: {  	v34 =	vand.u32 $0xFFFF0000, v49;
	v48 =	vmul.f32 v61, v8;
	v44 =	vmul.f32 v60, v12  }
0xfd: {  	v61 =	vmax.bf16 v62, v2;
	v35 =	vadd.f32 v35, v46;
	v62 =	vmax.bf16 v63, v2  }
0xfe: {  	v63 =	vshll.u32 v61, $0x10;
	v49 =	vshll.u32 v62, $0x10;
	v59 =	vand.u32 $0xFFFF0000, v62  }
0xff: {  	v58 =	vld [tilespmem:s31+$0x4EE0];
	v35 =	vadd.f32 v39, v35;
	v60 =	vmul.f32 v49, v7;
	v39 =	vmul.f32 v59, v11  }
0x100: {  	v55 =	vand.u32 $0xFFFF0000, v61;
	v47 =	vadd.bf16 v56, v47;
	v49 =	vld [tilespmem:s31+$0x8EE0];
	v53 =	vadd.bf16 v53, v45  }
0x101: {  	v46 =	vmul.f32 v55, v12;
	v61 =	vadd.f32 v60, v15;
	v39 =	vadd.f32 $0.0e+00, v39  }
0x102: {  	v45 =	vmul.f32 v63, v8;
	v62 =	vperm.xlane v35, v1;
	v53 =	vmax.bf16 v53, v2  }
0x103: {  	v55 =	vld [tilespmem:s31+$0x8F60];
	v50 =	vadd.f32 v50, v61;
	v63 =	vshll.u32 v53, $0x10;
	v39 =	vadd.f32 v52, v39  }
0x104: {  	v35 =	vadd.f32 v62, v35;
	v60 =	vand.u32 $0xFFFF0000, v53;
	v62 =	vld [tilespmem:s31+$0x4F60];
	v61 =	vmul.f32 v63, v7  }
0x105: {  	v49 =	vadd.bf16 v49, v58;
	v52 =	vmul.f32 v60, v11;
	v39 =	vadd.f32 v43, v39  }
0x106: {  	v50 =	vadd.f32 v42, v50;
	v42 =	vmax.bf16 v47, v2;
	v63 =	vadd.f32 v61, v15  }
0x107: {  	v53 =	vmax.bf16 v49, v2;
	v57 =	vadd.f32 $0.0e+00, v52;
	v38 =	vadd.f32 v38, v39  }
0x108: {  	v43 =	vld [tilespmem:s31+$0x8FF0];
	v58 =	vshll.u32 v53, $0x10;
	v60 =	vand.u32 $0xFFFF0000, v53;
	v59 =	vadd.f32 v51, v63  }
0x109: {  	v47 =	vld [tilespmem:s31+$0x4FF0];
	v39 =	vmul.f32 v58, v7;
	v49 =	vadd.f32 v54, v57;
	v62 =	vadd.bf16 v55, v62  }
0x10a: {  	v37 =	vadd.f32 v37, v50;
	v51 =	vmul.f32 v60, v11;
	v61 =	vadd.f32 v40, v59  }
0x10b: {  	v63 =	vadd.f32 v39, v15;
	v39 =	vadd.f32 v41, v49;
	v40 =	vld [tilespmem:s31+$0x8FA0];
	v53 =	vmax.bf16 v62, v2  }
0x10c: {  	v49 =	vshll.u32 v42, $0x10;
	v50 =	vadd.f32 $0.0e+00, v51;
	v41 =	vld [tilespmem:s31+$0x4FA0];
	v52 =	vshll.u32 v53, $0x10  }
0x10d: {  	s1 =	simm.s32 $0x1000;
	v53 =	vand.u32 $0xFFFF0000, v53;
	v36 =	vadd.f32 v36, v61;
	v51 =	vadd.f32 v48, v63;
	v48 =	vld [tilespmem:s31+$0x8FE0]  }
.LBB2_3:
0x10e: {  	p0 =	sne.s32 s1, $0x7800;
	v52 =	vmul.f32 v52, v7;
	v53 =	vmul.f32 v53, v11;
	v54 =	vld [tilespmem:s31+$0x4FE0];
	v43 =	vadd.bf16 v43, v47  }
0x10f: {  	v44 =	vadd.f32 v44, v50;
	v42 =	vand.u32 $0xFFFF0000, v42;
	v32 =	vadd.f32 v32, v51  }
0x110: {  	v49 =	vmul.f32 v49, v8;
	v47 =	vadd.f32 v52, v15;
	v50 =	vadd.f32 $0.0e+00, v53  }
0x111: {  	v31 =	vadd.f32 v31, v44;
	v23 =	vadd.f32 v23, v32;
	v32 =	vmax.bf16 v43, v2  }
0x112: {  	v43 =	vadd.f32 v45, v47;
	v44 =	vadd.f32 v46, v50;
	v45 =	vshll.u32 v32, $0x10  }
0x113: {  	v40 =	vadd.bf16 v40, v41;
	v32 =	vand.u32 $0xFFFF0000, v32;
	v41 =	vadd.bf16 v48, v54  }
0x114: {  	v22 =	vadd.f32 v22, v31;
	v31 =	vmul.f32 v45, v8;
	v28 =	vadd.f32 v28, v43  }
0x115: {  	v40 =	vmax.bf16 v40, v2;
	v30 =	vadd.f32 v30, v44;
	v41 =	vmax.bf16 v41, v2  }
0x116: {  	v43 =	vshll.u32 v40, $0x10;
	v44 =	vshll.u32 v41, $0x10;
	v41 =	vand.u32 $0xFFFF0000, v41  }
0x117: {  	v40 =	vand.u32 $0xFFFF0000, v40;
	v44 =	vmul.f32 v44, v7;
	v41 =	vmul.f32 v41, v11  }
0x118: {  	v40 =	vmul.f32 v40, v11;
	v21 =	vadd.f32 v21, v28;
	v28 =	vmul.f32 v43, v7  }
0x119: {  	v32 =	vmul.f32 v32, v12;
	v43 =	vadd.f32 v44, v15;
	v41 =	vadd.f32 $0.0e+00, v41  }
0x11a: {  	v42 =	vmul.f32 v42, v12;
	v40 =	vadd.f32 $0.0e+00, v40;
	v28 =	vadd.f32 v28, v15  }
0x11b: {  	v34 =	vmul.f32 v34, v13;
	v31 =	vadd.f32 v31, v43;
	v32 =	vadd.f32 v32, v41  }
0x11c: {  	v27 =	vmul.f32 v27, v13;
	v40 =	vadd.f32 v42, v40;
	v28 =	vadd.f32 v49, v28  }
0x11d: {  	v25 =	vmul.f32 v25, v14;
	v31 =	vadd.f32 v33, v31;
	v32 =	vadd.f32 v34, v32  }
0x11e: {  	v19 =	vmul.f32 v19, v10;
	v27 =	vadd.f32 v27, v40;
	v26 =	vadd.f32 v26, v28  }
0x11f: {  	v20 =	vmul.f32 v20, v14;
	v24 =	vadd.f32 v24, v31;
	v25 =	vadd.f32 v25, v32  }
0x120: {  	v17 =	vmul.f32 v17, v14;
	v18 =	vadd.f32 v18, v30;
	v19 =	vadd.f32 v19, v26  }
0x121: {  	v20 =	vadd.f32 v20, v27;
	v24 =	vadd.f32 v25, v24  }
0x122: {  	v17 =	vadd.f32 v17, v39;
	v22 =	vadd.f32 v22, v23  }
0x123: {  	v18 =	vadd.f32 v18, v21;
	v19 =	vadd.f32 v20, v19;
	v20 =	vperm.xlane v24, v1  }
0x124: {  	v17 =	vadd.f32 v17, v36;
	v23 =	vperm.xlane v22, v1;
	v21 =	vadd.f32 v38, v37  }
0x125: {  	v25 =	vperm.xlane v18, v1;
	v26 =	vperm.xlane v19, v1;
	v20 =	vadd.f32 v20, v24  }
0x126: {  	v22 =	vadd.f32 v23, v22;
	v23 =	vperm.xlane v17, v1;
	v24 =	vperm.xlane v21, v1  }
0x127: {  	v18 =	vadd.f32 v25, v18;
	v19 =	vadd.f32 v26, v19;
	v20 =	vperm.xlane v20, v1  }
0x128: {  	v17 =	vadd.f32 v23, v17;
	v25 =	vperm.xlane v35, v1;
	v21 =	vadd.f32 v24, v21  }
0x129: {  	v22 =	vperm.xlane v22, v1;
	v18 =	vperm.xlane v18, v1;
	v19 =	vsel vm0, v19, v20  }
0x12a: {  	v20 =	vperm.xlane v19, v3  }
0x12b: {  	v23 =	vsel vm0, v29, v25;
	v17 =	vsel vm0, v17, v18;
	v21 =	vsel vm0, v21, v22  }
0x12c: {  	v22 =	vperm.xlane v17, v3;
	v18 =	vperm.xlane v21, v3;
	v19 =	vadd.f32 v20, v19  }
0x12d: {  	v20 =	vperm.xlane v23, v3  }
0x12e: {  	v17 =	vadd.f32 v22, v17;
	v18 =	vadd.f32 v18, v21;
	v19 =	vperm.xlane v19, v3;
	_ =	sdelay $0x1  }
0x12f: {  	v20 =	vadd.f32 v20, v23;
	v18 =	vperm.xlane v18, v3;
	v17 =	vsel vm1, v17, v19  }
0x130: {  	v19 =	vperm.xlane v17, v4  }
0x131: {  	v18 =	vsel vm1, v20, v18  }
0x132: {  	v20 =	vperm.xlane v18, v4;
	v17 =	vadd.f32 v19, v17;
	_ =	sdelay $0x1  }
0x133: {  	v18 =	vadd.f32 v20, v18;
	v17 =	vperm.xlane v17, v4;
	_ =	sdelay $0x1  }
0x134: {  	v16 =	vadd.s32 $0x8, v16;
	v17 =	vsel vm2, v18, v17  }
0x135: {  	v18 =	vperm.xlane v17, v5;
	_ =	sdelay $0x1  }
0x136: {  	v17 =	vadd.f32 v18, v17;
	_ =	sdelay $0x1  }
0x137: {  	s31 =	sshra.s32 s1, $0x2;
	[tilespmem:v16+s21+$0x0] =	vst.idx.msk vm3, v17  }
0x138: {  	v17 =	vld [tilespmem:s31+$0x8E50]  }
0x139: {  	v18 =	vld [tilespmem:s31+$0x4E50]  }
0x13a: {  	v19 =	vld [tilespmem:s31+$0x8E90]  }
0x13b: {  	v20 =	vld [tilespmem:s31+$0x4E90]  }
0x13c: {  	v21 =	vld [tilespmem:s31+$0x8ED0]  }
0x13d: {  	v22 =	vld [tilespmem:s31+$0x4ED0]  }
0x13e: {  	v23 =	vld [tilespmem:s31+$0x8F50]  }
0x13f: {  	v24 =	vld [tilespmem:s31+$0x4F50]  }
0x140: {  	v25 =	vld [tilespmem:s31+$0x8E40]  }
0x141: {  	v17 =	vadd.bf16 v17, v18;
	v26 =	vld [tilespmem:s31+$0x4E40]  }
0x142: {  	v18 =	vld [tilespmem:s31+$0x8F10]  }
0x143: {  	v17 =	vmax.bf16 v17, v2;
	v19 =	vadd.bf16 v19, v20;
	v20 =	vld [tilespmem:s31+$0x4F10]  }
0x144: {  	v27 =	vshll.u32 v17, $0x10;
	v17 =	vand.u32 $0xFFFF0000, v17;
	v28 =	vld [tilespmem:s31+$0x8F90]  }
0x145: {  	v29 =	vmul.f32 v27, v10;
	v19 =	vmax.bf16 v19, v2;
	v21 =	vadd.bf16 v21, v22;
	v22 =	vld [tilespmem:s31+$0x4F90]  }
0x146: {  	v33 =	vmul.f32 v17, v14;
	v17 =	vshll.u32 v19, $0x10;
	v19 =	vand.u32 $0xFFFF0000, v19;
	v27 =	vld [tilespmem:s31+$0x8FD0]  }
0x147: {  	v35 =	vmul.f32 v17, v10;
	v17 =	vmax.bf16 v21, v2;
	v21 =	vadd.bf16 v23, v24;
	v24 =	vld [tilespmem:s31+$0x4FD0]  }
0x148: {  	v39 =	vmul.f32 v19, v14;
	v19 =	vshll.u32 v17, $0x10;
	v17 =	vand.u32 $0xFFFF0000, v17;
	v30 =	vld [tilespmem:s31+$0x8E80]  }
0x149: {  	v23 =	vadd.bf16 v25, v26;
	v37 =	vmul.f32 v19, v10;
	v19 =	vmax.bf16 v21, v2;
	v25 =	vld [tilespmem:s31+$0x4E80]  }
0x14a: {  	v38 =	vmul.f32 v17, v14;
	v18 =	vadd.bf16 v18, v20;
	v20 =	vshll.u32 v19, $0x10;
	v26 =	vld [tilespmem:s31+$0x8EC0]  }
0x14b: {  	v17 =	vand.u32 $0xFFFF0000, v19;
	v21 =	vmax.bf16 v23, v2;
	v36 =	vmul.f32 v20, v10;
	v31 =	vld [tilespmem:s31+$0x4EC0]  }
0x14c: {  	v19 =	vshll.u32 v21, $0x10;
	v20 =	vand.u32 $0xFFFF0000, v21;
	v18 =	vmax.bf16 v18, v2;
	v32 =	vld [tilespmem:s31+$0x8F40]  }
0x14d: {  	v34 =	vmul.f32 v19, v9;
	v21 =	vadd.bf16 v28, v22;
	v19 =	vshll.u32 v18, $0x10;
	v40 =	vld [tilespmem:s31+$0x4F40]  }
0x14e: {  	v46 =	vmul.f32 v20, v13;
	v18 =	vand.u32 $0xFFFF0000, v18;
	v23 =	vmul.f32 v19, v10;
	v28 =	vld [tilespmem:s31+$0x9010]  }
0x14f: {  	v22 =	vmul.f32 v18, v14;
	v18 =	vmax.bf16 v21, v2;
	v19 =	vadd.bf16 v27, v24;
	v24 =	vld [tilespmem:s31+$0x5010]  }
0x150: {  	v21 =	vshll.u32 v18, $0x10;
	v18 =	vand.u32 $0xFFFF0000, v18;
	v20 =	vadd.bf16 v30, v25;
	v27 =	vld [tilespmem:s31+$0x8E30]  }
0x151: {  	v21 =	vmul.f32 v21, v10;
	v18 =	vmul.f32 v18, v14;
	v30 =	vmax.bf16 v19, v2;
	v25 =	vld [tilespmem:s31+$0x4E30]  }
0x152: {  	v19 =	vshll.u32 v30, $0x10;
	v20 =	vmax.bf16 v20, v2;
	v26 =	vadd.bf16 v26, v31;
	v31 =	vld [tilespmem:s31+$0x8F00]  }
0x153: {  	v41 =	vshll.u32 v20, $0x10;
	v42 =	vand.u32 $0xFFFF0000, v20;
	v20 =	vand.u32 $0xFFFF0000, v30;
	v47 =	vld [tilespmem:s31+$0x4F00]  }
0x154: {  	v44 =	vmul.f32 v41, v9;
	v26 =	vmax.bf16 v26, v2;
	v30 =	vadd.bf16 v32, v40;
	v32 =	vld [tilespmem:s31+$0x8F80]  }
0x155: {  	v45 =	vmul.f32 v42, v13;
	v40 =	vshll.u32 v26, $0x10;
	v26 =	vand.u32 $0xFFFF0000, v26;
	v48 =	vld [tilespmem:s31+$0x4F80]  }
0x156: {  	v42 =	vmul.f32 v40, v9;
	v30 =	vmax.bf16 v30, v2;
	v24 =	vadd.bf16 v28, v24;
	v49 =	vld [tilespmem:s31+$0x8FC0]  }
0x157: {  	v43 =	vmul.f32 v26, v13;
	v26 =	vshll.u32 v30, $0x10;
	v28 =	vand.u32 $0xFFFF0000, v30;
	v30 =	vld [tilespmem:s31+$0x4FC0]  }
0x158: {  	v25 =	vadd.bf16 v27, v25;
	v40 =	vmul.f32 v26, v9;
	v24 =	vmax.bf16 v24, v2;
	v27 =	vld [tilespmem:s31+$0x8E70]  }
0x159: {  	v41 =	vmul.f32 v28, v13;
	v28 =	vshll.u32 v24, $0x10;
	v31 =	vadd.bf16 v31, v47;
	v26 =	vld [tilespmem:s31+$0x4E70]  }
0x15a: {  	v50 =	vmax.bf16 v25, v2;
	v25 =	vand.u32 $0xFFFF0000, v24;
	v24 =	vmul.f32 v28, v10;
	v47 =	vld [tilespmem:s31+$0x8E20]  }
0x15b: {  	v51 =	vshll.u32 v50, $0x10;
	v50 =	vand.u32 $0xFFFF0000, v50;
	v31 =	vmax.bf16 v31, v2;
	v28 =	vld [tilespmem:s31+$0x4E20]  }
0x15c: {  	v51 =	vmul.f32 v51, v8;
	v48 =	vadd.bf16 v32, v48;
	v52 =	vshll.u32 v31, $0x10  }
0x15d: {  	v50 =	vmul.f32 v50, v12;
	v31 =	vand.u32 $0xFFFF0000, v31;
	v32 =	vmul.f32 v52, v9  }
0x15e: {  	v31 =	vmul.f32 v31, v13;
	v48 =	vmax.bf16 v48, v2;
	v30 =	vadd.bf16 v49, v30;
	v52 =	vld [tilespmem:s31+$0x8EB0]  }
0x15f: {  	v49 =	vshll.u32 v48, $0x10;
	v48 =	vand.u32 $0xFFFF0000, v48;
	v26 =	vadd.bf16 v27, v26;
	v27 =	vld [tilespmem:s31+$0x4EB0]  }
0x160: {  	v47 =	vadd.bf16 v47, v28;
	v28 =	vmul.f32 v49, v9;
	v49 =	vmax.bf16 v30, v2  }
0x161: {  	v53 =	vmax.bf16 v26, v2;
	v30 =	vmul.f32 v48, v13;
	v54 =	vld [tilespmem:s31+$0x8F30];
	v26 =	vshll.u32 v49, $0x10  }
0x162: {  	v48 =	vshll.u32 v53, $0x10;
	v47 =	vmax.bf16 v47, v2;
	v55 =	vld [tilespmem:s31+$0x4F30];
	v26 =	vmul.f32 v26, v9  }
0x163: {  	v53 =	vand.u32 $0xFFFF0000, v53;
	v56 =	vshll.u32 v47, $0x10;
	v47 =	vand.u32 $0xFFFF0000, v47;
	v57 =	vld [tilespmem:s31+$0x8E60]  }
0x164: {  	v56 =	vmul.f32 v56, v7;
	v47 =	vmul.f32 v47, v11;
	v58 =	vld [tilespmem:s31+$0x4E60];
	v52 =	vadd.bf16 v52, v27  }
0x165: {  	v48 =	vmul.f32 v48, v8;
	v53 =	vmul.f32 v53, v12;
	v27 =	vand.u32 $0xFFFF0000, v49;
	v49 =	vld [tilespmem:s31+$0x9000]  }
0x166: {  	v56 =	vadd.f32 v56, v15;
	v47 =	vadd.f32 $0.0e+00, v47;
	v52 =	vmax.bf16 v52, v2;
	v59 =	vld [tilespmem:s31+$0x5000]  }
0x167: {  	v60 =	vshll.u32 v52, $0x10;
	v52 =	vand.u32 $0xFFFF0000, v52;
	v54 =	vadd.bf16 v54, v55  }
0x168: {  	v51 =	vadd.f32 v51, v56;
	v47 =	vadd.f32 v50, v47;
	v50 =	vmul.f32 v60, v8  }
0x169: {  	v52 =	vmul.f32 v52, v12;
	v55 =	vadd.bf16 v57, v58;
	v54 =	vmax.bf16 v54, v2  }
0x16a: {  	v34 =	vadd.f32 v34, v51;
	v46 =	vadd.f32 v46, v47;
	v47 =	vld [tilespmem:s31+$0x8EF0];
	v51 =	vshll.u32 v54, $0x10  }
0x16b: {  	v54 =	vand.u32 $0xFFFF0000, v54;
	v55 =	vmax.bf16 v55, v2;
	v56 =	vld [tilespmem:s31+$0x4EF0];
	v49 =	vadd.bf16 v49, v59  }
0x16c: {  	v29 =	vadd.f32 v29, v34;
	v33 =	vadd.f32 v33, v46;
	v34 =	vshll.u32 v55, $0x10;
	v46 =	vld [tilespmem:s31+$0x8F70]  }
0x16d: {  	v51 =	vmul.f32 v51, v8;
	v55 =	vand.u32 $0xFFFF0000, v55;
	v34 =	vmul.f32 v34, v7;
	v57 =	vld [tilespmem:s31+$0x4F70]  }
0x16e: {  	v49 =	vmax.bf16 v49, v2;
	v29 =	vadd.f32 v33, v29;
	v33 =	vmul.f32 v55, v11;
	v55 =	vld [tilespmem:s31+$0x8EA0]  }
0x16f: {  	v54 =	vmul.f32 v54, v12;
	v59 =	vshll.u32 v49, $0x10;
	v34 =	vadd.f32 v34, v15;
	v58 =	vld [tilespmem:s31+$0x4EA0]  }
0x170: {  	v60 =	vadd.f32 $0.0e+00, v33;
	v47 =	vadd.bf16 v47, v56;
	v56 =	vperm.xlane v29, v1  }
0x171: {  	v33 =	vmul.f32 v59, v9;
	v48 =	vadd.f32 v48, v34;
	v34 =	vand.u32 $0xFFFF0000, v49  }
0x172: {  	v49 =	vadd.f32 v53, v60;
	v47 =	vmax.bf16 v47, v2;
	v29 =	vadd.f32 v56, v29  }
0x173: {  	v46 =	vadd.bf16 v46, v57;
	v48 =	vadd.f32 v44, v48;
	v44 =	vshll.u32 v47, $0x10;
	v53 =	vld [tilespmem:s31+$0x8F20]  }
0x174: {  	v47 =	vand.u32 $0xFFFF0000, v47;
	v45 =	vadd.f32 v45, v49;
	v49 =	vadd.bf16 v55, v58;
	v55 =	vld [tilespmem:s31+$0x4F20]  }
0x175: {  	v56 =	vmul.f32 v44, v8;
	v44 =	vmul.f32 v47, v12;
	v46 =	vmax.bf16 v46, v2;
	v47 =	vld [tilespmem:s31+$0x8FB0]  }
0x176: {  	v35 =	vadd.f32 v35, v48;
	v39 =	vadd.f32 v39, v45;
	v45 =	vmax.bf16 v49, v2;
	v48 =	vld [tilespmem:s31+$0x4FB0]  }
0x177: {  	v57 =	vshll.u32 v46, $0x10;
	v46 =	vand.u32 $0xFFFF0000, v46;
	v49 =	vshll.u32 v45, $0x10  }
0x178: {  	v35 =	vadd.f32 v39, v35;
	v39 =	vand.u32 $0xFFFF0000, v45;
	v49 =	vmul.f32 v49, v7;
	v58 =	vld [tilespmem:s31+$0x8EE0]  }
0x179: {  	v45 =	vmul.f32 v57, v8;
	v39 =	vmul.f32 v39, v11;
	v59 =	vld [tilespmem:s31+$0x4EE0];
	v53 =	vadd.bf16 v53, v55  }
0x17a: {  	v46 =	vmul.f32 v46, v12;
	v49 =	vadd.f32 v49, v15;
	v55 =	vperm.xlane v35, v1  }
0x17b: {  	v39 =	vadd.f32 $0.0e+00, v39;
	v53 =	vmax.bf16 v53, v2;
	v47 =	vadd.bf16 v47, v48  }
0x17c: {  	v48 =	vadd.f32 v50, v49;
	v49 =	vshll.u32 v53, $0x10;
	v35 =	vadd.f32 v55, v35  }
0x17d: {  	v50 =	vand.u32 $0xFFFF0000, v53;
	v39 =	vadd.f32 v52, v39;
	v49 =	vmul.f32 v49, v7;
	v52 =	vld [tilespmem:s31+$0x8F60]  }
0x17e: {  	v50 =	vmul.f32 v50, v11;
	v48 =	vadd.f32 v42, v48;
	v53 =	vadd.bf16 v58, v59;
	v55 =	vld [tilespmem:s31+$0x4F60]  }
0x17f: {  	v42 =	vmax.bf16 v47, v2;
	v39 =	vadd.f32 v43, v39;
	v43 =	vadd.f32 v49, v15  }
0x180: {  	v37 =	vadd.f32 v37, v48;
	v47 =	vmax.bf16 v53, v2;
	v48 =	vadd.f32 $0.0e+00, v50  }
0x181: {  	v38 =	vadd.f32 v38, v39;
	v39 =	vshll.u32 v47, $0x10;
	v49 =	vadd.f32 v51, v43;
	v43 =	vld [tilespmem:s31+$0x8FF0]  }
.Ltmp0:
0x182: {  	v50 =	vand.u32 $0xFFFF0000, v47;
	v39 =	vmul.f32 v39, v7;
	v48 =	vadd.f32 v54, v48;
	v47 =	vld [tilespmem:s31+$0x4FF0];
	(pc) =	sbr.rel @p0 .LBB2_3-.Ltmp0, $4  }
0x183: {  	v50 =	vmul.f32 v50, v11;
	v51 =	vadd.f32 v40, v49;
	v52 =	vadd.bf16 v52, v55  }
0x184: {  	v49 =	vshll.u32 v42, $0x10;
	v53 =	vadd.f32 v39, v15;
	v39 =	vadd.f32 v41, v48;
	v40 =	vld [tilespmem:s31+$0x8FA0]  }
0x185: {  	v50 =	vadd.f32 $0.0e+00, v50;
	v36 =	vadd.f32 v36, v51;
	v48 =	vmax.bf16 v52, v2;
	v41 =	vld [tilespmem:s31+$0x4FA0]  }
0x186: {  	s1 =	sadd.s32 $0x800, s1;
	v51 =	vadd.f32 v56, v53;
	v52 =	vshll.u32 v48, $0x10;
	v53 =	vand.u32 $0xFFFF0000, v48;
	v48 =	vld [tilespmem:s31+$0x8FE0]  }
0x187: {  	v52 =	vmul.f32 v52, v7;
	v53 =	vmul.f32 v53, v11  }
0x188: {  	v54 =	vld [tilespmem:s31+$0x4FE0];
	v43 =	vadd.bf16 v43, v47;
	v44 =	vadd.f32 v44, v50;
	v42 =	vand.u32 $0xFFFF0000, v42  }
0x189: {  	v17 =	vmul.f32 v17, v14;
	v32 =	vadd.f32 v32, v51;
	v55 =	vadd.f32 v52, v15  }
0x18a: {  	v49 =	vmul.f32 v49, v8;
	v56 =	vadd.f32 $0.0e+00, v53;
	v31 =	vadd.f32 v31, v44  }
0x18b: {  	v57 =	vmax.bf16 v43, v2;
	v17 =	vadd.f32 v17, v39;
	v23 =	vadd.f32 v23, v32  }
0x18c: {  	v60 =	vshll.u32 v57, $0x10;
	v40 =	vadd.bf16 v40, v41;
	v58 =	vadd.f32 v45, v55  }
0x18d: {  	v32 =	vand.u32 $0xFFFF0000, v57;
	v59 =	vadd.f32 v46, v56;
	v61 =	vadd.bf16 v48, v54  }
0x18e: {  	v22 =	vadd.f32 v22, v31;
	v31 =	vmul.f32 v60, v8;
	v40 =	vmax.bf16 v40, v2  }
0x18f: {  	v28 =	vadd.f32 v28, v58;
	v30 =	vadd.f32 v30, v59;
	v41 =	vmax.bf16 v61, v2  }
0x190: {  	v62 =	vshll.u32 v40, $0x10;
	v63 =	vshll.u32 v41, $0x10;
	v41 =	vand.u32 $0xFFFF0000, v41  }
0x191: {  	v40 =	vand.u32 $0xFFFF0000, v40;
	v44 =	vmul.f32 v63, v7;
	v41 =	vmul.f32 v41, v11  }
0x192: {  	v40 =	vmul.f32 v40, v11;
	v21 =	vadd.f32 v21, v28;
	v28 =	vmul.f32 v62, v7  }
0x193: {  	v32 =	vmul.f32 v32, v12;
	v47 =	vadd.f32 v44, v15;
	v41 =	vadd.f32 $0.0e+00, v41  }
0x194: {  	v42 =	vmul.f32 v42, v12;
	v40 =	vadd.f32 $0.0e+00, v40;
	v28 =	vadd.f32 v28, v15  }
0x195: {  	v34 =	vmul.f32 v34, v13;
	v31 =	vadd.f32 v31, v47;
	v32 =	vadd.f32 v32, v41  }
0x196: {  	v27 =	vmul.f32 v27, v13;
	v40 =	vadd.f32 v42, v40;
	v28 =	vadd.f32 v49, v28  }
0x197: {  	v25 =	vmul.f32 v25, v14;
	v31 =	vadd.f32 v33, v31;
	v32 =	vadd.f32 v34, v32  }
0x198: {  	v20 =	vmul.f32 v20, v14;
	v27 =	vadd.f32 v27, v40;
	v26 =	vadd.f32 v26, v28  }
0x199: {  	v19 =	vmul.f32 v19, v10;
	v24 =	vadd.f32 v24, v31;
	v25 =	vadd.f32 v25, v32  }
0x19a: {  	v18 =	vadd.f32 v18, v30;
	v20 =	vadd.f32 v20, v27  }
0x19b: {  	v19 =	vadd.f32 v19, v26;
	v24 =	vadd.f32 v25, v24  }
0x19c: {  	v22 =	vadd.f32 v22, v23;
	v18 =	vadd.f32 v18, v21  }
0x19d: {  	v19 =	vadd.f32 v20, v19;
	v20 =	vperm.xlane v24, v1  }
0x19e: {  	v17 =	vadd.f32 v17, v36;
	v23 =	vperm.xlane v22, v1;
	v25 =	vperm.xlane v18, v1  }
0x19f: {  	v21 =	vadd.f32 v38, v37;
	v26 =	vperm.xlane v19, v1;
	v20 =	vadd.f32 v20, v24  }
0x1a0: {  	v22 =	vadd.f32 v23, v22;
	v23 =	vperm.xlane v17, v1;
	v18 =	vadd.f32 v25, v18  }
0x1a1: {  	v19 =	vadd.f32 v26, v19;
	v24 =	vperm.xlane v21, v1;
	v20 =	vperm.xlane v20, v1  }
0x1a2: {  	v17 =	vadd.f32 v23, v17;
	v18 =	vperm.xlane v18, v1  }
0x1a3: {  	v22 =	vperm.xlane v22, v1;
	v21 =	vadd.f32 v24, v21;
	v19 =	vsel vm0, v19, v20  }
0x1a4: {  	v17 =	vsel vm0, v17, v18;
	v20 =	vperm.xlane v19, v3  }
0x1a5: {  	v25 =	vperm.xlane v35, v1;
	v21 =	vsel vm0, v21, v22;
	v22 =	vperm.xlane v17, v3  }
0x1a6: {  	v18 =	vperm.xlane v21, v3;
	v19 =	vadd.f32 v20, v19  }
0x1a7: {  	v23 =	vsel vm0, v29, v25;
	v17 =	vadd.f32 v22, v17  }
0x1a8: {  	v20 =	vperm.xlane v23, v3;
	v18 =	vadd.f32 v18, v21;
	v19 =	vperm.xlane v19, v3;
	_ =	sdelay $0x1  }
0x1a9: {  	v20 =	vadd.f32 v20, v23;
	v18 =	vperm.xlane v18, v3;
	v17 =	vsel vm1, v17, v19  }
0x1aa: {  	v19 =	vperm.xlane v17, v4  }
0x1ab: {  	v18 =	vsel vm1, v20, v18  }
0x1ac: {  	v20 =	vperm.xlane v18, v4;
	v17 =	vadd.f32 v19, v17;
	_ =	sdelay $0x1  }
0x1ad: {  	v18 =	vadd.f32 v20, v18;
	v17 =	vperm.xlane v17, v4;
	_ =	sdelay $0x1  }
0x1ae: {  	v16 =	vadd.s32 $0x8, v16;
	v17 =	vsel vm2, v18, v17  }
0x1af: {  	v18 =	vperm.xlane v17, v5;
	_ =	sdelay $0x1  }
0x1b0: {  	v17 =	vadd.f32 v18, v17  }
0x1b1: {  	p0 =	seq.s32 s29, $0x26  }
0x1b2: {  	s1 =	sadd.s32 @!p0 $0x100, s30;
	s31 =	simm.s32 @!p0 $0x80;
	s0 =	simm.s32 @!p0 $0x4E20;
	[tilespmem:v16+s21+$0x0] =	vst.idx.msk vm3, v17  }
0x1b3: {  	[tilespmem:s0], [sflag:$0x1] =	stream.indirect.gather @!p0 [hbm4b:s3+s31], $0x40, s1, s31, $0xb8;
	[tilespmem:$0xF5C0] =	vst v63  }
0x1b4: {  	s0 =	sadd.s32 @!p0 $0x2810, s30;
	s1 =	simm.s32 @!p0 $0x8E20  }
0x1b5: {  	[tilespmem:s1], [sflag:$0x3] =	stream.indirect.gather @!p0 [hbm4b:s4+s31], $0x40, s0, s31, $0xb8;
	[tilespmem:$0xF5C0] =	vst v63  }
0x1b6: {  	_ =	swait.ge [sflag:s22], $0x2000  }
0x1b7: {  	[sflag:s22] =	ssyncset.done $0x0  }
0x1b8: {  	[sflag:s22] =	ssyncadd.s32 $0xFFFFE000  }
0x1b9: {  	_ =	swait.ge [sflag:s23], $0x2000  }
0x1ba: {  	[sflag:s23] =	ssyncset.done $0x0  }
0x1bb: {  	s0 =	simm.s32 $0x0;
	[sflag:s23] =	ssyncadd.s32 $0xFFFFE000  }
0x1bc: {  	v16 =	vld [tilespmem:s0+$0xAE50]  }
0x1bd: {  	v17 =	vld [tilespmem:s0+$0x6E50]  }
0x1be: {  	v18 =	vld [tilespmem:s0+$0xAE90]  }
0x1bf: {  	v19 =	vld [tilespmem:s0+$0x6E90]  }
0x1c0: {  	v20 =	vld [tilespmem:s0+$0xAED0]  }
0x1c1: {  	v21 =	vld [tilespmem:s0+$0x6ED0]  }
0x1c2: {  	v22 =	vld [tilespmem:s0+$0xAF50]  }
0x1c3: {  	v51 =	vld [tilespmem:s0+$0xAF40]  }
0x1c4: {  	v52 =	vld [tilespmem:s0+$0x6F40]  }
0x1c5: {  	v55 =	vld [tilespmem:s0+$0xAF00]  }
0x1c6: {  	v37 =	vld [tilespmem:s0+$0xAF80]  }
0x1c7: {  	v61 =	vld [tilespmem:s0+$0x6F80]  }
0x1c8: {  	v58 =	vld [tilespmem:s0+$0x6F00]  }
0x1c9: {  	v23 =	vld [tilespmem:s0+$0x6F50]  }
0x1ca: {  	v24 =	vld [tilespmem:s0+$0xAE40]  }
0x1cb: {  	v25 =	vld [tilespmem:s0+$0x6E40];
	v16 =	vadd.bf16 v16, v17;
	v18 =	vadd.bf16 v18, v19  }
0x1cc: {  	v28 =	vld [tilespmem:s0+$0xAF90];
	v59 =	vadd.bf16 v51, v52;
	v47 =	vadd.bf16 v37, v61  }
0x1cd: {  	v31 =	vld [tilespmem:s0+$0xAFD0];
	v20 =	vadd.bf16 v20, v21;
	v55 =	vadd.bf16 v55, v58;
	v16 =	vmax.bf16 v16, v2  }
0x1ce: {  	v17 =	vld [tilespmem:s0+$0xAF10];
	v18 =	vmax.bf16 v18, v2;
	v33 =	vmax.bf16 v59, v2;
	v47 =	vmax.bf16 v47, v2  }
0x1cf: {  	v19 =	vld [tilespmem:s0+$0x6F10];
	v26 =	vshll.u32 v16, $0x10;
	v16 =	vand.u32 $0xFFFF0000, v16;
	v61 =	vshll.u32 v47, $0x10  }
0x1d0: {  	v48 =	vld [tilespmem:s0+$0x6FD0];
	v47 =	vand.u32 $0xFFFF0000, v47;
	v35 =	vmul.f32 v26, v10;
	v39 =	vmul.f32 v16, v14  }
0x1d1: {  	v49 =	vld [tilespmem:s0+$0xAE80];
	v16 =	vshll.u32 v18, $0x10;
	v18 =	vand.u32 $0xFFFF0000, v18;
	v32 =	vmul.f32 v61, v9  }
0x1d2: {  	v50 =	vld [tilespmem:s0+$0x6EC0];
	v34 =	vmul.f32 v47, v13;
	v29 =	vmul.f32 v16, v10;
	v16 =	vmax.bf16 v20, v2  }
0x1d3: {  	v62 =	vld [tilespmem:s0+$0xAFC0];
	v20 =	vadd.bf16 v22, v23;
	v30 =	vmul.f32 v18, v14;
	v22 =	vadd.bf16 v24, v25  }
0x1d4: {  	v21 =	vld [tilespmem:s0+$0x6F90];
	v17 =	vadd.bf16 v17, v19;
	v18 =	vshll.u32 v16, $0x10;
	v16 =	vand.u32 $0xFFFF0000, v16  }
0x1d5: {  	v24 =	vld [tilespmem:s0+$0x6E80];
	v26 =	vmul.f32 v18, v10;
	v18 =	vmax.bf16 v20, v2;
	v27 =	vmul.f32 v16, v14  }
0x1d6: {  	v25 =	vld [tilespmem:s0+$0xAEC0];
	v20 =	vmax.bf16 v22, v2;
	v17 =	vmax.bf16 v17, v2;
	v19 =	vshll.u32 v18, $0x10  }
0x1d7: {  	v63 =	vld [tilespmem:s0+$0x6FC0];
	v16 =	vand.u32 $0xFFFF0000, v18;
	v18 =	vshll.u32 v20, $0x10;
	v23 =	vmul.f32 v19, v10  }
0x1d8: {  	v19 =	vand.u32 $0xFFFF0000, v20;
	v42 =	vmul.f32 v18, v9;
	v18 =	vshll.u32 v17, $0x10  }
0x1d9: {  	v20 =	vadd.bf16 v28, v21;
	v17 =	vand.u32 $0xFFFF0000, v17;
	v43 =	vmul.f32 v19, v13  }
0x1da: {  	v28 =	vld [tilespmem:s0+$0xB010];
	v22 =	vmul.f32 v18, v10;
	v21 =	vmul.f32 v17, v14;
	v18 =	vadd.bf16 v31, v48  }
0x1db: {  	v31 =	vld [tilespmem:s0+$0x7010];
	v19 =	vadd.bf16 v49, v24;
	v25 =	vadd.bf16 v25, v50;
	v17 =	vmax.bf16 v20, v2  }
0x1dc: {  	v53 =	vld [tilespmem:s0+$0xAE30];
	v16 =	vmul.f32 v16, v14;
	v48 =	vadd.bf16 v62, v63;
	v20 =	vshll.u32 v17, $0x10  }
0x1dd: {  	v24 =	vld [tilespmem:s0+$0x6E30];
	v54 =	vmax.bf16 v18, v2;
	v19 =	vmax.bf16 v19, v2;
	v25 =	vmax.bf16 v25, v2  }
0x1de: {  	v18 =	vshll.u32 v54, $0x10;
	v56 =	vshll.u32 v19, $0x10;
	v57 =	vand.u32 $0xFFFF0000, v19  }
0x1df: {  	v51 =	vld [tilespmem:s0+$0xAEB0];
	v19 =	vand.u32 $0xFFFF0000, v54;
	v60 =	vshll.u32 v25, $0x10;
	v25 =	vand.u32 $0xFFFF0000, v25  }
0x1e0: {  	v54 =	vld [tilespmem:s0+$0xAE70];
	v45 =	vmul.f32 v56, v9;
	v40 =	vmul.f32 v60, v9;
	v28 =	vadd.bf16 v28, v31  }
0x1e1: {  	v41 =	vmul.f32 v25, v13;
	v25 =	vshll.u32 v33, $0x10;
	v56 =	vld [tilespmem:s0+$0xAE20];
	v31 =	vand.u32 $0xFFFF0000, v33  }
0x1e2: {  	v60 =	vld [tilespmem:s0+$0x6EB0];
	v24 =	vadd.bf16 v53, v24;
	v36 =	vmul.f32 v25, v9;
	v25 =	vmax.bf16 v28, v2  }
0x1e3: {  	v17 =	vand.u32 $0xFFFF0000, v17;
	v38 =	vmul.f32 v31, v13;
	v28 =	vld [tilespmem:s0+$0x6E70];
	v31 =	vshll.u32 v25, $0x10  }
0x1e4: {  	v46 =	vmul.f32 v57, v13;
	v57 =	vmax.bf16 v24, v2;
	v24 =	vmul.f32 v31, v10;
	v31 =	vld [tilespmem:s0+$0x6E20]  }
0x1e5: {  	v20 =	vmul.f32 v20, v10;
	v17 =	vmul.f32 v17, v14;
	v33 =	vmax.bf16 v55, v2  }
0x1e6: {  	v53 =	vld [tilespmem:s0+$0xAF30];
	v59 =	vshll.u32 v33, $0x10;
	v33 =	vand.u32 $0xFFFF0000, v33;
	v58 =	vshll.u32 v57, $0x10  }
0x1e7: {  	v37 =	vmul.f32 v59, v9;
	v50 =	vmul.f32 v58, v8;
	v58 =	vld [tilespmem:s0+$0x6E60];
	v49 =	vadd.bf16 v51, v60  }
0x1e8: {  	v33 =	vmul.f32 v33, v13;
	v44 =	vand.u32 $0xFFFF0000, v57;
	v28 =	vadd.bf16 v54, v28;
	v54 =	vld [tilespmem:s0+$0x6F30]  }
0x1e9: {  	v44 =	vmul.f32 v44, v12;
	v49 =	vmax.bf16 v49, v2;
	v31 =	vadd.bf16 v56, v31;
	v56 =	vld [tilespmem:s0+$0xAE60]  }
0x1ea: {  	v59 =	vshll.u32 v49, $0x10;
	v49 =	vand.u32 $0xFFFF0000, v49;
	v62 =	vmax.bf16 v28, v2  }
0x1eb: {  	v49 =	vmul.f32 v49, v12;
	v63 =	vshll.u32 v62, $0x10;
	v31 =	vmax.bf16 v31, v2  }
0x1ec: {  	v60 =	vld [tilespmem:s0+$0xB000];
	v47 =	vmul.f32 v63, v8;
	v55 =	vshll.u32 v31, $0x10;
	v31 =	vand.u32 $0xFFFF0000, v31  }
0x1ed: {  	v48 =	vmax.bf16 v48, v2;
	v63 =	vld [tilespmem:s0+$0x7000];
	v55 =	vmul.f32 v55, v7;
	v57 =	vmul.f32 v31, v11  }
0x1ee: {  	v28 =	vshll.u32 v48, $0x10;
	v53 =	vadd.bf16 v53, v54;
	v58 =	vadd.bf16 v56, v58  }
0x1ef: {  	v52 =	vand.u32 $0xFFFF0000, v62;
	v61 =	vadd.f32 v55, v15;
	v62 =	vadd.f32 $0.0e+00, v57  }
0x1f0: {  	v28 =	vmul.f32 v28, v9;
	v31 =	vand.u32 $0xFFFF0000, v48;
	v53 =	vmax.bf16 v53, v2  }
0x1f1: {  	v55 =	vld [tilespmem:s0+$0x6EF0];
	v54 =	vmax.bf16 v58, v2;
	v50 =	vadd.f32 v50, v61;
	v44 =	vadd.f32 v44, v62  }
0x1f2: {  	v48 =	vadd.bf16 v60, v63;
	v60 =	vshll.u32 v54, $0x10;
	v54 =	vand.u32 $0xFFFF0000, v54;
	v62 =	vld [tilespmem:s0+$0x6EA0]  }
0x1f3: {  	v61 =	vmul.f32 v54, v11;
	v54 =	vld [tilespmem:s0+$0xAEA0];
	v42 =	vadd.f32 v42, v50;
	v43 =	vadd.f32 v43, v44  }
0x1f4: {  	v51 =	vmul.f32 v52, v12;
	v52 =	vmul.f32 v59, v8;
	v59 =	vshll.u32 v53, $0x10;
	v44 =	vld [tilespmem:s0+$0xAEF0]  }
0x1f5: {  	v56 =	vld [tilespmem:s0+$0x6F70];
	v53 =	vand.u32 $0xFFFF0000, v53;
	v35 =	vadd.f32 v35, v42;
	v39 =	vadd.f32 v39, v43  }
0x1f6: {  	v25 =	vand.u32 $0xFFFF0000, v25;
	v53 =	vmul.f32 v53, v12;
	v43 =	vld [tilespmem:s0+$0xAF70];
	v42 =	vmul.f32 v60, v7  }
0x1f7: {  	v48 =	vmax.bf16 v48, v2;
	v50 =	vmul.f32 v59, v8;
	v35 =	vadd.f32 v39, v35  }
0x1f8: {  	v63 =	vshll.u32 v48, $0x10;
	v42 =	vadd.f32 v42, v15;
	v39 =	vadd.f32 $0.0e+00, v61  }
0x1f9: {  	v62 =	vadd.bf16 v54, v62;
	v44 =	vadd.bf16 v44, v55;
	v60 =	vperm.xlane v35, v1  }
0x1fa: {  	v54 =	vld [tilespmem:s0+$0x6F20];
	v42 =	vadd.f32 v47, v42;
	v47 =	vand.u32 $0xFFFF0000, v48;
	v48 =	vmul.f32 v63, v9  }
0x1fb: {  	v39 =	vadd.f32 v51, v39;
	v51 =	vld [tilespmem:s0+$0xAF20];
	v63 =	vmax.bf16 v62, v2;
	v43 =	vadd.bf16 v43, v56  }
0x1fc: {  	v44 =	vmax.bf16 v44, v2;
	v35 =	vadd.f32 v60, v35;
	v42 =	vadd.f32 v45, v42  }
0x1fd: {  	v55 =	vld [tilespmem:s0+$0xAFB0];
	v61 =	vshll.u32 v44, $0x10;
	v39 =	vadd.f32 v46, v39;
	v44 =	vand.u32 $0xFFFF0000, v44  }
0x1fe: {  	v60 =	vld [tilespmem:s0+$0x6FB0];
	v46 =	vshll.u32 v63, $0x10;
	v45 =	vmul.f32 v61, v8;
	v43 =	vmax.bf16 v43, v2  }
0x1ff: {  	v57 =	vld [tilespmem:s0+$0x6EE0];
	v62 =	vmul.f32 v46, v7;
	v29 =	vadd.f32 v29, v42;
	v30 =	vadd.f32 v30, v39  }
0x200: {  	v56 =	vld [tilespmem:s0+$0x6F60];
	v44 =	vmul.f32 v44, v12;
	v61 =	vshll.u32 v43, $0x10;
	v51 =	vadd.bf16 v51, v54  }
0x201: {  	v46 =	vld [tilespmem:s0+$0xAEE0];
	v39 =	vadd.f32 v62, v15;
	v29 =	vadd.f32 v30, v29;
	v30 =	vand.u32 $0xFFFF0000, v63  }
0x202: {  	v43 =	vand.u32 $0xFFFF0000, v43;
	v54 =	vmul.f32 v61, v8;
	v62 =	vld [tilespmem:s0+$0xAF60];
	v30 =	vmul.f32 v30, v11  }
0x203: {  	v51 =	vmax.bf16 v51, v2;
	v42 =	vadd.bf16 v55, v60;
	v39 =	vadd.f32 v52, v39  }
0x204: {  	v63 =	vperm.xlane v29, v1;
	v59 =	vshll.u32 v51, $0x10;
	v60 =	vand.u32 $0xFFFF0000, v51  }
0x205: {  	v30 =	vadd.f32 $0.0e+00, v30;
	v61 =	vmul.f32 v59, v7;
	v39 =	vadd.f32 v40, v39  }
0x206: {  	v55 =	vmul.f32 v60, v11;
	v29 =	vadd.f32 v63, v29;
	v63 =	vadd.bf16 v46, v57  }
0x207: {  	v43 =	vmul.f32 v43, v12;
	v62 =	vadd.bf16 v62, v56;
	v30 =	vadd.f32 v49, v30  }
0x208: {  	v42 =	vmax.bf16 v42, v2;
	v57 =	vadd.f32 v61, v15;
	v59 =	vadd.f32 $0.0e+00, v55  }
0x209: {  	v60 =	vld [tilespmem:s0+$0xAFF0];
	v26 =	vadd.f32 v26, v39;
	v58 =	vmax.bf16 v63, v2;
	v30 =	vadd.f32 v41, v30  }
0x20a: {  	v61 =	vld [tilespmem:s0+$0x6FF0];
	v41 =	vadd.f32 v50, v57;
	v39 =	vand.u32 $0xFFFF0000, v58;
	v40 =	vadd.f32 v53, v59  }
0x20b: {  	v39 =	vmul.f32 v39, v11;
	v27 =	vadd.f32 v27, v30;
	v30 =	vshll.u32 v58, $0x10  }
0x20c: {  	v36 =	vadd.f32 v36, v41;
	v38 =	vadd.f32 v38, v40;
	v40 =	vld [tilespmem:s0+$0xAFA0];
	v30 =	vmul.f32 v30, v7  }
0x20d: {  	v63 =	vshll.u32 v42, $0x10;
	v55 =	vmax.bf16 v62, v2;
	v41 =	vld [tilespmem:s0+$0x6FA0];
	v39 =	vadd.f32 $0.0e+00, v39  }
0x20e: {  	v57 =	vld [tilespmem:s0+$0xAFE0];
	v23 =	vadd.f32 v23, v36;
	v36 =	vand.u32 $0xFFFF0000, v55;
	v30 =	vadd.f32 v30, v15  }
0x20f: {  	v58 =	vld [tilespmem:s0+$0x6FE0];
	v46 =	vadd.bf16 v60, v61;
	v36 =	vmul.f32 v36, v11;
	v39 =	vadd.f32 v44, v39  }
0x210: {  	v56 =	vshll.u32 v55, $0x10;
	v16 =	vadd.f32 v16, v38;
	v30 =	vadd.f32 v45, v30  }
0x211: {  	v45 =	vmul.f32 v56, v7;
	v36 =	vadd.f32 $0.0e+00, v36;
	v33 =	vadd.f32 v33, v39  }
0x212: {  	v59 =	vand.u32 $0xFFFF0000, v42;
	v40 =	vadd.bf16 v40, v41;
	v30 =	vadd.f32 v37, v30  }
0x213: {  	v61 =	vmul.f32 v63, v8;
	v60 =	vadd.f32 v45, v15;
	v36 =	vadd.f32 v43, v36  }
0x214: {  	v45 =	vadd.bf16 v57, v58;
	v21 =	vadd.f32 v21, v33;
	v49 =	vmax.bf16 v40, v2  }
0x215: {  	v40 =	vshll.u32 v49, $0x10;
	v22 =	vadd.f32 v22, v30;
	v30 =	vmax.bf16 v46, v2  }
0x216: {  	v62 =	vadd.f32 v54, v60;
	v34 =	vadd.f32 v34, v36;
	v50 =	vmax.bf16 v45, v2  }
0x217: {  	v36 =	vand.u32 $0xFFFF0000, v49;
	v51 =	vmul.f32 v40, v7;
	v63 =	vshll.u32 v30, $0x10  }
0x218: {  	v41 =	vshll.u32 v50, $0x10;
	v39 =	vand.u32 $0xFFFF0000, v50;
	v36 =	vmul.f32 v36, v11  }
0x219: {  	v30 =	vand.u32 $0xFFFF0000, v30;
	v41 =	vmul.f32 v41, v7;
	v39 =	vmul.f32 v39, v11  }
0x21a: {  	v32 =	vadd.f32 v32, v62;
	v46 =	vmul.f32 v63, v8;
	v36 =	vadd.f32 $0.0e+00, v36  }
0x21b: {  	v30 =	vmul.f32 v30, v12;
	v52 =	vadd.f32 v41, v15;
	v39 =	vadd.f32 $0.0e+00, v39  }
0x21c: {  	v37 =	vmul.f32 v59, v12;
	v20 =	vadd.f32 v20, v32;
	v32 =	vadd.f32 v51, v15  }
0x21d: {  	v53 =	vmul.f32 v47, v13;
	v33 =	vadd.f32 v46, v52;
	v30 =	vadd.f32 v30, v39  }
0x21e: {  	v31 =	vmul.f32 v31, v13;
	v36 =	vadd.f32 v37, v36;
	v32 =	vadd.f32 v61, v32  }
0x21f: {  	v25 =	vmul.f32 v25, v14;
	v33 =	vadd.f32 v48, v33;
	v30 =	vadd.f32 v53, v30  }
0x220: {  	v19 =	vmul.f32 v19, v14;
	v31 =	vadd.f32 v31, v36;
	v28 =	vadd.f32 v28, v32  }
0x221: {  	v18 =	vmul.f32 v18, v10;
	v24 =	vadd.f32 v24, v33;
	v25 =	vadd.f32 v25, v30  }
0x222: {  	v17 =	vadd.f32 v17, v34;
	v19 =	vadd.f32 v19, v31  }
0x223: {  	v18 =	vadd.f32 v18, v28;
	v24 =	vadd.f32 v25, v24  }
0x224: {  	v21 =	vadd.f32 v21, v22;
	v17 =	vadd.f32 v17, v20  }
0x225: {  	v18 =	vadd.f32 v19, v18;
	v19 =	vperm.xlane v24, v1  }
0x226: {  	v16 =	vadd.f32 v16, v23;
	v22 =	vperm.xlane v21, v1;
	v23 =	vperm.xlane v17, v1  }
0x227: {  	v20 =	vadd.f32 v27, v26;
	v25 =	vperm.xlane v18, v1;
	v19 =	vadd.f32 v19, v24  }
0x228: {  	v21 =	vadd.f32 v22, v21;
	v22 =	vperm.xlane v16, v1;
	v17 =	vadd.f32 v23, v17  }
0x229: {  	v24 =	vperm.xlane v20, v1;
	v18 =	vadd.f32 v25, v18;
	v19 =	vperm.xlane v19, v1  }
0x22a: {  	v16 =	vadd.f32 v22, v16;
	v17 =	vperm.xlane v17, v1  }
0x22b: {  	v21 =	vperm.xlane v21, v1;
	v20 =	vadd.f32 v24, v20;
	v18 =	vsel vm0, v18, v19  }
0x22c: {  	v16 =	vsel vm0, v16, v17;
	v19 =	vperm.xlane v18, v3  }
0x22d: {  	v23 =	vperm.xlane v29, v1;
	v20 =	vsel vm0, v20, v21;
	v21 =	vperm.xlane v16, v3  }
0x22e: {  	v17 =	vperm.xlane v20, v3;
	v18 =	vadd.f32 v19, v18  }
0x22f: {  	v22 =	vsel vm0, v35, v23;
	v16 =	vadd.f32 v21, v16  }
0x230: {  	v19 =	vperm.xlane v22, v3;
	v17 =	vadd.f32 v17, v20;
	v18 =	vperm.xlane v18, v3;
	_ =	sdelay $0x1  }
0x231: {  	v19 =	vadd.f32 v19, v22;
	v17 =	vperm.xlane v17, v3;
	v16 =	vsel vm1, v16, v18  }
0x232: {  	v18 =	vperm.xlane v16, v4  }
0x233: {  	v17 =	vsel vm1, v19, v17  }
0x234: {  	v19 =	vperm.xlane v17, v4;
	v16 =	vadd.f32 v18, v16;
	_ =	sdelay $0x1  }
0x235: {  	v17 =	vadd.f32 v19, v17;
	v18 =	vperm.xlane v16, v4  }
0x236: {  	s1 =	sor.u32 $0x80, s30  }
0x237: {  	v16 =	vor.u32 s1, v0;
	v17 =	vsel vm2, v17, v18  }
0x238: {  	v18 =	vperm.xlane v17, v5;
	_ =	sdelay $0x1  }
0x239: {  	v17 =	vadd.f32 v18, v17;
	_ =	sdelay $0x1  }
0x23a: {  	s31 =	simm.s32 $0x200;
	[tilespmem:v16+s21+$0x0] =	vst.idx.msk vm3, v17  }
0x23b: {  	v17 =	vld [tilespmem:s31+$0xAE50]  }
0x23c: {  	v18 =	vld [tilespmem:s31+$0x6E50]  }
0x23d: {  	v19 =	vld [tilespmem:s31+$0xAE90]  }
0x23e: {  	v20 =	vld [tilespmem:s31+$0x6E90]  }
0x23f: {  	v21 =	vld [tilespmem:s31+$0xAED0]  }
0x240: {  	v22 =	vld [tilespmem:s31+$0x6ED0]  }
0x241: {  	v23 =	vld [tilespmem:s31+$0xAF50]  }
0x242: {  	v59 =	vld [tilespmem:s31+$0xAF80]  }
0x243: {  	v61 =	vld [tilespmem:s31+$0x6F80]  }
0x244: {  	v24 =	vld [tilespmem:s31+$0x6F50]  }
0x245: {  	v25 =	vld [tilespmem:s31+$0xAE40]  }
0x246: {  	v26 =	vld [tilespmem:s31+$0x6E40]  }
0x247: {  	v28 =	vld [tilespmem:s31+$0xAF90];
	v17 =	vadd.bf16 v17, v18;
	v19 =	vadd.bf16 v19, v20  }
0x248: {  	v18 =	vld [tilespmem:s31+$0xAF10];
	v48 =	vadd.bf16 v59, v61  }
0x249: {  	v20 =	vld [tilespmem:s31+$0x6F10];
	v21 =	vadd.bf16 v21, v22;
	v17 =	vmax.bf16 v17, v2;
	v19 =	vmax.bf16 v19, v2  }
0x24a: {  	v30 =	vld [tilespmem:s31+$0xAE80];
	v48 =	vmax.bf16 v48, v2;
	v27 =	vshll.u32 v17, $0x10;
	v17 =	vand.u32 $0xFFFF0000, v17  }
0x24b: {  	v31 =	vld [tilespmem:s31+$0x6EC0];
	v29 =	vmul.f32 v27, v10;
	v33 =	vmul.f32 v17, v14;
	v17 =	vshll.u32 v19, $0x10  }
0x24c: {  	v22 =	vld [tilespmem:s31+$0x6F90];
	v19 =	vand.u32 $0xFFFF0000, v19;
	v35 =	vmul.f32 v17, v10;
	v17 =	vmax.bf16 v21, v2  }
0x24d: {  	v27 =	vld [tilespmem:s31+$0xAFD0];
	v21 =	vadd.bf16 v23, v24;
	v39 =	vmul.f32 v19, v14;
	v23 =	vadd.bf16 v25, v26  }
0x24e: {  	v24 =	vld [tilespmem:s31+$0x6FD0];
	v18 =	vadd.bf16 v18, v20;
	v19 =	vshll.u32 v17, $0x10;
	v17 =	vand.u32 $0xFFFF0000, v17  }
0x24f: {  	v25 =	vld [tilespmem:s31+$0x6E80];
	v37 =	vmul.f32 v19, v10;
	v19 =	vmax.bf16 v21, v2;
	v38 =	vmul.f32 v17, v14  }
0x250: {  	v26 =	vld [tilespmem:s31+$0xAEC0];
	v21 =	vmax.bf16 v23, v2;
	v18 =	vmax.bf16 v18, v2;
	v20 =	vshll.u32 v19, $0x10  }
0x251: {  	v54 =	vld [tilespmem:s31+$0xAF40];
	v17 =	vand.u32 $0xFFFF0000, v19;
	v19 =	vshll.u32 v21, $0x10;
	v36 =	vmul.f32 v20, v10  }
0x252: {  	v55 =	vld [tilespmem:s31+$0x6F40];
	v20 =	vand.u32 $0xFFFF0000, v21;
	v34 =	vmul.f32 v19, v9;
	v19 =	vshll.u32 v18, $0x10  }
0x253: {  	v58 =	vld [tilespmem:s31+$0x6F00];
	v21 =	vadd.bf16 v28, v22;
	v18 =	vand.u32 $0xFFFF0000, v18;
	v44 =	vmul.f32 v20, v13  }
0x254: {  	v28 =	vld [tilespmem:s31+$0xB010];
	v23 =	vmul.f32 v19, v10;
	v22 =	vmul.f32 v18, v14;
	v19 =	vadd.bf16 v27, v24  }
0x255: {  	v24 =	vld [tilespmem:s31+$0x7010];
	v20 =	vadd.bf16 v30, v25;
	v26 =	vadd.bf16 v26, v31;
	v18 =	vmax.bf16 v21, v2  }
0x256: {  	v59 =	vshll.u32 v48, $0x10;
	v27 =	vld [tilespmem:s31+$0xAE30];
	v21 =	vshll.u32 v18, $0x10  }
0x257: {  	v25 =	vld [tilespmem:s31+$0x6E30];
	v30 =	vmax.bf16 v19, v2;
	v20 =	vmax.bf16 v20, v2;
	v26 =	vmax.bf16 v26, v2  }
0x258: {  	v31 =	vld [tilespmem:s31+$0xAF00];
	v21 =	vmul.f32 v21, v10;
	v19 =	vshll.u32 v30, $0x10;
	v56 =	vshll.u32 v20, $0x10  }
0x259: {  	v62 =	vld [tilespmem:s31+$0xAFC0];
	v57 =	vand.u32 $0xFFFF0000, v20;
	v20 =	vand.u32 $0xFFFF0000, v30;
	v30 =	vadd.bf16 v54, v55  }
0x25a: {  	v63 =	vld [tilespmem:s31+$0xAE20];
	v60 =	vshll.u32 v26, $0x10;
	v26 =	vand.u32 $0xFFFF0000, v26;
	v46 =	vmul.f32 v56, v9  }
0x25b: {  	v18 =	vand.u32 $0xFFFF0000, v18;
	v54 =	vld [tilespmem:s31+$0xAF30];
	v47 =	vmul.f32 v57, v13;
	v43 =	vmul.f32 v26, v13  }
0x25c: {  	v55 =	vld [tilespmem:s31+$0x6F30];
	v30 =	vmax.bf16 v30, v2;
	v24 =	vadd.bf16 v28, v24;
	v25 =	vadd.bf16 v27, v25  }
0x25d: {  	v27 =	vld [tilespmem:s31+$0xAE70];
	v31 =	vadd.bf16 v31, v58;
	v26 =	vshll.u32 v30, $0x10;
	v28 =	vand.u32 $0xFFFF0000, v30  }
0x25e: {  	v30 =	vld [tilespmem:s31+$0x6FC0];
	v40 =	vmul.f32 v26, v9;
	v24 =	vmax.bf16 v24, v2;
	v41 =	vmul.f32 v28, v13  }
0x25f: {  	v26 =	vld [tilespmem:s31+$0x6E70];
	v56 =	vmax.bf16 v25, v2;
	v31 =	vmax.bf16 v31, v2;
	v28 =	vshll.u32 v24, $0x10  }
0x260: {  	v25 =	vand.u32 $0xFFFF0000, v24;
	v57 =	vshll.u32 v56, $0x10;
	v24 =	vmul.f32 v28, v10;
	v28 =	vld [tilespmem:s31+$0x6E20]  }
0x261: {  	v18 =	vmul.f32 v18, v14;
	v58 =	vshll.u32 v31, $0x10;
	v51 =	vmul.f32 v57, v8;
	v57 =	vld [tilespmem:s31+$0xAE60]  }
0x262: {  	v42 =	vmul.f32 v60, v9;
	v50 =	vand.u32 $0xFFFF0000, v56;
	v32 =	vmul.f32 v58, v9;
	v58 =	vld [tilespmem:s31+$0x6E60]  }
0x263: {  	v31 =	vand.u32 $0xFFFF0000, v31;
	v54 =	vadd.bf16 v54, v55;
	v30 =	vadd.bf16 v62, v30  }
0x264: {  	v48 =	vand.u32 $0xFFFF0000, v48;
	v50 =	vmul.f32 v50, v12;
	v31 =	vmul.f32 v31, v13  }
0x265: {  	v52 =	vld [tilespmem:s31+$0xAEB0];
	v54 =	vmax.bf16 v54, v2;
	v26 =	vadd.bf16 v27, v26;
	v60 =	vmax.bf16 v30, v2  }
0x266: {  	v27 =	vld [tilespmem:s31+$0x6EB0];
	v30 =	vmul.f32 v48, v13;
	v45 =	vadd.bf16 v63, v28;
	v28 =	vmul.f32 v59, v9  }
0x267: {  	v61 =	vmax.bf16 v26, v2;
	v26 =	vshll.u32 v60, $0x10;
	v58 =	vadd.bf16 v57, v58  }
0x268: {  	v62 =	vshll.u32 v61, $0x10;
	v26 =	vmul.f32 v26, v9;
	v45 =	vmax.bf16 v45, v2  }
0x269: {  	v49 =	vld [tilespmem:s31+$0xB000];
	v48 =	vmul.f32 v62, v8;
	v63 =	vshll.u32 v45, $0x10;
	v45 =	vand.u32 $0xFFFF0000, v45  }
0x26a: {  	v59 =	vld [tilespmem:s31+$0x7000];
	v53 =	vand.u32 $0xFFFF0000, v61;
	v56 =	vmul.f32 v63, v7;
	v45 =	vmul.f32 v45, v11  }
0x26b: {  	v53 =	vmul.f32 v53, v12;
	v55 =	vmax.bf16 v58, v2;
	v52 =	vadd.bf16 v52, v27  }
0x26c: {  	v27 =	vand.u32 $0xFFFF0000, v60;
	v56 =	vadd.f32 v56, v15;
	v45 =	vadd.f32 $0.0e+00, v45  }
0x26d: {  	v61 =	vshll.u32 v55, $0x10;
	v55 =	vand.u32 $0xFFFF0000, v55;
	v52 =	vmax.bf16 v52, v2  }
0x26e: {  	v60 =	vshll.u32 v52, $0x10;
	v51 =	vadd.f32 v51, v56;
	v45 =	vadd.f32 v50, v45  }
0x26f: {  	v57 =	vld [tilespmem:s31+$0x6F70];
	v62 =	vmul.f32 v55, v11;
	v49 =	vadd.bf16 v49, v59;
	v50 =	vmul.f32 v60, v8  }
0x270: {  	v60 =	vshll.u32 v54, $0x10;
	v56 =	vld [tilespmem:s31+$0x6EF0];
	v34 =	vadd.f32 v34, v51;
	v44 =	vadd.f32 v44, v45  }
0x271: {  	v52 =	vand.u32 $0xFFFF0000, v52;
	v45 =	vld [tilespmem:s31+$0xAEF0];
	v51 =	vmul.f32 v60, v8;
	v60 =	vadd.f32 $0.0e+00, v62  }
0x272: {  	v29 =	vadd.f32 v29, v34;
	v33 =	vadd.f32 v33, v44;
	v44 =	vld [tilespmem:s31+$0xAF70];
	v34 =	vmul.f32 v61, v7  }
0x273: {  	v58 =	vld [tilespmem:s31+$0x6EA0];
	v52 =	vmul.f32 v52, v12;
	v49 =	vmax.bf16 v49, v2;
	v60 =	vadd.f32 v53, v60  }
0x274: {  	v55 =	vld [tilespmem:s31+$0xAEA0];
	v54 =	vand.u32 $0xFFFF0000, v54;
	v29 =	vadd.f32 v33, v29;
	v34 =	vadd.f32 v34, v15  }
0x275: {  	v59 =	vshll.u32 v49, $0x10;
	v54 =	vmul.f32 v54, v12;
	v47 =	vadd.f32 v47, v60  }
0x276: {  	v53 =	vld [tilespmem:s31+$0xAF20];
	v45 =	vadd.bf16 v45, v56;
	v63 =	vperm.xlane v29, v1;
	v48 =	vadd.f32 v48, v34  }
0x277: {  	v33 =	vmul.f32 v59, v9;
	v56 =	vld [tilespmem:s31+$0xAFB0];
	v39 =	vadd.f32 v39, v47;
	v62 =	vadd.bf16 v44, v57  }
0x278: {  	v47 =	vld [tilespmem:s31+$0x6FB0];
	v45 =	vmax.bf16 v45, v2;
	v29 =	vadd.f32 v63, v29;
	v46 =	vadd.f32 v46, v48  }
0x279: {  	v61 =	vshll.u32 v45, $0x10;
	v63 =	vadd.bf16 v55, v58;
	v60 =	vand.u32 $0xFFFF0000, v45;
	v45 =	vld [tilespmem:s31+$0x6F20]  }
0x27a: {  	v34 =	vand.u32 $0xFFFF0000, v49;
	v48 =	vmul.f32 v61, v8;
	v44 =	vmul.f32 v60, v12  }
0x27b: {  	v61 =	vmax.bf16 v62, v2;
	v35 =	vadd.f32 v35, v46;
	v62 =	vmax.bf16 v63, v2  }
0x27c: {  	v63 =	vshll.u32 v61, $0x10;
	v49 =	vshll.u32 v62, $0x10;
	v59 =	vand.u32 $0xFFFF0000, v62  }
0x27d: {  	v58 =	vld [tilespmem:s31+$0x6EE0];
	v35 =	vadd.f32 v39, v35;
	v60 =	vmul.f32 v49, v7;
	v39 =	vmul.f32 v59, v11  }
0x27e: {  	v55 =	vand.u32 $0xFFFF0000, v61;
	v47 =	vadd.bf16 v56, v47;
	v49 =	vld [tilespmem:s31+$0xAEE0];
	v53 =	vadd.bf16 v53, v45  }
0x27f: {  	v46 =	vmul.f32 v55, v12;
	v61 =	vadd.f32 v60, v15;
	v39 =	vadd.f32 $0.0e+00, v39  }
0x280: {  	v45 =	vmul.f32 v63, v8;
	v62 =	vperm.xlane v35, v1;
	v53 =	vmax.bf16 v53, v2  }
0x281: {  	v55 =	vld [tilespmem:s31+$0xAF60];
	v50 =	vadd.f32 v50, v61;
	v63 =	vshll.u32 v53, $0x10;
	v39 =	vadd.f32 v52, v39  }
0x282: {  	v35 =	vadd.f32 v62, v35;
	v60 =	vand.u32 $0xFFFF0000, v53;
	v62 =	vld [tilespmem:s31+$0x6F60];
	v61 =	vmul.f32 v63, v7  }
0x283: {  	v49 =	vadd.bf16 v49, v58;
	v52 =	vmul.f32 v60, v11;
	v39 =	vadd.f32 v43, v39  }
0x284: {  	v50 =	vadd.f32 v42, v50;
	v42 =	vmax.bf16 v47, v2;
	v63 =	vadd.f32 v61, v15  }
0x285: {  	v53 =	vmax.bf16 v49, v2;
	v57 =	vadd.f32 $0.0e+00, v52;
	v38 =	vadd.f32 v38, v39  }
0x286: {  	v43 =	vld [tilespmem:s31+$0xAFF0];
	v58 =	vshll.u32 v53, $0x10;
	v60 =	vand.u32 $0xFFFF0000, v53;
	v59 =	vadd.f32 v51, v63  }
0x287: {  	v47 =	vld [tilespmem:s31+$0x6FF0];
	v39 =	vmul.f32 v58, v7;
	v49 =	vadd.f32 v54, v57;
	v62 =	vadd.bf16 v55, v62  }
0x288: {  	v37 =	vadd.f32 v37, v50;
	v51 =	vmul.f32 v60, v11;
	v61 =	vadd.f32 v40, v59  }
0x289: {  	v63 =	vadd.f32 v39, v15;
	v39 =	vadd.f32 v41, v49;
	v40 =	vld [tilespmem:s31+$0xAFA0];
	v53 =	vmax.bf16 v62, v2  }
0x28a: {  	v49 =	vshll.u32 v42, $0x10;
	v50 =	vadd.f32 $0.0e+00, v51;
	v41 =	vld [tilespmem:s31+$0x6FA0];
	v52 =	vshll.u32 v53, $0x10  }
0x28b: {  	s1 =	simm.s32 $0x1000;
	v53 =	vand.u32 $0xFFFF0000, v53;
	v36 =	vadd.f32 v36, v61;
	v51 =	vadd.f32 v48, v63;
	v48 =	vld [tilespmem:s31+$0xAFE0]  }
.LBB2_5:
0x28c: {  	p1 =	sne.s32 s1, $0x7800;
	v52 =	vmul.f32 v52, v7;
	v53 =	vmul.f32 v53, v11;
	v54 =	vld [tilespmem:s31+$0x6FE0];
	v43 =	vadd.bf16 v43, v47  }
0x28d: {  	v44 =	vadd.f32 v44, v50;
	v42 =	vand.u32 $0xFFFF0000, v42;
	v32 =	vadd.f32 v32, v51  }
0x28e: {  	v49 =	vmul.f32 v49, v8;
	v47 =	vadd.f32 v52, v15;
	v50 =	vadd.f32 $0.0e+00, v53  }
0x28f: {  	v31 =	vadd.f32 v31, v44;
	v23 =	vadd.f32 v23, v32;
	v32 =	vmax.bf16 v43, v2  }
0x290: {  	v43 =	vadd.f32 v45, v47;
	v44 =	vadd.f32 v46, v50;
	v45 =	vshll.u32 v32, $0x10  }
0x291: {  	v40 =	vadd.bf16 v40, v41;
	v32 =	vand.u32 $0xFFFF0000, v32;
	v41 =	vadd.bf16 v48, v54  }
0x292: {  	v22 =	vadd.f32 v22, v31;
	v31 =	vmul.f32 v45, v8;
	v28 =	vadd.f32 v28, v43  }
0x293: {  	v40 =	vmax.bf16 v40, v2;
	v30 =	vadd.f32 v30, v44;
	v41 =	vmax.bf16 v41, v2  }
0x294: {  	v43 =	vshll.u32 v40, $0x10;
	v44 =	vshll.u32 v41, $0x10;
	v41 =	vand.u32 $0xFFFF0000, v41  }
0x295: {  	v40 =	vand.u32 $0xFFFF0000, v40;
	v44 =	vmul.f32 v44, v7;
	v41 =	vmul.f32 v41, v11  }
0x296: {  	v40 =	vmul.f32 v40, v11;
	v21 =	vadd.f32 v21, v28;
	v28 =	vmul.f32 v43, v7  }
0x297: {  	v32 =	vmul.f32 v32, v12;
	v43 =	vadd.f32 v44, v15;
	v41 =	vadd.f32 $0.0e+00, v41  }
0x298: {  	v42 =	vmul.f32 v42, v12;
	v40 =	vadd.f32 $0.0e+00, v40;
	v28 =	vadd.f32 v28, v15  }
0x299: {  	v34 =	vmul.f32 v34, v13;
	v31 =	vadd.f32 v31, v43;
	v32 =	vadd.f32 v32, v41  }
0x29a: {  	v27 =	vmul.f32 v27, v13;
	v40 =	vadd.f32 v42, v40;
	v28 =	vadd.f32 v49, v28  }
0x29b: {  	v25 =	vmul.f32 v25, v14;
	v31 =	vadd.f32 v33, v31;
	v32 =	vadd.f32 v34, v32  }
0x29c: {  	v19 =	vmul.f32 v19, v10;
	v27 =	vadd.f32 v27, v40;
	v26 =	vadd.f32 v26, v28  }
0x29d: {  	v20 =	vmul.f32 v20, v14;
	v24 =	vadd.f32 v24, v31;
	v25 =	vadd.f32 v25, v32  }
0x29e: {  	v17 =	vmul.f32 v17, v14;
	v18 =	vadd.f32 v18, v30;
	v19 =	vadd.f32 v19, v26  }
0x29f: {  	v20 =	vadd.f32 v20, v27;
	v24 =	vadd.f32 v25, v24  }
0x2a0: {  	v17 =	vadd.f32 v17, v39;
	v22 =	vadd.f32 v22, v23  }
0x2a1: {  	v18 =	vadd.f32 v18, v21;
	v19 =	vadd.f32 v20, v19;
	v20 =	vperm.xlane v24, v1  }
0x2a2: {  	v17 =	vadd.f32 v17, v36;
	v23 =	vperm.xlane v22, v1;
	v21 =	vadd.f32 v38, v37  }
0x2a3: {  	v25 =	vperm.xlane v18, v1;
	v26 =	vperm.xlane v19, v1;
	v20 =	vadd.f32 v20, v24  }
0x2a4: {  	v22 =	vadd.f32 v23, v22;
	v23 =	vperm.xlane v17, v1;
	v24 =	vperm.xlane v21, v1  }
0x2a5: {  	v18 =	vadd.f32 v25, v18;
	v19 =	vadd.f32 v26, v19;
	v20 =	vperm.xlane v20, v1  }
0x2a6: {  	v17 =	vadd.f32 v23, v17;
	v25 =	vperm.xlane v35, v1;
	v21 =	vadd.f32 v24, v21  }
0x2a7: {  	v22 =	vperm.xlane v22, v1;
	v18 =	vperm.xlane v18, v1;
	v19 =	vsel vm0, v19, v20  }
0x2a8: {  	v20 =	vperm.xlane v19, v3  }
0x2a9: {  	v23 =	vsel vm0, v29, v25;
	v17 =	vsel vm0, v17, v18;
	v21 =	vsel vm0, v21, v22  }
0x2aa: {  	v22 =	vperm.xlane v17, v3;
	v18 =	vperm.xlane v21, v3;
	v19 =	vadd.f32 v20, v19  }
0x2ab: {  	v20 =	vperm.xlane v23, v3  }
0x2ac: {  	v17 =	vadd.f32 v22, v17;
	v18 =	vadd.f32 v18, v21;
	v19 =	vperm.xlane v19, v3;
	_ =	sdelay $0x1  }
0x2ad: {  	v20 =	vadd.f32 v20, v23;
	v18 =	vperm.xlane v18, v3;
	v17 =	vsel vm1, v17, v19  }
0x2ae: {  	v19 =	vperm.xlane v17, v4  }
0x2af: {  	v18 =	vsel vm1, v20, v18  }
0x2b0: {  	v20 =	vperm.xlane v18, v4;
	v17 =	vadd.f32 v19, v17;
	_ =	sdelay $0x1  }
0x2b1: {  	v18 =	vadd.f32 v20, v18;
	v17 =	vperm.xlane v17, v4;
	_ =	sdelay $0x1  }
0x2b2: {  	v16 =	vadd.s32 $0x8, v16;
	v17 =	vsel vm2, v18, v17  }
0x2b3: {  	v18 =	vperm.xlane v17, v5;
	_ =	sdelay $0x1  }
0x2b4: {  	v17 =	vadd.f32 v18, v17;
	_ =	sdelay $0x1  }
0x2b5: {  	s31 =	sshra.s32 s1, $0x2;
	[tilespmem:v16+s21+$0x0] =	vst.idx.msk vm3, v17  }
0x2b6: {  	v17 =	vld [tilespmem:s31+$0xAE50]  }
0x2b7: {  	v18 =	vld [tilespmem:s31+$0x6E50]  }
0x2b8: {  	v19 =	vld [tilespmem:s31+$0xAE90]  }
0x2b9: {  	v20 =	vld [tilespmem:s31+$0x6E90]  }
0x2ba: {  	v21 =	vld [tilespmem:s31+$0xAED0]  }
0x2bb: {  	v22 =	vld [tilespmem:s31+$0x6ED0]  }
0x2bc: {  	v23 =	vld [tilespmem:s31+$0xAF50]  }
0x2bd: {  	v24 =	vld [tilespmem:s31+$0x6F50]  }
0x2be: {  	v25 =	vld [tilespmem:s31+$0xAE40]  }
0x2bf: {  	v17 =	vadd.bf16 v17, v18;
	v26 =	vld [tilespmem:s31+$0x6E40]  }
0x2c0: {  	v18 =	vld [tilespmem:s31+$0xAF10]  }
0x2c1: {  	v17 =	vmax.bf16 v17, v2;
	v19 =	vadd.bf16 v19, v20;
	v20 =	vld [tilespmem:s31+$0x6F10]  }
0x2c2: {  	v27 =	vshll.u32 v17, $0x10;
	v17 =	vand.u32 $0xFFFF0000, v17;
	v28 =	vld [tilespmem:s31+$0xAF90]  }
0x2c3: {  	v29 =	vmul.f32 v27, v10;
	v19 =	vmax.bf16 v19, v2;
	v21 =	vadd.bf16 v21, v22;
	v22 =	vld [tilespmem:s31+$0x6F90]  }
0x2c4: {  	v33 =	vmul.f32 v17, v14;
	v17 =	vshll.u32 v19, $0x10;
	v19 =	vand.u32 $0xFFFF0000, v19;
	v27 =	vld [tilespmem:s31+$0xAFD0]  }
0x2c5: {  	v35 =	vmul.f32 v17, v10;
	v17 =	vmax.bf16 v21, v2;
	v21 =	vadd.bf16 v23, v24;
	v24 =	vld [tilespmem:s31+$0x6FD0]  }
0x2c6: {  	v39 =	vmul.f32 v19, v14;
	v19 =	vshll.u32 v17, $0x10;
	v17 =	vand.u32 $0xFFFF0000, v17;
	v30 =	vld [tilespmem:s31+$0xAE80]  }
0x2c7: {  	v23 =	vadd.bf16 v25, v26;
	v37 =	vmul.f32 v19, v10;
	v19 =	vmax.bf16 v21, v2;
	v25 =	vld [tilespmem:s31+$0x6E80]  }
0x2c8: {  	v38 =	vmul.f32 v17, v14;
	v18 =	vadd.bf16 v18, v20;
	v20 =	vshll.u32 v19, $0x10;
	v26 =	vld [tilespmem:s31+$0xAEC0]  }
0x2c9: {  	v17 =	vand.u32 $0xFFFF0000, v19;
	v21 =	vmax.bf16 v23, v2;
	v36 =	vmul.f32 v20, v10;
	v31 =	vld [tilespmem:s31+$0x6EC0]  }
0x2ca: {  	v19 =	vshll.u32 v21, $0x10;
	v20 =	vand.u32 $0xFFFF0000, v21;
	v18 =	vmax.bf16 v18, v2;
	v32 =	vld [tilespmem:s31+$0xAF40]  }
0x2cb: {  	v34 =	vmul.f32 v19, v9;
	v21 =	vadd.bf16 v28, v22;
	v19 =	vshll.u32 v18, $0x10;
	v40 =	vld [tilespmem:s31+$0x6F40]  }
0x2cc: {  	v46 =	vmul.f32 v20, v13;
	v18 =	vand.u32 $0xFFFF0000, v18;
	v23 =	vmul.f32 v19, v10;
	v28 =	vld [tilespmem:s31+$0xB010]  }
0x2cd: {  	v22 =	vmul.f32 v18, v14;
	v18 =	vmax.bf16 v21, v2;
	v19 =	vadd.bf16 v27, v24;
	v24 =	vld [tilespmem:s31+$0x7010]  }
0x2ce: {  	v21 =	vshll.u32 v18, $0x10;
	v18 =	vand.u32 $0xFFFF0000, v18;
	v20 =	vadd.bf16 v30, v25;
	v27 =	vld [tilespmem:s31+$0xAE30]  }
0x2cf: {  	v21 =	vmul.f32 v21, v10;
	v18 =	vmul.f32 v18, v14;
	v30 =	vmax.bf16 v19, v2;
	v25 =	vld [tilespmem:s31+$0x6E30]  }
0x2d0: {  	v19 =	vshll.u32 v30, $0x10;
	v20 =	vmax.bf16 v20, v2;
	v26 =	vadd.bf16 v26, v31;
	v31 =	vld [tilespmem:s31+$0xAF00]  }
0x2d1: {  	v41 =	vshll.u32 v20, $0x10;
	v42 =	vand.u32 $0xFFFF0000, v20;
	v20 =	vand.u32 $0xFFFF0000, v30;
	v47 =	vld [tilespmem:s31+$0x6F00]  }
0x2d2: {  	v44 =	vmul.f32 v41, v9;
	v26 =	vmax.bf16 v26, v2;
	v30 =	vadd.bf16 v32, v40;
	v32 =	vld [tilespmem:s31+$0xAF80]  }
0x2d3: {  	v45 =	vmul.f32 v42, v13;
	v40 =	vshll.u32 v26, $0x10;
	v26 =	vand.u32 $0xFFFF0000, v26;
	v48 =	vld [tilespmem:s31+$0x6F80]  }
0x2d4: {  	v42 =	vmul.f32 v40, v9;
	v30 =	vmax.bf16 v30, v2;
	v24 =	vadd.bf16 v28, v24;
	v49 =	vld [tilespmem:s31+$0xAFC0]  }
0x2d5: {  	v43 =	vmul.f32 v26, v13;
	v26 =	vshll.u32 v30, $0x10;
	v28 =	vand.u32 $0xFFFF0000, v30;
	v30 =	vld [tilespmem:s31+$0x6FC0]  }
0x2d6: {  	v25 =	vadd.bf16 v27, v25;
	v40 =	vmul.f32 v26, v9;
	v24 =	vmax.bf16 v24, v2;
	v27 =	vld [tilespmem:s31+$0xAE70]  }
0x2d7: {  	v41 =	vmul.f32 v28, v13;
	v28 =	vshll.u32 v24, $0x10;
	v31 =	vadd.bf16 v31, v47;
	v26 =	vld [tilespmem:s31+$0x6E70]  }
0x2d8: {  	v50 =	vmax.bf16 v25, v2;
	v25 =	vand.u32 $0xFFFF0000, v24;
	v24 =	vmul.f32 v28, v10;
	v47 =	vld [tilespmem:s31+$0xAE20]  }
0x2d9: {  	v51 =	vshll.u32 v50, $0x10;
	v50 =	vand.u32 $0xFFFF0000, v50;
	v31 =	vmax.bf16 v31, v2;
	v28 =	vld [tilespmem:s31+$0x6E20]  }
0x2da: {  	v51 =	vmul.f32 v51, v8;
	v48 =	vadd.bf16 v32, v48;
	v52 =	vshll.u32 v31, $0x10  }
0x2db: {  	v50 =	vmul.f32 v50, v12;
	v31 =	vand.u32 $0xFFFF0000, v31;
	v32 =	vmul.f32 v52, v9  }
0x2dc: {  	v31 =	vmul.f32 v31, v13;
	v48 =	vmax.bf16 v48, v2;
	v30 =	vadd.bf16 v49, v30;
	v52 =	vld [tilespmem:s31+$0xAEB0]  }
0x2dd: {  	v49 =	vshll.u32 v48, $0x10;
	v48 =	vand.u32 $0xFFFF0000, v48;
	v26 =	vadd.bf16 v27, v26;
	v27 =	vld [tilespmem:s31+$0x6EB0]  }
0x2de: {  	v47 =	vadd.bf16 v47, v28;
	v28 =	vmul.f32 v49, v9;
	v49 =	vmax.bf16 v30, v2  }
0x2df: {  	v53 =	vmax.bf16 v26, v2;
	v30 =	vmul.f32 v48, v13;
	v54 =	vld [tilespmem:s31+$0xAF30];
	v26 =	vshll.u32 v49, $0x10  }
0x2e0: {  	v48 =	vshll.u32 v53, $0x10;
	v47 =	vmax.bf16 v47, v2;
	v55 =	vld [tilespmem:s31+$0x6F30];
	v26 =	vmul.f32 v26, v9  }
0x2e1: {  	v53 =	vand.u32 $0xFFFF0000, v53;
	v56 =	vshll.u32 v47, $0x10;
	v47 =	vand.u32 $0xFFFF0000, v47;
	v57 =	vld [tilespmem:s31+$0xAE60]  }
0x2e2: {  	v56 =	vmul.f32 v56, v7;
	v47 =	vmul.f32 v47, v11;
	v58 =	vld [tilespmem:s31+$0x6E60];
	v52 =	vadd.bf16 v52, v27  }
0x2e3: {  	v48 =	vmul.f32 v48, v8;
	v53 =	vmul.f32 v53, v12;
	v27 =	vand.u32 $0xFFFF0000, v49;
	v49 =	vld [tilespmem:s31+$0xB000]  }
0x2e4: {  	v56 =	vadd.f32 v56, v15;
	v47 =	vadd.f32 $0.0e+00, v47;
	v52 =	vmax.bf16 v52, v2;
	v59 =	vld [tilespmem:s31+$0x7000]  }
0x2e5: {  	v60 =	vshll.u32 v52, $0x10;
	v52 =	vand.u32 $0xFFFF0000, v52;
	v54 =	vadd.bf16 v54, v55  }
0x2e6: {  	v51 =	vadd.f32 v51, v56;
	v47 =	vadd.f32 v50, v47;
	v50 =	vmul.f32 v60, v8  }
0x2e7: {  	v52 =	vmul.f32 v52, v12;
	v55 =	vadd.bf16 v57, v58;
	v54 =	vmax.bf16 v54, v2  }
0x2e8: {  	v34 =	vadd.f32 v34, v51;
	v46 =	vadd.f32 v46, v47;
	v47 =	vld [tilespmem:s31+$0xAEF0];
	v51 =	vshll.u32 v54, $0x10  }
0x2e9: {  	v54 =	vand.u32 $0xFFFF0000, v54;
	v55 =	vmax.bf16 v55, v2;
	v56 =	vld [tilespmem:s31+$0x6EF0];
	v49 =	vadd.bf16 v49, v59  }
0x2ea: {  	v29 =	vadd.f32 v29, v34;
	v33 =	vadd.f32 v33, v46;
	v34 =	vshll.u32 v55, $0x10;
	v46 =	vld [tilespmem:s31+$0xAF70]  }
0x2eb: {  	v51 =	vmul.f32 v51, v8;
	v55 =	vand.u32 $0xFFFF0000, v55;
	v34 =	vmul.f32 v34, v7;
	v57 =	vld [tilespmem:s31+$0x6F70]  }
0x2ec: {  	v49 =	vmax.bf16 v49, v2;
	v29 =	vadd.f32 v33, v29;
	v33 =	vmul.f32 v55, v11;
	v55 =	vld [tilespmem:s31+$0xAEA0]  }
0x2ed: {  	v54 =	vmul.f32 v54, v12;
	v59 =	vshll.u32 v49, $0x10;
	v34 =	vadd.f32 v34, v15;
	v58 =	vld [tilespmem:s31+$0x6EA0]  }
0x2ee: {  	v60 =	vadd.f32 $0.0e+00, v33;
	v47 =	vadd.bf16 v47, v56;
	v56 =	vperm.xlane v29, v1  }
0x2ef: {  	v33 =	vmul.f32 v59, v9;
	v48 =	vadd.f32 v48, v34;
	v34 =	vand.u32 $0xFFFF0000, v49  }
0x2f0: {  	v49 =	vadd.f32 v53, v60;
	v47 =	vmax.bf16 v47, v2;
	v29 =	vadd.f32 v56, v29  }
0x2f1: {  	v46 =	vadd.bf16 v46, v57;
	v48 =	vadd.f32 v44, v48;
	v44 =	vshll.u32 v47, $0x10;
	v53 =	vld [tilespmem:s31+$0xAF20]  }
0x2f2: {  	v47 =	vand.u32 $0xFFFF0000, v47;
	v45 =	vadd.f32 v45, v49;
	v49 =	vadd.bf16 v55, v58;
	v55 =	vld [tilespmem:s31+$0x6F20]  }
0x2f3: {  	v56 =	vmul.f32 v44, v8;
	v44 =	vmul.f32 v47, v12;
	v46 =	vmax.bf16 v46, v2;
	v47 =	vld [tilespmem:s31+$0xAFB0]  }
0x2f4: {  	v35 =	vadd.f32 v35, v48;
	v39 =	vadd.f32 v39, v45;
	v45 =	vmax.bf16 v49, v2;
	v48 =	vld [tilespmem:s31+$0x6FB0]  }
0x2f5: {  	v57 =	vshll.u32 v46, $0x10;
	v46 =	vand.u32 $0xFFFF0000, v46;
	v49 =	vshll.u32 v45, $0x10  }
0x2f6: {  	v35 =	vadd.f32 v39, v35;
	v39 =	vand.u32 $0xFFFF0000, v45;
	v49 =	vmul.f32 v49, v7;
	v58 =	vld [tilespmem:s31+$0xAEE0]  }
0x2f7: {  	v45 =	vmul.f32 v57, v8;
	v39 =	vmul.f32 v39, v11;
	v59 =	vld [tilespmem:s31+$0x6EE0];
	v53 =	vadd.bf16 v53, v55  }
0x2f8: {  	v46 =	vmul.f32 v46, v12;
	v49 =	vadd.f32 v49, v15;
	v55 =	vperm.xlane v35, v1  }
0x2f9: {  	v39 =	vadd.f32 $0.0e+00, v39;
	v53 =	vmax.bf16 v53, v2;
	v47 =	vadd.bf16 v47, v48  }
0x2fa: {  	v48 =	vadd.f32 v50, v49;
	v49 =	vshll.u32 v53, $0x10;
	v35 =	vadd.f32 v55, v35  }
0x2fb: {  	v50 =	vand.u32 $0xFFFF0000, v53;
	v39 =	vadd.f32 v52, v39;
	v49 =	vmul.f32 v49, v7;
	v52 =	vld [tilespmem:s31+$0xAF60]  }
0x2fc: {  	v50 =	vmul.f32 v50, v11;
	v48 =	vadd.f32 v42, v48;
	v53 =	vadd.bf16 v58, v59;
	v55 =	vld [tilespmem:s31+$0x6F60]  }
0x2fd: {  	v42 =	vmax.bf16 v47, v2;
	v39 =	vadd.f32 v43, v39;
	v43 =	vadd.f32 v49, v15  }
0x2fe: {  	v37 =	vadd.f32 v37, v48;
	v47 =	vmax.bf16 v53, v2;
	v48 =	vadd.f32 $0.0e+00, v50  }
0x2ff: {  	v38 =	vadd.f32 v38, v39;
	v39 =	vshll.u32 v47, $0x10;
	v49 =	vadd.f32 v51, v43;
	v43 =	vld [tilespmem:s31+$0xAFF0]  }
.Ltmp1:
0x300: {  	v50 =	vand.u32 $0xFFFF0000, v47;
	v39 =	vmul.f32 v39, v7;
	v48 =	vadd.f32 v54, v48;
	v47 =	vld [tilespmem:s31+$0x6FF0];
	(pc) =	sbr.rel @p1 .LBB2_5-.Ltmp1, $4  }
0x301: {  	v50 =	vmul.f32 v50, v11;
	v51 =	vadd.f32 v40, v49;
	v52 =	vadd.bf16 v52, v55  }
0x302: {  	v49 =	vshll.u32 v42, $0x10;
	v53 =	vadd.f32 v39, v15;
	v39 =	vadd.f32 v41, v48;
	v40 =	vld [tilespmem:s31+$0xAFA0]  }
0x303: {  	v50 =	vadd.f32 $0.0e+00, v50;
	v36 =	vadd.f32 v36, v51;
	v48 =	vmax.bf16 v52, v2;
	v41 =	vld [tilespmem:s31+$0x6FA0]  }
0x304: {  	s1 =	sadd.s32 $0x800, s1;
	v51 =	vadd.f32 v56, v53;
	v52 =	vshll.u32 v48, $0x10;
	v53 =	vand.u32 $0xFFFF0000, v48;
	v48 =	vld [tilespmem:s31+$0xAFE0]  }
0x305: {  	v52 =	vmul.f32 v52, v7;
	v53 =	vmul.f32 v53, v11;
	v54 =	vld [tilespmem:s31+$0x6FE0];
	v43 =	vadd.bf16 v43, v47  }
0x306: {  	v44 =	vadd.f32 v44, v50;
	v42 =	vand.u32 $0xFFFF0000, v42;
	v32 =	vadd.f32 v32, v51  }
0x307: {  	v49 =	vmul.f32 v49, v8;
	v56 =	vadd.f32 v52, v15;
	v57 =	vadd.f32 $0.0e+00, v53  }
0x308: {  	v31 =	vadd.f32 v31, v44;
	v58 =	vmax.bf16 v43, v2;
	v23 =	vadd.f32 v23, v32  }
0x309: {  	v61 =	vshll.u32 v58, $0x10;
	v40 =	vadd.bf16 v40, v41;
	v59 =	vadd.f32 v45, v56  }
0x30a: {  	v32 =	vand.u32 $0xFFFF0000, v58;
	v60 =	vadd.f32 v46, v57;
	v62 =	vadd.bf16 v48, v54  }
0x30b: {  	v22 =	vadd.f32 v22, v31;
	v63 =	vmul.f32 v61, v8;
	v40 =	vmax.bf16 v40, v2  }
0x30c: {  	v28 =	vadd.f32 v28, v59;
	v30 =	vadd.f32 v30, v60;
	v41 =	vmax.bf16 v62, v2  }
0x30d: {  	v48 =	vshll.u32 v40, $0x10;
	v50 =	vshll.u32 v41, $0x10;
	v41 =	vand.u32 $0xFFFF0000, v41  }
0x30e: {  	v40 =	vand.u32 $0xFFFF0000, v40;
	v44 =	vmul.f32 v50, v7;
	v41 =	vmul.f32 v41, v11  }
0x30f: {  	v51 =	vmul.f32 v48, v7;
	v40 =	vmul.f32 v40, v11;
	v21 =	vadd.f32 v21, v28  }
0x310: {  	v32 =	vmul.f32 v32, v12;
	v52 =	vadd.f32 v44, v15;
	v41 =	vadd.f32 $0.0e+00, v41  }
0x311: {  	v42 =	vmul.f32 v42, v12;
	v28 =	vadd.f32 v51, v15;
	v40 =	vadd.f32 $0.0e+00, v40  }
0x312: {  	v34 =	vmul.f32 v34, v13;
	v31 =	vadd.f32 v63, v52;
	v32 =	vadd.f32 v32, v41  }
0x313: {  	v27 =	vmul.f32 v27, v13;
	v28 =	vadd.f32 v49, v28;
	v40 =	vadd.f32 v42, v40  }
0x314: {  	v25 =	vmul.f32 v25, v14;
	v31 =	vadd.f32 v33, v31;
	v32 =	vadd.f32 v34, v32  }
0x315: {  	v19 =	vmul.f32 v19, v10;
	v26 =	vadd.f32 v26, v28;
	v27 =	vadd.f32 v27, v40  }
0x316: {  	v20 =	vmul.f32 v20, v14;
	v24 =	vadd.f32 v24, v31;
	v25 =	vadd.f32 v25, v32  }
0x317: {  	v17 =	vmul.f32 v17, v14;
	v18 =	vadd.f32 v18, v30;
	v19 =	vadd.f32 v19, v26  }
0x318: {  	v20 =	vadd.f32 v20, v27;
	v24 =	vadd.f32 v25, v24  }
0x319: {  	v17 =	vadd.f32 v17, v39;
	v22 =	vadd.f32 v22, v23  }
0x31a: {  	v18 =	vadd.f32 v18, v21;
	v19 =	vadd.f32 v20, v19;
	v53 =	vperm.xlane v24, v1  }
0x31b: {  	v17 =	vadd.f32 v17, v36;
	v54 =	vadd.f32 v38, v37;
	v23 =	vperm.xlane v22, v1  }
0x31c: {  	v55 =	vperm.xlane v18, v1;
	v56 =	vperm.xlane v19, v1;
	v20 =	vadd.f32 v53, v24  }
0x31d: {  	v58 =	vperm.xlane v17, v1;
	v57 =	vperm.xlane v54, v1;
	v22 =	vadd.f32 v23, v22  }
0x31e: {  	v18 =	vadd.f32 v55, v18;
	v19 =	vadd.f32 v56, v19;
	v20 =	vperm.xlane v20, v1  }
0x31f: {  	v59 =	vperm.xlane v35, v1;
	v17 =	vadd.f32 v58, v17;
	v21 =	vadd.f32 v57, v54  }
0x320: {  	v22 =	vperm.xlane v22, v1;
	v18 =	vperm.xlane v18, v1;
	v19 =	vsel vm0, v19, v20  }
0x321: {  	v20 =	vperm.xlane v19, v3  }
0x322: {  	v60 =	vsel vm0, v29, v59;
	v21 =	vsel vm0, v21, v22;
	v17 =	vsel vm0, v17, v18  }
0x323: {  	v61 =	vperm.xlane v21, v3;
	v62 =	vperm.xlane v17, v3;
	v19 =	vadd.f32 v20, v19  }
0x324: {  	v63 =	vperm.xlane v60, v3  }
0x325: {  	v18 =	vadd.f32 v61, v21;
	v17 =	vadd.f32 v62, v17;
	v19 =	vperm.xlane v19, v3;
	_ =	sdelay $0x1  }
0x326: {  	v18 =	vperm.xlane v18, v3;
	v20 =	vadd.f32 v63, v60;
	v17 =	vsel vm1, v17, v19  }
0x327: {  	v19 =	vperm.xlane v17, v4  }
0x328: {  	v18 =	vsel vm1, v20, v18  }
0x329: {  	v20 =	vperm.xlane v18, v4;
	v17 =	vadd.f32 v19, v17;
	_ =	sdelay $0x1  }
0x32a: {  	v18 =	vadd.f32 v20, v18;
	v17 =	vperm.xlane v17, v4;
	_ =	sdelay $0x1  }
0x32b: {  	v16 =	vadd.s32 $0x8, v16;
	v17 =	vsel vm2, v18, v17  }
.Ltmp2:
0x32c: {  	v18 =	vperm.xlane v17, v5;
	(pc) =	sbr.rel @p0 .LBB2_8-.Ltmp2, $3  }
0x32d: {  	_ = 	snop  }
0x32e: {  	v17 =	vadd.f32 v18, v17;
	_ =	sdelay $0x1  }
0x32f: {  	[tilespmem:v16+s21+$0x0] =	vst.idx.msk vm3, v17  }
.Ltmp3:
0x330: {  	(pc) =	sbr.rel .LBB2_2-.Ltmp3, $4  }
0x331: {  	s0 =	sadd.s32 $0x180, s30  }
0x332: {  	[tilespmem:s16], [sflag:$0x2] =	stream.indirect.gather [hbm4b:s3+s13], $0x40, s0, s13, $0xb8;
	[tilespmem:$0xF5C0] =	vst v63  }
0x333: {  	s31 =	sadd.s32 $0x2890, s30;
	s29 =	sadd.s32 $0x1, s29  }
0x334: {  	[tilespmem:s18], [sflag:$0x4] =	stream.indirect.gather [hbm4b:s4+s13], $0x40, s31, s13, $0xb8;
	[tilespmem:$0xF5C0] =	vst v63  }
.LBB2_8:
0x335: {  	[tilespmem:s14], [sflag:$0x1] =	stream.indirect.gather [hbm4b:s3+s24], $0x40, s25, s24, $0xb8;
	[tilespmem:$0xF5C0] =	vst v63  }
0x336: {  	_ = 	snop  }
0x337: {  	[tilespmem:s15], [sflag:$0x3] =	stream.indirect.gather [hbm4b:s4+s24], $0x40, s26, s24, $0xb8;
	[tilespmem:$0xF5C0] =	vst v63  }
0x338: {  	_ =	swait.ge [sflag:s19], $0x400  }
0x339: {  	[sflag:s19] =	ssyncset.done $0x0  }
0x33a: {  	[sflag:s19] =	ssyncadd.s32 $0xFFFFFC00  }
0x33b: {  	_ =	swait.ge [sflag:s20], $0x400  }
0x33c: {  	[sflag:s20] =	ssyncset.done $0x0  }
0x33d: {  	s1 =	simm.s32 $0x0;
	p0 =	por $0x1, $0x1;
	v16 =	vmov v6;
	[sflag:s20] =	ssyncadd.s32 $0xFFFFFC00  }
.LBB2_9:
0x33e: {  	v17 =	vld [tilespmem:s1+$0x4E20]  }
0x33f: {  	v18 =	vld [tilespmem:s1+$0x8E20]  }
0x340: {  	v19 =	vld [tilespmem:s1+$0x4E30]  }
0x341: {  	v20 =	vld [tilespmem:s1+$0x8E30]  }
0x342: {  	v41 =	vld [tilespmem:s1+$0x4E50]  }
0x343: {  	v23 =	vld [tilespmem:s1+$0x8E50]  }
0x344: {  	v26 =	vld [tilespmem:s1+$0x4E70]  }
0x345: {  	v43 =	vld [tilespmem:s1+$0x8E70]  }
0x346: {  	v47 =	vld [tilespmem:s1+$0x4E90]  }
0x347: {  	v49 =	vld [tilespmem:s1+$0x8E90]  }
0x348: {  	v27 =	vld [tilespmem:s1+$0x4EA0]  }
0x349: {  	v28 =	vld [tilespmem:s1+$0x8EA0]  }
0x34a: {  	v58 =	vld [tilespmem:s1+$0x4EC0]  }
0x34b: {  	v60 =	vld [tilespmem:s1+$0x8EC0]  }
0x34c: {  	v29 =	vld [tilespmem:s1+$0x4EE0]  }
0x34d: {  	v32 =	vld [tilespmem:s1+$0x8EE0];
	_ =	sdelay $0x1  }
0x34e: {  	v17 =	vadd.bf16 v18, v17;
	v19 =	vadd.bf16 v20, v19  }
0x34f: {  	v20 =	vadd.bf16 v23, v41;
	v23 =	vadd.bf16 v43, v26  }
0x350: {  	v21 =	vld [tilespmem:s1+$0x8E40];
	v53 =	vadd.bf16 v49, v47;
	v56 =	vadd.bf16 v28, v27  }
0x351: {  	v25 =	vld [tilespmem:s1+$0x4E60];
	v26 =	vadd.bf16 v60, v58;
	v27 =	vadd.bf16 v32, v29  }
0x352: {  	v42 =	vld [tilespmem:s1+$0x8E60];
	v17 =	vmax.bf16 v17, v2;
	v19 =	vmax.bf16 v19, v2;
	v20 =	vmax.bf16 v20, v2  }
0x353: {  	v18 =	vld [tilespmem:s1+$0x4E40];
	v23 =	vmax.bf16 v23, v2;
	v59 =	vmax.bf16 v56, v2;
	v26 =	vmax.bf16 v26, v2  }
0x354: {  	v40 =	vmax.bf16 v27, v2;
	v22 =	vshll.u32 v17, $0x10;
	v17 =	vand.u32 $0xFFFF0000, v17  }
0x355: {  	v24 =	vshll.u32 v19, $0x10;
	v19 =	vand.u32 $0xFFFF0000, v19;
	v44 =	vshll.u32 v20, $0x10  }
0x356: {  	v20 =	vand.u32 $0xFFFF0000, v20;
	v50 =	vshll.u32 v23, $0x10;
	v36 =	vshll.u32 v26, $0x10  }
0x357: {  	v34 =	vld [tilespmem:s1+$0x4EF0];
	v26 =	vand.u32 $0xFFFF0000, v26;
	v43 =	vshll.u32 v40, $0x10;
	v17 =	vmul.f32 v17, v11  }
0x358: {  	v35 =	vld [tilespmem:s1+$0x8EF0];
	v22 =	vmul.f32 v22, v7;
	v18 =	vadd.bf16 v21, v18;
	v21 =	vadd.bf16 v42, v25  }
0x359: {  	v45 =	vld [tilespmem:s1+$0x4E80];
	v24 =	vmul.f32 v24, v8;
	v19 =	vmul.f32 v19, v12;
	v17 =	vadd.f32 $0.0e+00, v17  }
0x35a: {  	v46 =	vld [tilespmem:s1+$0x8E80];
	v22 =	vadd.f32 v22, v15;
	v18 =	vmax.bf16 v18, v2;
	v21 =	vmax.bf16 v21, v2  }
0x35b: {  	v17 =	vadd.f32 v19, v17;
	v19 =	vshll.u32 v18, $0x10;
	v18 =	vand.u32 $0xFFFF0000, v18  }
0x35c: {  	v22 =	vadd.f32 v24, v22;
	v19 =	vmul.f32 v19, v9;
	v18 =	vmul.f32 v18, v13  }
0x35d: {  	v26 =	vmul.f32 v26, v13;
	v48 =	vshll.u32 v21, $0x10;
	v24 =	vadd.bf16 v35, v34  }
0x35e: {  	v19 =	vadd.f32 v19, v22;
	v17 =	vadd.f32 v18, v17;
	v18 =	vmul.f32 v44, v10  }
0x35f: {  	v51 =	vld [tilespmem:s1+$0x4EB0];
	v21 =	vand.u32 $0xFFFF0000, v21;
	v24 =	vmax.bf16 v24, v2;
	v22 =	vadd.bf16 v46, v45  }
0x360: {  	v54 =	vld [tilespmem:s1+$0x8EB0];
	v47 =	vshll.u32 v24, $0x10;
	v49 =	vand.u32 $0xFFFF0000, v24;
	v18 =	vadd.f32 v18, v19  }
0x361: {  	v30 =	vld [tilespmem:s1+$0x8F20];
	v19 =	vmul.f32 v20, v14;
	v52 =	vmax.bf16 v22, v2;
	v22 =	vmax.bf16 v53, v2  }
0x362: {  	v45 =	vld [tilespmem:s1+$0x4F20];
	v20 =	vmul.f32 v48, v7;
	v55 =	vshll.u32 v52, $0x10;
	v57 =	vshll.u32 v22, $0x10  }
0x363: {  	v22 =	vand.u32 $0xFFFF0000, v22;
	v17 =	vadd.f32 v19, v17;
	v19 =	vmul.f32 v21, v11  }
0x364: {  	v61 =	vld [tilespmem:s1+$0x4ED0];
	v20 =	vadd.f32 v20, v15;
	v21 =	vmul.f32 v50, v8;
	v25 =	vmul.f32 v55, v9  }
0x365: {  	v62 =	vld [tilespmem:s1+$0x8ED0];
	v22 =	vmul.f32 v22, v14;
	v17 =	vadd.f32 v17, v18;
	v18 =	vadd.f32 $0.0e+00, v19  }
0x366: {  	v41 =	vld [tilespmem:s1+$0x4F10];
	v19 =	vand.u32 $0xFFFF0000, v23;
	v20 =	vadd.f32 v21, v20;
	v23 =	vadd.bf16 v54, v51  }
0x367: {  	v44 =	vld [tilespmem:s1+$0x8F10];
	v53 =	vadd.bf16 v30, v45;
	v21 =	vand.u32 $0xFFFF0000, v52;
	v19 =	vmul.f32 v19, v12  }
0x368: {  	v50 =	vld [tilespmem:s1+$0x4F30];
	v20 =	vadd.f32 v25, v20;
	v25 =	vand.u32 $0xFFFF0000, v59;
	v23 =	vmax.bf16 v23, v2  }
0x369: {  	v51 =	vld [tilespmem:s1+$0x8F30];
	v18 =	vadd.f32 v19, v18;
	v19 =	vmul.f32 v21, v13;
	v21 =	vmul.f32 v57, v10  }
0x36a: {  	v25 =	vmul.f32 v25, v11;
	v63 =	vshll.u32 v23, $0x10;
	v23 =	vand.u32 $0xFFFF0000, v23  }
0x36b: {  	v57 =	vmax.bf16 v53, v2;
	v28 =	vmul.f32 v63, v8;
	v18 =	vadd.f32 v19, v18  }
0x36c: {  	v23 =	vmul.f32 v23, v12;
	v20 =	vadd.f32 v21, v20;
	v33 =	vadd.f32 $0.0e+00, v25  }
0x36d: {  	v19 =	vshll.u32 v59, $0x10;
	v21 =	vadd.bf16 v62, v61;
	v25 =	vadd.bf16 v44, v41  }
0x36e: {  	v59 =	vshll.u32 v57, $0x10;
	v24 =	vadd.bf16 v51, v50;
	v19 =	vmul.f32 v19, v7  }
0x36f: {  	v31 =	vld [tilespmem:s1+$0x4F60];
	v18 =	vadd.f32 v22, v18;
	v22 =	vadd.f32 v23, v33;
	v23 =	vmul.f32 v36, v9  }
0x370: {  	v58 =	vld [tilespmem:s1+$0x8F40];
	v21 =	vmax.bf16 v21, v2;
	v25 =	vmax.bf16 v25, v2;
	v24 =	vmax.bf16 v24, v2  }
0x371: {  	v63 =	vld [tilespmem:s1+$0x8F60];
	v19 =	vadd.f32 v19, v15;
	v37 =	vshll.u32 v21, $0x10;
	v21 =	vand.u32 $0xFFFF0000, v21  }
0x372: {  	v56 =	vld [tilespmem:s1+$0x4F40];
	v55 =	vshll.u32 v25, $0x10;
	v25 =	vand.u32 $0xFFFF0000, v25;
	v62 =	vshll.u32 v24, $0x10  }
0x373: {  	v38 =	vld [tilespmem:s1+$0x4F00];
	v24 =	vand.u32 $0xFFFF0000, v24;
	v18 =	vadd.f32 v18, v20;
	v20 =	vmul.f32 v37, v10  }
0x374: {  	v39 =	vld [tilespmem:s1+$0x8F00];
	v22 =	vadd.f32 v26, v22;
	v42 =	vmul.f32 v21, v14;
	v21 =	vmul.f32 v43, v7  }
0x375: {  	v34 =	vld [tilespmem:s1+$0x8F70];
	v26 =	vand.u32 $0xFFFF0000, v40;
	v25 =	vmul.f32 v25, v14;
	v30 =	vmul.f32 v62, v8  }
0x376: {  	v33 =	vld [tilespmem:s1+$0x4F70];
	v24 =	vmul.f32 v24, v12;
	v29 =	vadd.bf16 v63, v31;
	v19 =	vadd.f32 v28, v19  }
0x377: {  	v46 =	vmul.f32 v26, v11;
	v26 =	vmul.f32 v47, v8;
	v28 =	vadd.bf16 v58, v56  }
0x378: {  	v21 =	vadd.f32 v21, v15;
	v40 =	vmax.bf16 v29, v2;
	v19 =	vadd.f32 v23, v19  }
0x379: {  	v60 =	vld [tilespmem:s1+$0x4F50];
	v23 =	vadd.bf16 v39, v38;
	v48 =	vadd.f32 $0.0e+00, v46;
	v28 =	vmax.bf16 v28, v2  }
0x37a: {  	v45 =	vld [tilespmem:s1+$0x4FB0];
	v43 =	vshll.u32 v40, $0x10;
	v21 =	vadd.f32 v26, v21;
	v35 =	vshll.u32 v28, $0x10  }
0x37b: {  	v61 =	vld [tilespmem:s1+$0x8F50];
	v28 =	vand.u32 $0xFFFF0000, v28;
	v26 =	vadd.bf16 v34, v33;
	v19 =	vadd.f32 v20, v19  }
0x37c: {  	v41 =	vld [tilespmem:s1+$0x8F90];
	v20 =	vadd.f32 v42, v22;
	v23 =	vmax.bf16 v23, v2;
	v22 =	vmul.f32 v49, v12  }
0x37d: {  	v47 =	vld [tilespmem:s1+$0x8FB0];
	v28 =	vmul.f32 v28, v13;
	v52 =	vshll.u32 v23, $0x10;
	v23 =	vand.u32 $0xFFFF0000, v23  }
0x37e: {  	v50 =	vld [tilespmem:s1+$0x4FC0];
	v26 =	vmax.bf16 v26, v2;
	v19 =	vadd.f32 v20, v19;
	v27 =	vmul.f32 v52, v9  }
0x37f: {  	v36 =	vld [tilespmem:s1+$0x4F80];
	v20 =	vadd.f32 v22, v48;
	v54 =	vmul.f32 v23, v13;
	v23 =	vmul.f32 v55, v10  }
0x380: {  	v38 =	vld [tilespmem:s1+$0x8F80];
	v22 =	vmul.f32 v59, v7;
	v33 =	vshll.u32 v26, $0x10;
	v26 =	vand.u32 $0xFFFF0000, v26  }
0x381: {  	v52 =	vld [tilespmem:s1+$0x8FC0];
	v46 =	vmul.f32 v33, v8;
	v21 =	vadd.f32 v27, v21;
	v20 =	vadd.f32 v54, v20  }
0x382: {  	v39 =	vld [tilespmem:s1+$0x4F90];
	v27 =	vand.u32 $0xFFFF0000, v57;
	v22 =	vadd.f32 v22, v15;
	v54 =	vadd.bf16 v47, v45  }
0x383: {  	v27 =	vmul.f32 v27, v11;
	v21 =	vadd.f32 v23, v21;
	v20 =	vadd.f32 v25, v20  }
0x384: {  	v48 =	vmul.f32 v26, v12;
	v22 =	vadd.f32 v30, v22;
	v23 =	vadd.bf16 v61, v60  }
0x385: {  	v63 =	vld [tilespmem:s1+$0x8FD0];
	v25 =	vmul.f32 v35, v9;
	v30 =	vadd.bf16 v38, v36;
	v32 =	vadd.f32 $0.0e+00, v27  }
0x386: {  	v56 =	vld [tilespmem:s1+$0x4FE0];
	v27 =	vadd.bf16 v52, v50;
	v23 =	vmax.bf16 v23, v2;
	v20 =	vadd.f32 v20, v21  }
0x387: {  	v57 =	vld [tilespmem:s1+$0x8FE0];
	v22 =	vadd.f32 v25, v22;
	v30 =	vmax.bf16 v30, v2;
	v25 =	vadd.bf16 v41, v39  }
0x388: {  	v60 =	vld [tilespmem:s1+$0x5000];
	v24 =	vadd.f32 v24, v32;
	v37 =	vshll.u32 v23, $0x10;
	v23 =	vand.u32 $0xFFFF0000, v23  }
0x389: {  	v61 =	vld [tilespmem:s1+$0x9000];
	v49 =	vshll.u32 v30, $0x10;
	v30 =	vand.u32 $0xFFFF0000, v30;
	v21 =	vmul.f32 v37, v10  }
0x38a: {  	v36 =	vld [tilespmem:s1+$0x4FD0];
	v27 =	vmax.bf16 v27, v2;
	v42 =	vmul.f32 v23, v14;
	v23 =	vmul.f32 v43, v7  }
0x38b: {  	v44 =	vld [tilespmem:s1+$0x4FA0];
	v26 =	vmul.f32 v49, v9;
	v51 =	vmul.f32 v30, v13;
	v25 =	vmax.bf16 v25, v2  }
0x38c: {  	v59 =	vld [tilespmem:s1+$0x8FF0];
	v37 =	vshll.u32 v27, $0x10;
	v27 =	vand.u32 $0xFFFF0000, v27;
	v30 =	vadd.bf16 v57, v56  }
0x38d: {  	v32 =	vld [tilespmem:s1+$0x8FA0];
	v24 =	vadd.f32 v28, v24;
	v28 =	vand.u32 $0xFFFF0000, v40;
	v58 =	vshll.u32 v25, $0x10  }
0x38e: {  	v35 =	vld [tilespmem:s1+$0x4FF0];
	v62 =	vmul.f32 v37, v9;
	v27 =	vmul.f32 v27, v13;
	v31 =	vadd.bf16 v61, v60  }
0x38f: {  	v41 =	vadd.bf16 v63, v36;
	v25 =	vand.u32 $0xFFFF0000, v25;
	v21 =	vadd.f32 v21, v22  }
0x390: {  	v28 =	vmul.f32 v28, v11;
	v23 =	vadd.f32 v23, v15;
	v33 =	vmul.f32 v58, v10  }
0x391: {  	v30 =	vmax.bf16 v30, v2;
	v25 =	vmul.f32 v25, v14;
	v22 =	vadd.f32 v42, v24  }
0x392: {  	v31 =	vmax.bf16 v31, v2;
	v28 =	vadd.f32 $0.0e+00, v28;
	v29 =	vadd.bf16 v32, v44  }
0x393: {  	v23 =	vadd.f32 v46, v23;
	v32 =	vadd.bf16 v59, v35;
	v35 =	vshll.u32 v30, $0x10  }
0x394: {  	v30 =	vand.u32 $0xFFFF0000, v30;
	v42 =	vshll.u32 v31, $0x10;
	v53 =	vmax.bf16 v29, v2  }
0x395: {  	v31 =	vand.u32 $0xFFFF0000, v31;
	v23 =	vadd.f32 v26, v23;
	v26 =	vand.u32 $0xFFFF0000, v53  }
0x396: {  	v44 =	vmax.bf16 v41, v2;
	v29 =	vmax.bf16 v54, v2;
	v26 =	vmul.f32 v26, v11  }
0x397: {  	v30 =	vmul.f32 v30, v11;
	v34 =	vshll.u32 v29, $0x10;
	v29 =	vand.u32 $0xFFFF0000, v29  }
0x398: {  	v38 =	vld [tilespmem:s1+$0x5010];
	v55 =	vshll.u32 v53, $0x10;
	v29 =	vmul.f32 v29, v12;
	v26 =	vadd.f32 $0.0e+00, v26  }
0x399: {  	v39 =	vld [tilespmem:s1+$0x9010];
	v43 =	vmul.f32 v42, v9;
	v24 =	vadd.f32 v48, v28;
	v28 =	vmul.f32 v55, v7  }
0x39a: {  	v31 =	vmul.f32 v31, v13;
	v32 =	vmax.bf16 v32, v2;
	v26 =	vadd.f32 v29, v26  }
0x39b: {  	v40 =	vshll.u32 v32, $0x10;
	v34 =	vmul.f32 v34, v8;
	v28 =	vadd.f32 v28, v15  }
0x39c: {  	v32 =	vand.u32 $0xFFFF0000, v32;
	v26 =	vadd.f32 v27, v26;
	v27 =	vmul.f32 v35, v7  }
0x39d: {  	v30 =	vadd.f32 $0.0e+00, v30;
	v32 =	vmul.f32 v32, v12;
	v28 =	vadd.f32 v34, v28  }
0x39e: {  	v34 =	vmul.f32 v40, v8;
	v29 =	vadd.bf16 v39, v38;
	v27 =	vadd.f32 v27, v15  }
0x39f: {  	v46 =	vshll.u32 v44, $0x10;
	v24 =	vadd.f32 v51, v24;
	v30 =	vadd.f32 v32, v30  }
0x3a0: {  	v23 =	vadd.f32 v33, v23;
	v29 =	vmax.bf16 v29, v2;
	v27 =	vadd.f32 v34, v27  }
0x3a1: {  	v30 =	vadd.f32 v31, v30;
	v45 =	vshll.u32 v29, $0x10;
	v29 =	vand.u32 $0xFFFF0000, v29  }
0x3a2: {  	v31 =	vmul.f32 v45, v10;
	v29 =	vmul.f32 v29, v14;
	v27 =	vadd.f32 v43, v27  }
0x3a3: {  	v33 =	vmul.f32 v46, v10;
	v32 =	vand.u32 $0xFFFF0000, v44;
	v28 =	vadd.f32 v62, v28  }
0x3a4: {  	v47 =	vmul.f32 v32, v14;
	v29 =	vadd.f32 v29, v30;
	v27 =	vadd.f32 v31, v27  }
0x3a5: {  	v50 =	vperm.xlane v17, v1;
	v24 =	vadd.f32 v25, v24;
	v48 =	vadd.f32 v33, v28  }
0x3a6: {  	v26 =	vadd.f32 v47, v26;
	v27 =	vadd.f32 v29, v27  }
0x3a7: {  	v52 =	vperm.xlane v18, v1;
	v17 =	vadd.f32 v50, v17  }
0x3a8: {  	v49 =	vadd.f32 v24, v23;
	v51 =	vadd.f32 v26, v48;
	v53 =	vperm.xlane v27, v1  }
0x3a9: {  	v18 =	vadd.f32 v52, v18;
	v21 =	vadd.f32 v22, v21;
	v54 =	vperm.xlane v20, v1  }
0x3aa: {  	v55 =	vperm.xlane v49, v1;
	v57 =	vperm.xlane v51, v1;
	v56 =	vadd.f32 v53, v27  }
0x3ab: {  	v58 =	vperm.xlane v19, v1;
	v59 =	vperm.xlane v21, v1;
	v20 =	vadd.f32 v54, v20  }
0x3ac: {  	v22 =	vadd.f32 v55, v49;
	v24 =	vadd.f32 v57, v51;
	v25 =	vperm.xlane v56, v1  }
0x3ad: {  	v18 =	vperm.xlane v18, v1;
	v19 =	vadd.f32 v58, v19;
	v21 =	vadd.f32 v59, v21  }
0x3ae: {  	v20 =	vperm.xlane v20, v1;
	v22 =	vperm.xlane v22, v1;
	v60 =	vsel vm0, v24, v25  }
0x3af: {  	v24 =	vperm.xlane v60, v3  }
0x3b0: {  	v17 =	vsel vm0, v17, v18;
	v18 =	vsel vm0, v19, v20;
	v19 =	vsel vm0, v21, v22  }
0x3b1: {  	v20 =	vperm.xlane v18, v3;
	v21 =	vperm.xlane v19, v3;
	v61 =	vadd.f32 v24, v60  }
0x3b2: {  	v62 =	vperm.xlane v17, v3  }
0x3b3: {  	v18 =	vadd.f32 v20, v18;
	v19 =	vadd.f32 v21, v19;
	v63 =	vperm.xlane v61, v3;
	_ =	sdelay $0x1  }
0x3b4: {  	v17 =	vadd.f32 v62, v17;
	v18 =	vperm.xlane v18, v3;
	v19 =	vsel vm1, v19, v63  }
0x3b5: {  	v20 =	vperm.xlane v19, v4  }
0x3b6: {  	v17 =	vsel vm1, v17, v18  }
0x3b7: {  	v18 =	vperm.xlane v17, v4;
	v19 =	vadd.f32 v20, v19;
	_ =	sdelay $0x1  }
0x3b8: {  	v17 =	vadd.f32 v18, v17;
	v18 =	vperm.xlane v19, v4;
	_ =	sdelay $0x1  }
0x3b9: {  	p1 =	por p0, p0;
	v17 =	vsel vm2, v17, v18  }
.Ltmp4:
0x3ba: {  	v18 =	vperm.xlane v17, v5;
	(pc) =	sbr.rel @p1 .LBB2_9-.Ltmp4, $3  }
0x3bb: {  	_ = 	snop  }
0x3bc: {  	v17 =	vadd.f32 v18, v17;
	_ =	sdelay $0x1  }
0x3bd: {  	p0 =	por $0x0, $0x0;
	s1 =	simm.s32 $0x200;
	[tilespmem:v16+s21+$0x0] =	vst.idx.msk vm3, v17;
	v16 =	vadd.s32 $0x8, v16  }
0x3be: {  	s28 =	sadd.s32 $0x1, s28  }
0x3bf: {  	p0 =	sne.s32 s28, s9  }
.Ltmp5:
0x3c0: {  	_ = 	snop;
	(pc) =	sbr.rel @p0 .LBB2_1-.Ltmp5, $4  }
0x3c1: {  	[hbm4b:s8+s2] =	stream.linear.scatter [tilespmem:s21], [sflag:$0x5], $0x2710, $0x38;
	[tilespmem:$0xF5C0] =	vst v63  }
0x3c2: {  	_ =	swait.ge [sflag:s10], $0x2710  }
0x3c3: {  	[sflag:s10] =	ssyncset.done $0x0  }
0x3c4: {  	[sflag:s10] =	ssyncadd.s32 $0xFFFFD8F0  }
0x3c5: {  	_ =	sfence.sel $0x180000  }
0x3c6: {  	[bflag:$0x0] =	sbarrier.arrive $0xFFFF  }
0x3c7: {  	_ =	strace $0x90000047  }
0x3c8: {  	s0 =	stileid.u32;
	[bflag:$0x2] =	sbarrier.arrive $0xFFFF  }
0x3c9: {  	p0 =	sne.s32 s0, $0x0;
	s0 =	rddreg [dreg:$0x2]  }
0x3ca: {  	s0 =	sadd.s32 @!p0 $0x100000, s0  }
0x3cb: {  	[sflag:s0] =	ssyncadd.tile.s32 @!p0 $0x1;
	_ =	shalt  }
.Lfunc_end2:
_tile_overlayer_lowered:
.L_overlay_start_2:
0x3cc: {  	(tag) =	ssettag $0x2  }
0x3cd: {  	s0 =	rddreg [dreg:$0x0];
	s2 =	stileid.u32  }
0x3ce: {  	s1 =	rddreg [dreg:$0x1];
	p0 =	sne.s32 s2, $0x0  }
0x3cf: {  	s3 =	rddreg [dreg:$0x2];
	[bflag:$0x3] =	sbarrier.arrive $0xFFFF;
	s2 =	simm.s32 @!p0 $0x1C05  }
0x3d0: {  	[timem:s3], [sflag:s2] =	dma.local @!p0 [hbm:s0], s1  }
0x3d1: {  	s0 =	simm.s32 @!p0 $0x5  }
0x3d2: {  	_ =	swait.ge @!p0 [sflag:s0], s1  }
0x3d3: {  	s1 =	ssub.s32 @!p0 $0x0, s1;
	[sflag:s0] =	ssyncset.done @!p0 $0x0  }
0x3d4: {  	[sflag:s0] =	ssyncadd.s32 @!p0 s1  }
0x3d5: {  	[bflag:$0x3] =	sbarrier.arrive $0xFFFF  }
0x3d6: {  	_ =	shalt  }

</sc_bundles>
